<compile_context>
chip_gen: v7x
topology: tpu7x:2x2x1
jax: 0.10.2.dev20260603
libtpu: 0.0.44.dev20260713+nightly
codegen_flags: <defaults>
</compile_context>

<pallas_src>
import functools

import jax
import jax.numpy as jnp
from jax import lax
from jax.experimental import pallas as pl
from jax.experimental.pallas import tpu as pltpu
from jax.experimental.pallas import tpu_sc as plsc

N_NODES = 100000
FEAT_C = 3
P_DIM = 32
H_DIM = 16
Q_DIM = 16
N_LAYERS = 5

NC = 2
NS = 16

E_EDGES = 1600000
EPT = E_EDGES // NS
EPT_D = E_EDGES // (NC * NS)

CHUNK = 512
NSLOT = 3

ACC_ROWS = 100352
STRIPE = ACC_ROWS // NS

_mesh = plsc.VectorSubcoreMesh(core_axis_name="c", subcore_axis_name="s")


def _zero_direct(s, zeros_hbm, acc_sh):
    pltpu.sync_copy(zeros_hbm, acc_sh.at[pl.ds(s * STRIPE, STRIPE)])


def _wb_direct(c, s, acc_sh, out0, out1):
    sl = pl.ds(s * STRIPE, STRIPE)

    @pl.when(c == 0)
    def _():
        pltpu.sync_copy(acc_sh.at[sl], out0.at[sl])

    @pl.when(c == 1)
    def _():
        pltpu.sync_copy(acc_sh.at[sl], out1.at[sl])


DEG_J = EPT_D // CHUNK
DEG_TAIL = EPT_D - DEG_J * CHUNK


def _deg_body(ei, ones_hbm, zeros_hbm, deg0, deg1, cidx_v, tidx_v, ones_v,
              isem, ssem, acc_sh):
    c = lax.axis_index("c")
    s = lax.axis_index("s")
    wid = s * NC + c
    base = wid * EPT_D
    J = DEG_J

    def idx_start(j, sl):
        pltpu.async_copy(ei.at[1, pl.ds(base + j * CHUNK, CHUNK)],
                         cidx_v.at[sl], isem.at[sl])

    def idx_wait(j, sl):
        pltpu.make_async_copy(ei.at[1, pl.ds(base + j * CHUNK, CHUNK)],
                              cidx_v.at[sl], isem.at[sl]).wait()

    def scat_start(sl):
        pltpu.async_copy(ones_v, acc_sh.at[cidx_v.at[sl]], ssem.at[sl],
                         add=True)

    def scat_wait(sl):
        pltpu.make_async_copy(ones_v, acc_sh.at[cidx_v.at[sl]],
                              ssem.at[sl]).wait()

    idx_start(0, 0)
    idx_start(1, 1)
    pltpu.sync_copy(ones_hbm, ones_v)
    _zero_direct(s, zeros_hbm, acc_sh)
    plsc.subcore_barrier()

    def body(j, _):
        a = lax.rem(j, NSLOT)
        b = lax.rem(j + 1, NSLOT)
        d = lax.rem(j + 2, NSLOT)

        @pl.when(j + 1 < J)
        def _():
            idx_wait(j + 1, b)

        @pl.when(j == 0)
        def _():
            idx_wait(0, 0)

        @pl.when(j > 0)
        def _():
            scat_wait(d)

        scat_start(a)

        @pl.when(j + 2 < J)
        def _():
            idx_start(j + 2, d)
        return _
    lax.fori_loop(0, J, body, None)
    scat_wait(lax.rem(J - 1, NSLOT))
    pltpu.sync_copy(ei.at[1, pl.ds(base + J * CHUNK, DEG_TAIL)], tidx_v)
    pltpu.sync_copy(ones_v.at[pl.ds(0, DEG_TAIL)], acc_sh.at[tidx_v], add=True)
    plsc.subcore_barrier()
    _wb_direct(c, s, acc_sh, deg0, deg1)


AGGR_J = EPT // CHUNK
AGGR_TAIL = EPT - AGGR_J * CHUNK


def _aggr_body(ht0, ht1, ei, zeros_hbm, out0, out1,
               ridx_v, cidx_v, tidx_v, msg_v, isem, gsem, ssem, acc_sh):
    c = lax.axis_index("c")
    s = lax.axis_index("s")
    base = s * EPT
    J = AGGR_J

    def idx_start(j, sl):
        pltpu.async_copy(ei.at[0, pl.ds(base + j * CHUNK, CHUNK)],
                         ridx_v.at[sl], isem.at[sl])
        pltpu.async_copy(ei.at[1, pl.ds(base + j * CHUNK, CHUNK)],
                         cidx_v.at[sl], isem.at[sl])

    def idx_wait(j, sl):
        pltpu.make_async_copy(ei.at[0, pl.ds(base + j * CHUNK, CHUNK)],
                              ridx_v.at[sl], isem.at[sl]).wait()
        pltpu.make_async_copy(ei.at[1, pl.ds(base + j * CHUNK, CHUNK)],
                              cidx_v.at[sl], isem.at[sl]).wait()

    def gather_start(sl):
        @pl.when(c == 0)
        def _():
            pltpu.async_copy(ht0.at[ridx_v.at[sl]], msg_v.at[sl], gsem.at[sl])

        @pl.when(c == 1)
        def _():
            pltpu.async_copy(ht1.at[ridx_v.at[sl]], msg_v.at[sl], gsem.at[sl])

    def gather_wait(sl):
        @pl.when(c == 0)
        def _():
            pltpu.make_async_copy(ht0.at[ridx_v.at[sl]], msg_v.at[sl],
                                  gsem.at[sl]).wait()

        @pl.when(c == 1)
        def _():
            pltpu.make_async_copy(ht1.at[ridx_v.at[sl]], msg_v.at[sl],
                                  gsem.at[sl]).wait()

    def scat_start(sl):
        pltpu.async_copy(msg_v.at[sl], acc_sh.at[cidx_v.at[sl]],
                         ssem.at[sl], add=True)

    def scat_wait(sl):
        pltpu.make_async_copy(msg_v.at[sl], acc_sh.at[cidx_v.at[sl]],
                              ssem.at[sl]).wait()

    idx_start(0, 0)
    idx_start(1, 1)
    _zero_direct(s, zeros_hbm, acc_sh)
    idx_wait(0, 0)
    gather_start(0)
    plsc.subcore_barrier()

    def body(j, _):
        a = lax.rem(j, NSLOT)
        b = lax.rem(j + 1, NSLOT)
        d = lax.rem(j + 2, NSLOT)

        @pl.when(j + 1 < J)
        def _():
            idx_wait(j + 1, b)
            gather_start(b)

        gather_wait(a)

        @pl.when(j > 0)
        def _():
            scat_wait(d)

        scat_start(a)

        @pl.when(j + 2 < J)
        def _():
            idx_start(j + 2, d)
        return _
    lax.fori_loop(0, J, body, None)
    scat_wait(lax.rem(J - 1, NSLOT))
    tb = base + J * CHUNK
    pltpu.sync_copy(ei.at[0, pl.ds(tb, AGGR_TAIL)], tidx_v.at[0])
    pltpu.sync_copy(ei.at[1, pl.ds(tb, AGGR_TAIL)], tidx_v.at[1])

    @pl.when(c == 0)
    def _():
        pltpu.sync_copy(ht0.at[tidx_v.at[0]], msg_v.at[0, pl.ds(0, AGGR_TAIL)])

    @pl.when(c == 1)
    def _():
        pltpu.sync_copy(ht1.at[tidx_v.at[0]], msg_v.at[0, pl.ds(0, AGGR_TAIL)])

    pltpu.sync_copy(msg_v.at[0, pl.ds(0, AGGR_TAIL)], acc_sh.at[tidx_v.at[1]],
                    add=True)
    plsc.subcore_barrier()
    _wb_direct(c, s, acc_sh, out0, out1)


_deg_call = pl.kernel(
    _deg_body,
    out_type=(
        jax.ShapeDtypeStruct((ACC_ROWS, H_DIM), jnp.float32),
        jax.ShapeDtypeStruct((ACC_ROWS, H_DIM), jnp.float32),
    ),
    mesh=_mesh,
    compiler_params=pltpu.CompilerParams(use_tc_tiling_on_sc=False),
    scratch_types=[
        pltpu.VMEM((NSLOT, CHUNK), jnp.int32),
        pltpu.VMEM((DEG_TAIL,), jnp.int32),
        pltpu.VMEM((CHUNK, H_DIM), jnp.float32),
        pltpu.SemaphoreType.DMA((NSLOT,)),
        pltpu.SemaphoreType.DMA((NSLOT,)),
        pltpu.VMEM_SHARED((ACC_ROWS, H_DIM), jnp.float32),
    ],
)

_aggr_call = pl.kernel(
    _aggr_body,
    out_type=(
        jax.ShapeDtypeStruct((ACC_ROWS, H_DIM), jnp.float32),
        jax.ShapeDtypeStruct((ACC_ROWS, H_DIM), jnp.float32),
    ),
    mesh=_mesh,
    compiler_params=pltpu.CompilerParams(use_tc_tiling_on_sc=False),
    scratch_types=[
        pltpu.VMEM((NSLOT, CHUNK), jnp.int32),
        pltpu.VMEM((NSLOT, CHUNK), jnp.int32),
        pltpu.VMEM((2, AGGR_TAIL), jnp.int32),
        pltpu.VMEM((NSLOT, CHUNK, H_DIM), jnp.float32),
        pltpu.SemaphoreType.DMA((NSLOT,)),
        pltpu.SemaphoreType.DMA((NSLOT,)),
        pltpu.SemaphoreType.DMA((NSLOT,)),
        pltpu.VMEM_SHARED((ACC_ROWS, H_DIM), jnp.float32),
    ],
)


BN = 2000
GRID = N_NODES // BN


def _l2n(h):
    nrm = jnp.sqrt(jnp.sum(h * h, axis=1, keepdims=True))
    return h / jnp.maximum(nrm, 1e-12)


def _prologue_body(x_ref, d0_ref, d1_ref, w0t_ref, b0_ref,
                   h_ref, ht0_ref, ht1_ref, dis_ref):
    deg = d0_ref[:, :1] + d1_ref[:, :1] + 1.0
    dis = lax.rsqrt(deg)
    h = jnp.maximum(
        jnp.dot(x_ref[...], w0t_ref[...], preferred_element_type=jnp.float32)
        + b0_ref[...], 0.0)
    h = _l2n(h)
    ht = dis * h
    h_ref[...] = h
    ht0_ref[...] = ht[:, :H_DIM]
    ht1_ref[...] = ht[:, H_DIM:]
    dis_ref[...] = dis


def _gru_body(h_ref, a0_ref, a1_ref, dis_ref, z_ref,
              wiht_ref, whht_ref, bih_ref, bhh_ref,
              hn_ref, ht0_ref, ht1_ref, zn_ref):
    dis = dis_ref[...]
    h = h_ref[...]
    aggr = jnp.concatenate([a0_ref[...], a1_ref[...]], axis=1) * dis
    gi = jnp.dot(h, wiht_ref[...], preferred_element_type=jnp.float32) + bih_ref[...]
    gh = jnp.dot(aggr, whht_ref[...], preferred_element_type=jnp.float32) + bhh_ref[...]
    r = jax.nn.sigmoid(gi[:, :P_DIM] + gh[:, :P_DIM])
    zg = jax.nn.sigmoid(gi[:, P_DIM:2 * P_DIM] + gh[:, P_DIM:2 * P_DIM])
    n = jnp.tanh(gi[:, 2 * P_DIM:] + r * gh[:, 2 * P_DIM:])
    hn = (1.0 - zg) * n + zg * aggr
    hn = _l2n(hn)
    ht = dis * hn
    hn_ref[...] = hn
    ht0_ref[...] = ht[:, :H_DIM]
    ht1_ref[...] = ht[:, H_DIM:]
    zn_ref[...] = jnp.maximum(z_ref[...], hn)


def _gru_final_body(h_ref, a0_ref, a1_ref, dis_ref, z_ref,
                    wiht_ref, whht_ref, bih_ref, bhh_ref,
                    w4t_ref, b4_ref, w5t_ref, b5_ref, o_ref):
    dis = dis_ref[...]
    h = h_ref[...]
    aggr = jnp.concatenate([a0_ref[...], a1_ref[...]], axis=1) * dis
    gi = jnp.dot(h, wiht_ref[...], preferred_element_type=jnp.float32) + bih_ref[...]
    gh = jnp.dot(aggr, whht_ref[...], preferred_element_type=jnp.float32) + bhh_ref[...]
    r = jax.nn.sigmoid(gi[:, :P_DIM] + gh[:, :P_DIM])
    zg = jax.nn.sigmoid(gi[:, P_DIM:2 * P_DIM] + gh[:, P_DIM:2 * P_DIM])
    n = jnp.tanh(gi[:, 2 * P_DIM:] + r * gh[:, 2 * P_DIM:])
    hn = (1.0 - zg) * n + zg * aggr
    hn = _l2n(hn)
    z = jnp.maximum(z_ref[...], hn)
    tq = jnp.maximum(
        jnp.dot(z, w4t_ref[...], preferred_element_type=jnp.float32)
        + b4_ref[...], 0.0)
    o_ref[...] = (jnp.dot(tq, w5t_ref[...], preferred_element_type=jnp.float32)
                  + b5_ref[...])


def _final_body(z_ref, w4t_ref, b4_ref, w5t_ref, b5_ref, o_ref):
    t = jnp.maximum(
        jnp.dot(z_ref[...], w4t_ref[...], preferred_element_type=jnp.float32)
        + b4_ref[...], 0.0)
    o_ref[...] = (jnp.dot(t, w5t_ref[...], preferred_element_type=jnp.float32)
                  + b5_ref[...])


def _row_spec(w):
    return pl.BlockSpec((BN, w), lambda i: (i, 0))


def _full_spec(a, b):
    return pl.BlockSpec((a, b), lambda i: (0, 0))


_prologue_call = pl.pallas_call(
    _prologue_body,
    grid=(GRID,),
    in_specs=[_row_spec(FEAT_C), _row_spec(H_DIM), _row_spec(H_DIM),
              _full_spec(FEAT_C, P_DIM), _full_spec(1, P_DIM)],
    out_specs=[_row_spec(P_DIM), _row_spec(H_DIM), _row_spec(H_DIM),
               _row_spec(1)],
    out_shape=[jax.ShapeDtypeStruct((N_NODES, P_DIM), jnp.float32),
               jax.ShapeDtypeStruct((N_NODES, H_DIM), jnp.float32),
               jax.ShapeDtypeStruct((N_NODES, H_DIM), jnp.float32),
               jax.ShapeDtypeStruct((N_NODES, 1), jnp.float32)],
)

_gru_call = pl.pallas_call(
    _gru_body,
    grid=(GRID,),
    in_specs=[_row_spec(P_DIM), _row_spec(H_DIM), _row_spec(H_DIM),
              _row_spec(1), _row_spec(P_DIM),
              _full_spec(P_DIM, 3 * P_DIM), _full_spec(P_DIM, 3 * P_DIM),
              _full_spec(1, 3 * P_DIM), _full_spec(1, 3 * P_DIM)],
    out_specs=[_row_spec(P_DIM), _row_spec(H_DIM), _row_spec(H_DIM),
               _row_spec(P_DIM)],
    out_shape=[jax.ShapeDtypeStruct((N_NODES, P_DIM), jnp.float32),
               jax.ShapeDtypeStruct((N_NODES, H_DIM), jnp.float32),
               jax.ShapeDtypeStruct((N_NODES, H_DIM), jnp.float32),
               jax.ShapeDtypeStruct((N_NODES, P_DIM), jnp.float32)],
)

_gru_final_call = pl.pallas_call(
    _gru_final_body,
    grid=(GRID,),
    in_specs=[_row_spec(P_DIM), _row_spec(H_DIM), _row_spec(H_DIM),
              _row_spec(1), _row_spec(P_DIM),
              _full_spec(P_DIM, 3 * P_DIM), _full_spec(P_DIM, 3 * P_DIM),
              _full_spec(1, 3 * P_DIM), _full_spec(1, 3 * P_DIM),
              _full_spec(P_DIM, Q_DIM), _full_spec(1, Q_DIM),
              _full_spec(Q_DIM, 1), _full_spec(1, 1)],
    out_specs=_row_spec(1),
    out_shape=jax.ShapeDtypeStruct((N_NODES, 1), jnp.float32),
)


def kernel(x, edge_index, W0, b0, W_ih, W_hh, b_ih, b_hh, W4, b4, W5, b5):
    ones_h = jnp.ones((CHUNK, H_DIM), jnp.float32)
    zeros_h = jnp.zeros((STRIPE, H_DIM), jnp.float32)

    deg0, deg1 = _deg_call(edge_index, ones_h, zeros_h)
    h, ht0, ht1, dis = _prologue_call(
        x, deg0, deg1, W0.T, b0.reshape(1, P_DIM))

    wiht = W_ih.T
    whht = W_hh.T
    bih = b_ih.reshape(1, 3 * P_DIM)
    bhh = b_hh.reshape(1, 3 * P_DIM)

    z = h
    for _ in range(N_LAYERS - 2):
        a0, a1 = _aggr_call(ht0, ht1, edge_index, zeros_h)
        h, ht0, ht1, z = _gru_call(h, a0, a1, dis, z, wiht, whht, bih, bhh)

    a0, a1 = _aggr_call(ht0, ht1, edge_index, zeros_h)
    return _gru_final_call(h, a0, a1, dis, z, wiht, whht, bih, bhh,
                           W4.T, b4.reshape(1, Q_DIM), W5.T, b5.reshape(1, 1))

# --- scband reference (transcript-rebuilt; emitter-appended) ---
"""Pipeline reference for scband-dr-bc-79293686219296 (READ-ONLY COPY).

The authoritative reference and input builder live on the scoring server;
editing this copy changes nothing except your own understanding.
"""

import jax, jax.numpy as jnp
import numpy as np

N = 100000
E = 1600000
C = 3
P = 32
Q = 16
NUM_LAYERS = 5


def _l2norm(x):
    n = jnp.linalg.norm(x, axis=1, keepdims=True)
    return x / jnp.maximum(n, 1e-12)


def _gru_cell(x, h, W_ih, W_hh, b_ih, b_hh):
    gi = x @ W_ih.T + b_ih
    gh = h @ W_hh.T + b_hh
    i_r, i_z, i_n = jnp.split(gi, 3, axis=1)
    h_r, h_z, h_n = jnp.split(gh, 3, axis=1)
    r = jax.nn.sigmoid(i_r + h_r)
    z = jax.nn.sigmoid(i_z + h_z)
    n = jnp.tanh(i_n + r * h_n)
    return (1.0 - z) * n + z * h


def setup_inputs(seed: int = 0):
    key = jax.random.key(seed)
    ks = jax.random.split(key, 12)
    x = jax.random.normal(ks[0], (N, C), dtype=jnp.float32)
    edge_index = jax.random.randint(ks[1], (2, E), 0, N, dtype=jnp.int32)
    s_in = 1.0 / np.sqrt(C)
    s_p = 1.0 / np.sqrt(P)
    s_q = 1.0 / np.sqrt(Q)
    W0 = jax.random.uniform(ks[2], (P, C), minval=-s_in, maxval=s_in, dtype=jnp.float32)
    b0 = jax.random.uniform(ks[3], (P,), minval=-s_in, maxval=s_in, dtype=jnp.float32)
    W_ih = jax.random.uniform(ks[4], (3 * P, P), minval=-s_p, maxval=s_p, dtype=jnp.float32)
    W_hh = jax.random.uniform(ks[5], (3 * P, P), minval=-s_p, maxval=s_p, dtype=jnp.float32)
    b_ih = jax.random.uniform(ks[6], (3 * P,), minval=-s_p, maxval=s_p, dtype=jnp.float32)
    b_hh = jax.random.uniform(ks[7], (3 * P,), minval=-s_p, maxval=s_p, dtype=jnp.float32)
    W4 = jax.random.uniform(ks[8], (Q, P), minval=-s_p, maxval=s_p, dtype=jnp.float32)
    b4 = jax.random.uniform(ks[9], (Q,), minval=-s_p, maxval=s_p, dtype=jnp.float32)
    W5 = jax.random.uniform(ks[10], (1, Q), minval=-s_q, maxval=s_q, dtype=jnp.float32)
    b5 = jax.random.uniform(ks[11], (1,), minval=-s_q, maxval=s_q, dtype=jnp.float32)
    return {"x": x, "edge_index": edge_index, "W0": W0, "b0": b0, "W_ih": W_ih, "W_hh": W_hh, "b_ih": b_ih, "b_hh": b_hh, "W4": W4, "b4": b4, "W5": W5, "b5": b5}


def reference(x, edge_index, W0, b0, W_ih, W_hh, b_ih, b_hh, W4, b4, W5, b5):
    row = edge_index[0]
    col = edge_index[1]
    deg = jnp.bincount(col, length=N).astype(jnp.float32) + 1.0
    deg_inv_sqrt = deg ** -0.5
    norm = deg_inv_sqrt[row] * deg_inv_sqrt[col]
    h = jax.nn.relu(x @ W0.T + b0)
    h = _l2norm(h)
    hs = [h]
    for _ in range(NUM_LAYERS - 1):
        msg = norm[:, None] * h[row]
        aggr = jnp.zeros((N, P), dtype=h.dtype).at[col].add(msg)
        h = _gru_cell(h, aggr, W_ih, W_hh, b_ih, b_hh)
        h = _l2norm(h)
        hs.append(h)
    z = jnp.max(jnp.stack(hs, axis=-1), axis=-1)
    out = jax.nn.relu(z @ W4.T + b4) @ W5.T + b5
    return out

if __name__ == "__main__":
    import jax
    _d = setup_inputs()
    print(jax.jit(kernel)(*tuple(_d.values())))

</pallas_src>

<mosaic_0001>
#map = affine_map<(d0, d1) -> (0, 0)>
module attributes {stable_mosaic.version = 14 : i64} {
  func.func @_aggr_body(%arg0: i32, %arg1: i32, %arg2: memref<100000x16xf32, #tpu.memory_space<hbm>>, %arg3: memref<100000x16xf32, #tpu.memory_space<hbm>>, %arg4: memref<2x1600000xi32, #tpu.memory_space<hbm>>, %arg5: memref<6272x16xf32, #tpu.memory_space<hbm>>, %arg6: memref<100352x16xf32, #tpu.memory_space<hbm>>, %arg7: memref<100352x16xf32, #tpu.memory_space<hbm>>, %arg8: memref<3x512xi32, #tpu.memory_space<vmem>>, %arg9: memref<3x512xi32, #tpu.memory_space<vmem>>, %arg10: memref<2x160xi32, #tpu.memory_space<vmem>>, %arg11: memref<3x512x16xf32, #tpu.memory_space<vmem>>, %arg12: memref<3x!tpu.dma_semaphore, #tpu.memory_space<semaphore_mem>>, %arg13: memref<3x!tpu.dma_semaphore, #tpu.memory_space<semaphore_mem>>, %arg14: memref<3x!tpu.dma_semaphore, #tpu.memory_space<semaphore_mem>>, %arg15: memref<100352x16xf32, #tpu.memory_space<vmem_shared>>) attributes {dimension_semantics = [#tpu.dimension_semantics<core_parallel>, #tpu.dimension_semantics<subcore_parallel>], iteration_bounds = array<i64: 2, 16>, scalar_prefetch = 0 : i64, scratch_operands = 8 : i64, tpu.core_type = #tpu.core_type<sc_vector_subcore>, window_params = [{transform_indices = #map}, {transform_indices = #map}, {transform_indices = #map}, {transform_indices = #map}, {transform_indices = #map}, {transform_indices = #map}]} {
    %mul3A = arith.constant 100000 : i32
    %mul3A_0 = arith.muli %arg1, %mul3A : i32
    %add3A = arith.constant 0 : i32
    %add3A_1 = arith.addi %mul3A_0, %add3A : i32
    %dma_start3A = arith.constant 0 : i32
    %dma_start3A_2 = arith.constant 0 : i32
    %dma_start3A_3 = arith.constant 0 : i32
    %dma_start3A_4 = arith.constant 0 : i32
    %dma_start3A_5 = tpu.memref_slice %arg8[%dma_start3A_2, %dma_start3A_4] : memref<3x512xi32, #tpu.memory_space<vmem>> -> memref<1x512xi32, #tpu.memory_space<vmem>>
    %dma_start3A_6 = tpu.memref_squeeze %dma_start3A_5 : memref<1x512xi32, #tpu.memory_space<vmem>> -> memref<512xi32, #tpu.memory_space<vmem>>
    %dma_start3A_7 = tpu.memref_slice %arg4[%dma_start3A, %add3A_1] : memref<2x1600000xi32, #tpu.memory_space<hbm>> -> memref<1x512xi32, #tpu.memory_space<hbm>>
    %dma_start3A_8 = tpu.memref_squeeze %dma_start3A_7 : memref<1x512xi32, #tpu.memory_space<hbm>> -> memref<512xi32, #tpu.memory_space<hbm>>
    %dma_start3A_9 = tpu.memref_slice %arg12[%dma_start3A_3] : memref<3x!tpu.dma_semaphore, #tpu.memory_space<semaphore_mem>> -> memref<1x!tpu.dma_semaphore, #tpu.memory_space<semaphore_mem>>
    %dma_start3A_10 = tpu.memref_squeeze %dma_start3A_9 : memref<1x!tpu.dma_semaphore, #tpu.memory_space<semaphore_mem>> -> memref<!tpu.dma_semaphore, #tpu.memory_space<semaphore_mem>>
    %dma_start3A_11 = arith.constant 0 : i32
    %dma_start3A_12 = tpu.memref_slice %arg8[%dma_start3A_2, %dma_start3A_11] : memref<3x512xi32, #tpu.memory_space<vmem>> -> memref<1x512xi32, #tpu.memory_space<vmem>>
    %dma_start3A_13 = tpu.memref_squeeze %dma_start3A_12 : memref<1x512xi32, #tpu.memory_space<vmem>> -> memref<512xi32, #tpu.memory_space<vmem>>
    %dma_start3A_14 = tpu.memref_slice %arg4[%dma_start3A, %add3A_1] : memref<2x1600000xi32, #tpu.memory_space<hbm>> -> memref<1x512xi32, #tpu.memory_space<hbm>>
    %dma_start3A_15 = tpu.memref_squeeze %dma_start3A_14 : memref<1x512xi32, #tpu.memory_space<hbm>> -> memref<512xi32, #tpu.memory_space<hbm>>
    tpu.enqueue_dma source(%dma_start3A_15 : memref<512xi32, #tpu.memory_space<hbm>>) target(%dma_start3A_13 : memref<512xi32, #tpu.memory_space<vmem>>) target_semaphore(%dma_start3A_10 : memref<!tpu.dma_semaphore, #tpu.memory_space<semaphore_mem>>)
    %add3A_16 = arith.constant 0 : i32
    %add3A_17 = arith.addi %mul3A_0, %add3A_16 : i32
    %dma_start3A_18 = arith.constant 1 : i32
    %dma_start3A_19 = arith.constant 0 : i32
    %dma_start3A_20 = arith.constant 0 : i32
    %dma_start3A_21 = arith.constant 0 : i32
    %dma_start3A_22 = tpu.memref_slice %arg9[%dma_start3A_19, %dma_start3A_21] : memref<3x512xi32, #tpu.memory_space<vmem>> -> memref<1x512xi32, #tpu.memory_space<vmem>>
    %dma_start3A_23 = tpu.memref_squeeze %dma_start3A_22 : memref<1x512xi32, #tpu.memory_space<vmem>> -> memref<512xi32, #tpu.memory_space<vmem>>
    %dma_start3A_24 = tpu.memref_slice %arg4[%dma_start3A_18, %add3A_17] : memref<2x1600000xi32, #tpu.memory_space<hbm>> -> memref<1x512xi32, #tpu.memory_space<hbm>>
    %dma_start3A_25 = tpu.memref_squeeze %dma_start3A_24 : memref<1x512xi32, #tpu.memory_space<hbm>> -> memref<512xi32, #tpu.memory_space<hbm>>
    %dma_start3A_26 = tpu.memref_slice %arg12[%dma_start3A_20] : memref<3x!tpu.dma_semaphore, #tpu.memory_space<semaphore_mem>> -> memref<1x!tpu.dma_semaphore, #tpu.memory_space<semaphore_mem>>
    %dma_start3A_27 = tpu.memref_squeeze %dma_start3A_26 : memref<1x!tpu.dma_semaphore, #tpu.memory_space<semaphore_mem>> -> memref<!tpu.dma_semaphore, #tpu.memory_space<semaphore_mem>>
    %dma_start3A_28 = arith.constant 0 : i32
    %dma_start3A_29 = tpu.memref_slice %arg9[%dma_start3A_19, %dma_start3A_28] : memref<3x512xi32, #tpu.memory_space<vmem>> -> memref<1x512xi32, #tpu.memory_space<vmem>>
    %dma_start3A_30 = tpu.memref_squeeze %dma_start3A_29 : memref<1x512xi32, #tpu.memory_space<vmem>> -> memref<512xi32, #tpu.memory_space<vmem>>
    %dma_start3A_31 = tpu.memref_slice %arg4[%dma_start3A_18, %add3A_17] : memref<2x1600000xi32, #tpu.memory_space<hbm>> -> memref<1x512xi32, #tpu.memory_space<hbm>>
    %dma_start3A_32 = tpu.memref_squeeze %dma_start3A_31 : memref<1x512xi32, #tpu.memory_space<hbm>> -> memref<512xi32, #tpu.memory_space<hbm>>
    tpu.enqueue_dma source(%dma_start3A_32 : memref<512xi32, #tpu.memory_space<hbm>>) target(%dma_start3A_30 : memref<512xi32, #tpu.memory_space<vmem>>) target_semaphore(%dma_start3A_27 : memref<!tpu.dma_semaphore, #tpu.memory_space<semaphore_mem>>)
    %add3A_33 = arith.constant 512 : i32
    %add3A_34 = arith.addi %mul3A_0, %add3A_33 : i32
    %dma_start3A_35 = arith.constant 0 : i32
    %dma_start3A_36 = arith.constant 1 : i32
    %dma_start3A_37 = arith.constant 1 : i32
    %dma_start3A_38 = arith.constant 0 : i32
    %dma_start3A_39 = tpu.memref_slice %arg8[%dma_start3A_36, %dma_start3A_38] : memref<3x512xi32, #tpu.memory_space<vmem>> -> memref<1x512xi32, #tpu.memory_space<vmem>>
    %dma_start3A_40 = tpu.memref_squeeze %dma_start3A_39 : memref<1x512xi32, #tpu.memory_space<vmem>> -> memref<512xi32, #tpu.memory_space<vmem>>
    %dma_start3A_41 = tpu.memref_slice %arg4[%dma_start3A_35, %add3A_34] : memref<2x1600000xi32, #tpu.memory_space<hbm>> -> memref<1x512xi32, #tpu.memory_space<hbm>>
    %dma_start3A_42 = tpu.memref_squeeze %dma_start3A_41 : memref<1x512xi32, #tpu.memory_space<hbm>> -> memref<512xi32, #tpu.memory_space<hbm>>
    %dma_start3A_43 = tpu.memref_slice %arg12[%dma_start3A_37] : memref<3x!tpu.dma_semaphore, #tpu.memory_space<semaphore_mem>> -> memref<1x!tpu.dma_semaphore, #tpu.memory_space<semaphore_mem>>
    %dma_start3A_44 = tpu.memref_squeeze %dma_start3A_43 : memref<1x!tpu.dma_semaphore, #tpu.memory_space<semaphore_mem>> -> memref<!tpu.dma_semaphore, #tpu.memory_space<semaphore_mem>>
    %dma_start3A_45 = arith.constant 0 : i32
    %dma_start3A_46 = tpu.memref_slice %arg8[%dma_start3A_36, %dma_start3A_45] : memref<3x512xi32, #tpu.memory_space<vmem>> -> memref<1x512xi32, #tpu.memory_space<vmem>>
    %dma_start3A_47 = tpu.memref_squeeze %dma_start3A_46 : memref<1x512xi32, #tpu.memory_space<vmem>> -> memref<512xi32, #tpu.memory_space<vmem>>
    %dma_start3A_48 = tpu.memref_slice %arg4[%dma_start3A_35, %add3A_34] : memref<2x1600000xi32, #tpu.memory_space<hbm>> -> memref<1x512xi32, #tpu.memory_space<hbm>>
    %dma_start3A_49 = tpu.memref_squeeze %dma_start3A_48 : memref<1x512xi32, #tpu.memory_space<hbm>> -> memref<512xi32, #tpu.memory_space<hbm>>
    tpu.enqueue_dma source(%dma_start3A_49 : memref<512xi32, #tpu.memory_space<hbm>>) target(%dma_start3A_47 : memref<512xi32, #tpu.memory_space<vmem>>) target_semaphore(%dma_start3A_44 : memref<!tpu.dma_semaphore, #tpu.memory_space<semaphore_mem>>)
    %add3A_50 = arith.constant 512 : i32
    %add3A_51 = arith.addi %mul3A_0, %add3A_50 : i32
    %dma_start3A_52 = arith.constant 1 : i32
    %dma_start3A_53 = arith.constant 1 : i32
    %dma_start3A_54 = arith.constant 1 : i32
    %dma_start3A_55 = arith.constant 0 : i32
    %dma_start3A_56 = tpu.memref_slice %arg9[%dma_start3A_53, %dma_start3A_55] : memref<3x512xi32, #tpu.memory_space<vmem>> -> memref<1x512xi32, #tpu.memory_space<vmem>>
    %dma_start3A_57 = tpu.memref_squeeze %dma_start3A_56 : memref<1x512xi32, #tpu.memory_space<vmem>> -> memref<512xi32, #tpu.memory_space<vmem>>
    %dma_start3A_58 = tpu.memref_slice %arg4[%dma_start3A_52, %add3A_51] : memref<2x1600000xi32, #tpu.memory_space<hbm>> -> memref<1x512xi32, #tpu.memory_space<hbm>>
    %dma_start3A_59 = tpu.memref_squeeze %dma_start3A_58 : memref<1x512xi32, #tpu.memory_space<hbm>> -> memref<512xi32, #tpu.memory_space<hbm>>
    %dma_start3A_60 = tpu.memref_slice %arg12[%dma_start3A_54] : memref<3x!tpu.dma_semaphore, #tpu.memory_space<semaphore_mem>> -> memref<1x!tpu.dma_semaphore, #tpu.memory_space<semaphore_mem>>
    %dma_start3A_61 = tpu.memref_squeeze %dma_start3A_60 : memref<1x!tpu.dma_semaphore, #tpu.memory_space<semaphore_mem>> -> memref<!tpu.dma_semaphore, #tpu.memory_space<semaphore_mem>>
    %dma_start3A_62 = arith.constant 0 : i32
    %dma_start3A_63 = tpu.memref_slice %arg9[%dma_start3A_53, %dma_start3A_62] : memref<3x512xi32, #tpu.memory_space<vmem>> -> memref<1x512xi32, #tpu.memory_space<vmem>>
    %dma_start3A_64 = tpu.memref_squeeze %dma_start3A_63 : memref<1x512xi32, #tpu.memory_space<vmem>> -> memref<512xi32, #tpu.memory_space<vmem>>
    %dma_start3A_65 = tpu.memref_slice %arg4[%dma_start3A_52, %add3A_51] : memref<2x1600000xi32, #tpu.memory_space<hbm>> -> memref<1x512xi32, #tpu.memory_space<hbm>>
    %dma_start3A_66 = tpu.memref_squeeze %dma_start3A_65 : memref<1x512xi32, #tpu.memory_space<hbm>> -> memref<512xi32, #tpu.memory_space<hbm>>
    tpu.enqueue_dma source(%dma_start3A_66 : memref<512xi32, #tpu.memory_space<hbm>>) target(%dma_start3A_64 : memref<512xi32, #tpu.memory_space<vmem>>) target_semaphore(%dma_start3A_61 : memref<!tpu.dma_semaphore, #tpu.memory_space<semaphore_mem>>)
    %mul3A_67 = arith.constant 6272 : i32
    %mul3A_68 = arith.muli %arg1, %mul3A_67 : i32
    "tpu.region"() ({
      %run_scoped3A_157 = tpu.sem_alloc : memref<!tpu.dma_semaphore, #tpu.memory_space<semaphore_mem>>
      %dma_start3A_158 = arith.constant 0 : i32
      %dma_start3A_159 = tpu.memref_slice %arg15[%mul3A_68, %dma_start3A_158] : memref<100352x16xf32, #tpu.memory_space<vmem_shared>> -> memref<6272x16xf32, #tpu.memory_space<vmem_shared>>
      tpu.enqueue_dma source(%arg5 : memref<6272x16xf32, #tpu.memory_space<hbm>>) target(%dma_start3A_159 : memref<6272x16xf32, #tpu.memory_space<vmem_shared>>) target_semaphore(%run_scoped3A_157 : memref<!tpu.dma_semaphore, #tpu.memory_space<semaphore_mem>>)
      %dma_wait3A_160 = arith.constant 0 : i32
      %dma_wait3A_161 = tpu.memref_slice %arg15[%mul3A_68, %dma_wait3A_160] : memref<100352x16xf32, #tpu.memory_space<vmem_shared>> -> memref<6272x16xf32, #tpu.memory_space<vmem_shared>>
      tpu.wait_dma2 semaphore(%run_scoped3A_157 : memref<!tpu.dma_semaphore, #tpu.memory_space<semaphore_mem>>) src(%arg5 : memref<6272x16xf32, #tpu.memory_space<hbm>>) dst(%dma_wait3A_161 : memref<6272x16xf32, #tpu.memory_space<vmem_shared>>)
      tpu.yield
    }) : () -> ()
    %add3A_69 = arith.constant 0 : i32
    %add3A_70 = arith.addi %mul3A_0, %add3A_69 : i32
    %dma_wait3A = arith.constant 0 : i32
    %dma_wait3A_71 = arith.constant 0 : i32
    %dma_wait3A_72 = arith.constant 0 : i32
    %dma_wait3A_73 = arith.constant 0 : i32
    %dma_wait3A_74 = tpu.memref_slice %arg8[%dma_wait3A_71, %dma_wait3A_73] : memref<3x512xi32, #tpu.memory_space<vmem>> -> memref<1x512xi32, #tpu.memory_space<vmem>>
    %dma_wait3A_75 = tpu.memref_squeeze %dma_wait3A_74 : memref<1x512xi32, #tpu.memory_space<vmem>> -> memref<512xi32, #tpu.memory_space<vmem>>
    %dma_wait3A_76 = tpu.memref_slice %arg4[%dma_wait3A, %add3A_70] : memref<2x1600000xi32, #tpu.memory_space<hbm>> -> memref<1x512xi32, #tpu.memory_space<hbm>>
    %dma_wait3A_77 = tpu.memref_squeeze %dma_wait3A_76 : memref<1x512xi32, #tpu.memory_space<hbm>> -> memref<512xi32, #tpu.memory_space<hbm>>
    %dma_wait3A_78 = tpu.memref_slice %arg12[%dma_wait3A_72] : memref<3x!tpu.dma_semaphore, #tpu.memory_space<semaphore_mem>> -> memref<1x!tpu.dma_semaphore, #tpu.memory_space<semaphore_mem>>
    %dma_wait3A_79 = tpu.memref_squeeze %dma_wait3A_78 : memref<1x!tpu.dma_semaphore, #tpu.memory_space<semaphore_mem>> -> memref<!tpu.dma_semaphore, #tpu.memory_space<semaphore_mem>>
    %dma_wait3A_80 = arith.constant 0 : i32
    %dma_wait3A_81 = tpu.memref_slice %arg8[%dma_wait3A_71, %dma_wait3A_80] : memref<3x512xi32, #tpu.memory_space<vmem>> -> memref<1x512xi32, #tpu.memory_space<vmem>>
    %dma_wait3A_82 = tpu.memref_squeeze %dma_wait3A_81 : memref<1x512xi32, #tpu.memory_space<vmem>> -> memref<512xi32, #tpu.memory_space<vmem>>
    %dma_wait3A_83 = tpu.memref_slice %arg4[%dma_wait3A, %add3A_70] : memref<2x1600000xi32, #tpu.memory_space<hbm>> -> memref<1x512xi32, #tpu.memory_space<hbm>>
    %dma_wait3A_84 = tpu.memref_squeeze %dma_wait3A_83 : memref<1x512xi32, #tpu.memory_space<hbm>> -> memref<512xi32, #tpu.memory_space<hbm>>
    tpu.wait_dma2 semaphore(%dma_wait3A_79 : memref<!tpu.dma_semaphore, #tpu.memory_space<semaphore_mem>>) src(%dma_wait3A_84 : memref<512xi32, #tpu.memory_space<hbm>>) dst(%dma_wait3A_82 : memref<512xi32, #tpu.memory_space<vmem>>)
    %add3A_85 = arith.constant 0 : i32
    %add3A_86 = arith.addi %mul3A_0, %add3A_85 : i32
    %dma_wait3A_87 = arith.constant 1 : i32
    %dma_wait3A_88 = arith.constant 0 : i32
    %dma_wait3A_89 = arith.constant 0 : i32
    %dma_wait3A_90 = arith.constant 0 : i32
    %dma_wait3A_91 = tpu.memref_slice %arg9[%dma_wait3A_88, %dma_wait3A_90] : memref<3x512xi32, #tpu.memory_space<vmem>> -> memref<1x512xi32, #tpu.memory_space<vmem>>
    %dma_wait3A_92 = tpu.memref_squeeze %dma_wait3A_91 : memref<1x512xi32, #tpu.memory_space<vmem>> -> memref<512xi32, #tpu.memory_space<vmem>>
    %dma_wait3A_93 = tpu.memref_slice %arg4[%dma_wait3A_87, %add3A_86] : memref<2x1600000xi32, #tpu.memory_space<hbm>> -> memref<1x512xi32, #tpu.memory_space<hbm>>
    %dma_wait3A_94 = tpu.memref_squeeze %dma_wait3A_93 : memref<1x512xi32, #tpu.memory_space<hbm>> -> memref<512xi32, #tpu.memory_space<hbm>>
    %dma_wait3A_95 = tpu.memref_slice %arg12[%dma_wait3A_89] : memref<3x!tpu.dma_semaphore, #tpu.memory_space<semaphore_mem>> -> memref<1x!tpu.dma_semaphore, #tpu.memory_space<semaphore_mem>>
    %dma_wait3A_96 = tpu.memref_squeeze %dma_wait3A_95 : memref<1x!tpu.dma_semaphore, #tpu.memory_space<semaphore_mem>> -> memref<!tpu.dma_semaphore, #tpu.memory_space<semaphore_mem>>
    %dma_wait3A_97 = arith.constant 0 : i32
    %dma_wait3A_98 = tpu.memref_slice %arg9[%dma_wait3A_88, %dma_wait3A_97] : memref<3x512xi32, #tpu.memory_space<vmem>> -> memref<1x512xi32, #tpu.memory_space<vmem>>
    %dma_wait3A_99 = tpu.memref_squeeze %dma_wait3A_98 : memref<1x512xi32, #tpu.memory_space<vmem>> -> memref<512xi32, #tpu.memory_space<vmem>>
    %dma_wait3A_100 = tpu.memref_slice %arg4[%dma_wait3A_87, %add3A_86] : memref<2x1600000xi32, #tpu.memory_space<hbm>> -> memref<1x512xi32, #tpu.memory_space<hbm>>
    %dma_wait3A_101 = tpu.memref_squeeze %dma_wait3A_100 : memref<1x512xi32, #tpu.memory_space<hbm>> -> memref<512xi32, #tpu.memory_space<hbm>>
    tpu.wait_dma2 semaphore(%dma_wait3A_96 : memref<!tpu.dma_semaphore, #tpu.memory_space<semaphore_mem>>) src(%dma_wait3A_101 : memref<512xi32, #tpu.memory_space<hbm>>) dst(%dma_wait3A_99 : memref<512xi32, #tpu.memory_space<vmem>>)
    %eq3A = arith.constant 0 : i32
    %eq3A_102 = arith.cmpi eq, %arg0, %eq3A : i32
    %convert_element_type3A = arith.extui %eq3A_102 : i1 to i32
    %cond3A = arith.constant 0 : i32
    %cond3A_103 = arith.cmpi ne, %convert_element_type3A, %cond3A : i32
    scf.if %cond3A_103 {
      %dma_start3A_157 = arith.constant 0 : i32
      %dma_start3A_158 = arith.constant 0 : i32
      %dma_start3A_159 = arith.constant 0 : i32
      %dma_start3A_160 = arith.constant 0 : i32
      %dma_start3A_161 = arith.constant 0 : i32
      %dma_start3A_162 = tpu.memref_slice %arg11[%dma_start3A_158, %dma_start3A_160, %dma_start3A_161] : memref<3x512x16xf32, #tpu.memory_space<vmem>> -> memref<1x512x16xf32, #tpu.memory_space<vmem>>
      %dma_start3A_163 = tpu.memref_squeeze %dma_start3A_162 : memref<1x512x16xf32, #tpu.memory_space<vmem>> -> memref<512x16xf32, #tpu.memory_space<vmem>>
      %dma_start3A_164 = arith.constant 0 : i32
      %dma_start3A_165 = tpu.memref_slice %arg8[%dma_start3A_157, %dma_start3A_164] : memref<3x512xi32, #tpu.memory_space<vmem>> -> memref<1x512xi32, #tpu.memory_space<vmem>>
      %dma_start3A_166 = tpu.memref_squeeze %dma_start3A_165 : memref<1x512xi32, #tpu.memory_space<vmem>> -> memref<512xi32, #tpu.memory_space<vmem>>
      %dma_start3A_167 = arith.constant 0 : i32
      %dma_start3A_168 = arith.constant 0 : i32
      %dma_start3A_169 = tpu.memref_slice %arg2[%dma_start3A_167, %dma_start3A_168] : memref<100000x16xf32, #tpu.memory_space<hbm>> -> memref<100000x16xf32, #tpu.memory_space<hbm>>
      %dma_start3A_170 = tpu.memref_slice %arg13[%dma_start3A_159] : memref<3x!tpu.dma_semaphore, #tpu.memory_space<semaphore_mem>> -> memref<1x!tpu.dma_semaphore, #tpu.memory_space<semaphore_mem>>
      %dma_start3A_171 = tpu.memref_squeeze %dma_start3A_170 : memref<1x!tpu.dma_semaphore, #tpu.memory_space<semaphore_mem>> -> memref<!tpu.dma_semaphore, #tpu.memory_space<semaphore_mem>>
      tpu.enqueue_indirect_dma source(%dma_start3A_169 : memref<100000x16xf32, #tpu.memory_space<hbm>>) target(%dma_start3A_163 : memref<512x16xf32, #tpu.memory_space<vmem>>) offsets(%dma_start3A_166 : memref<512xi32, #tpu.memory_space<vmem>>) semaphore(%dma_start3A_171 : memref<!tpu.dma_semaphore, #tpu.memory_space<semaphore_mem>>)
    } else {
    }
    %eq3A_104 = arith.constant 1 : i32
    %eq3A_105 = arith.cmpi eq, %arg0, %eq3A_104 : i32
    %convert_element_type3A_106 = arith.extui %eq3A_105 : i1 to i32
    %cond3A_107 = arith.constant 0 : i32
    %cond3A_108 = arith.cmpi ne, %convert_element_type3A_106, %cond3A_107 : i32
    scf.if %cond3A_108 {
      %dma_start3A_157 = arith.constant 0 : i32
      %dma_start3A_158 = arith.constant 0 : i32
      %dma_start3A_159 = arith.constant 0 : i32
      %dma_start3A_160 = arith.constant 0 : i32
      %dma_start3A_161 = arith.constant 0 : i32
      %dma_start3A_162 = tpu.memref_slice %arg11[%dma_start3A_158, %dma_start3A_160, %dma_start3A_161] : memref<3x512x16xf32, #tpu.memory_space<vmem>> -> memref<1x512x16xf32, #tpu.memory_space<vmem>>
      %dma_start3A_163 = tpu.memref_squeeze %dma_start3A_162 : memref<1x512x16xf32, #tpu.memory_space<vmem>> -> memref<512x16xf32, #tpu.memory_space<vmem>>
      %dma_start3A_164 = arith.constant 0 : i32
      %dma_start3A_165 = tpu.memref_slice %arg8[%dma_start3A_157, %dma_start3A_164] : memref<3x512xi32, #tpu.memory_space<vmem>> -> memref<1x512xi32, #tpu.memory_space<vmem>>
      %dma_start3A_166 = tpu.memref_squeeze %dma_start3A_165 : memref<1x512xi32, #tpu.memory_space<vmem>> -> memref<512xi32, #tpu.memory_space<vmem>>
      %dma_start3A_167 = arith.constant 0 : i32
      %dma_start3A_168 = arith.constant 0 : i32
      %dma_start3A_169 = tpu.memref_slice %arg3[%dma_start3A_167, %dma_start3A_168] : memref<100000x16xf32, #tpu.memory_space<hbm>> -> memref<100000x16xf32, #tpu.memory_space<hbm>>
      %dma_start3A_170 = tpu.memref_slice %arg13[%dma_start3A_159] : memref<3x!tpu.dma_semaphore, #tpu.memory_space<semaphore_mem>> -> memref<1x!tpu.dma_semaphore, #tpu.memory_space<semaphore_mem>>
      %dma_start3A_171 = tpu.memref_squeeze %dma_start3A_170 : memref<1x!tpu.dma_semaphore, #tpu.memory_space<semaphore_mem>> -> memref<!tpu.dma_semaphore, #tpu.memory_space<semaphore_mem>>
      tpu.enqueue_indirect_dma source(%dma_start3A_169 : memref<100000x16xf32, #tpu.memory_space<hbm>>) target(%dma_start3A_163 : memref<512x16xf32, #tpu.memory_space<vmem>>) offsets(%dma_start3A_166 : memref<512xi32, #tpu.memory_space<vmem>>) semaphore(%dma_start3A_171 : memref<!tpu.dma_semaphore, #tpu.memory_space<semaphore_mem>>)
    } else {
    }
    %barrier3A = arith.constant 0 : index
    tpu.barrier barrier_id(%barrier3A)
    %scan3A = arith.constant 0 : i32
    %scan3A_109 = arith.constant 195 : i32
    %scan3A_110 = arith.addi %scan3A, %scan3A_109 : i32
    %scan3A_111 = arith.constant 1 : i32
    scf.for %scan3A_157 = %scan3A to %scan3A_110 step %scan3A_111  : i32 {
      %rem3A_158 = arith.constant 3 : i32
      %rem3A_159 = arith.remsi %scan3A_157, %rem3A_158 : i32
      %add3A_160 = arith.constant 1 : i32
      %add3A_161 = arith.addi %scan3A_157, %add3A_160 : i32
      %rem3A_162 = arith.constant 3 : i32
      %rem3A_163 = arith.remsi %add3A_161, %rem3A_162 : i32
      %add3A_164 = arith.constant 2 : i32
      %add3A_165 = arith.addi %scan3A_157, %add3A_164 : i32
      %rem3A_166 = arith.constant 3 : i32
      %rem3A_167 = arith.remsi %add3A_165, %rem3A_166 : i32
      %add3A_168 = arith.constant 1 : i32
      %add3A_169 = arith.addi %scan3A_157, %add3A_168 : i32
      %lt3A = arith.constant 195 : i32
      %lt3A_170 = arith.cmpi slt, %add3A_169, %lt3A : i32
      %convert_element_type3A_171 = arith.extui %lt3A_170 : i1 to i32
      %cond3A_172 = arith.constant 0 : i32
      %cond3A_173 = arith.cmpi ne, %convert_element_type3A_171, %cond3A_172 : i32
      scf.if %cond3A_173 {
        %add3A_207 = arith.constant 1 : i32
        %add3A_208 = arith.addi %scan3A_157, %add3A_207 : i32
        %mul3A_209 = arith.constant 512 : i32
        %mul3A_210 = arith.muli %add3A_208, %mul3A_209 : i32
        %add3A_211 = arith.addi %mul3A_0, %mul3A_210 : i32
        %dma_wait3A_212 = arith.constant 0 : i32
        %dma_wait3A_213 = arith.constant 0 : i32
        %dma_wait3A_214 = tpu.memref_slice %arg8[%rem3A_163, %dma_wait3A_213] : memref<3x512xi32, #tpu.memory_space<vmem>> -> memref<1x512xi32, #tpu.memory_space<vmem>>
        %dma_wait3A_215 = tpu.memref_squeeze %dma_wait3A_214 : memref<1x512xi32, #tpu.memory_space<vmem>> -> memref<512xi32, #tpu.memory_space<vmem>>
        %dma_wait3A_216 = tpu.memref_slice %arg4[%dma_wait3A_212, %add3A_211] : memref<2x1600000xi32, #tpu.memory_space<hbm>> -> memref<1x512xi32, #tpu.memory_space<hbm>>
        %dma_wait3A_217 = tpu.memref_squeeze %dma_wait3A_216 : memref<1x512xi32, #tpu.memory_space<hbm>> -> memref<512xi32, #tpu.memory_space<hbm>>
        %dma_wait3A_218 = tpu.memref_slice %arg12[%rem3A_163] : memref<3x!tpu.dma_semaphore, #tpu.memory_space<semaphore_mem>> -> memref<1x!tpu.dma_semaphore, #tpu.memory_space<semaphore_mem>>
        %dma_wait3A_219 = tpu.memref_squeeze %dma_wait3A_218 : memref<1x!tpu.dma_semaphore, #tpu.memory_space<semaphore_mem>> -> memref<!tpu.dma_semaphore, #tpu.memory_space<semaphore_mem>>
        %dma_wait3A_220 = arith.constant 0 : i32
        %dma_wait3A_221 = tpu.memref_slice %arg8[%rem3A_163, %dma_wait3A_220] : memref<3x512xi32, #tpu.memory_space<vmem>> -> memref<1x512xi32, #tpu.memory_space<vmem>>
        %dma_wait3A_222 = tpu.memref_squeeze %dma_wait3A_221 : memref<1x512xi32, #tpu.memory_space<vmem>> -> memref<512xi32, #tpu.memory_space<vmem>>
        %dma_wait3A_223 = tpu.memref_slice %arg4[%dma_wait3A_212, %add3A_211] : memref<2x1600000xi32, #tpu.memory_space<hbm>> -> memref<1x512xi32, #tpu.memory_space<hbm>>
        %dma_wait3A_224 = tpu.memref_squeeze %dma_wait3A_223 : memref<1x512xi32, #tpu.memory_space<hbm>> -> memref<512xi32, #tpu.memory_space<hbm>>
        tpu.wait_dma2 semaphore(%dma_wait3A_219 : memref<!tpu.dma_semaphore, #tpu.memory_space<semaphore_mem>>) src(%dma_wait3A_224 : memref<512xi32, #tpu.memory_space<hbm>>) dst(%dma_wait3A_222 : memref<512xi32, #tpu.memory_space<vmem>>)
        %mul3A_225 = arith.constant 512 : i32
        %mul3A_226 = arith.muli %add3A_208, %mul3A_225 : i32
        %add3A_227 = arith.addi %mul3A_0, %mul3A_226 : i32
        %dma_wait3A_228 = arith.constant 1 : i32
        %dma_wait3A_229 = arith.constant 0 : i32
        %dma_wait3A_230 = tpu.memref_slice %arg9[%rem3A_163, %dma_wait3A_229] : memref<3x512xi32, #tpu.memory_space<vmem>> -> memref<1x512xi32, #tpu.memory_space<vmem>>
        %dma_wait3A_231 = tpu.memref_squeeze %dma_wait3A_230 : memref<1x512xi32, #tpu.memory_space<vmem>> -> memref<512xi32, #tpu.memory_space<vmem>>
        %dma_wait3A_232 = tpu.memref_slice %arg4[%dma_wait3A_228, %add3A_227] : memref<2x1600000xi32, #tpu.memory_space<hbm>> -> memref<1x512xi32, #tpu.memory_space<hbm>>
        %dma_wait3A_233 = tpu.memref_squeeze %dma_wait3A_232 : memref<1x512xi32, #tpu.memory_space<hbm>> -> memref<512xi32, #tpu.memory_space<hbm>>
        %dma_wait3A_234 = tpu.memref_slice %arg12[%rem3A_163] : memref<3x!tpu.dma_semaphore, #tpu.memory_space<semaphore_mem>> -> memref<1x!tpu.dma_semaphore, #tpu.memory_space<semaphore_mem>>
        %dma_wait3A_235 = tpu.memref_squeeze %dma_wait3A_234 : memref<1x!tpu.dma_semaphore, #tpu.memory_space<semaphore_mem>> -> memref<!tpu.dma_semaphore, #tpu.memory_space<semaphore_mem>>
        %dma_wait3A_236 = arith.constant 0 : i32
        %dma_wait3A_237 = tpu.memref_slice %arg9[%rem3A_163, %dma_wait3A_236] : memref<3x512xi32, #tpu.memory_space<vmem>> -> memref<1x512xi32, #tpu.memory_space<vmem>>
        %dma_wait3A_238 = tpu.memref_squeeze %dma_wait3A_237 : memref<1x512xi32, #tpu.memory_space<vmem>> -> memref<512xi32, #tpu.memory_space<vmem>>
        %dma_wait3A_239 = tpu.memref_slice %arg4[%dma_wait3A_228, %add3A_227] : memref<2x1600000xi32, #tpu.memory_space<hbm>> -> memref<1x512xi32, #tpu.memory_space<hbm>>
        %dma_wait3A_240 = tpu.memref_squeeze %dma_wait3A_239 : memref<1x512xi32, #tpu.memory_space<hbm>> -> memref<512xi32, #tpu.memory_space<hbm>>
        tpu.wait_dma2 semaphore(%dma_wait3A_235 : memref<!tpu.dma_semaphore, #tpu.memory_space<semaphore_mem>>) src(%dma_wait3A_240 : memref<512xi32, #tpu.memory_space<hbm>>) dst(%dma_wait3A_238 : memref<512xi32, #tpu.memory_space<vmem>>)
        %eq3A_241 = arith.constant 0 : i32
        %eq3A_242 = arith.cmpi eq, %arg0, %eq3A_241 : i32
        %convert_element_type3A_243 = arith.extui %eq3A_242 : i1 to i32
        %cond3A_244 = arith.constant 0 : i32
        %cond3A_245 = arith.cmpi ne, %convert_element_type3A_243, %cond3A_244 : i32
        scf.if %cond3A_245 {
          %dma_start3A_251 = arith.constant 0 : i32
          %dma_start3A_252 = arith.constant 0 : i32
          %dma_start3A_253 = tpu.memref_slice %arg11[%rem3A_163, %dma_start3A_251, %dma_start3A_252] : memref<3x512x16xf32, #tpu.memory_space<vmem>> -> memref<1x512x16xf32, #tpu.memory_space<vmem>>
          %dma_start3A_254 = tpu.memref_squeeze %dma_start3A_253 : memref<1x512x16xf32, #tpu.memory_space<vmem>> -> memref<512x16xf32, #tpu.memory_space<vmem>>
          %dma_start3A_255 = arith.constant 0 : i32
          %dma_start3A_256 = tpu.memref_slice %arg8[%rem3A_163, %dma_start3A_255] : memref<3x512xi32, #tpu.memory_space<vmem>> -> memref<1x512xi32, #tpu.memory_space<vmem>>
          %dma_start3A_257 = tpu.memref_squeeze %dma_start3A_256 : memref<1x512xi32, #tpu.memory_space<vmem>> -> memref<512xi32, #tpu.memory_space<vmem>>
          %dma_start3A_258 = arith.constant 0 : i32
          %dma_start3A_259 = arith.constant 0 : i32
          %dma_start3A_260 = tpu.memref_slice %arg2[%dma_start3A_258, %dma_start3A_259] : memref<100000x16xf32, #tpu.memory_space<hbm>> -> memref<100000x16xf32, #tpu.memory_space<hbm>>
          %dma_start3A_261 = tpu.memref_slice %arg13[%rem3A_163] : memref<3x!tpu.dma_semaphore, #tpu.memory_space<semaphore_mem>> -> memref<1x!tpu.dma_semaphore, #tpu.memory_space<semaphore_mem>>
          %dma_start3A_262 = tpu.memref_squeeze %dma_start3A_261 : memref<1x!tpu.dma_semaphore, #tpu.memory_space<semaphore_mem>> -> memref<!tpu.dma_semaphore, #tpu.memory_space<semaphore_mem>>
          tpu.enqueue_indirect_dma source(%dma_start3A_260 : memref<100000x16xf32, #tpu.memory_space<hbm>>) target(%dma_start3A_254 : memref<512x16xf32, #tpu.memory_space<vmem>>) offsets(%dma_start3A_257 : memref<512xi32, #tpu.memory_space<vmem>>) semaphore(%dma_start3A_262 : memref<!tpu.dma_semaphore, #tpu.memory_space<semaphore_mem>>)
        } else {
        }
        %eq3A_246 = arith.constant 1 : i32
        %eq3A_247 = arith.cmpi eq, %arg0, %eq3A_246 : i32
        %convert_element_type3A_248 = arith.extui %eq3A_247 : i1 to i32
        %cond3A_249 = arith.constant 0 : i32
        %cond3A_250 = arith.cmpi ne, %convert_element_type3A_248, %cond3A_249 : i32
        scf.if %cond3A_250 {
          %dma_start3A_251 = arith.constant 0 : i32
          %dma_start3A_252 = arith.constant 0 : i32
          %dma_start3A_253 = tpu.memref_slice %arg11[%rem3A_163, %dma_start3A_251, %dma_start3A_252] : memref<3x512x16xf32, #tpu.memory_space<vmem>> -> memref<1x512x16xf32, #tpu.memory_space<vmem>>
          %dma_start3A_254 = tpu.memref_squeeze %dma_start3A_253 : memref<1x512x16xf32, #tpu.memory_space<vmem>> -> memref<512x16xf32, #tpu.memory_space<vmem>>
          %dma_start3A_255 = arith.constant 0 : i32
          %dma_start3A_256 = tpu.memref_slice %arg8[%rem3A_163, %dma_start3A_255] : memref<3x512xi32, #tpu.memory_space<vmem>> -> memref<1x512xi32, #tpu.memory_space<vmem>>
          %dma_start3A_257 = tpu.memref_squeeze %dma_start3A_256 : memref<1x512xi32, #tpu.memory_space<vmem>> -> memref<512xi32, #tpu.memory_space<vmem>>
          %dma_start3A_258 = arith.constant 0 : i32
          %dma_start3A_259 = arith.constant 0 : i32
          %dma_start3A_260 = tpu.memref_slice %arg3[%dma_start3A_258, %dma_start3A_259] : memref<100000x16xf32, #tpu.memory_space<hbm>> -> memref<100000x16xf32, #tpu.memory_space<hbm>>
          %dma_start3A_261 = tpu.memref_slice %arg13[%rem3A_163] : memref<3x!tpu.dma_semaphore, #tpu.memory_space<semaphore_mem>> -> memref<1x!tpu.dma_semaphore, #tpu.memory_space<semaphore_mem>>
          %dma_start3A_262 = tpu.memref_squeeze %dma_start3A_261 : memref<1x!tpu.dma_semaphore, #tpu.memory_space<semaphore_mem>> -> memref<!tpu.dma_semaphore, #tpu.memory_space<semaphore_mem>>
          tpu.enqueue_indirect_dma source(%dma_start3A_260 : memref<100000x16xf32, #tpu.memory_space<hbm>>) target(%dma_start3A_254 : memref<512x16xf32, #tpu.memory_space<vmem>>) offsets(%dma_start3A_257 : memref<512xi32, #tpu.memory_space<vmem>>) semaphore(%dma_start3A_262 : memref<!tpu.dma_semaphore, #tpu.memory_space<semaphore_mem>>)
        } else {
        }
      } else {
      }
      %eq3A_174 = arith.constant 0 : i32
      %eq3A_175 = arith.cmpi eq, %arg0, %eq3A_174 : i32
      %convert_element_type3A_176 = arith.extui %eq3A_175 : i1 to i32
      %cond3A_177 = arith.constant 0 : i32
      %cond3A_178 = arith.cmpi ne, %convert_element_type3A_176, %cond3A_177 : i32
      scf.if %cond3A_178 {
        %dma_wait3A_207 = arith.constant 0 : i32
        %dma_wait3A_208 = arith.constant 0 : i32
        %dma_wait3A_209 = tpu.memref_slice %arg11[%rem3A_159, %dma_wait3A_207, %dma_wait3A_208] : memref<3x512x16xf32, #tpu.memory_space<vmem>> -> memref<1x512x16xf32, #tpu.memory_space<vmem>>
        %dma_wait3A_210 = tpu.memref_squeeze %dma_wait3A_209 : memref<1x512x16xf32, #tpu.memory_space<vmem>> -> memref<512x16xf32, #tpu.memory_space<vmem>>
        %dma_wait3A_211 = arith.constant 0 : i32
        %dma_wait3A_212 = tpu.memref_slice %arg8[%rem3A_159, %dma_wait3A_211] : memref<3x512xi32, #tpu.memory_space<vmem>> -> memref<1x512xi32, #tpu.memory_space<vmem>>
        %dma_wait3A_213 = tpu.memref_squeeze %dma_wait3A_212 : memref<1x512xi32, #tpu.memory_space<vmem>> -> memref<512xi32, #tpu.memory_space<vmem>>
        %dma_wait3A_214 = arith.constant 0 : i32
        %dma_wait3A_215 = arith.constant 0 : i32
        %dma_wait3A_216 = tpu.memref_slice %arg2[%dma_wait3A_214, %dma_wait3A_215] : memref<100000x16xf32, #tpu.memory_space<hbm>> -> memref<100000x16xf32, #tpu.memory_space<hbm>>
        %dma_wait3A_217 = tpu.memref_slice %arg13[%rem3A_159] : memref<3x!tpu.dma_semaphore, #tpu.memory_space<semaphore_mem>> -> memref<1x!tpu.dma_semaphore, #tpu.memory_space<semaphore_mem>>
        %dma_wait3A_218 = tpu.memref_squeeze %dma_wait3A_217 : memref<1x!tpu.dma_semaphore, #tpu.memory_space<semaphore_mem>> -> memref<!tpu.dma_semaphore, #tpu.memory_space<semaphore_mem>>
        tpu.wait_indirect_dma semaphore(%dma_wait3A_218 : memref<!tpu.dma_semaphore, #tpu.memory_space<semaphore_mem>>) src(%dma_wait3A_216 : memref<100000x16xf32, #tpu.memory_space<hbm>>) dst(%dma_wait3A_210 : memref<512x16xf32, #tpu.memory_space<vmem>>)
      } else {
      }
      %eq3A_179 = arith.constant 1 : i32
      %eq3A_180 = arith.cmpi eq, %arg0, %eq3A_179 : i32
      %convert_element_type3A_181 = arith.extui %eq3A_180 : i1 to i32
      %cond3A_182 = arith.constant 0 : i32
      %cond3A_183 = arith.cmpi ne, %convert_element_type3A_181, %cond3A_182 : i32
      scf.if %cond3A_183 {
        %dma_wait3A_207 = arith.constant 0 : i32
        %dma_wait3A_208 = arith.constant 0 : i32
        %dma_wait3A_209 = tpu.memref_slice %arg11[%rem3A_159, %dma_wait3A_207, %dma_wait3A_208] : memref<3x512x16xf32, #tpu.memory_space<vmem>> -> memref<1x512x16xf32, #tpu.memory_space<vmem>>
        %dma_wait3A_210 = tpu.memref_squeeze %dma_wait3A_209 : memref<1x512x16xf32, #tpu.memory_space<vmem>> -> memref<512x16xf32, #tpu.memory_space<vmem>>
        %dma_wait3A_211 = arith.constant 0 : i32
        %dma_wait3A_212 = tpu.memref_slice %arg8[%rem3A_159, %dma_wait3A_211] : memref<3x512xi32, #tpu.memory_space<vmem>> -> memref<1x512xi32, #tpu.memory_space<vmem>>
        %dma_wait3A_213 = tpu.memref_squeeze %dma_wait3A_212 : memref<1x512xi32, #tpu.memory_space<vmem>> -> memref<512xi32, #tpu.memory_space<vmem>>
        %dma_wait3A_214 = arith.constant 0 : i32
        %dma_wait3A_215 = arith.constant 0 : i32
        %dma_wait3A_216 = tpu.memref_slice %arg3[%dma_wait3A_214, %dma_wait3A_215] : memref<100000x16xf32, #tpu.memory_space<hbm>> -> memref<100000x16xf32, #tpu.memory_space<hbm>>
        %dma_wait3A_217 = tpu.memref_slice %arg13[%rem3A_159] : memref<3x!tpu.dma_semaphore, #tpu.memory_space<semaphore_mem>> -> memref<1x!tpu.dma_semaphore, #tpu.memory_space<semaphore_mem>>
        %dma_wait3A_218 = tpu.memref_squeeze %dma_wait3A_217 : memref<1x!tpu.dma_semaphore, #tpu.memory_space<semaphore_mem>> -> memref<!tpu.dma_semaphore, #tpu.memory_space<semaphore_mem>>
        tpu.wait_indirect_dma semaphore(%dma_wait3A_218 : memref<!tpu.dma_semaphore, #tpu.memory_space<semaphore_mem>>) src(%dma_wait3A_216 : memref<100000x16xf32, #tpu.memory_space<hbm>>) dst(%dma_wait3A_210 : memref<512x16xf32, #tpu.memory_space<vmem>>)
      } else {
      }
      %gt3A = arith.constant 0 : i32
      %gt3A_184 = arith.cmpi sgt, %scan3A_157, %gt3A : i32
      %convert_element_type3A_185 = arith.extui %gt3A_184 : i1 to i32
      %cond3A_186 = arith.constant 0 : i32
      %cond3A_187 = arith.cmpi ne, %convert_element_type3A_185, %cond3A_186 : i32
      scf.if %cond3A_187 {
        %dma_wait3A_207 = arith.constant 0 : i32
        %dma_wait3A_208 = arith.constant 0 : i32
        %dma_wait3A_209 = tpu.memref_slice %arg11[%rem3A_167, %dma_wait3A_207, %dma_wait3A_208] : memref<3x512x16xf32, #tpu.memory_space<vmem>> -> memref<1x512x16xf32, #tpu.memory_space<vmem>>
        %dma_wait3A_210 = tpu.memref_squeeze %dma_wait3A_209 : memref<1x512x16xf32, #tpu.memory_space<vmem>> -> memref<512x16xf32, #tpu.memory_space<vmem>>
        %dma_wait3A_211 = arith.constant 0 : i32
        %dma_wait3A_212 = tpu.memref_slice %arg9[%rem3A_167, %dma_wait3A_211] : memref<3x512xi32, #tpu.memory_space<vmem>> -> memref<1x512xi32, #tpu.memory_space<vmem>>
        %dma_wait3A_213 = tpu.memref_squeeze %dma_wait3A_212 : memref<1x512xi32, #tpu.memory_space<vmem>> -> memref<512xi32, #tpu.memory_space<vmem>>
        %dma_wait3A_214 = arith.constant 0 : i32
        %dma_wait3A_215 = arith.constant 0 : i32
        %dma_wait3A_216 = tpu.memref_slice %arg15[%dma_wait3A_214, %dma_wait3A_215] : memref<100352x16xf32, #tpu.memory_space<vmem_shared>> -> memref<100352x16xf32, #tpu.memory_space<vmem_shared>>
        %dma_wait3A_217 = tpu.memref_slice %arg14[%rem3A_167] : memref<3x!tpu.dma_semaphore, #tpu.memory_space<semaphore_mem>> -> memref<1x!tpu.dma_semaphore, #tpu.memory_space<semaphore_mem>>
        %dma_wait3A_218 = tpu.memref_squeeze %dma_wait3A_217 : memref<1x!tpu.dma_semaphore, #tpu.memory_space<semaphore_mem>> -> memref<!tpu.dma_semaphore, #tpu.memory_space<semaphore_mem>>
        tpu.wait_indirect_dma semaphore(%dma_wait3A_218 : memref<!tpu.dma_semaphore, #tpu.memory_space<semaphore_mem>>) src(%dma_wait3A_210 : memref<512x16xf32, #tpu.memory_space<vmem>>) dst(%dma_wait3A_216 : memref<100352x16xf32, #tpu.memory_space<vmem_shared>>)
      } else {
      }
      %dma_start3A_188 = arith.constant 0 : i32
      %dma_start3A_189 = arith.constant 0 : i32
      %dma_start3A_190 = tpu.memref_slice %arg11[%rem3A_159, %dma_start3A_188, %dma_start3A_189] : memref<3x512x16xf32, #tpu.memory_space<vmem>> -> memref<1x512x16xf32, #tpu.memory_space<vmem>>
      %dma_start3A_191 = tpu.memref_squeeze %dma_start3A_190 : memref<1x512x16xf32, #tpu.memory_space<vmem>> -> memref<512x16xf32, #tpu.memory_space<vmem>>
      %dma_start3A_192 = arith.constant 0 : i32
      %dma_start3A_193 = tpu.memref_slice %arg9[%rem3A_159, %dma_start3A_192] : memref<3x512xi32, #tpu.memory_space<vmem>> -> memref<1x512xi32, #tpu.memory_space<vmem>>
      %dma_start3A_194 = tpu.memref_squeeze %dma_start3A_193 : memref<1x512xi32, #tpu.memory_space<vmem>> -> memref<512xi32, #tpu.memory_space<vmem>>
      %dma_start3A_195 = arith.constant 0 : i32
      %dma_start3A_196 = arith.constant 0 : i32
      %dma_start3A_197 = tpu.memref_slice %arg15[%dma_start3A_195, %dma_start3A_196] : memref<100352x16xf32, #tpu.memory_space<vmem_shared>> -> memref<100352x16xf32, #tpu.memory_space<vmem_shared>>
      %dma_start3A_198 = tpu.memref_slice %arg14[%rem3A_159] : memref<3x!tpu.dma_semaphore, #tpu.memory_space<semaphore_mem>> -> memref<1x!tpu.dma_semaphore, #tpu.memory_space<semaphore_mem>>
      %dma_start3A_199 = tpu.memref_squeeze %dma_start3A_198 : memref<1x!tpu.dma_semaphore, #tpu.memory_space<semaphore_mem>> -> memref<!tpu.dma_semaphore, #tpu.memory_space<semaphore_mem>>
      tpu.enqueue_indirect_dma source(%dma_start3A_191 : memref<512x16xf32, #tpu.memory_space<vmem>>) target(%dma_start3A_197 : memref<100352x16xf32, #tpu.memory_space<vmem_shared>>) offsets(%dma_start3A_194 : memref<512xi32, #tpu.memory_space<vmem>>) semaphore(%dma_start3A_199 : memref<!tpu.dma_semaphore, #tpu.memory_space<semaphore_mem>>) {add = true}
      %add3A_200 = arith.constant 2 : i32
      %add3A_201 = arith.addi %scan3A_157, %add3A_200 : i32
      %lt3A_202 = arith.constant 195 : i32
      %lt3A_203 = arith.cmpi slt, %add3A_201, %lt3A_202 : i32
      %convert_element_type3A_204 = arith.extui %lt3A_203 : i1 to i32
      %cond3A_205 = arith.constant 0 : i32
      %cond3A_206 = arith.cmpi ne, %convert_element_type3A_204, %cond3A_205 : i32
      scf.if %cond3A_206 {
        %add3A_207 = arith.constant 2 : i32
        %add3A_208 = arith.addi %scan3A_157, %add3A_207 : i32
        %mul3A_209 = arith.constant 512 : i32
        %mul3A_210 = arith.muli %add3A_208, %mul3A_209 : i32
        %add3A_211 = arith.addi %mul3A_0, %mul3A_210 : i32
        %dma_start3A_212 = arith.constant 0 : i32
        %dma_start3A_213 = arith.constant 0 : i32
        %dma_start3A_214 = tpu.memref_slice %arg8[%rem3A_167, %dma_start3A_213] : memref<3x512xi32, #tpu.memory_space<vmem>> -> memref<1x512xi32, #tpu.memory_space<vmem>>
        %dma_start3A_215 = tpu.memref_squeeze %dma_start3A_214 : memref<1x512xi32, #tpu.memory_space<vmem>> -> memref<512xi32, #tpu.memory_space<vmem>>
        %dma_start3A_216 = tpu.memref_slice %arg4[%dma_start3A_212, %add3A_211] : memref<2x1600000xi32, #tpu.memory_space<hbm>> -> memref<1x512xi32, #tpu.memory_space<hbm>>
        %dma_start3A_217 = tpu.memref_squeeze %dma_start3A_216 : memref<1x512xi32, #tpu.memory_space<hbm>> -> memref<512xi32, #tpu.memory_space<hbm>>
        %dma_start3A_218 = tpu.memref_slice %arg12[%rem3A_167] : memref<3x!tpu.dma_semaphore, #tpu.memory_space<semaphore_mem>> -> memref<1x!tpu.dma_semaphore, #tpu.memory_space<semaphore_mem>>
        %dma_start3A_219 = tpu.memref_squeeze %dma_start3A_218 : memref<1x!tpu.dma_semaphore, #tpu.memory_space<semaphore_mem>> -> memref<!tpu.dma_semaphore, #tpu.memory_space<semaphore_mem>>
        %dma_start3A_220 = arith.constant 0 : i32
        %dma_start3A_221 = tpu.memref_slice %arg8[%rem3A_167, %dma_start3A_220] : memref<3x512xi32, #tpu.memory_space<vmem>> -> memref<1x512xi32, #tpu.memory_space<vmem>>
        %dma_start3A_222 = tpu.memref_squeeze %dma_start3A_221 : memref<1x512xi32, #tpu.memory_space<vmem>> -> memref<512xi32, #tpu.memory_space<vmem>>
        %dma_start3A_223 = tpu.memref_slice %arg4[%dma_start3A_212, %add3A_211] : memref<2x1600000xi32, #tpu.memory_space<hbm>> -> memref<1x512xi32, #tpu.memory_space<hbm>>
        %dma_start3A_224 = tpu.memref_squeeze %dma_start3A_223 : memref<1x512xi32, #tpu.memory_space<hbm>> -> memref<512xi32, #tpu.memory_space<hbm>>
        tpu.enqueue_dma source(%dma_start3A_224 : memref<512xi32, #tpu.memory_space<hbm>>) target(%dma_start3A_222 : memref<512xi32, #tpu.memory_space<vmem>>) target_semaphore(%dma_start3A_219 : memref<!tpu.dma_semaphore, #tpu.memory_space<semaphore_mem>>)
        %mul3A_225 = arith.constant 512 : i32
        %mul3A_226 = arith.muli %add3A_208, %mul3A_225 : i32
        %add3A_227 = arith.addi %mul3A_0, %mul3A_226 : i32
        %dma_start3A_228 = arith.constant 1 : i32
        %dma_start3A_229 = arith.constant 0 : i32
        %dma_start3A_230 = tpu.memref_slice %arg9[%rem3A_167, %dma_start3A_229] : memref<3x512xi32, #tpu.memory_space<vmem>> -> memref<1x512xi32, #tpu.memory_space<vmem>>
        %dma_start3A_231 = tpu.memref_squeeze %dma_start3A_230 : memref<1x512xi32, #tpu.memory_space<vmem>> -> memref<512xi32, #tpu.memory_space<vmem>>
        %dma_start3A_232 = tpu.memref_slice %arg4[%dma_start3A_228, %add3A_227] : memref<2x1600000xi32, #tpu.memory_space<hbm>> -> memref<1x512xi32, #tpu.memory_space<hbm>>
        %dma_start3A_233 = tpu.memref_squeeze %dma_start3A_232 : memref<1x512xi32, #tpu.memory_space<hbm>> -> memref<512xi32, #tpu.memory_space<hbm>>
        %dma_start3A_234 = tpu.memref_slice %arg12[%rem3A_167] : memref<3x!tpu.dma_semaphore, #tpu.memory_space<semaphore_mem>> -> memref<1x!tpu.dma_semaphore, #tpu.memory_space<semaphore_mem>>
        %dma_start3A_235 = tpu.memref_squeeze %dma_start3A_234 : memref<1x!tpu.dma_semaphore, #tpu.memory_space<semaphore_mem>> -> memref<!tpu.dma_semaphore, #tpu.memory_space<semaphore_mem>>
        %dma_start3A_236 = arith.constant 0 : i32
        %dma_start3A_237 = tpu.memref_slice %arg9[%rem3A_167, %dma_start3A_236] : memref<3x512xi32, #tpu.memory_space<vmem>> -> memref<1x512xi32, #tpu.memory_space<vmem>>
        %dma_start3A_238 = tpu.memref_squeeze %dma_start3A_237 : memref<1x512xi32, #tpu.memory_space<vmem>> -> memref<512xi32, #tpu.memory_space<vmem>>
        %dma_start3A_239 = tpu.memref_slice %arg4[%dma_start3A_228, %add3A_227] : memref<2x1600000xi32, #tpu.memory_space<hbm>> -> memref<1x512xi32, #tpu.memory_space<hbm>>
        %dma_start3A_240 = tpu.memref_squeeze %dma_start3A_239 : memref<1x512xi32, #tpu.memory_space<hbm>> -> memref<512xi32, #tpu.memory_space<hbm>>
        tpu.enqueue_dma source(%dma_start3A_240 : memref<512xi32, #tpu.memory_space<hbm>>) target(%dma_start3A_238 : memref<512xi32, #tpu.memory_space<vmem>>) target_semaphore(%dma_start3A_235 : memref<!tpu.dma_semaphore, #tpu.memory_space<semaphore_mem>>)
      } else {
      }
    }
    %scan3A_112 = arith.constant 195 : i32
    %rem3A = arith.constant 194 : i32
    %rem3A_113 = arith.constant 3 : i32
    %rem3A_114 = arith.remsi %rem3A, %rem3A_113 : i32
    %dma_wait3A_115 = arith.constant 0 : i32
    %dma_wait3A_116 = arith.constant 0 : i32
    %dma_wait3A_117 = tpu.memref_slice %arg11[%rem3A_114, %dma_wait3A_115, %dma_wait3A_116] : memref<3x512x16xf32, #tpu.memory_space<vmem>> -> memref<1x512x16xf32, #tpu.memory_space<vmem>>
    %dma_wait3A_118 = tpu.memref_squeeze %dma_wait3A_117 : memref<1x512x16xf32, #tpu.memory_space<vmem>> -> memref<512x16xf32, #tpu.memory_space<vmem>>
    %dma_wait3A_119 = arith.constant 0 : i32
    %dma_wait3A_120 = tpu.memref_slice %arg9[%rem3A_114, %dma_wait3A_119] : memref<3x512xi32, #tpu.memory_space<vmem>> -> memref<1x512xi32, #tpu.memory_space<vmem>>
    %dma_wait3A_121 = tpu.memref_squeeze %dma_wait3A_120 : memref<1x512xi32, #tpu.memory_space<vmem>> -> memref<512xi32, #tpu.memory_space<vmem>>
    %dma_wait3A_122 = arith.constant 0 : i32
    %dma_wait3A_123 = arith.constant 0 : i32
    %dma_wait3A_124 = tpu.memref_slice %arg15[%dma_wait3A_122, %dma_wait3A_123] : memref<100352x16xf32, #tpu.memory_space<vmem_shared>> -> memref<100352x16xf32, #tpu.memory_space<vmem_shared>>
    %dma_wait3A_125 = tpu.memref_slice %arg14[%rem3A_114] : memref<3x!tpu.dma_semaphore, #tpu.memory_space<semaphore_mem>> -> memref<1x!tpu.dma_semaphore, #tpu.memory_space<semaphore_mem>>
    %dma_wait3A_126 = tpu.memref_squeeze %dma_wait3A_125 : memref<1x!tpu.dma_semaphore, #tpu.memory_space<semaphore_mem>> -> memref<!tpu.dma_semaphore, #tpu.memory_space<semaphore_mem>>
    tpu.wait_indirect_dma semaphore(%dma_wait3A_126 : memref<!tpu.dma_semaphore, #tpu.memory_space<semaphore_mem>>) src(%dma_wait3A_118 : memref<512x16xf32, #tpu.memory_space<vmem>>) dst(%dma_wait3A_124 : memref<100352x16xf32, #tpu.memory_space<vmem_shared>>)
    %add3A_127 = arith.constant 99840 : i32
    %add3A_128 = arith.addi %mul3A_0, %add3A_127 : i32
    %run_scoped3A = arith.constant 0 : i32
    %run_scoped3A_129 = arith.constant 0 : i32
    "tpu.region"() ({
      %run_scoped3A_157 = tpu.sem_alloc : memref<!tpu.dma_semaphore, #tpu.memory_space<semaphore_mem>>
      %dma_start3A_158 = arith.constant 0 : i32
      %dma_start3A_159 = tpu.memref_slice %arg10[%run_scoped3A_129, %dma_start3A_158] : memref<2x160xi32, #tpu.memory_space<vmem>> -> memref<1x160xi32, #tpu.memory_space<vmem>>
      %dma_start3A_160 = tpu.memref_squeeze %dma_start3A_159 : memref<1x160xi32, #tpu.memory_space<vmem>> -> memref<160xi32, #tpu.memory_space<vmem>>
      %dma_start3A_161 = tpu.memref_slice %arg4[%run_scoped3A, %add3A_128] : memref<2x1600000xi32, #tpu.memory_space<hbm>> -> memref<1x160xi32, #tpu.memory_space<hbm>>
      %dma_start3A_162 = tpu.memref_squeeze %dma_start3A_161 : memref<1x160xi32, #tpu.memory_space<hbm>> -> memref<160xi32, #tpu.memory_space<hbm>>
      %dma_start3A_163 = arith.constant 0 : i32
      %dma_start3A_164 = tpu.memref_slice %arg10[%run_scoped3A_129, %dma_start3A_163] : memref<2x160xi32, #tpu.memory_space<vmem>> -> memref<1x160xi32, #tpu.memory_space<vmem>>
      %dma_start3A_165 = tpu.memref_squeeze %dma_start3A_164 : memref<1x160xi32, #tpu.memory_space<vmem>> -> memref<160xi32, #tpu.memory_space<vmem>>
      %dma_start3A_166 = tpu.memref_slice %arg4[%run_scoped3A, %add3A_128] : memref<2x1600000xi32, #tpu.memory_space<hbm>> -> memref<1x160xi32, #tpu.memory_space<hbm>>
      %dma_start3A_167 = tpu.memref_squeeze %dma_start3A_166 : memref<1x160xi32, #tpu.memory_space<hbm>> -> memref<160xi32, #tpu.memory_space<hbm>>
      tpu.enqueue_dma source(%dma_start3A_167 : memref<160xi32, #tpu.memory_space<hbm>>) target(%dma_start3A_165 : memref<160xi32, #tpu.memory_space<vmem>>) target_semaphore(%run_scoped3A_157 : memref<!tpu.dma_semaphore, #tpu.memory_space<semaphore_mem>>)
      %dma_wait3A_168 = arith.constant 0 : i32
      %dma_wait3A_169 = tpu.memref_slice %arg10[%run_scoped3A_129, %dma_wait3A_168] : memref<2x160xi32, #tpu.memory_space<vmem>> -> memref<1x160xi32, #tpu.memory_space<vmem>>
      %dma_wait3A_170 = tpu.memref_squeeze %dma_wait3A_169 : memref<1x160xi32, #tpu.memory_space<vmem>> -> memref<160xi32, #tpu.memory_space<vmem>>
      %dma_wait3A_171 = tpu.memref_slice %arg4[%run_scoped3A, %add3A_128] : memref<2x1600000xi32, #tpu.memory_space<hbm>> -> memref<1x160xi32, #tpu.memory_space<hbm>>
      %dma_wait3A_172 = tpu.memref_squeeze %dma_wait3A_171 : memref<1x160xi32, #tpu.memory_space<hbm>> -> memref<160xi32, #tpu.memory_space<hbm>>
      %dma_wait3A_173 = arith.constant 0 : i32
      %dma_wait3A_174 = tpu.memref_slice %arg10[%run_scoped3A_129, %dma_wait3A_173] : memref<2x160xi32, #tpu.memory_space<vmem>> -> memref<1x160xi32, #tpu.memory_space<vmem>>
      %dma_wait3A_175 = tpu.memref_squeeze %dma_wait3A_174 : memref<1x160xi32, #tpu.memory_space<vmem>> -> memref<160xi32, #tpu.memory_space<vmem>>
      %dma_wait3A_176 = tpu.memref_slice %arg4[%run_scoped3A, %add3A_128] : memref<2x1600000xi32, #tpu.memory_space<hbm>> -> memref<1x160xi32, #tpu.memory_space<hbm>>
      %dma_wait3A_177 = tpu.memref_squeeze %dma_wait3A_176 : memref<1x160xi32, #tpu.memory_space<hbm>> -> memref<160xi32, #tpu.memory_space<hbm>>
      tpu.wait_dma2 semaphore(%run_scoped3A_157 : memref<!tpu.dma_semaphore, #tpu.memory_space<semaphore_mem>>) src(%dma_wait3A_177 : memref<160xi32, #tpu.memory_space<hbm>>) dst(%dma_wait3A_175 : memref<160xi32, #tpu.memory_space<vmem>>)
      tpu.yield
    }) : () -> ()
    %run_scoped3A_130 = arith.constant 1 : i32
    %run_scoped3A_131 = arith.constant 1 : i32
    "tpu.region"() ({
      %run_scoped3A_157 = tpu.sem_alloc : memref<!tpu.dma_semaphore, #tpu.memory_space<semaphore_mem>>
      %dma_start3A_158 = arith.constant 0 : i32
      %dma_start3A_159 = tpu.memref_slice %arg10[%run_scoped3A_131, %dma_start3A_158] : memref<2x160xi32, #tpu.memory_space<vmem>> -> memref<1x160xi32, #tpu.memory_space<vmem>>
      %dma_start3A_160 = tpu.memref_squeeze %dma_start3A_159 : memref<1x160xi32, #tpu.memory_space<vmem>> -> memref<160xi32, #tpu.memory_space<vmem>>
      %dma_start3A_161 = tpu.memref_slice %arg4[%run_scoped3A_130, %add3A_128] : memref<2x1600000xi32, #tpu.memory_space<hbm>> -> memref<1x160xi32, #tpu.memory_space<hbm>>
      %dma_start3A_162 = tpu.memref_squeeze %dma_start3A_161 : memref<1x160xi32, #tpu.memory_space<hbm>> -> memref<160xi32, #tpu.memory_space<hbm>>
      %dma_start3A_163 = arith.constant 0 : i32
      %dma_start3A_164 = tpu.memref_slice %arg10[%run_scoped3A_131, %dma_start3A_163] : memref<2x160xi32, #tpu.memory_space<vmem>> -> memref<1x160xi32, #tpu.memory_space<vmem>>
      %dma_start3A_165 = tpu.memref_squeeze %dma_start3A_164 : memref<1x160xi32, #tpu.memory_space<vmem>> -> memref<160xi32, #tpu.memory_space<vmem>>
      %dma_start3A_166 = tpu.memref_slice %arg4[%run_scoped3A_130, %add3A_128] : memref<2x1600000xi32, #tpu.memory_space<hbm>> -> memref<1x160xi32, #tpu.memory_space<hbm>>
      %dma_start3A_167 = tpu.memref_squeeze %dma_start3A_166 : memref<1x160xi32, #tpu.memory_space<hbm>> -> memref<160xi32, #tpu.memory_space<hbm>>
      tpu.enqueue_dma source(%dma_start3A_167 : memref<160xi32, #tpu.memory_space<hbm>>) target(%dma_start3A_165 : memref<160xi32, #tpu.memory_space<vmem>>) target_semaphore(%run_scoped3A_157 : memref<!tpu.dma_semaphore, #tpu.memory_space<semaphore_mem>>)
      %dma_wait3A_168 = arith.constant 0 : i32
      %dma_wait3A_169 = tpu.memref_slice %arg10[%run_scoped3A_131, %dma_wait3A_168] : memref<2x160xi32, #tpu.memory_space<vmem>> -> memref<1x160xi32, #tpu.memory_space<vmem>>
      %dma_wait3A_170 = tpu.memref_squeeze %dma_wait3A_169 : memref<1x160xi32, #tpu.memory_space<vmem>> -> memref<160xi32, #tpu.memory_space<vmem>>
      %dma_wait3A_171 = tpu.memref_slice %arg4[%run_scoped3A_130, %add3A_128] : memref<2x1600000xi32, #tpu.memory_space<hbm>> -> memref<1x160xi32, #tpu.memory_space<hbm>>
      %dma_wait3A_172 = tpu.memref_squeeze %dma_wait3A_171 : memref<1x160xi32, #tpu.memory_space<hbm>> -> memref<160xi32, #tpu.memory_space<hbm>>
      %dma_wait3A_173 = arith.constant 0 : i32
      %dma_wait3A_174 = tpu.memref_slice %arg10[%run_scoped3A_131, %dma_wait3A_173] : memref<2x160xi32, #tpu.memory_space<vmem>> -> memref<1x160xi32, #tpu.memory_space<vmem>>
      %dma_wait3A_175 = tpu.memref_squeeze %dma_wait3A_174 : memref<1x160xi32, #tpu.memory_space<vmem>> -> memref<160xi32, #tpu.memory_space<vmem>>
      %dma_wait3A_176 = tpu.memref_slice %arg4[%run_scoped3A_130, %add3A_128] : memref<2x1600000xi32, #tpu.memory_space<hbm>> -> memref<1x160xi32, #tpu.memory_space<hbm>>
      %dma_wait3A_177 = tpu.memref_squeeze %dma_wait3A_176 : memref<1x160xi32, #tpu.memory_space<hbm>> -> memref<160xi32, #tpu.memory_space<hbm>>
      tpu.wait_dma2 semaphore(%run_scoped3A_157 : memref<!tpu.dma_semaphore, #tpu.memory_space<semaphore_mem>>) src(%dma_wait3A_177 : memref<160xi32, #tpu.memory_space<hbm>>) dst(%dma_wait3A_175 : memref<160xi32, #tpu.memory_space<vmem>>)
      tpu.yield
    }) : () -> ()
    %eq3A_132 = arith.constant 0 : i32
    %eq3A_133 = arith.cmpi eq, %arg0, %eq3A_132 : i32
    %convert_element_type3A_134 = arith.extui %eq3A_133 : i1 to i32
    %cond3A_135 = arith.constant 0 : i32
    %cond3A_136 = arith.cmpi ne, %convert_element_type3A_134, %cond3A_135 : i32
    scf.if %cond3A_136 {
      %run_scoped3A_157 = arith.constant 0 : i32
      %run_scoped3A_158 = arith.constant 0 : i32
      "tpu.region"() ({
        %run_scoped3A_159 = tpu.sem_alloc : memref<!tpu.dma_semaphore, #tpu.memory_space<semaphore_mem>>
        %dma_start3A_160 = arith.constant 0 : i32
        %dma_start3A_161 = arith.constant 0 : i32
        %dma_start3A_162 = tpu.memref_slice %arg11[%run_scoped3A_158, %dma_start3A_160, %dma_start3A_161] : memref<3x512x16xf32, #tpu.memory_space<vmem>> -> memref<1x160x16xf32, #tpu.memory_space<vmem>>
        %dma_start3A_163 = tpu.memref_squeeze %dma_start3A_162 : memref<1x160x16xf32, #tpu.memory_space<vmem>> -> memref<160x16xf32, #tpu.memory_space<vmem>>
        %dma_start3A_164 = arith.constant 0 : i32
        %dma_start3A_165 = tpu.memref_slice %arg10[%run_scoped3A_157, %dma_start3A_164] : memref<2x160xi32, #tpu.memory_space<vmem>> -> memref<1x160xi32, #tpu.memory_space<vmem>>
        %dma_start3A_166 = tpu.memref_squeeze %dma_start3A_165 : memref<1x160xi32, #tpu.memory_space<vmem>> -> memref<160xi32, #tpu.memory_space<vmem>>
        %dma_start3A_167 = arith.constant 0 : i32
        %dma_start3A_168 = arith.constant 0 : i32
        %dma_start3A_169 = tpu.memref_slice %arg2[%dma_start3A_167, %dma_start3A_168] : memref<100000x16xf32, #tpu.memory_space<hbm>> -> memref<100000x16xf32, #tpu.memory_space<hbm>>
        tpu.enqueue_indirect_dma source(%dma_start3A_169 : memref<100000x16xf32, #tpu.memory_space<hbm>>) target(%dma_start3A_163 : memref<160x16xf32, #tpu.memory_space<vmem>>) offsets(%dma_start3A_166 : memref<160xi32, #tpu.memory_space<vmem>>) semaphore(%run_scoped3A_159 : memref<!tpu.dma_semaphore, #tpu.memory_space<semaphore_mem>>)
        %dma_wait3A_170 = arith.constant 0 : i32
        %dma_wait3A_171 = arith.constant 0 : i32
        %dma_wait3A_172 = tpu.memref_slice %arg11[%run_scoped3A_158, %dma_wait3A_170, %dma_wait3A_171] : memref<3x512x16xf32, #tpu.memory_space<vmem>> -> memref<1x160x16xf32, #tpu.memory_space<vmem>>
        %dma_wait3A_173 = tpu.memref_squeeze %dma_wait3A_172 : memref<1x160x16xf32, #tpu.memory_space<vmem>> -> memref<160x16xf32, #tpu.memory_space<vmem>>
        %dma_wait3A_174 = arith.constant 0 : i32
        %dma_wait3A_175 = tpu.memref_slice %arg10[%run_scoped3A_157, %dma_wait3A_174] : memref<2x160xi32, #tpu.memory_space<vmem>> -> memref<1x160xi32, #tpu.memory_space<vmem>>
        %dma_wait3A_176 = tpu.memref_squeeze %dma_wait3A_175 : memref<1x160xi32, #tpu.memory_space<vmem>> -> memref<160xi32, #tpu.memory_space<vmem>>
        %dma_wait3A_177 = arith.constant 0 : i32
        %dma_wait3A_178 = arith.constant 0 : i32
        %dma_wait3A_179 = tpu.memref_slice %arg2[%dma_wait3A_177, %dma_wait3A_178] : memref<100000x16xf32, #tpu.memory_space<hbm>> -> memref<100000x16xf32, #tpu.memory_space<hbm>>
        tpu.wait_indirect_dma semaphore(%run_scoped3A_159 : memref<!tpu.dma_semaphore, #tpu.memory_space<semaphore_mem>>) src(%dma_wait3A_179 : memref<100000x16xf32, #tpu.memory_space<hbm>>) dst(%dma_wait3A_173 : memref<160x16xf32, #tpu.memory_space<vmem>>)
        tpu.yield
      }) : () -> ()
    } else {
    }
    %eq3A_137 = arith.constant 1 : i32
    %eq3A_138 = arith.cmpi eq, %arg0, %eq3A_137 : i32
    %convert_element_type3A_139 = arith.extui %eq3A_138 : i1 to i32
    %cond3A_140 = arith.constant 0 : i32
    %cond3A_141 = arith.cmpi ne, %convert_element_type3A_139, %cond3A_140 : i32
    scf.if %cond3A_141 {
      %run_scoped3A_157 = arith.constant 0 : i32
      %run_scoped3A_158 = arith.constant 0 : i32
      "tpu.region"() ({
        %run_scoped3A_159 = tpu.sem_alloc : memref<!tpu.dma_semaphore, #tpu.memory_space<semaphore_mem>>
        %dma_start3A_160 = arith.constant 0 : i32
        %dma_start3A_161 = arith.constant 0 : i32
        %dma_start3A_162 = tpu.memref_slice %arg11[%run_scoped3A_158, %dma_start3A_160, %dma_start3A_161] : memref<3x512x16xf32, #tpu.memory_space<vmem>> -> memref<1x160x16xf32, #tpu.memory_space<vmem>>
        %dma_start3A_163 = tpu.memref_squeeze %dma_start3A_162 : memref<1x160x16xf32, #tpu.memory_space<vmem>> -> memref<160x16xf32, #tpu.memory_space<vmem>>
        %dma_start3A_164 = arith.constant 0 : i32
        %dma_start3A_165 = tpu.memref_slice %arg10[%run_scoped3A_157, %dma_start3A_164] : memref<2x160xi32, #tpu.memory_space<vmem>> -> memref<1x160xi32, #tpu.memory_space<vmem>>
        %dma_start3A_166 = tpu.memref_squeeze %dma_start3A_165 : memref<1x160xi32, #tpu.memory_space<vmem>> -> memref<160xi32, #tpu.memory_space<vmem>>
        %dma_start3A_167 = arith.constant 0 : i32
        %dma_start3A_168 = arith.constant 0 : i32
        %dma_start3A_169 = tpu.memref_slice %arg3[%dma_start3A_167, %dma_start3A_168] : memref<100000x16xf32, #tpu.memory_space<hbm>> -> memref<100000x16xf32, #tpu.memory_space<hbm>>
        tpu.enqueue_indirect_dma source(%dma_start3A_169 : memref<100000x16xf32, #tpu.memory_space<hbm>>) target(%dma_start3A_163 : memref<160x16xf32, #tpu.memory_space<vmem>>) offsets(%dma_start3A_166 : memref<160xi32, #tpu.memory_space<vmem>>) semaphore(%run_scoped3A_159 : memref<!tpu.dma_semaphore, #tpu.memory_space<semaphore_mem>>)
        %dma_wait3A_170 = arith.constant 0 : i32
        %dma_wait3A_171 = arith.constant 0 : i32
        %dma_wait3A_172 = tpu.memref_slice %arg11[%run_scoped3A_158, %dma_wait3A_170, %dma_wait3A_171] : memref<3x512x16xf32, #tpu.memory_space<vmem>> -> memref<1x160x16xf32, #tpu.memory_space<vmem>>
        %dma_wait3A_173 = tpu.memref_squeeze %dma_wait3A_172 : memref<1x160x16xf32, #tpu.memory_space<vmem>> -> memref<160x16xf32, #tpu.memory_space<vmem>>
        %dma_wait3A_174 = arith.constant 0 : i32
        %dma_wait3A_175 = tpu.memref_slice %arg10[%run_scoped3A_157, %dma_wait3A_174] : memref<2x160xi32, #tpu.memory_space<vmem>> -> memref<1x160xi32, #tpu.memory_space<vmem>>
        %dma_wait3A_176 = tpu.memref_squeeze %dma_wait3A_175 : memref<1x160xi32, #tpu.memory_space<vmem>> -> memref<160xi32, #tpu.memory_space<vmem>>
        %dma_wait3A_177 = arith.constant 0 : i32
        %dma_wait3A_178 = arith.constant 0 : i32
        %dma_wait3A_179 = tpu.memref_slice %arg3[%dma_wait3A_177, %dma_wait3A_178] : memref<100000x16xf32, #tpu.memory_space<hbm>> -> memref<100000x16xf32, #tpu.memory_space<hbm>>
        tpu.wait_indirect_dma semaphore(%run_scoped3A_159 : memref<!tpu.dma_semaphore, #tpu.memory_space<semaphore_mem>>) src(%dma_wait3A_179 : memref<100000x16xf32, #tpu.memory_space<hbm>>) dst(%dma_wait3A_173 : memref<160x16xf32, #tpu.memory_space<vmem>>)
        tpu.yield
      }) : () -> ()
    } else {
    }
    %run_scoped3A_142 = arith.constant 0 : i32
    %run_scoped3A_143 = arith.constant 1 : i32
    "tpu.region"() ({
      %run_scoped3A_157 = tpu.sem_alloc : memref<!tpu.dma_semaphore, #tpu.memory_space<semaphore_mem>>
      %dma_start3A_158 = arith.constant 0 : i32
      %dma_start3A_159 = arith.constant 0 : i32
      %dma_start3A_160 = tpu.memref_slice %arg11[%run_scoped3A_142, %dma_start3A_158, %dma_start3A_159] : memref<3x512x16xf32, #tpu.memory_space<vmem>> -> memref<1x160x16xf32, #tpu.memory_space<vmem>>
      %dma_start3A_161 = tpu.memref_squeeze %dma_start3A_160 : memref<1x160x16xf32, #tpu.memory_space<vmem>> -> memref<160x16xf32, #tpu.memory_space<vmem>>
      %dma_start3A_162 = arith.constant 0 : i32
      %dma_start3A_163 = tpu.memref_slice %arg10[%run_scoped3A_143, %dma_start3A_162] : memref<2x160xi32, #tpu.memory_space<vmem>> -> memref<1x160xi32, #tpu.memory_space<vmem>>
      %dma_start3A_164 = tpu.memref_squeeze %dma_start3A_163 : memref<1x160xi32, #tpu.memory_space<vmem>> -> memref<160xi32, #tpu.memory_space<vmem>>
      %dma_start3A_165 = arith.constant 0 : i32
      %dma_start3A_166 = arith.constant 0 : i32
      %dma_start3A_167 = tpu.memref_slice %arg15[%dma_start3A_165, %dma_start3A_166] : memref<100352x16xf32, #tpu.memory_space<vmem_shared>> -> memref<100352x16xf32, #tpu.memory_space<vmem_shared>>
      tpu.enqueue_indirect_dma source(%dma_start3A_161 : memref<160x16xf32, #tpu.memory_space<vmem>>) target(%dma_start3A_167 : memref<100352x16xf32, #tpu.memory_space<vmem_shared>>) offsets(%dma_start3A_164 : memref<160xi32, #tpu.memory_space<vmem>>) semaphore(%run_scoped3A_157 : memref<!tpu.dma_semaphore, #tpu.memory_space<semaphore_mem>>) {add = true}
      %dma_wait3A_168 = arith.constant 0 : i32
      %dma_wait3A_169 = arith.constant 0 : i32
      %dma_wait3A_170 = tpu.memref_slice %arg11[%run_scoped3A_142, %dma_wait3A_168, %dma_wait3A_169] : memref<3x512x16xf32, #tpu.memory_space<vmem>> -> memref<1x160x16xf32, #tpu.memory_space<vmem>>
      %dma_wait3A_171 = tpu.memref_squeeze %dma_wait3A_170 : memref<1x160x16xf32, #tpu.memory_space<vmem>> -> memref<160x16xf32, #tpu.memory_space<vmem>>
      %dma_wait3A_172 = arith.constant 0 : i32
      %dma_wait3A_173 = tpu.memref_slice %arg10[%run_scoped3A_143, %dma_wait3A_172] : memref<2x160xi32, #tpu.memory_space<vmem>> -> memref<1x160xi32, #tpu.memory_space<vmem>>
      %dma_wait3A_174 = tpu.memref_squeeze %dma_wait3A_173 : memref<1x160xi32, #tpu.memory_space<vmem>> -> memref<160xi32, #tpu.memory_space<vmem>>
      %dma_wait3A_175 = arith.constant 0 : i32
      %dma_wait3A_176 = arith.constant 0 : i32
      %dma_wait3A_177 = tpu.memref_slice %arg15[%dma_wait3A_175, %dma_wait3A_176] : memref<100352x16xf32, #tpu.memory_space<vmem_shared>> -> memref<100352x16xf32, #tpu.memory_space<vmem_shared>>
      tpu.wait_indirect_dma semaphore(%run_scoped3A_157 : memref<!tpu.dma_semaphore, #tpu.memory_space<semaphore_mem>>) src(%dma_wait3A_171 : memref<160x16xf32, #tpu.memory_space<vmem>>) dst(%dma_wait3A_177 : memref<100352x16xf32, #tpu.memory_space<vmem_shared>>)
      tpu.yield
    }) : () -> ()
    %barrier3A_144 = arith.constant 0 : index
    tpu.barrier barrier_id(%barrier3A_144)
    %mul3A_145 = arith.constant 6272 : i32
    %mul3A_146 = arith.muli %arg1, %mul3A_145 : i32
    %eq3A_147 = arith.constant 0 : i32
    %eq3A_148 = arith.cmpi eq, %arg0, %eq3A_147 : i32
    %convert_element_type3A_149 = arith.extui %eq3A_148 : i1 to i32
    %cond3A_150 = arith.constant 0 : i32
    %cond3A_151 = arith.cmpi ne, %convert_element_type3A_149, %cond3A_150 : i32
    scf.if %cond3A_151 {
      "tpu.region"() ({
        %run_scoped3A_157 = tpu.sem_alloc : memref<!tpu.dma_semaphore, #tpu.memory_space<semaphore_mem>>
        %dma_start3A_158 = arith.constant 0 : i32
        %dma_start3A_159 = tpu.memref_slice %arg6[%mul3A_146, %dma_start3A_158] : memref<100352x16xf32, #tpu.memory_space<hbm>> -> memref<6272x16xf32, #tpu.memory_space<hbm>>
        %dma_start3A_160 = arith.constant 0 : i32
        %dma_start3A_161 = tpu.memref_slice %arg15[%mul3A_146, %dma_start3A_160] : memref<100352x16xf32, #tpu.memory_space<vmem_shared>> -> memref<6272x16xf32, #tpu.memory_space<vmem_shared>>
        tpu.enqueue_dma source(%dma_start3A_161 : memref<6272x16xf32, #tpu.memory_space<vmem_shared>>) target(%dma_start3A_159 : memref<6272x16xf32, #tpu.memory_space<hbm>>) target_semaphore(%run_scoped3A_157 : memref<!tpu.dma_semaphore, #tpu.memory_space<semaphore_mem>>)
        %dma_wait3A_162 = arith.constant 0 : i32
        %dma_wait3A_163 = tpu.memref_slice %arg6[%mul3A_146, %dma_wait3A_162] : memref<100352x16xf32, #tpu.memory_space<hbm>> -> memref<6272x16xf32, #tpu.memory_space<hbm>>
        %dma_wait3A_164 = arith.constant 0 : i32
        %dma_wait3A_165 = tpu.memref_slice %arg15[%mul3A_146, %dma_wait3A_164] : memref<100352x16xf32, #tpu.memory_space<vmem_shared>> -> memref<6272x16xf32, #tpu.memory_space<vmem_shared>>
        tpu.wait_dma2 semaphore(%run_scoped3A_157 : memref<!tpu.dma_semaphore, #tpu.memory_space<semaphore_mem>>) src(%dma_wait3A_165 : memref<6272x16xf32, #tpu.memory_space<vmem_shared>>) dst(%dma_wait3A_163 : memref<6272x16xf32, #tpu.memory_space<hbm>>)
        tpu.yield
      }) : () -> ()
    } else {
    }
    %eq3A_152 = arith.constant 1 : i32
    %eq3A_153 = arith.cmpi eq, %arg0, %eq3A_152 : i32
    %convert_element_type3A_154 = arith.extui %eq3A_153 : i1 to i32
    %cond3A_155 = arith.constant 0 : i32
    %cond3A_156 = arith.cmpi ne, %convert_element_type3A_154, %cond3A_155 : i32
    scf.if %cond3A_156 {
      "tpu.region"() ({
        %run_scoped3A_157 = tpu.sem_alloc : memref<!tpu.dma_semaphore, #tpu.memory_space<semaphore_mem>>
        %dma_start3A_158 = arith.constant 0 : i32
        %dma_start3A_159 = tpu.memref_slice %arg7[%mul3A_146, %dma_start3A_158] : memref<100352x16xf32, #tpu.memory_space<hbm>> -> memref<6272x16xf32, #tpu.memory_space<hbm>>
        %dma_start3A_160 = arith.constant 0 : i32
        %dma_start3A_161 = tpu.memref_slice %arg15[%mul3A_146, %dma_start3A_160] : memref<100352x16xf32, #tpu.memory_space<vmem_shared>> -> memref<6272x16xf32, #tpu.memory_space<vmem_shared>>
        tpu.enqueue_dma source(%dma_start3A_161 : memref<6272x16xf32, #tpu.memory_space<vmem_shared>>) target(%dma_start3A_159 : memref<6272x16xf32, #tpu.memory_space<hbm>>) target_semaphore(%run_scoped3A_157 : memref<!tpu.dma_semaphore, #tpu.memory_space<semaphore_mem>>)
        %dma_wait3A_162 = arith.constant 0 : i32
        %dma_wait3A_163 = tpu.memref_slice %arg7[%mul3A_146, %dma_wait3A_162] : memref<100352x16xf32, #tpu.memory_space<hbm>> -> memref<6272x16xf32, #tpu.memory_space<hbm>>
        %dma_wait3A_164 = arith.constant 0 : i32
        %dma_wait3A_165 = tpu.memref_slice %arg15[%mul3A_146, %dma_wait3A_164] : memref<100352x16xf32, #tpu.memory_space<vmem_shared>> -> memref<6272x16xf32, #tpu.memory_space<vmem_shared>>
        tpu.wait_dma2 semaphore(%run_scoped3A_157 : memref<!tpu.dma_semaphore, #tpu.memory_space<semaphore_mem>>) src(%dma_wait3A_165 : memref<6272x16xf32, #tpu.memory_space<vmem_shared>>) dst(%dma_wait3A_163 : memref<6272x16xf32, #tpu.memory_space<hbm>>)
        tpu.yield
      }) : () -> ()
    } else {
    }
    return
  }
}

#map = affine_map<(d0, d1) -> (0, 0)>
module attributes {stable_mosaic.version = 14 : i64} {
  func.func @_deg_body(%arg0: i32, %arg1: i32, %arg2: memref<2x1600000xi32, #tpu.memory_space<hbm>>, %arg3: memref<512x16xf32, #tpu.memory_space<hbm>>, %arg4: memref<6272x16xf32, #tpu.memory_space<hbm>>, %arg5: memref<100352x16xf32, #tpu.memory_space<hbm>>, %arg6: memref<100352x16xf32, #tpu.memory_space<hbm>>, %arg7: memref<3x512xi32, #tpu.memory_space<vmem>>, %arg8: memref<336xi32, #tpu.memory_space<vmem>>, %arg9: memref<512x16xf32, #tpu.memory_space<vmem>>, %arg10: memref<3x!tpu.dma_semaphore, #tpu.memory_space<semaphore_mem>>, %arg11: memref<3x!tpu.dma_semaphore, #tpu.memory_space<semaphore_mem>>, %arg12: memref<100352x16xf32, #tpu.memory_space<vmem_shared>>) attributes {dimension_semantics = [#tpu.dimension_semantics<core_parallel>, #tpu.dimension_semantics<subcore_parallel>], iteration_bounds = array<i64: 2, 16>, scalar_prefetch = 0 : i64, scratch_operands = 6 : i64, tpu.core_type = #tpu.core_type<sc_vector_subcore>, window_params = [{transform_indices = #map}, {transform_indices = #map}, {transform_indices = #map}, {transform_indices = #map}, {transform_indices = #map}]} {
    %mul3A = arith.constant 2 : i32
    %mul3A_0 = arith.muli %arg1, %mul3A : i32
    %add3A = arith.addi %mul3A_0, %arg0 : i32
    %mul3A_1 = arith.constant 50000 : i32
    %mul3A_2 = arith.muli %add3A, %mul3A_1 : i32
    %add3A_3 = arith.constant 0 : i32
    %add3A_4 = arith.addi %mul3A_2, %add3A_3 : i32
    %dma_start3A = arith.constant 1 : i32
    %dma_start3A_5 = arith.constant 0 : i32
    %dma_start3A_6 = arith.constant 0 : i32
    %dma_start3A_7 = arith.constant 0 : i32
    %dma_start3A_8 = tpu.memref_slice %arg7[%dma_start3A_5, %dma_start3A_7] : memref<3x512xi32, #tpu.memory_space<vmem>> -> memref<1x512xi32, #tpu.memory_space<vmem>>
    %dma_start3A_9 = tpu.memref_squeeze %dma_start3A_8 : memref<1x512xi32, #tpu.memory_space<vmem>> -> memref<512xi32, #tpu.memory_space<vmem>>
    %dma_start3A_10 = tpu.memref_slice %arg2[%dma_start3A, %add3A_4] : memref<2x1600000xi32, #tpu.memory_space<hbm>> -> memref<1x512xi32, #tpu.memory_space<hbm>>
    %dma_start3A_11 = tpu.memref_squeeze %dma_start3A_10 : memref<1x512xi32, #tpu.memory_space<hbm>> -> memref<512xi32, #tpu.memory_space<hbm>>
    %dma_start3A_12 = tpu.memref_slice %arg10[%dma_start3A_6] : memref<3x!tpu.dma_semaphore, #tpu.memory_space<semaphore_mem>> -> memref<1x!tpu.dma_semaphore, #tpu.memory_space<semaphore_mem>>
    %dma_start3A_13 = tpu.memref_squeeze %dma_start3A_12 : memref<1x!tpu.dma_semaphore, #tpu.memory_space<semaphore_mem>> -> memref<!tpu.dma_semaphore, #tpu.memory_space<semaphore_mem>>
    %dma_start3A_14 = arith.constant 0 : i32
    %dma_start3A_15 = tpu.memref_slice %arg7[%dma_start3A_5, %dma_start3A_14] : memref<3x512xi32, #tpu.memory_space<vmem>> -> memref<1x512xi32, #tpu.memory_space<vmem>>
    %dma_start3A_16 = tpu.memref_squeeze %dma_start3A_15 : memref<1x512xi32, #tpu.memory_space<vmem>> -> memref<512xi32, #tpu.memory_space<vmem>>
    %dma_start3A_17 = tpu.memref_slice %arg2[%dma_start3A, %add3A_4] : memref<2x1600000xi32, #tpu.memory_space<hbm>> -> memref<1x512xi32, #tpu.memory_space<hbm>>
    %dma_start3A_18 = tpu.memref_squeeze %dma_start3A_17 : memref<1x512xi32, #tpu.memory_space<hbm>> -> memref<512xi32, #tpu.memory_space<hbm>>
    tpu.enqueue_dma source(%dma_start3A_18 : memref<512xi32, #tpu.memory_space<hbm>>) target(%dma_start3A_16 : memref<512xi32, #tpu.memory_space<vmem>>) target_semaphore(%dma_start3A_13 : memref<!tpu.dma_semaphore, #tpu.memory_space<semaphore_mem>>)
    %add3A_19 = arith.constant 512 : i32
    %add3A_20 = arith.addi %mul3A_2, %add3A_19 : i32
    %dma_start3A_21 = arith.constant 1 : i32
    %dma_start3A_22 = arith.constant 1 : i32
    %dma_start3A_23 = arith.constant 1 : i32
    %dma_start3A_24 = arith.constant 0 : i32
    %dma_start3A_25 = tpu.memref_slice %arg7[%dma_start3A_22, %dma_start3A_24] : memref<3x512xi32, #tpu.memory_space<vmem>> -> memref<1x512xi32, #tpu.memory_space<vmem>>
    %dma_start3A_26 = tpu.memref_squeeze %dma_start3A_25 : memref<1x512xi32, #tpu.memory_space<vmem>> -> memref<512xi32, #tpu.memory_space<vmem>>
    %dma_start3A_27 = tpu.memref_slice %arg2[%dma_start3A_21, %add3A_20] : memref<2x1600000xi32, #tpu.memory_space<hbm>> -> memref<1x512xi32, #tpu.memory_space<hbm>>
    %dma_start3A_28 = tpu.memref_squeeze %dma_start3A_27 : memref<1x512xi32, #tpu.memory_space<hbm>> -> memref<512xi32, #tpu.memory_space<hbm>>
    %dma_start3A_29 = tpu.memref_slice %arg10[%dma_start3A_23] : memref<3x!tpu.dma_semaphore, #tpu.memory_space<semaphore_mem>> -> memref<1x!tpu.dma_semaphore, #tpu.memory_space<semaphore_mem>>
    %dma_start3A_30 = tpu.memref_squeeze %dma_start3A_29 : memref<1x!tpu.dma_semaphore, #tpu.memory_space<semaphore_mem>> -> memref<!tpu.dma_semaphore, #tpu.memory_space<semaphore_mem>>
    %dma_start3A_31 = arith.constant 0 : i32
    %dma_start3A_32 = tpu.memref_slice %arg7[%dma_start3A_22, %dma_start3A_31] : memref<3x512xi32, #tpu.memory_space<vmem>> -> memref<1x512xi32, #tpu.memory_space<vmem>>
    %dma_start3A_33 = tpu.memref_squeeze %dma_start3A_32 : memref<1x512xi32, #tpu.memory_space<vmem>> -> memref<512xi32, #tpu.memory_space<vmem>>
    %dma_start3A_34 = tpu.memref_slice %arg2[%dma_start3A_21, %add3A_20] : memref<2x1600000xi32, #tpu.memory_space<hbm>> -> memref<1x512xi32, #tpu.memory_space<hbm>>
    %dma_start3A_35 = tpu.memref_squeeze %dma_start3A_34 : memref<1x512xi32, #tpu.memory_space<hbm>> -> memref<512xi32, #tpu.memory_space<hbm>>
    tpu.enqueue_dma source(%dma_start3A_35 : memref<512xi32, #tpu.memory_space<hbm>>) target(%dma_start3A_33 : memref<512xi32, #tpu.memory_space<vmem>>) target_semaphore(%dma_start3A_30 : memref<!tpu.dma_semaphore, #tpu.memory_space<semaphore_mem>>)
    "tpu.region"() ({
      %run_scoped3A_63 = tpu.sem_alloc : memref<!tpu.dma_semaphore, #tpu.memory_space<semaphore_mem>>
      tpu.enqueue_dma source(%arg3 : memref<512x16xf32, #tpu.memory_space<hbm>>) target(%arg9 : memref<512x16xf32, #tpu.memory_space<vmem>>) target_semaphore(%run_scoped3A_63 : memref<!tpu.dma_semaphore, #tpu.memory_space<semaphore_mem>>)
      tpu.wait_dma2 semaphore(%run_scoped3A_63 : memref<!tpu.dma_semaphore, #tpu.memory_space<semaphore_mem>>) src(%arg3 : memref<512x16xf32, #tpu.memory_space<hbm>>) dst(%arg9 : memref<512x16xf32, #tpu.memory_space<vmem>>)
      tpu.yield
    }) : () -> ()
    %mul3A_36 = arith.constant 6272 : i32
    %mul3A_37 = arith.muli %arg1, %mul3A_36 : i32
    "tpu.region"() ({
      %run_scoped3A_63 = tpu.sem_alloc : memref<!tpu.dma_semaphore, #tpu.memory_space<semaphore_mem>>
      %dma_start3A_64 = arith.constant 0 : i32
      %dma_start3A_65 = tpu.memref_slice %arg12[%mul3A_37, %dma_start3A_64] : memref<100352x16xf32, #tpu.memory_space<vmem_shared>> -> memref<6272x16xf32, #tpu.memory_space<vmem_shared>>
      tpu.enqueue_dma source(%arg4 : memref<6272x16xf32, #tpu.memory_space<hbm>>) target(%dma_start3A_65 : memref<6272x16xf32, #tpu.memory_space<vmem_shared>>) target_semaphore(%run_scoped3A_63 : memref<!tpu.dma_semaphore, #tpu.memory_space<semaphore_mem>>)
      %dma_wait3A_66 = arith.constant 0 : i32
      %dma_wait3A_67 = tpu.memref_slice %arg12[%mul3A_37, %dma_wait3A_66] : memref<100352x16xf32, #tpu.memory_space<vmem_shared>> -> memref<6272x16xf32, #tpu.memory_space<vmem_shared>>
      tpu.wait_dma2 semaphore(%run_scoped3A_63 : memref<!tpu.dma_semaphore, #tpu.memory_space<semaphore_mem>>) src(%arg4 : memref<6272x16xf32, #tpu.memory_space<hbm>>) dst(%dma_wait3A_67 : memref<6272x16xf32, #tpu.memory_space<vmem_shared>>)
      tpu.yield
    }) : () -> ()
    %barrier3A = arith.constant 0 : index
    tpu.barrier barrier_id(%barrier3A)
    %scan3A = arith.constant 0 : i32
    %scan3A_38 = arith.constant 97 : i32
    %scan3A_39 = arith.addi %scan3A, %scan3A_38 : i32
    %scan3A_40 = arith.constant 1 : i32
    scf.for %scan3A_63 = %scan3A to %scan3A_39 step %scan3A_40  : i32 {
      %rem3A_64 = arith.constant 3 : i32
      %rem3A_65 = arith.remsi %scan3A_63, %rem3A_64 : i32
      %add3A_66 = arith.constant 1 : i32
      %add3A_67 = arith.addi %scan3A_63, %add3A_66 : i32
      %rem3A_68 = arith.constant 3 : i32
      %rem3A_69 = arith.remsi %add3A_67, %rem3A_68 : i32
      %add3A_70 = arith.constant 2 : i32
      %add3A_71 = arith.addi %scan3A_63, %add3A_70 : i32
      %rem3A_72 = arith.constant 3 : i32
      %rem3A_73 = arith.remsi %add3A_71, %rem3A_72 : i32
      %add3A_74 = arith.constant 1 : i32
      %add3A_75 = arith.addi %scan3A_63, %add3A_74 : i32
      %lt3A = arith.constant 97 : i32
      %lt3A_76 = arith.cmpi slt, %add3A_75, %lt3A : i32
      %convert_element_type3A_77 = arith.extui %lt3A_76 : i1 to i32
      %cond3A_78 = arith.constant 0 : i32
      %cond3A_79 = arith.cmpi ne, %convert_element_type3A_77, %cond3A_78 : i32
      scf.if %cond3A_79 {
        %add3A_104 = arith.constant 1 : i32
        %add3A_105 = arith.addi %scan3A_63, %add3A_104 : i32
        %mul3A_106 = arith.constant 512 : i32
        %mul3A_107 = arith.muli %add3A_105, %mul3A_106 : i32
        %add3A_108 = arith.addi %mul3A_2, %mul3A_107 : i32
        %dma_wait3A_109 = arith.constant 1 : i32
        %dma_wait3A_110 = arith.constant 0 : i32
        %dma_wait3A_111 = tpu.memref_slice %arg7[%rem3A_69, %dma_wait3A_110] : memref<3x512xi32, #tpu.memory_space<vmem>> -> memref<1x512xi32, #tpu.memory_space<vmem>>
        %dma_wait3A_112 = tpu.memref_squeeze %dma_wait3A_111 : memref<1x512xi32, #tpu.memory_space<vmem>> -> memref<512xi32, #tpu.memory_space<vmem>>
        %dma_wait3A_113 = tpu.memref_slice %arg2[%dma_wait3A_109, %add3A_108] : memref<2x1600000xi32, #tpu.memory_space<hbm>> -> memref<1x512xi32, #tpu.memory_space<hbm>>
        %dma_wait3A_114 = tpu.memref_squeeze %dma_wait3A_113 : memref<1x512xi32, #tpu.memory_space<hbm>> -> memref<512xi32, #tpu.memory_space<hbm>>
        %dma_wait3A_115 = tpu.memref_slice %arg10[%rem3A_69] : memref<3x!tpu.dma_semaphore, #tpu.memory_space<semaphore_mem>> -> memref<1x!tpu.dma_semaphore, #tpu.memory_space<semaphore_mem>>
        %dma_wait3A_116 = tpu.memref_squeeze %dma_wait3A_115 : memref<1x!tpu.dma_semaphore, #tpu.memory_space<semaphore_mem>> -> memref<!tpu.dma_semaphore, #tpu.memory_space<semaphore_mem>>
        %dma_wait3A_117 = arith.constant 0 : i32
        %dma_wait3A_118 = tpu.memref_slice %arg7[%rem3A_69, %dma_wait3A_117] : memref<3x512xi32, #tpu.memory_space<vmem>> -> memref<1x512xi32, #tpu.memory_space<vmem>>
        %dma_wait3A_119 = tpu.memref_squeeze %dma_wait3A_118 : memref<1x512xi32, #tpu.memory_space<vmem>> -> memref<512xi32, #tpu.memory_space<vmem>>
        %dma_wait3A_120 = tpu.memref_slice %arg2[%dma_wait3A_109, %add3A_108] : memref<2x1600000xi32, #tpu.memory_space<hbm>> -> memref<1x512xi32, #tpu.memory_space<hbm>>
        %dma_wait3A_121 = tpu.memref_squeeze %dma_wait3A_120 : memref<1x512xi32, #tpu.memory_space<hbm>> -> memref<512xi32, #tpu.memory_space<hbm>>
        tpu.wait_dma2 semaphore(%dma_wait3A_116 : memref<!tpu.dma_semaphore, #tpu.memory_space<semaphore_mem>>) src(%dma_wait3A_121 : memref<512xi32, #tpu.memory_space<hbm>>) dst(%dma_wait3A_119 : memref<512xi32, #tpu.memory_space<vmem>>)
      } else {
      }
      %eq3A_80 = arith.constant 0 : i32
      %eq3A_81 = arith.cmpi eq, %scan3A_63, %eq3A_80 : i32
      %convert_element_type3A_82 = arith.extui %eq3A_81 : i1 to i32
      %cond3A_83 = arith.constant 0 : i32
      %cond3A_84 = arith.cmpi ne, %convert_element_type3A_82, %cond3A_83 : i32
      scf.if %cond3A_84 {
        %add3A_104 = arith.constant 0 : i32
        %add3A_105 = arith.addi %mul3A_2, %add3A_104 : i32
        %dma_wait3A_106 = arith.constant 1 : i32
        %dma_wait3A_107 = arith.constant 0 : i32
        %dma_wait3A_108 = arith.constant 0 : i32
        %dma_wait3A_109 = arith.constant 0 : i32
        %dma_wait3A_110 = tpu.memref_slice %arg7[%dma_wait3A_107, %dma_wait3A_109] : memref<3x512xi32, #tpu.memory_space<vmem>> -> memref<1x512xi32, #tpu.memory_space<vmem>>
        %dma_wait3A_111 = tpu.memref_squeeze %dma_wait3A_110 : memref<1x512xi32, #tpu.memory_space<vmem>> -> memref<512xi32, #tpu.memory_space<vmem>>
        %dma_wait3A_112 = tpu.memref_slice %arg2[%dma_wait3A_106, %add3A_105] : memref<2x1600000xi32, #tpu.memory_space<hbm>> -> memref<1x512xi32, #tpu.memory_space<hbm>>
        %dma_wait3A_113 = tpu.memref_squeeze %dma_wait3A_112 : memref<1x512xi32, #tpu.memory_space<hbm>> -> memref<512xi32, #tpu.memory_space<hbm>>
        %dma_wait3A_114 = tpu.memref_slice %arg10[%dma_wait3A_108] : memref<3x!tpu.dma_semaphore, #tpu.memory_space<semaphore_mem>> -> memref<1x!tpu.dma_semaphore, #tpu.memory_space<semaphore_mem>>
        %dma_wait3A_115 = tpu.memref_squeeze %dma_wait3A_114 : memref<1x!tpu.dma_semaphore, #tpu.memory_space<semaphore_mem>> -> memref<!tpu.dma_semaphore, #tpu.memory_space<semaphore_mem>>
        %dma_wait3A_116 = arith.constant 0 : i32
        %dma_wait3A_117 = tpu.memref_slice %arg7[%dma_wait3A_107, %dma_wait3A_116] : memref<3x512xi32, #tpu.memory_space<vmem>> -> memref<1x512xi32, #tpu.memory_space<vmem>>
        %dma_wait3A_118 = tpu.memref_squeeze %dma_wait3A_117 : memref<1x512xi32, #tpu.memory_space<vmem>> -> memref<512xi32, #tpu.memory_space<vmem>>
        %dma_wait3A_119 = tpu.memref_slice %arg2[%dma_wait3A_106, %add3A_105] : memref<2x1600000xi32, #tpu.memory_space<hbm>> -> memref<1x512xi32, #tpu.memory_space<hbm>>
        %dma_wait3A_120 = tpu.memref_squeeze %dma_wait3A_119 : memref<1x512xi32, #tpu.memory_space<hbm>> -> memref<512xi32, #tpu.memory_space<hbm>>
        tpu.wait_dma2 semaphore(%dma_wait3A_115 : memref<!tpu.dma_semaphore, #tpu.memory_space<semaphore_mem>>) src(%dma_wait3A_120 : memref<512xi32, #tpu.memory_space<hbm>>) dst(%dma_wait3A_118 : memref<512xi32, #tpu.memory_space<vmem>>)
      } else {
      }
      %gt3A = arith.constant 0 : i32
      %gt3A_85 = arith.cmpi sgt, %scan3A_63, %gt3A : i32
      %convert_element_type3A_86 = arith.extui %gt3A_85 : i1 to i32
      %cond3A_87 = arith.constant 0 : i32
      %cond3A_88 = arith.cmpi ne, %convert_element_type3A_86, %cond3A_87 : i32
      scf.if %cond3A_88 {
        %dma_wait3A_104 = arith.constant 0 : i32
        %dma_wait3A_105 = tpu.memref_slice %arg7[%rem3A_73, %dma_wait3A_104] : memref<3x512xi32, #tpu.memory_space<vmem>> -> memref<1x512xi32, #tpu.memory_space<vmem>>
        %dma_wait3A_106 = tpu.memref_squeeze %dma_wait3A_105 : memref<1x512xi32, #tpu.memory_space<vmem>> -> memref<512xi32, #tpu.memory_space<vmem>>
        %dma_wait3A_107 = arith.constant 0 : i32
        %dma_wait3A_108 = arith.constant 0 : i32
        %dma_wait3A_109 = tpu.memref_slice %arg12[%dma_wait3A_107, %dma_wait3A_108] : memref<100352x16xf32, #tpu.memory_space<vmem_shared>> -> memref<100352x16xf32, #tpu.memory_space<vmem_shared>>
        %dma_wait3A_110 = tpu.memref_slice %arg11[%rem3A_73] : memref<3x!tpu.dma_semaphore, #tpu.memory_space<semaphore_mem>> -> memref<1x!tpu.dma_semaphore, #tpu.memory_space<semaphore_mem>>
        %dma_wait3A_111 = tpu.memref_squeeze %dma_wait3A_110 : memref<1x!tpu.dma_semaphore, #tpu.memory_space<semaphore_mem>> -> memref<!tpu.dma_semaphore, #tpu.memory_space<semaphore_mem>>
        tpu.wait_indirect_dma semaphore(%dma_wait3A_111 : memref<!tpu.dma_semaphore, #tpu.memory_space<semaphore_mem>>) src(%arg9 : memref<512x16xf32, #tpu.memory_space<vmem>>) dst(%dma_wait3A_109 : memref<100352x16xf32, #tpu.memory_space<vmem_shared>>)
      } else {
      }
      %dma_start3A_89 = arith.constant 0 : i32
      %dma_start3A_90 = tpu.memref_slice %arg7[%rem3A_65, %dma_start3A_89] : memref<3x512xi32, #tpu.memory_space<vmem>> -> memref<1x512xi32, #tpu.memory_space<vmem>>
      %dma_start3A_91 = tpu.memref_squeeze %dma_start3A_90 : memref<1x512xi32, #tpu.memory_space<vmem>> -> memref<512xi32, #tpu.memory_space<vmem>>
      %dma_start3A_92 = arith.constant 0 : i32
      %dma_start3A_93 = arith.constant 0 : i32
      %dma_start3A_94 = tpu.memref_slice %arg12[%dma_start3A_92, %dma_start3A_93] : memref<100352x16xf32, #tpu.memory_space<vmem_shared>> -> memref<100352x16xf32, #tpu.memory_space<vmem_shared>>
      %dma_start3A_95 = tpu.memref_slice %arg11[%rem3A_65] : memref<3x!tpu.dma_semaphore, #tpu.memory_space<semaphore_mem>> -> memref<1x!tpu.dma_semaphore, #tpu.memory_space<semaphore_mem>>
      %dma_start3A_96 = tpu.memref_squeeze %dma_start3A_95 : memref<1x!tpu.dma_semaphore, #tpu.memory_space<semaphore_mem>> -> memref<!tpu.dma_semaphore, #tpu.memory_space<semaphore_mem>>
      tpu.enqueue_indirect_dma source(%arg9 : memref<512x16xf32, #tpu.memory_space<vmem>>) target(%dma_start3A_94 : memref<100352x16xf32, #tpu.memory_space<vmem_shared>>) offsets(%dma_start3A_91 : memref<512xi32, #tpu.memory_space<vmem>>) semaphore(%dma_start3A_96 : memref<!tpu.dma_semaphore, #tpu.memory_space<semaphore_mem>>) {add = true}
      %add3A_97 = arith.constant 2 : i32
      %add3A_98 = arith.addi %scan3A_63, %add3A_97 : i32
      %lt3A_99 = arith.constant 97 : i32
      %lt3A_100 = arith.cmpi slt, %add3A_98, %lt3A_99 : i32
      %convert_element_type3A_101 = arith.extui %lt3A_100 : i1 to i32
      %cond3A_102 = arith.constant 0 : i32
      %cond3A_103 = arith.cmpi ne, %convert_element_type3A_101, %cond3A_102 : i32
      scf.if %cond3A_103 {
        %add3A_104 = arith.constant 2 : i32
        %add3A_105 = arith.addi %scan3A_63, %add3A_104 : i32
        %mul3A_106 = arith.constant 512 : i32
        %mul3A_107 = arith.muli %add3A_105, %mul3A_106 : i32
        %add3A_108 = arith.addi %mul3A_2, %mul3A_107 : i32
        %dma_start3A_109 = arith.constant 1 : i32
        %dma_start3A_110 = arith.constant 0 : i32
        %dma_start3A_111 = tpu.memref_slice %arg7[%rem3A_73, %dma_start3A_110] : memref<3x512xi32, #tpu.memory_space<vmem>> -> memref<1x512xi32, #tpu.memory_space<vmem>>
        %dma_start3A_112 = tpu.memref_squeeze %dma_start3A_111 : memref<1x512xi32, #tpu.memory_space<vmem>> -> memref<512xi32, #tpu.memory_space<vmem>>
        %dma_start3A_113 = tpu.memref_slice %arg2[%dma_start3A_109, %add3A_108] : memref<2x1600000xi32, #tpu.memory_space<hbm>> -> memref<1x512xi32, #tpu.memory_space<hbm>>
        %dma_start3A_114 = tpu.memref_squeeze %dma_start3A_113 : memref<1x512xi32, #tpu.memory_space<hbm>> -> memref<512xi32, #tpu.memory_space<hbm>>
        %dma_start3A_115 = tpu.memref_slice %arg10[%rem3A_73] : memref<3x!tpu.dma_semaphore, #tpu.memory_space<semaphore_mem>> -> memref<1x!tpu.dma_semaphore, #tpu.memory_space<semaphore_mem>>
        %dma_start3A_116 = tpu.memref_squeeze %dma_start3A_115 : memref<1x!tpu.dma_semaphore, #tpu.memory_space<semaphore_mem>> -> memref<!tpu.dma_semaphore, #tpu.memory_space<semaphore_mem>>
        %dma_start3A_117 = arith.constant 0 : i32
        %dma_start3A_118 = tpu.memref_slice %arg7[%rem3A_73, %dma_start3A_117] : memref<3x512xi32, #tpu.memory_space<vmem>> -> memref<1x512xi32, #tpu.memory_space<vmem>>
        %dma_start3A_119 = tpu.memref_squeeze %dma_start3A_118 : memref<1x512xi32, #tpu.memory_space<vmem>> -> memref<512xi32, #tpu.memory_space<vmem>>
        %dma_start3A_120 = tpu.memref_slice %arg2[%dma_start3A_109, %add3A_108] : memref<2x1600000xi32, #tpu.memory_space<hbm>> -> memref<1x512xi32, #tpu.memory_space<hbm>>
        %dma_start3A_121 = tpu.memref_squeeze %dma_start3A_120 : memref<1x512xi32, #tpu.memory_space<hbm>> -> memref<512xi32, #tpu.memory_space<hbm>>
        tpu.enqueue_dma source(%dma_start3A_121 : memref<512xi32, #tpu.memory_space<hbm>>) target(%dma_start3A_119 : memref<512xi32, #tpu.memory_space<vmem>>) target_semaphore(%dma_start3A_116 : memref<!tpu.dma_semaphore, #tpu.memory_space<semaphore_mem>>)
      } else {
      }
    }
    %scan3A_41 = arith.constant 97 : i32
    %rem3A = arith.constant 96 : i32
    %rem3A_42 = arith.constant 3 : i32
    %rem3A_43 = arith.remsi %rem3A, %rem3A_42 : i32
    %dma_wait3A = arith.constant 0 : i32
    %dma_wait3A_44 = tpu.memref_slice %arg7[%rem3A_43, %dma_wait3A] : memref<3x512xi32, #tpu.memory_space<vmem>> -> memref<1x512xi32, #tpu.memory_space<vmem>>
    %dma_wait3A_45 = tpu.memref_squeeze %dma_wait3A_44 : memref<1x512xi32, #tpu.memory_space<vmem>> -> memref<512xi32, #tpu.memory_space<vmem>>
    %dma_wait3A_46 = arith.constant 0 : i32
    %dma_wait3A_47 = arith.constant 0 : i32
    %dma_wait3A_48 = tpu.memref_slice %arg12[%dma_wait3A_46, %dma_wait3A_47] : memref<100352x16xf32, #tpu.memory_space<vmem_shared>> -> memref<100352x16xf32, #tpu.memory_space<vmem_shared>>
    %dma_wait3A_49 = tpu.memref_slice %arg11[%rem3A_43] : memref<3x!tpu.dma_semaphore, #tpu.memory_space<semaphore_mem>> -> memref<1x!tpu.dma_semaphore, #tpu.memory_space<semaphore_mem>>
    %dma_wait3A_50 = tpu.memref_squeeze %dma_wait3A_49 : memref<1x!tpu.dma_semaphore, #tpu.memory_space<semaphore_mem>> -> memref<!tpu.dma_semaphore, #tpu.memory_space<semaphore_mem>>
    tpu.wait_indirect_dma semaphore(%dma_wait3A_50 : memref<!tpu.dma_semaphore, #tpu.memory_space<semaphore_mem>>) src(%arg9 : memref<512x16xf32, #tpu.memory_space<vmem>>) dst(%dma_wait3A_48 : memref<100352x16xf32, #tpu.memory_space<vmem_shared>>)
    %add3A_51 = arith.constant 49664 : i32
    %add3A_52 = arith.addi %mul3A_2, %add3A_51 : i32
    %run_scoped3A = arith.constant 1 : i32
    "tpu.region"() ({
      %run_scoped3A_63 = tpu.sem_alloc : memref<!tpu.dma_semaphore, #tpu.memory_space<semaphore_mem>>
      %dma_start3A_64 = tpu.memref_slice %arg2[%run_scoped3A, %add3A_52] : memref<2x1600000xi32, #tpu.memory_space<hbm>> -> memref<1x336xi32, #tpu.memory_space<hbm>>
      %dma_start3A_65 = tpu.memref_squeeze %dma_start3A_64 : memref<1x336xi32, #tpu.memory_space<hbm>> -> memref<336xi32, #tpu.memory_space<hbm>>
      %dma_start3A_66 = tpu.memref_slice %arg2[%run_scoped3A, %add3A_52] : memref<2x1600000xi32, #tpu.memory_space<hbm>> -> memref<1x336xi32, #tpu.memory_space<hbm>>
      %dma_start3A_67 = tpu.memref_squeeze %dma_start3A_66 : memref<1x336xi32, #tpu.memory_space<hbm>> -> memref<336xi32, #tpu.memory_space<hbm>>
      tpu.enqueue_dma source(%dma_start3A_67 : memref<336xi32, #tpu.memory_space<hbm>>) target(%arg8 : memref<336xi32, #tpu.memory_space<vmem>>) target_semaphore(%run_scoped3A_63 : memref<!tpu.dma_semaphore, #tpu.memory_space<semaphore_mem>>)
      %dma_wait3A_68 = tpu.memref_slice %arg2[%run_scoped3A, %add3A_52] : memref<2x1600000xi32, #tpu.memory_space<hbm>> -> memref<1x336xi32, #tpu.memory_space<hbm>>
      %dma_wait3A_69 = tpu.memref_squeeze %dma_wait3A_68 : memref<1x336xi32, #tpu.memory_space<hbm>> -> memref<336xi32, #tpu.memory_space<hbm>>
      %dma_wait3A_70 = tpu.memref_slice %arg2[%run_scoped3A, %add3A_52] : memref<2x1600000xi32, #tpu.memory_space<hbm>> -> memref<1x336xi32, #tpu.memory_space<hbm>>
      %dma_wait3A_71 = tpu.memref_squeeze %dma_wait3A_70 : memref<1x336xi32, #tpu.memory_space<hbm>> -> memref<336xi32, #tpu.memory_space<hbm>>
      tpu.wait_dma2 semaphore(%run_scoped3A_63 : memref<!tpu.dma_semaphore, #tpu.memory_space<semaphore_mem>>) src(%dma_wait3A_71 : memref<336xi32, #tpu.memory_space<hbm>>) dst(%arg8 : memref<336xi32, #tpu.memory_space<vmem>>)
      tpu.yield
    }) : () -> ()
    "tpu.region"() ({
      %run_scoped3A_63 = tpu.sem_alloc : memref<!tpu.dma_semaphore, #tpu.memory_space<semaphore_mem>>
      %dma_start3A_64 = arith.constant 0 : i32
      %dma_start3A_65 = arith.constant 0 : i32
      %dma_start3A_66 = tpu.memref_slice %arg9[%dma_start3A_64, %dma_start3A_65] : memref<512x16xf32, #tpu.memory_space<vmem>> -> memref<336x16xf32, #tpu.memory_space<vmem>>
      %dma_start3A_67 = arith.constant 0 : i32
      %dma_start3A_68 = arith.constant 0 : i32
      %dma_start3A_69 = tpu.memref_slice %arg12[%dma_start3A_67, %dma_start3A_68] : memref<100352x16xf32, #tpu.memory_space<vmem_shared>> -> memref<100352x16xf32, #tpu.memory_space<vmem_shared>>
      tpu.enqueue_indirect_dma source(%dma_start3A_66 : memref<336x16xf32, #tpu.memory_space<vmem>>) target(%dma_start3A_69 : memref<100352x16xf32, #tpu.memory_space<vmem_shared>>) offsets(%arg8 : memref<336xi32, #tpu.memory_space<vmem>>) semaphore(%run_scoped3A_63 : memref<!tpu.dma_semaphore, #tpu.memory_space<semaphore_mem>>) {add = true}
      %dma_wait3A_70 = arith.constant 0 : i32
      %dma_wait3A_71 = arith.constant 0 : i32
      %dma_wait3A_72 = tpu.memref_slice %arg9[%dma_wait3A_70, %dma_wait3A_71] : memref<512x16xf32, #tpu.memory_space<vmem>> -> memref<336x16xf32, #tpu.memory_space<vmem>>
      %dma_wait3A_73 = arith.constant 0 : i32
      %dma_wait3A_74 = arith.constant 0 : i32
      %dma_wait3A_75 = tpu.memref_slice %arg12[%dma_wait3A_73, %dma_wait3A_74] : memref<100352x16xf32, #tpu.memory_space<vmem_shared>> -> memref<100352x16xf32, #tpu.memory_space<vmem_shared>>
      tpu.wait_indirect_dma semaphore(%run_scoped3A_63 : memref<!tpu.dma_semaphore, #tpu.memory_space<semaphore_mem>>) src(%dma_wait3A_72 : memref<336x16xf32, #tpu.memory_space<vmem>>) dst(%dma_wait3A_75 : memref<100352x16xf32, #tpu.memory_space<vmem_shared>>)
      tpu.yield
    }) : () -> ()
    %barrier3A_53 = arith.constant 0 : index
    tpu.barrier barrier_id(%barrier3A_53)
    %mul3A_54 = arith.constant 6272 : i32
    %mul3A_55 = arith.muli %arg1, %mul3A_54 : i32
    %eq3A = arith.constant 0 : i32
    %eq3A_56 = arith.cmpi eq, %arg0, %eq3A : i32
    %convert_element_type3A = arith.extui %eq3A_56 : i1 to i32
    %cond3A = arith.constant 0 : i32
    %cond3A_57 = arith.cmpi ne, %convert_element_type3A, %cond3A : i32
    scf.if %cond3A_57 {
      "tpu.region"() ({
        %run_scoped3A_63 = tpu.sem_alloc : memref<!tpu.dma_semaphore, #tpu.memory_space<semaphore_mem>>
        %dma_start3A_64 = arith.constant 0 : i32
        %dma_start3A_65 = tpu.memref_slice %arg5[%mul3A_55, %dma_start3A_64] : memref<100352x16xf32, #tpu.memory_space<hbm>> -> memref<6272x16xf32, #tpu.memory_space<hbm>>
        %dma_start3A_66 = arith.constant 0 : i32
        %dma_start3A_67 = tpu.memref_slice %arg12[%mul3A_55, %dma_start3A_66] : memref<100352x16xf32, #tpu.memory_space<vmem_shared>> -> memref<6272x16xf32, #tpu.memory_space<vmem_shared>>
        tpu.enqueue_dma source(%dma_start3A_67 : memref<6272x16xf32, #tpu.memory_space<vmem_shared>>) target(%dma_start3A_65 : memref<6272x16xf32, #tpu.memory_space<hbm>>) target_semaphore(%run_scoped3A_63 : memref<!tpu.dma_semaphore, #tpu.memory_space<semaphore_mem>>)
        %dma_wait3A_68 = arith.constant 0 : i32
        %dma_wait3A_69 = tpu.memref_slice %arg5[%mul3A_55, %dma_wait3A_68] : memref<100352x16xf32, #tpu.memory_space<hbm>> -> memref<6272x16xf32, #tpu.memory_space<hbm>>
        %dma_wait3A_70 = arith.constant 0 : i32
        %dma_wait3A_71 = tpu.memref_slice %arg12[%mul3A_55, %dma_wait3A_70] : memref<100352x16xf32, #tpu.memory_space<vmem_shared>> -> memref<6272x16xf32, #tpu.memory_space<vmem_shared>>
        tpu.wait_dma2 semaphore(%run_scoped3A_63 : memref<!tpu.dma_semaphore, #tpu.memory_space<semaphore_mem>>) src(%dma_wait3A_71 : memref<6272x16xf32, #tpu.memory_space<vmem_shared>>) dst(%dma_wait3A_69 : memref<6272x16xf32, #tpu.memory_space<hbm>>)
        tpu.yield
      }) : () -> ()
    } else {
    }
    %eq3A_58 = arith.constant 1 : i32
    %eq3A_59 = arith.cmpi eq, %arg0, %eq3A_58 : i32
    %convert_element_type3A_60 = arith.extui %eq3A_59 : i1 to i32
    %cond3A_61 = arith.constant 0 : i32
    %cond3A_62 = arith.cmpi ne, %convert_element_type3A_60, %cond3A_61 : i32
    scf.if %cond3A_62 {
      "tpu.region"() ({
        %run_scoped3A_63 = tpu.sem_alloc : memref<!tpu.dma_semaphore, #tpu.memory_space<semaphore_mem>>
        %dma_start3A_64 = arith.constant 0 : i32
        %dma_start3A_65 = tpu.memref_slice %arg6[%mul3A_55, %dma_start3A_64] : memref<100352x16xf32, #tpu.memory_space<hbm>> -> memref<6272x16xf32, #tpu.memory_space<hbm>>
        %dma_start3A_66 = arith.constant 0 : i32
        %dma_start3A_67 = tpu.memref_slice %arg12[%mul3A_55, %dma_start3A_66] : memref<100352x16xf32, #tpu.memory_space<vmem_shared>> -> memref<6272x16xf32, #tpu.memory_space<vmem_shared>>
        tpu.enqueue_dma source(%dma_start3A_67 : memref<6272x16xf32, #tpu.memory_space<vmem_shared>>) target(%dma_start3A_65 : memref<6272x16xf32, #tpu.memory_space<hbm>>) target_semaphore(%run_scoped3A_63 : memref<!tpu.dma_semaphore, #tpu.memory_space<semaphore_mem>>)
        %dma_wait3A_68 = arith.constant 0 : i32
        %dma_wait3A_69 = tpu.memref_slice %arg6[%mul3A_55, %dma_wait3A_68] : memref<100352x16xf32, #tpu.memory_space<hbm>> -> memref<6272x16xf32, #tpu.memory_space<hbm>>
        %dma_wait3A_70 = arith.constant 0 : i32
        %dma_wait3A_71 = tpu.memref_slice %arg12[%mul3A_55, %dma_wait3A_70] : memref<100352x16xf32, #tpu.memory_space<vmem_shared>> -> memref<6272x16xf32, #tpu.memory_space<vmem_shared>>
        tpu.wait_dma2 semaphore(%run_scoped3A_63 : memref<!tpu.dma_semaphore, #tpu.memory_space<semaphore_mem>>) src(%dma_wait3A_71 : memref<6272x16xf32, #tpu.memory_space<vmem_shared>>) dst(%dma_wait3A_69 : memref<6272x16xf32, #tpu.memory_space<hbm>>)
        tpu.yield
      }) : () -> ()
    } else {
    }
    return
  }
}

#map = affine_map<(d0, d1) -> (0, 0)>
module attributes {stable_mosaic.version = 14 : i64} {
  func.func @_aggr_body(%arg0: i32, %arg1: i32, %arg2: memref<100000x16xf32, #tpu.memory_space<hbm>>, %arg3: memref<100000x16xf32, #tpu.memory_space<hbm>>, %arg4: memref<2x1600000xi32, #tpu.memory_space<hbm>>, %arg5: memref<6272x16xf32, #tpu.memory_space<hbm>>, %arg6: memref<100352x16xf32, #tpu.memory_space<hbm>>, %arg7: memref<100352x16xf32, #tpu.memory_space<hbm>>, %arg8: memref<3x512xi32, #tpu.memory_space<vmem>>, %arg9: memref<3x512xi32, #tpu.memory_space<vmem>>, %arg10: memref<2x160xi32, #tpu.memory_space<vmem>>, %arg11: memref<3x512x16xf32, #tpu.memory_space<vmem>>, %arg12: memref<3x!tpu.dma_semaphore, #tpu.memory_space<semaphore_mem>>, %arg13: memref<3x!tpu.dma_semaphore, #tpu.memory_space<semaphore_mem>>, %arg14: memref<3x!tpu.dma_semaphore, #tpu.memory_space<semaphore_mem>>, %arg15: memref<100352x16xf32, #tpu.memory_space<vmem_shared>>) attributes {dimension_semantics = [#tpu.dimension_semantics<core_parallel>, #tpu.dimension_semantics<subcore_parallel>], iteration_bounds = array<i64: 2, 16>, scalar_prefetch = 0 : i64, scratch_operands = 8 : i64, tpu.core_type = #tpu.core_type<sc_vector_subcore>, window_params = [{transform_indices = #map}, {transform_indices = #map}, {transform_indices = #map}, {transform_indices = #map}, {transform_indices = #map}, {transform_indices = #map}]} {
    %mul3A = arith.constant 100000 : i32
    %mul3A_0 = arith.muli %arg1, %mul3A : i32
    %add3A = arith.constant 0 : i32
    %add3A_1 = arith.addi %mul3A_0, %add3A : i32
    %dma_start3A = arith.constant 0 : i32
    %dma_start3A_2 = arith.constant 0 : i32
    %dma_start3A_3 = arith.constant 0 : i32
    %dma_start3A_4 = arith.constant 0 : i32
    %dma_start3A_5 = tpu.memref_slice %arg8[%dma_start3A_2, %dma_start3A_4] : memref<3x512xi32, #tpu.memory_space<vmem>> -> memref<1x512xi32, #tpu.memory_space<vmem>>
    %dma_start3A_6 = tpu.memref_squeeze %dma_start3A_5 : memref<1x512xi32, #tpu.memory_space<vmem>> -> memref<512xi32, #tpu.memory_space<vmem>>
    %dma_start3A_7 = tpu.memref_slice %arg4[%dma_start3A, %add3A_1] : memref<2x1600000xi32, #tpu.memory_space<hbm>> -> memref<1x512xi32, #tpu.memory_space<hbm>>
    %dma_start3A_8 = tpu.memref_squeeze %dma_start3A_7 : memref<1x512xi32, #tpu.memory_space<hbm>> -> memref<512xi32, #tpu.memory_space<hbm>>
    %dma_start3A_9 = tpu.memref_slice %arg12[%dma_start3A_3] : memref<3x!tpu.dma_semaphore, #tpu.memory_space<semaphore_mem>> -> memref<1x!tpu.dma_semaphore, #tpu.memory_space<semaphore_mem>>
    %dma_start3A_10 = tpu.memref_squeeze %dma_start3A_9 : memref<1x!tpu.dma_semaphore, #tpu.memory_space<semaphore_mem>> -> memref<!tpu.dma_semaphore, #tpu.memory_space<semaphore_mem>>
    %dma_start3A_11 = arith.constant 0 : i32
    %dma_start3A_12 = tpu.memref_slice %arg8[%dma_start3A_2, %dma_start3A_11] : memref<3x512xi32, #tpu.memory_space<vmem>> -> memref<1x512xi32, #tpu.memory_space<vmem>>
    %dma_start3A_13 = tpu.memref_squeeze %dma_start3A_12 : memref<1x512xi32, #tpu.memory_space<vmem>> -> memref<512xi32, #tpu.memory_space<vmem>>
    %dma_start3A_14 = tpu.memref_slice %arg4[%dma_start3A, %add3A_1] : memref<2x1600000xi32, #tpu.memory_space<hbm>> -> memref<1x512xi32, #tpu.memory_space<hbm>>
    %dma_start3A_15 = tpu.memref_squeeze %dma_start3A_14 : memref<1x512xi32, #tpu.memory_space<hbm>> -> memref<512xi32, #tpu.memory_space<hbm>>
    tpu.enqueue_dma source(%dma_start3A_15 : memref<512xi32, #tpu.memory_space<hbm>>) target(%dma_start3A_13 : memref<512xi32, #tpu.memory_space<vmem>>) target_semaphore(%dma_start3A_10 : memref<!tpu.dma_semaphore, #tpu.memory_space<semaphore_mem>>)
    %add3A_16 = arith.constant 0 : i32
    %add3A_17 = arith.addi %mul3A_0, %add3A_16 : i32
    %dma_start3A_18 = arith.constant 1 : i32
    %dma_start3A_19 = arith.constant 0 : i32
    %dma_start3A_20 = arith.constant 0 : i32
    %dma_start3A_21 = arith.constant 0 : i32
    %dma_start3A_22 = tpu.memref_slice %arg9[%dma_start3A_19, %dma_start3A_21] : memref<3x512xi32, #tpu.memory_space<vmem>> -> memref<1x512xi32, #tpu.memory_space<vmem>>
    %dma_start3A_23 = tpu.memref_squeeze %dma_start3A_22 : memref<1x512xi32, #tpu.memory_space<vmem>> -> memref<512xi32, #tpu.memory_space<vmem>>
    %dma_start3A_24 = tpu.memref_slice %arg4[%dma_start3A_18, %add3A_17] : memref<2x1600000xi32, #tpu.memory_space<hbm>> -> memref<1x512xi32, #tpu.memory_space<hbm>>
    %dma_start3A_25 = tpu.memref_squeeze %dma_start3A_24 : memref<1x512xi32, #tpu.memory_space<hbm>> -> memref<512xi32, #tpu.memory_space<hbm>>
    %dma_start3A_26 = tpu.memref_slice %arg12[%dma_start3A_20] : memref<3x!tpu.dma_semaphore, #tpu.memory_space<semaphore_mem>> -> memref<1x!tpu.dma_semaphore, #tpu.memory_space<semaphore_mem>>
    %dma_start3A_27 = tpu.memref_squeeze %dma_start3A_26 : memref<1x!tpu.dma_semaphore, #tpu.memory_space<semaphore_mem>> -> memref<!tpu.dma_semaphore, #tpu.memory_space<semaphore_mem>>
    %dma_start3A_28 = arith.constant 0 : i32
    %dma_start3A_29 = tpu.memref_slice %arg9[%dma_start3A_19, %dma_start3A_28] : memref<3x512xi32, #tpu.memory_space<vmem>> -> memref<1x512xi32, #tpu.memory_space<vmem>>
    %dma_start3A_30 = tpu.memref_squeeze %dma_start3A_29 : memref<1x512xi32, #tpu.memory_space<vmem>> -> memref<512xi32, #tpu.memory_space<vmem>>
    %dma_start3A_31 = tpu.memref_slice %arg4[%dma_start3A_18, %add3A_17] : memref<2x1600000xi32, #tpu.memory_space<hbm>> -> memref<1x512xi32, #tpu.memory_space<hbm>>
    %dma_start3A_32 = tpu.memref_squeeze %dma_start3A_31 : memref<1x512xi32, #tpu.memory_space<hbm>> -> memref<512xi32, #tpu.memory_space<hbm>>
    tpu.enqueue_dma source(%dma_start3A_32 : memref<512xi32, #tpu.memory_space<hbm>>) target(%dma_start3A_30 : memref<512xi32, #tpu.memory_space<vmem>>) target_semaphore(%dma_start3A_27 : memref<!tpu.dma_semaphore, #tpu.memory_space<semaphore_mem>>)
    %add3A_33 = arith.constant 512 : i32
    %add3A_34 = arith.addi %mul3A_0, %add3A_33 : i32
    %dma_start3A_35 = arith.constant 0 : i32
    %dma_start3A_36 = arith.constant 1 : i32
    %dma_start3A_37 = arith.constant 1 : i32
    %dma_start3A_38 = arith.constant 0 : i32
    %dma_start3A_39 = tpu.memref_slice %arg8[%dma_start3A_36, %dma_start3A_38] : memref<3x512xi32, #tpu.memory_space<vmem>> -> memref<1x512xi32, #tpu.memory_space<vmem>>
    %dma_start3A_40 = tpu.memref_squeeze %dma_start3A_39 : memref<1x512xi32, #tpu.memory_space<vmem>> -> memref<512xi32, #tpu.memory_space<vmem>>
    %dma_start3A_41 = tpu.memref_slice %arg4[%dma_start3A_35, %add3A_34] : memref<2x1600000xi32, #tpu.memory_space<hbm>> -> memref<1x512xi32, #tpu.memory_space<hbm>>
    %dma_start3A_42 = tpu.memref_squeeze %dma_start3A_41 : memref<1x512xi32, #tpu.memory_space<hbm>> -> memref<512xi32, #tpu.memory_space<hbm>>
    %dma_start3A_43 = tpu.memref_slice %arg12[%dma_start3A_37] : memref<3x!tpu.dma_semaphore, #tpu.memory_space<semaphore_mem>> -> memref<1x!tpu.dma_semaphore, #tpu.memory_space<semaphore_mem>>
    %dma_start3A_44 = tpu.memref_squeeze %dma_start3A_43 : memref<1x!tpu.dma_semaphore, #tpu.memory_space<semaphore_mem>> -> memref<!tpu.dma_semaphore, #tpu.memory_space<semaphore_mem>>
    %dma_start3A_45 = arith.constant 0 : i32
    %dma_start3A_46 = tpu.memref_slice %arg8[%dma_start3A_36, %dma_start3A_45] : memref<3x512xi32, #tpu.memory_space<vmem>> -> memref<1x512xi32, #tpu.memory_space<vmem>>
    %dma_start3A_47 = tpu.memref_squeeze %dma_start3A_46 : memref<1x512xi32, #tpu.memory_space<vmem>> -> memref<512xi32, #tpu.memory_space<vmem>>
    %dma_start3A_48 = tpu.memref_slice %arg4[%dma_start3A_35, %add3A_34] : memref<2x1600000xi32, #tpu.memory_space<hbm>> -> memref<1x512xi32, #tpu.memory_space<hbm>>
    %dma_start3A_49 = tpu.memref_squeeze %dma_start3A_48 : memref<1x512xi32, #tpu.memory_space<hbm>> -> memref<512xi32, #tpu.memory_space<hbm>>
    tpu.enqueue_dma source(%dma_start3A_49 : memref<512xi32, #tpu.memory_space<hbm>>) target(%dma_start3A_47 : memref<512xi32, #tpu.memory_space<vmem>>) target_semaphore(%dma_start3A_44 : memref<!tpu.dma_semaphore, #tpu.memory_space<semaphore_mem>>)
    %add3A_50 = arith.constant 512 : i32
    %add3A_51 = arith.addi %mul3A_0, %add3A_50 : i32
    %dma_start3A_52 = arith.constant 1 : i32
    %dma_start3A_53 = arith.constant 1 : i32
    %dma_start3A_54 = arith.constant 1 : i32
    %dma_start3A_55 = arith.constant 0 : i32
    %dma_start3A_56 = tpu.memref_slice %arg9[%dma_start3A_53, %dma_start3A_55] : memref<3x512xi32, #tpu.memory_space<vmem>> -> memref<1x512xi32, #tpu.memory_space<vmem>>
    %dma_start3A_57 = tpu.memref_squeeze %dma_start3A_56 : memref<1x512xi32, #tpu.memory_space<vmem>> -> memref<512xi32, #tpu.memory_space<vmem>>
    %dma_start3A_58 = tpu.memref_slice %arg4[%dma_start3A_52, %add3A_51] : memref<2x1600000xi32, #tpu.memory_space<hbm>> -> memref<1x512xi32, #tpu.memory_space<hbm>>
    %dma_start3A_59 = tpu.memref_squeeze %dma_start3A_58 : memref<1x512xi32, #tpu.memory_space<hbm>> -> memref<512xi32, #tpu.memory_space<hbm>>
    %dma_start3A_60 = tpu.memref_slice %arg12[%dma_start3A_54] : memref<3x!tpu.dma_semaphore, #tpu.memory_space<semaphore_mem>> -> memref<1x!tpu.dma_semaphore, #tpu.memory_space<semaphore_mem>>
    %dma_start3A_61 = tpu.memref_squeeze %dma_start3A_60 : memref<1x!tpu.dma_semaphore, #tpu.memory_space<semaphore_mem>> -> memref<!tpu.dma_semaphore, #tpu.memory_space<semaphore_mem>>
    %dma_start3A_62 = arith.constant 0 : i32
    %dma_start3A_63 = tpu.memref_slice %arg9[%dma_start3A_53, %dma_start3A_62] : memref<3x512xi32, #tpu.memory_space<vmem>> -> memref<1x512xi32, #tpu.memory_space<vmem>>
    %dma_start3A_64 = tpu.memref_squeeze %dma_start3A_63 : memref<1x512xi32, #tpu.memory_space<vmem>> -> memref<512xi32, #tpu.memory_space<vmem>>
    %dma_start3A_65 = tpu.memref_slice %arg4[%dma_start3A_52, %add3A_51] : memref<2x1600000xi32, #tpu.memory_space<hbm>> -> memref<1x512xi32, #tpu.memory_space<hbm>>
    %dma_start3A_66 = tpu.memref_squeeze %dma_start3A_65 : memref<1x512xi32, #tpu.memory_space<hbm>> -> memref<512xi32, #tpu.memory_space<hbm>>
    tpu.enqueue_dma source(%dma_start3A_66 : memref<512xi32, #tpu.memory_space<hbm>>) target(%dma_start3A_64 : memref<512xi32, #tpu.memory_space<vmem>>) target_semaphore(%dma_start3A_61 : memref<!tpu.dma_semaphore, #tpu.memory_space<semaphore_mem>>)
    %mul3A_67 = arith.constant 6272 : i32
    %mul3A_68 = arith.muli %arg1, %mul3A_67 : i32
    "tpu.region"() ({
      %run_scoped3A_157 = tpu.sem_alloc : memref<!tpu.dma_semaphore, #tpu.memory_space<semaphore_mem>>
      %dma_start3A_158 = arith.constant 0 : i32
      %dma_start3A_159 = tpu.memref_slice %arg15[%mul3A_68, %dma_start3A_158] : memref<100352x16xf32, #tpu.memory_space<vmem_shared>> -> memref<6272x16xf32, #tpu.memory_space<vmem_shared>>
      tpu.enqueue_dma source(%arg5 : memref<6272x16xf32, #tpu.memory_space<hbm>>) target(%dma_start3A_159 : memref<6272x16xf32, #tpu.memory_space<vmem_shared>>) target_semaphore(%run_scoped3A_157 : memref<!tpu.dma_semaphore, #tpu.memory_space<semaphore_mem>>)
      %dma_wait3A_160 = arith.constant 0 : i32
      %dma_wait3A_161 = tpu.memref_slice %arg15[%mul3A_68, %dma_wait3A_160] : memref<100352x16xf32, #tpu.memory_space<vmem_shared>> -> memref<6272x16xf32, #tpu.memory_space<vmem_shared>>
      tpu.wait_dma2 semaphore(%run_scoped3A_157 : memref<!tpu.dma_semaphore, #tpu.memory_space<semaphore_mem>>) src(%arg5 : memref<6272x16xf32, #tpu.memory_space<hbm>>) dst(%dma_wait3A_161 : memref<6272x16xf32, #tpu.memory_space<vmem_shared>>)
      tpu.yield
    }) : () -> ()
    %add3A_69 = arith.constant 0 : i32
    %add3A_70 = arith.addi %mul3A_0, %add3A_69 : i32
    %dma_wait3A = arith.constant 0 : i32
    %dma_wait3A_71 = arith.constant 0 : i32
    %dma_wait3A_72 = arith.constant 0 : i32
    %dma_wait3A_73 = arith.constant 0 : i32
    %dma_wait3A_74 = tpu.memref_slice %arg8[%dma_wait3A_71, %dma_wait3A_73] : memref<3x512xi32, #tpu.memory_space<vmem>> -> memref<1x512xi32, #tpu.memory_space<vmem>>
    %dma_wait3A_75 = tpu.memref_squeeze %dma_wait3A_74 : memref<1x512xi32, #tpu.memory_space<vmem>> -> memref<512xi32, #tpu.memory_space<vmem>>
    %dma_wait3A_76 = tpu.memref_slice %arg4[%dma_wait3A, %add3A_70] : memref<2x1600000xi32, #tpu.memory_space<hbm>> -> memref<1x512xi32, #tpu.memory_space<hbm>>
    %dma_wait3A_77 = tpu.memref_squeeze %dma_wait3A_76 : memref<1x512xi32, #tpu.memory_space<hbm>> -> memref<512xi32, #tpu.memory_space<hbm>>
    %dma_wait3A_78 = tpu.memref_slice %arg12[%dma_wait3A_72] : memref<3x!tpu.dma_semaphore, #tpu.memory_space<semaphore_mem>> -> memref<1x!tpu.dma_semaphore, #tpu.memory_space<semaphore_mem>>
    %dma_wait3A_79 = tpu.memref_squeeze %dma_wait3A_78 : memref<1x!tpu.dma_semaphore, #tpu.memory_space<semaphore_mem>> -> memref<!tpu.dma_semaphore, #tpu.memory_space<semaphore_mem>>
    %dma_wait3A_80 = arith.constant 0 : i32
    %dma_wait3A_81 = tpu.memref_slice %arg8[%dma_wait3A_71, %dma_wait3A_80] : memref<3x512xi32, #tpu.memory_space<vmem>> -> memref<1x512xi32, #tpu.memory_space<vmem>>
    %dma_wait3A_82 = tpu.memref_squeeze %dma_wait3A_81 : memref<1x512xi32, #tpu.memory_space<vmem>> -> memref<512xi32, #tpu.memory_space<vmem>>
    %dma_wait3A_83 = tpu.memref_slice %arg4[%dma_wait3A, %add3A_70] : memref<2x1600000xi32, #tpu.memory_space<hbm>> -> memref<1x512xi32, #tpu.memory_space<hbm>>
    %dma_wait3A_84 = tpu.memref_squeeze %dma_wait3A_83 : memref<1x512xi32, #tpu.memory_space<hbm>> -> memref<512xi32, #tpu.memory_space<hbm>>
    tpu.wait_dma2 semaphore(%dma_wait3A_79 : memref<!tpu.dma_semaphore, #tpu.memory_space<semaphore_mem>>) src(%dma_wait3A_84 : memref<512xi32, #tpu.memory_space<hbm>>) dst(%dma_wait3A_82 : memref<512xi32, #tpu.memory_space<vmem>>)
    %add3A_85 = arith.constant 0 : i32
    %add3A_86 = arith.addi %mul3A_0, %add3A_85 : i32
    %dma_wait3A_87 = arith.constant 1 : i32
    %dma_wait3A_88 = arith.constant 0 : i32
    %dma_wait3A_89 = arith.constant 0 : i32
    %dma_wait3A_90 = arith.constant 0 : i32
    %dma_wait3A_91 = tpu.memref_slice %arg9[%dma_wait3A_88, %dma_wait3A_90] : memref<3x512xi32, #tpu.memory_space<vmem>> -> memref<1x512xi32, #tpu.memory_space<vmem>>
    %dma_wait3A_92 = tpu.memref_squeeze %dma_wait3A_91 : memref<1x512xi32, #tpu.memory_space<vmem>> -> memref<512xi32, #tpu.memory_space<vmem>>
    %dma_wait3A_93 = tpu.memref_slice %arg4[%dma_wait3A_87, %add3A_86] : memref<2x1600000xi32, #tpu.memory_space<hbm>> -> memref<1x512xi32, #tpu.memory_space<hbm>>
    %dma_wait3A_94 = tpu.memref_squeeze %dma_wait3A_93 : memref<1x512xi32, #tpu.memory_space<hbm>> -> memref<512xi32, #tpu.memory_space<hbm>>
    %dma_wait3A_95 = tpu.memref_slice %arg12[%dma_wait3A_89] : memref<3x!tpu.dma_semaphore, #tpu.memory_space<semaphore_mem>> -> memref<1x!tpu.dma_semaphore, #tpu.memory_space<semaphore_mem>>
    %dma_wait3A_96 = tpu.memref_squeeze %dma_wait3A_95 : memref<1x!tpu.dma_semaphore, #tpu.memory_space<semaphore_mem>> -> memref<!tpu.dma_semaphore, #tpu.memory_space<semaphore_mem>>
    %dma_wait3A_97 = arith.constant 0 : i32
    %dma_wait3A_98 = tpu.memref_slice %arg9[%dma_wait3A_88, %dma_wait3A_97] : memref<3x512xi32, #tpu.memory_space<vmem>> -> memref<1x512xi32, #tpu.memory_space<vmem>>
    %dma_wait3A_99 = tpu.memref_squeeze %dma_wait3A_98 : memref<1x512xi32, #tpu.memory_space<vmem>> -> memref<512xi32, #tpu.memory_space<vmem>>
    %dma_wait3A_100 = tpu.memref_slice %arg4[%dma_wait3A_87, %add3A_86] : memref<2x1600000xi32, #tpu.memory_space<hbm>> -> memref<1x512xi32, #tpu.memory_space<hbm>>
    %dma_wait3A_101 = tpu.memref_squeeze %dma_wait3A_100 : memref<1x512xi32, #tpu.memory_space<hbm>> -> memref<512xi32, #tpu.memory_space<hbm>>
    tpu.wait_dma2 semaphore(%dma_wait3A_96 : memref<!tpu.dma_semaphore, #tpu.memory_space<semaphore_mem>>) src(%dma_wait3A_101 : memref<512xi32, #tpu.memory_space<hbm>>) dst(%dma_wait3A_99 : memref<512xi32, #tpu.memory_space<vmem>>)
    %eq3A = arith.constant 0 : i32
    %eq3A_102 = arith.cmpi eq, %arg0, %eq3A : i32
    %convert_element_type3A = arith.extui %eq3A_102 : i1 to i32
    %cond3A = arith.constant 0 : i32
    %cond3A_103 = arith.cmpi ne, %convert_element_type3A, %cond3A : i32
    scf.if %cond3A_103 {
      %dma_start3A_157 = arith.constant 0 : i32
      %dma_start3A_158 = arith.constant 0 : i32
      %dma_start3A_159 = arith.constant 0 : i32
      %dma_start3A_160 = arith.constant 0 : i32
      %dma_start3A_161 = arith.constant 0 : i32
      %dma_start3A_162 = tpu.memref_slice %arg11[%dma_start3A_158, %dma_start3A_160, %dma_start3A_161] : memref<3x512x16xf32, #tpu.memory_space<vmem>> -> memref<1x512x16xf32, #tpu.memory_space<vmem>>
      %dma_start3A_163 = tpu.memref_squeeze %dma_start3A_162 : memref<1x512x16xf32, #tpu.memory_space<vmem>> -> memref<512x16xf32, #tpu.memory_space<vmem>>
      %dma_start3A_164 = arith.constant 0 : i32
      %dma_start3A_165 = tpu.memref_slice %arg8[%dma_start3A_157, %dma_start3A_164] : memref<3x512xi32, #tpu.memory_space<vmem>> -> memref<1x512xi32, #tpu.memory_space<vmem>>
      %dma_start3A_166 = tpu.memref_squeeze %dma_start3A_165 : memref<1x512xi32, #tpu.memory_space<vmem>> -> memref<512xi32, #tpu.memory_space<vmem>>
      %dma_start3A_167 = arith.constant 0 : i32
      %dma_start3A_168 = arith.constant 0 : i32
      %dma_start3A_169 = tpu.memref_slice %arg2[%dma_start3A_167, %dma_start3A_168] : memref<100000x16xf32, #tpu.memory_space<hbm>> -> memref<100000x16xf32, #tpu.memory_space<hbm>>
      %dma_start3A_170 = tpu.memref_slice %arg13[%dma_start3A_159] : memref<3x!tpu.dma_semaphore, #tpu.memory_space<semaphore_mem>> -> memref<1x!tpu.dma_semaphore, #tpu.memory_space<semaphore_mem>>
      %dma_start3A_171 = tpu.memref_squeeze %dma_start3A_170 : memref<1x!tpu.dma_semaphore, #tpu.memory_space<semaphore_mem>> -> memref<!tpu.dma_semaphore, #tpu.memory_space<semaphore_mem>>
      tpu.enqueue_indirect_dma source(%dma_start3A_169 : memref<100000x16xf32, #tpu.memory_space<hbm>>) target(%dma_start3A_163 : memref<512x16xf32, #tpu.memory_space<vmem>>) offsets(%dma_start3A_166 : memref<512xi32, #tpu.memory_space<vmem>>) semaphore(%dma_start3A_171 : memref<!tpu.dma_semaphore, #tpu.memory_space<semaphore_mem>>)
    } else {
    }
    %eq3A_104 = arith.constant 1 : i32
    %eq3A_105 = arith.cmpi eq, %arg0, %eq3A_104 : i32
    %convert_element_type3A_106 = arith.extui %eq3A_105 : i1 to i32
    %cond3A_107 = arith.constant 0 : i32
    %cond3A_108 = arith.cmpi ne, %convert_element_type3A_106, %cond3A_107 : i32
    scf.if %cond3A_108 {
      %dma_start3A_157 = arith.constant 0 : i32
      %dma_start3A_158 = arith.constant 0 : i32
      %dma_start3A_159 = arith.constant 0 : i32
      %dma_start3A_160 = arith.constant 0 : i32
      %dma_start3A_161 = arith.constant 0 : i32
      %dma_start3A_162 = tpu.memref_slice %arg11[%dma_start3A_158, %dma_start3A_160, %dma_start3A_161] : memref<3x512x16xf32, #tpu.memory_space<vmem>> -> memref<1x512x16xf32, #tpu.memory_space<vmem>>
      %dma_start3A_163 = tpu.memref_squeeze %dma_start3A_162 : memref<1x512x16xf32, #tpu.memory_space<vmem>> -> memref<512x16xf32, #tpu.memory_space<vmem>>
      %dma_start3A_164 = arith.constant 0 : i32
      %dma_start3A_165 = tpu.memref_slice %arg8[%dma_start3A_157, %dma_start3A_164] : memref<3x512xi32, #tpu.memory_space<vmem>> -> memref<1x512xi32, #tpu.memory_space<vmem>>
      %dma_start3A_166 = tpu.memref_squeeze %dma_start3A_165 : memref<1x512xi32, #tpu.memory_space<vmem>> -> memref<512xi32, #tpu.memory_space<vmem>>
      %dma_start3A_167 = arith.constant 0 : i32
      %dma_start3A_168 = arith.constant 0 : i32
      %dma_start3A_169 = tpu.memref_slice %arg3[%dma_start3A_167, %dma_start3A_168] : memref<100000x16xf32, #tpu.memory_space<hbm>> -> memref<100000x16xf32, #tpu.memory_space<hbm>>
      %dma_start3A_170 = tpu.memref_slice %arg13[%dma_start3A_159] : memref<3x!tpu.dma_semaphore, #tpu.memory_space<semaphore_mem>> -> memref<1x!tpu.dma_semaphore, #tpu.memory_space<semaphore_mem>>
      %dma_start3A_171 = tpu.memref_squeeze %dma_start3A_170 : memref<1x!tpu.dma_semaphore, #tpu.memory_space<semaphore_mem>> -> memref<!tpu.dma_semaphore, #tpu.memory_space<semaphore_mem>>
      tpu.enqueue_indirect_dma source(%dma_start3A_169 : memref<100000x16xf32, #tpu.memory_space<hbm>>) target(%dma_start3A_163 : memref<512x16xf32, #tpu.memory_space<vmem>>) offsets(%dma_start3A_166 : memref<512xi32, #tpu.memory_space<vmem>>) semaphore(%dma_start3A_171 : memref<!tpu.dma_semaphore, #tpu.memory_space<semaphore_mem>>)
    } else {
    }
    %barrier3A = arith.constant 0 : index
    tpu.barrier barrier_id(%barrier3A)
    %scan3A = arith.constant 0 : i32
    %scan3A_109 = arith.constant 195 : i32
    %scan3A_110 = arith.addi %scan3A, %scan3A_109 : i32
    %scan3A_111 = arith.constant 1 : i32
    scf.for %scan3A_157 = %scan3A to %scan3A_110 step %scan3A_111  : i32 {
      %rem3A_158 = arith.constant 3 : i32
      %rem3A_159 = arith.remsi %scan3A_157, %rem3A_158 : i32
      %add3A_160 = arith.constant 1 : i32
      %add3A_161 = arith.addi %scan3A_157, %add3A_160 : i32
      %rem3A_162 = arith.constant 3 : i32
      %rem3A_163 = arith.remsi %add3A_161, %rem3A_162 : i32
      %add3A_164 = arith.constant 2 : i32
      %add3A_165 = arith.addi %scan3A_157, %add3A_164 : i32
      %rem3A_166 = arith.constant 3 : i32
      %rem3A_167 = arith.remsi %add3A_165, %rem3A_166 : i32
      %add3A_168 = arith.constant 1 : i32
      %add3A_169 = arith.addi %scan3A_157, %add3A_168 : i32
      %lt3A = arith.constant 195 : i32
      %lt3A_170 = arith.cmpi slt, %add3A_169, %lt3A : i32
      %convert_element_type3A_171 = arith.extui %lt3A_170 : i1 to i32
      %cond3A_172 = arith.constant 0 : i32
      %cond3A_173 = arith.cmpi ne, %convert_element_type3A_171, %cond3A_172 : i32
      scf.if %cond3A_173 {
        %add3A_207 = arith.constant 1 : i32
        %add3A_208 = arith.addi %scan3A_157, %add3A_207 : i32
        %mul3A_209 = arith.constant 512 : i32
        %mul3A_210 = arith.muli %add3A_208, %mul3A_209 : i32
        %add3A_211 = arith.addi %mul3A_0, %mul3A_210 : i32
        %dma_wait3A_212 = arith.constant 0 : i32
        %dma_wait3A_213 = arith.constant 0 : i32
        %dma_wait3A_214 = tpu.memref_slice %arg8[%rem3A_163, %dma_wait3A_213] : memref<3x512xi32, #tpu.memory_space<vmem>> -> memref<1x512xi32, #tpu.memory_space<vmem>>
        %dma_wait3A_215 = tpu.memref_squeeze %dma_wait3A_214 : memref<1x512xi32, #tpu.memory_space<vmem>> -> memref<512xi32, #tpu.memory_space<vmem>>
        %dma_wait3A_216 = tpu.memref_slice %arg4[%dma_wait3A_212, %add3A_211] : memref<2x1600000xi32, #tpu.memory_space<hbm>> -> memref<1x512xi32, #tpu.memory_space<hbm>>
        %dma_wait3A_217 = tpu.memref_squeeze %dma_wait3A_216 : memref<1x512xi32, #tpu.memory_space<hbm>> -> memref<512xi32, #tpu.memory_space<hbm>>
        %dma_wait3A_218 = tpu.memref_slice %arg12[%rem3A_163] : memref<3x!tpu.dma_semaphore, #tpu.memory_space<semaphore_mem>> -> memref<1x!tpu.dma_semaphore, #tpu.memory_space<semaphore_mem>>
        %dma_wait3A_219 = tpu.memref_squeeze %dma_wait3A_218 : memref<1x!tpu.dma_semaphore, #tpu.memory_space<semaphore_mem>> -> memref<!tpu.dma_semaphore, #tpu.memory_space<semaphore_mem>>
        %dma_wait3A_220 = arith.constant 0 : i32
        %dma_wait3A_221 = tpu.memref_slice %arg8[%rem3A_163, %dma_wait3A_220] : memref<3x512xi32, #tpu.memory_space<vmem>> -> memref<1x512xi32, #tpu.memory_space<vmem>>
        %dma_wait3A_222 = tpu.memref_squeeze %dma_wait3A_221 : memref<1x512xi32, #tpu.memory_space<vmem>> -> memref<512xi32, #tpu.memory_space<vmem>>
        %dma_wait3A_223 = tpu.memref_slice %arg4[%dma_wait3A_212, %add3A_211] : memref<2x1600000xi32, #tpu.memory_space<hbm>> -> memref<1x512xi32, #tpu.memory_space<hbm>>
        %dma_wait3A_224 = tpu.memref_squeeze %dma_wait3A_223 : memref<1x512xi32, #tpu.memory_space<hbm>> -> memref<512xi32, #tpu.memory_space<hbm>>
        tpu.wait_dma2 semaphore(%dma_wait3A_219 : memref<!tpu.dma_semaphore, #tpu.memory_space<semaphore_mem>>) src(%dma_wait3A_224 : memref<512xi32, #tpu.memory_space<hbm>>) dst(%dma_wait3A_222 : memref<512xi32, #tpu.memory_space<vmem>>)
        %mul3A_225 = arith.constant 512 : i32
        %mul3A_226 = arith.muli %add3A_208, %mul3A_225 : i32
        %add3A_227 = arith.addi %mul3A_0, %mul3A_226 : i32
        %dma_wait3A_228 = arith.constant 1 : i32
        %dma_wait3A_229 = arith.constant 0 : i32
        %dma_wait3A_230 = tpu.memref_slice %arg9[%rem3A_163, %dma_wait3A_229] : memref<3x512xi32, #tpu.memory_space<vmem>> -> memref<1x512xi32, #tpu.memory_space<vmem>>
        %dma_wait3A_231 = tpu.memref_squeeze %dma_wait3A_230 : memref<1x512xi32, #tpu.memory_space<vmem>> -> memref<512xi32, #tpu.memory_space<vmem>>
        %dma_wait3A_232 = tpu.memref_slice %arg4[%dma_wait3A_228, %add3A_227] : memref<2x1600000xi32, #tpu.memory_space<hbm>> -> memref<1x512xi32, #tpu.memory_space<hbm>>
        %dma_wait3A_233 = tpu.memref_squeeze %dma_wait3A_232 : memref<1x512xi32, #tpu.memory_space<hbm>> -> memref<512xi32, #tpu.memory_space<hbm>>
        %dma_wait3A_234 = tpu.memref_slice %arg12[%rem3A_163] : memref<3x!tpu.dma_semaphore, #tpu.memory_space<semaphore_mem>> -> memref<1x!tpu.dma_semaphore, #tpu.memory_space<semaphore_mem>>
        %dma_wait3A_235 = tpu.memref_squeeze %dma_wait3A_234 : memref<1x!tpu.dma_semaphore, #tpu.memory_space<semaphore_mem>> -> memref<!tpu.dma_semaphore, #tpu.memory_space<semaphore_mem>>
        %dma_wait3A_236 = arith.constant 0 : i32
        %dma_wait3A_237 = tpu.memref_slice %arg9[%rem3A_163, %dma_wait3A_236] : memref<3x512xi32, #tpu.memory_space<vmem>> -> memref<1x512xi32, #tpu.memory_space<vmem>>
        %dma_wait3A_238 = tpu.memref_squeeze %dma_wait3A_237 : memref<1x512xi32, #tpu.memory_space<vmem>> -> memref<512xi32, #tpu.memory_space<vmem>>
        %dma_wait3A_239 = tpu.memref_slice %arg4[%dma_wait3A_228, %add3A_227] : memref<2x1600000xi32, #tpu.memory_space<hbm>> -> memref<1x512xi32, #tpu.memory_space<hbm>>
        %dma_wait3A_240 = tpu.memref_squeeze %dma_wait3A_239 : memref<1x512xi32, #tpu.memory_space<hbm>> -> memref<512xi32, #tpu.memory_space<hbm>>
        tpu.wait_dma2 semaphore(%dma_wait3A_235 : memref<!tpu.dma_semaphore, #tpu.memory_space<semaphore_mem>>) src(%dma_wait3A_240 : memref<512xi32, #tpu.memory_space<hbm>>) dst(%dma_wait3A_238 : memref<512xi32, #tpu.memory_space<vmem>>)
        %eq3A_241 = arith.constant 0 : i32
        %eq3A_242 = arith.cmpi eq, %arg0, %eq3A_241 : i32
        %convert_element_type3A_243 = arith.extui %eq3A_242 : i1 to i32
        %cond3A_244 = arith.constant 0 : i32
        %cond3A_245 = arith.cmpi ne, %convert_element_type3A_243, %cond3A_244 : i32
        scf.if %cond3A_245 {
          %dma_start3A_251 = arith.constant 0 : i32
          %dma_start3A_252 = arith.constant 0 : i32
          %dma_start3A_253 = tpu.memref_slice %arg11[%rem3A_163, %dma_start3A_251, %dma_start3A_252] : memref<3x512x16xf32, #tpu.memory_space<vmem>> -> memref<1x512x16xf32, #tpu.memory_space<vmem>>
          %dma_start3A_254 = tpu.memref_squeeze %dma_start3A_253 : memref<1x512x16xf32, #tpu.memory_space<vmem>> -> memref<512x16xf32, #tpu.memory_space<vmem>>
          %dma_start3A_255 = arith.constant 0 : i32
          %dma_start3A_256 = tpu.memref_slice %arg8[%rem3A_163, %dma_start3A_255] : memref<3x512xi32, #tpu.memory_space<vmem>> -> memref<1x512xi32, #tpu.memory_space<vmem>>
          %dma_start3A_257 = tpu.memref_squeeze %dma_start3A_256 : memref<1x512xi32, #tpu.memory_space<vmem>> -> memref<512xi32, #tpu.memory_space<vmem>>
          %dma_start3A_258 = arith.constant 0 : i32
          %dma_start3A_259 = arith.constant 0 : i32
          %dma_start3A_260 = tpu.memref_slice %arg2[%dma_start3A_258, %dma_start3A_259] : memref<100000x16xf32, #tpu.memory_space<hbm>> -> memref<100000x16xf32, #tpu.memory_space<hbm>>
          %dma_start3A_261 = tpu.memref_slice %arg13[%rem3A_163] : memref<3x!tpu.dma_semaphore, #tpu.memory_space<semaphore_mem>> -> memref<1x!tpu.dma_semaphore, #tpu.memory_space<semaphore_mem>>
          %dma_start3A_262 = tpu.memref_squeeze %dma_start3A_261 : memref<1x!tpu.dma_semaphore, #tpu.memory_space<semaphore_mem>> -> memref<!tpu.dma_semaphore, #tpu.memory_space<semaphore_mem>>
          tpu.enqueue_indirect_dma source(%dma_start3A_260 : memref<100000x16xf32, #tpu.memory_space<hbm>>) target(%dma_start3A_254 : memref<512x16xf32, #tpu.memory_space<vmem>>) offsets(%dma_start3A_257 : memref<512xi32, #tpu.memory_space<vmem>>) semaphore(%dma_start3A_262 : memref<!tpu.dma_semaphore, #tpu.memory_space<semaphore_mem>>)
        } else {
        }
        %eq3A_246 = arith.constant 1 : i32
        %eq3A_247 = arith.cmpi eq, %arg0, %eq3A_246 : i32
        %convert_element_type3A_248 = arith.extui %eq3A_247 : i1 to i32
        %cond3A_249 = arith.constant 0 : i32
        %cond3A_250 = arith.cmpi ne, %convert_element_type3A_248, %cond3A_249 : i32
        scf.if %cond3A_250 {
          %dma_start3A_251 = arith.constant 0 : i32
          %dma_start3A_252 = arith.constant 0 : i32
          %dma_start3A_253 = tpu.memref_slice %arg11[%rem3A_163, %dma_start3A_251, %dma_start3A_252] : memref<3x512x16xf32, #tpu.memory_space<vmem>> -> memref<1x512x16xf32, #tpu.memory_space<vmem>>
          %dma_start3A_254 = tpu.memref_squeeze %dma_start3A_253 : memref<1x512x16xf32, #tpu.memory_space<vmem>> -> memref<512x16xf32, #tpu.memory_space<vmem>>
          %dma_start3A_255 = arith.constant 0 : i32
          %dma_start3A_256 = tpu.memref_slice %arg8[%rem3A_163, %dma_start3A_255] : memref<3x512xi32, #tpu.memory_space<vmem>> -> memref<1x512xi32, #tpu.memory_space<vmem>>
          %dma_start3A_257 = tpu.memref_squeeze %dma_start3A_256 : memref<1x512xi32, #tpu.memory_space<vmem>> -> memref<512xi32, #tpu.memory_space<vmem>>
          %dma_start3A_258 = arith.constant 0 : i32
          %dma_start3A_259 = arith.constant 0 : i32
          %dma_start3A_260 = tpu.memref_slice %arg3[%dma_start3A_258, %dma_start3A_259] : memref<100000x16xf32, #tpu.memory_space<hbm>> -> memref<100000x16xf32, #tpu.memory_space<hbm>>
          %dma_start3A_261 = tpu.memref_slice %arg13[%rem3A_163] : memref<3x!tpu.dma_semaphore, #tpu.memory_space<semaphore_mem>> -> memref<1x!tpu.dma_semaphore, #tpu.memory_space<semaphore_mem>>
          %dma_start3A_262 = tpu.memref_squeeze %dma_start3A_261 : memref<1x!tpu.dma_semaphore, #tpu.memory_space<semaphore_mem>> -> memref<!tpu.dma_semaphore, #tpu.memory_space<semaphore_mem>>
          tpu.enqueue_indirect_dma source(%dma_start3A_260 : memref<100000x16xf32, #tpu.memory_space<hbm>>) target(%dma_start3A_254 : memref<512x16xf32, #tpu.memory_space<vmem>>) offsets(%dma_start3A_257 : memref<512xi32, #tpu.memory_space<vmem>>) semaphore(%dma_start3A_262 : memref<!tpu.dma_semaphore, #tpu.memory_space<semaphore_mem>>)
        } else {
        }
      } else {
      }
      %eq3A_174 = arith.constant 0 : i32
      %eq3A_175 = arith.cmpi eq, %arg0, %eq3A_174 : i32
      %convert_element_type3A_176 = arith.extui %eq3A_175 : i1 to i32
      %cond3A_177 = arith.constant 0 : i32
      %cond3A_178 = arith.cmpi ne, %convert_element_type3A_176, %cond3A_177 : i32
      scf.if %cond3A_178 {
        %dma_wait3A_207 = arith.constant 0 : i32
        %dma_wait3A_208 = arith.constant 0 : i32
        %dma_wait3A_209 = tpu.memref_slice %arg11[%rem3A_159, %dma_wait3A_207, %dma_wait3A_208] : memref<3x512x16xf32, #tpu.memory_space<vmem>> -> memref<1x512x16xf32, #tpu.memory_space<vmem>>
        %dma_wait3A_210 = tpu.memref_squeeze %dma_wait3A_209 : memref<1x512x16xf32, #tpu.memory_space<vmem>> -> memref<512x16xf32, #tpu.memory_space<vmem>>
        %dma_wait3A_211 = arith.constant 0 : i32
        %dma_wait3A_212 = tpu.memref_slice %arg8[%rem3A_159, %dma_wait3A_211] : memref<3x512xi32, #tpu.memory_space<vmem>> -> memref<1x512xi32, #tpu.memory_space<vmem>>
        %dma_wait3A_213 = tpu.memref_squeeze %dma_wait3A_212 : memref<1x512xi32, #tpu.memory_space<vmem>> -> memref<512xi32, #tpu.memory_space<vmem>>
        %dma_wait3A_214 = arith.constant 0 : i32
        %dma_wait3A_215 = arith.constant 0 : i32
        %dma_wait3A_216 = tpu.memref_slice %arg2[%dma_wait3A_214, %dma_wait3A_215] : memref<100000x16xf32, #tpu.memory_space<hbm>> -> memref<100000x16xf32, #tpu.memory_space<hbm>>
        %dma_wait3A_217 = tpu.memref_slice %arg13[%rem3A_159] : memref<3x!tpu.dma_semaphore, #tpu.memory_space<semaphore_mem>> -> memref<1x!tpu.dma_semaphore, #tpu.memory_space<semaphore_mem>>
        %dma_wait3A_218 = tpu.memref_squeeze %dma_wait3A_217 : memref<1x!tpu.dma_semaphore, #tpu.memory_space<semaphore_mem>> -> memref<!tpu.dma_semaphore, #tpu.memory_space<semaphore_mem>>
        tpu.wait_indirect_dma semaphore(%dma_wait3A_218 : memref<!tpu.dma_semaphore, #tpu.memory_space<semaphore_mem>>) src(%dma_wait3A_216 : memref<100000x16xf32, #tpu.memory_space<hbm>>) dst(%dma_wait3A_210 : memref<512x16xf32, #tpu.memory_space<vmem>>)
      } else {
      }
      %eq3A_179 = arith.constant 1 : i32
      %eq3A_180 = arith.cmpi eq, %arg0, %eq3A_179 : i32
      %convert_element_type3A_181 = arith.extui %eq3A_180 : i1 to i32
      %cond3A_182 = arith.constant 0 : i32
      %cond3A_183 = arith.cmpi ne, %convert_element_type3A_181, %cond3A_182 : i32
      scf.if %cond3A_183 {
        %dma_wait3A_207 = arith.constant 0 : i32
        %dma_wait3A_208 = arith.constant 0 : i32
        %dma_wait3A_209 = tpu.memref_slice %arg11[%rem3A_159, %dma_wait3A_207, %dma_wait3A_208] : memref<3x512x16xf32, #tpu.memory_space<vmem>> -> memref<1x512x16xf32, #tpu.memory_space<vmem>>
        %dma_wait3A_210 = tpu.memref_squeeze %dma_wait3A_209 : memref<1x512x16xf32, #tpu.memory_space<vmem>> -> memref<512x16xf32, #tpu.memory_space<vmem>>
        %dma_wait3A_211 = arith.constant 0 : i32
        %dma_wait3A_212 = tpu.memref_slice %arg8[%rem3A_159, %dma_wait3A_211] : memref<3x512xi32, #tpu.memory_space<vmem>> -> memref<1x512xi32, #tpu.memory_space<vmem>>
        %dma_wait3A_213 = tpu.memref_squeeze %dma_wait3A_212 : memref<1x512xi32, #tpu.memory_space<vmem>> -> memref<512xi32, #tpu.memory_space<vmem>>
        %dma_wait3A_214 = arith.constant 0 : i32
        %dma_wait3A_215 = arith.constant 0 : i32
        %dma_wait3A_216 = tpu.memref_slice %arg3[%dma_wait3A_214, %dma_wait3A_215] : memref<100000x16xf32, #tpu.memory_space<hbm>> -> memref<100000x16xf32, #tpu.memory_space<hbm>>
        %dma_wait3A_217 = tpu.memref_slice %arg13[%rem3A_159] : memref<3x!tpu.dma_semaphore, #tpu.memory_space<semaphore_mem>> -> memref<1x!tpu.dma_semaphore, #tpu.memory_space<semaphore_mem>>
        %dma_wait3A_218 = tpu.memref_squeeze %dma_wait3A_217 : memref<1x!tpu.dma_semaphore, #tpu.memory_space<semaphore_mem>> -> memref<!tpu.dma_semaphore, #tpu.memory_space<semaphore_mem>>
        tpu.wait_indirect_dma semaphore(%dma_wait3A_218 : memref<!tpu.dma_semaphore, #tpu.memory_space<semaphore_mem>>) src(%dma_wait3A_216 : memref<100000x16xf32, #tpu.memory_space<hbm>>) dst(%dma_wait3A_210 : memref<512x16xf32, #tpu.memory_space<vmem>>)
      } else {
      }
      %gt3A = arith.constant 0 : i32
      %gt3A_184 = arith.cmpi sgt, %scan3A_157, %gt3A : i32
      %convert_element_type3A_185 = arith.extui %gt3A_184 : i1 to i32
      %cond3A_186 = arith.constant 0 : i32
      %cond3A_187 = arith.cmpi ne, %convert_element_type3A_185, %cond3A_186 : i32
      scf.if %cond3A_187 {
        %dma_wait3A_207 = arith.constant 0 : i32
        %dma_wait3A_208 = arith.constant 0 : i32
        %dma_wait3A_209 = tpu.memref_slice %arg11[%rem3A_167, %dma_wait3A_207, %dma_wait3A_208] : memref<3x512x16xf32, #tpu.memory_space<vmem>> -> memref<1x512x16xf32, #tpu.memory_space<vmem>>
        %dma_wait3A_210 = tpu.memref_squeeze %dma_wait3A_209 : memref<1x512x16xf32, #tpu.memory_space<vmem>> -> memref<512x16xf32, #tpu.memory_space<vmem>>
        %dma_wait3A_211 = arith.constant 0 : i32
        %dma_wait3A_212 = tpu.memref_slice %arg9[%rem3A_167, %dma_wait3A_211] : memref<3x512xi32, #tpu.memory_space<vmem>> -> memref<1x512xi32, #tpu.memory_space<vmem>>
        %dma_wait3A_213 = tpu.memref_squeeze %dma_wait3A_212 : memref<1x512xi32, #tpu.memory_space<vmem>> -> memref<512xi32, #tpu.memory_space<vmem>>
        %dma_wait3A_214 = arith.constant 0 : i32
        %dma_wait3A_215 = arith.constant 0 : i32
        %dma_wait3A_216 = tpu.memref_slice %arg15[%dma_wait3A_214, %dma_wait3A_215] : memref<100352x16xf32, #tpu.memory_space<vmem_shared>> -> memref<100352x16xf32, #tpu.memory_space<vmem_shared>>
        %dma_wait3A_217 = tpu.memref_slice %arg14[%rem3A_167] : memref<3x!tpu.dma_semaphore, #tpu.memory_space<semaphore_mem>> -> memref<1x!tpu.dma_semaphore, #tpu.memory_space<semaphore_mem>>
        %dma_wait3A_218 = tpu.memref_squeeze %dma_wait3A_217 : memref<1x!tpu.dma_semaphore, #tpu.memory_space<semaphore_mem>> -> memref<!tpu.dma_semaphore, #tpu.memory_space<semaphore_mem>>
        tpu.wait_indirect_dma semaphore(%dma_wait3A_218 : memref<!tpu.dma_semaphore, #tpu.memory_space<semaphore_mem>>) src(%dma_wait3A_210 : memref<512x16xf32, #tpu.memory_space<vmem>>) dst(%dma_wait3A_216 : memref<100352x16xf32, #tpu.memory_space<vmem_shared>>)
      } else {
      }
      %dma_start3A_188 = arith.constant 0 : i32
      %dma_start3A_189 = arith.constant 0 : i32
      %dma_start3A_190 = tpu.memref_slice %arg11[%rem3A_159, %dma_start3A_188, %dma_start3A_189] : memref<3x512x16xf32, #tpu.memory_space<vmem>> -> memref<1x512x16xf32, #tpu.memory_space<vmem>>
      %dma_start3A_191 = tpu.memref_squeeze %dma_start3A_190 : memref<1x512x16xf32, #tpu.memory_space<vmem>> -> memref<512x16xf32, #tpu.memory_space<vmem>>
      %dma_start3A_192 = arith.constant 0 : i32
      %dma_start3A_193 = tpu.memref_slice %arg9[%rem3A_159, %dma_start3A_192] : memref<3x512xi32, #tpu.memory_space<vmem>> -> memref<1x512xi32, #tpu.memory_space<vmem>>
      %dma_start3A_194 = tpu.memref_squeeze %dma_start3A_193 : memref<1x512xi32, #tpu.memory_space<vmem>> -> memref<512xi32, #tpu.memory_space<vmem>>
      %dma_start3A_195 = arith.constant 0 : i32
      %dma_start3A_196 = arith.constant 0 : i32
      %dma_start3A_197 = tpu.memref_slice %arg15[%dma_start3A_195, %dma_start3A_196] : memref<100352x16xf32, #tpu.memory_space<vmem_shared>> -> memref<100352x16xf32, #tpu.memory_space<vmem_shared>>
      %dma_start3A_198 = tpu.memref_slice %arg14[%rem3A_159] : memref<3x!tpu.dma_semaphore, #tpu.memory_space<semaphore_mem>> -> memref<1x!tpu.dma_semaphore, #tpu.memory_space<semaphore_mem>>
      %dma_start3A_199 = tpu.memref_squeeze %dma_start3A_198 : memref<1x!tpu.dma_semaphore, #tpu.memory_space<semaphore_mem>> -> memref<!tpu.dma_semaphore, #tpu.memory_space<semaphore_mem>>
      tpu.enqueue_indirect_dma source(%dma_start3A_191 : memref<512x16xf32, #tpu.memory_space<vmem>>) target(%dma_start3A_197 : memref<100352x16xf32, #tpu.memory_space<vmem_shared>>) offsets(%dma_start3A_194 : memref<512xi32, #tpu.memory_space<vmem>>) semaphore(%dma_start3A_199 : memref<!tpu.dma_semaphore, #tpu.memory_space<semaphore_mem>>) {add = true}
      %add3A_200 = arith.constant 2 : i32
      %add3A_201 = arith.addi %scan3A_157, %add3A_200 : i32
      %lt3A_202 = arith.constant 195 : i32
      %lt3A_203 = arith.cmpi slt, %add3A_201, %lt3A_202 : i32
      %convert_element_type3A_204 = arith.extui %lt3A_203 : i1 to i32
      %cond3A_205 = arith.constant 0 : i32
      %cond3A_206 = arith.cmpi ne, %convert_element_type3A_204, %cond3A_205 : i32
      scf.if %cond3A_206 {
        %add3A_207 = arith.constant 2 : i32
        %add3A_208 = arith.addi %scan3A_157, %add3A_207 : i32
        %mul3A_209 = arith.constant 512 : i32
        %mul3A_210 = arith.muli %add3A_208, %mul3A_209 : i32
        %add3A_211 = arith.addi %mul3A_0, %mul3A_210 : i32
        %dma_start3A_212 = arith.constant 0 : i32
        %dma_start3A_213 = arith.constant 0 : i32
        %dma_start3A_214 = tpu.memref_slice %arg8[%rem3A_167, %dma_start3A_213] : memref<3x512xi32, #tpu.memory_space<vmem>> -> memref<1x512xi32, #tpu.memory_space<vmem>>
        %dma_start3A_215 = tpu.memref_squeeze %dma_start3A_214 : memref<1x512xi32, #tpu.memory_space<vmem>> -> memref<512xi32, #tpu.memory_space<vmem>>
        %dma_start3A_216 = tpu.memref_slice %arg4[%dma_start3A_212, %add3A_211] : memref<2x1600000xi32, #tpu.memory_space<hbm>> -> memref<1x512xi32, #tpu.memory_space<hbm>>
        %dma_start3A_217 = tpu.memref_squeeze %dma_start3A_216 : memref<1x512xi32, #tpu.memory_space<hbm>> -> memref<512xi32, #tpu.memory_space<hbm>>
        %dma_start3A_218 = tpu.memref_slice %arg12[%rem3A_167] : memref<3x!tpu.dma_semaphore, #tpu.memory_space<semaphore_mem>> -> memref<1x!tpu.dma_semaphore, #tpu.memory_space<semaphore_mem>>
        %dma_start3A_219 = tpu.memref_squeeze %dma_start3A_218 : memref<1x!tpu.dma_semaphore, #tpu.memory_space<semaphore_mem>> -> memref<!tpu.dma_semaphore, #tpu.memory_space<semaphore_mem>>
        %dma_start3A_220 = arith.constant 0 : i32
        %dma_start3A_221 = tpu.memref_slice %arg8[%rem3A_167, %dma_start3A_220] : memref<3x512xi32, #tpu.memory_space<vmem>> -> memref<1x512xi32, #tpu.memory_space<vmem>>
        %dma_start3A_222 = tpu.memref_squeeze %dma_start3A_221 : memref<1x512xi32, #tpu.memory_space<vmem>> -> memref<512xi32, #tpu.memory_space<vmem>>
        %dma_start3A_223 = tpu.memref_slice %arg4[%dma_start3A_212, %add3A_211] : memref<2x1600000xi32, #tpu.memory_space<hbm>> -> memref<1x512xi32, #tpu.memory_space<hbm>>
        %dma_start3A_224 = tpu.memref_squeeze %dma_start3A_223 : memref<1x512xi32, #tpu.memory_space<hbm>> -> memref<512xi32, #tpu.memory_space<hbm>>
        tpu.enqueue_dma source(%dma_start3A_224 : memref<512xi32, #tpu.memory_space<hbm>>) target(%dma_start3A_222 : memref<512xi32, #tpu.memory_space<vmem>>) target_semaphore(%dma_start3A_219 : memref<!tpu.dma_semaphore, #tpu.memory_space<semaphore_mem>>)
        %mul3A_225 = arith.constant 512 : i32
        %mul3A_226 = arith.muli %add3A_208, %mul3A_225 : i32
        %add3A_227 = arith.addi %mul3A_0, %mul3A_226 : i32
        %dma_start3A_228 = arith.constant 1 : i32
        %dma_start3A_229 = arith.constant 0 : i32
        %dma_start3A_230 = tpu.memref_slice %arg9[%rem3A_167, %dma_start3A_229] : memref<3x512xi32, #tpu.memory_space<vmem>> -> memref<1x512xi32, #tpu.memory_space<vmem>>
        %dma_start3A_231 = tpu.memref_squeeze %dma_start3A_230 : memref<1x512xi32, #tpu.memory_space<vmem>> -> memref<512xi32, #tpu.memory_space<vmem>>
        %dma_start3A_232 = tpu.memref_slice %arg4[%dma_start3A_228, %add3A_227] : memref<2x1600000xi32, #tpu.memory_space<hbm>> -> memref<1x512xi32, #tpu.memory_space<hbm>>
        %dma_start3A_233 = tpu.memref_squeeze %dma_start3A_232 : memref<1x512xi32, #tpu.memory_space<hbm>> -> memref<512xi32, #tpu.memory_space<hbm>>
        %dma_start3A_234 = tpu.memref_slice %arg12[%rem3A_167] : memref<3x!tpu.dma_semaphore, #tpu.memory_space<semaphore_mem>> -> memref<1x!tpu.dma_semaphore, #tpu.memory_space<semaphore_mem>>
        %dma_start3A_235 = tpu.memref_squeeze %dma_start3A_234 : memref<1x!tpu.dma_semaphore, #tpu.memory_space<semaphore_mem>> -> memref<!tpu.dma_semaphore, #tpu.memory_space<semaphore_mem>>
        %dma_start3A_236 = arith.constant 0 : i32
        %dma_start3A_237 = tpu.memref_slice %arg9[%rem3A_167, %dma_start3A_236] : memref<3x512xi32, #tpu.memory_space<vmem>> -> memref<1x512xi32, #tpu.memory_space<vmem>>
        %dma_start3A_238 = tpu.memref_squeeze %dma_start3A_237 : memref<1x512xi32, #tpu.memory_space<vmem>> -> memref<512xi32, #tpu.memory_space<vmem>>
        %dma_start3A_239 = tpu.memref_slice %arg4[%dma_start3A_228, %add3A_227] : memref<2x1600000xi32, #tpu.memory_space<hbm>> -> memref<1x512xi32, #tpu.memory_space<hbm>>
        %dma_start3A_240 = tpu.memref_squeeze %dma_start3A_239 : memref<1x512xi32, #tpu.memory_space<hbm>> -> memref<512xi32, #tpu.memory_space<hbm>>
        tpu.enqueue_dma source(%dma_start3A_240 : memref<512xi32, #tpu.memory_space<hbm>>) target(%dma_start3A_238 : memref<512xi32, #tpu.memory_space<vmem>>) target_semaphore(%dma_start3A_235 : memref<!tpu.dma_semaphore, #tpu.memory_space<semaphore_mem>>)
      } else {
      }
    }
    %scan3A_112 = arith.constant 195 : i32
    %rem3A = arith.constant 194 : i32
    %rem3A_113 = arith.constant 3 : i32
    %rem3A_114 = arith.remsi %rem3A, %rem3A_113 : i32
    %dma_wait3A_115 = arith.constant 0 : i32
    %dma_wait3A_116 = arith.constant 0 : i32
    %dma_wait3A_117 = tpu.memref_slice %arg11[%rem3A_114, %dma_wait3A_115, %dma_wait3A_116] : memref<3x512x16xf32, #tpu.memory_space<vmem>> -> memref<1x512x16xf32, #tpu.memory_space<vmem>>
    %dma_wait3A_118 = tpu.memref_squeeze %dma_wait3A_117 : memref<1x512x16xf32, #tpu.memory_space<vmem>> -> memref<512x16xf32, #tpu.memory_space<vmem>>
    %dma_wait3A_119 = arith.constant 0 : i32
    %dma_wait3A_120 = tpu.memref_slice %arg9[%rem3A_114, %dma_wait3A_119] : memref<3x512xi32, #tpu.memory_space<vmem>> -> memref<1x512xi32, #tpu.memory_space<vmem>>
    %dma_wait3A_121 = tpu.memref_squeeze %dma_wait3A_120 : memref<1x512xi32, #tpu.memory_space<vmem>> -> memref<512xi32, #tpu.memory_space<vmem>>
    %dma_wait3A_122 = arith.constant 0 : i32
    %dma_wait3A_123 = arith.constant 0 : i32
    %dma_wait3A_124 = tpu.memref_slice %arg15[%dma_wait3A_122, %dma_wait3A_123] : memref<100352x16xf32, #tpu.memory_space<vmem_shared>> -> memref<100352x16xf32, #tpu.memory_space<vmem_shared>>
    %dma_wait3A_125 = tpu.memref_slice %arg14[%rem3A_114] : memref<3x!tpu.dma_semaphore, #tpu.memory_space<semaphore_mem>> -> memref<1x!tpu.dma_semaphore, #tpu.memory_space<semaphore_mem>>
    %dma_wait3A_126 = tpu.memref_squeeze %dma_wait3A_125 : memref<1x!tpu.dma_semaphore, #tpu.memory_space<semaphore_mem>> -> memref<!tpu.dma_semaphore, #tpu.memory_space<semaphore_mem>>
    tpu.wait_indirect_dma semaphore(%dma_wait3A_126 : memref<!tpu.dma_semaphore, #tpu.memory_space<semaphore_mem>>) src(%dma_wait3A_118 : memref<512x16xf32, #tpu.memory_space<vmem>>) dst(%dma_wait3A_124 : memref<100352x16xf32, #tpu.memory_space<vmem_shared>>)
    %add3A_127 = arith.constant 99840 : i32
    %add3A_128 = arith.addi %mul3A_0, %add3A_127 : i32
    %run_scoped3A = arith.constant 0 : i32
    %run_scoped3A_129 = arith.constant 0 : i32
    "tpu.region"() ({
      %run_scoped3A_157 = tpu.sem_alloc : memref<!tpu.dma_semaphore, #tpu.memory_space<semaphore_mem>>
      %dma_start3A_158 = arith.constant 0 : i32
      %dma_start3A_159 = tpu.memref_slice %arg10[%run_scoped3A_129, %dma_start3A_158] : memref<2x160xi32, #tpu.memory_space<vmem>> -> memref<1x160xi32, #tpu.memory_space<vmem>>
      %dma_start3A_160 = tpu.memref_squeeze %dma_start3A_159 : memref<1x160xi32, #tpu.memory_space<vmem>> -> memref<160xi32, #tpu.memory_space<vmem>>
      %dma_start3A_161 = tpu.memref_slice %arg4[%run_scoped3A, %add3A_128] : memref<2x1600000xi32, #tpu.memory_space<hbm>> -> memref<1x160xi32, #tpu.memory_space<hbm>>
      %dma_start3A_162 = tpu.memref_squeeze %dma_start3A_161 : memref<1x160xi32, #tpu.memory_space<hbm>> -> memref<160xi32, #tpu.memory_space<hbm>>
      %dma_start3A_163 = arith.constant 0 : i32
      %dma_start3A_164 = tpu.memref_slice %arg10[%run_scoped3A_129, %dma_start3A_163] : memref<2x160xi32, #tpu.memory_space<vmem>> -> memref<1x160xi32, #tpu.memory_space<vmem>>
      %dma_start3A_165 = tpu.memref_squeeze %dma_start3A_164 : memref<1x160xi32, #tpu.memory_space<vmem>> -> memref<160xi32, #tpu.memory_space<vmem>>
      %dma_start3A_166 = tpu.memref_slice %arg4[%run_scoped3A, %add3A_128] : memref<2x1600000xi32, #tpu.memory_space<hbm>> -> memref<1x160xi32, #tpu.memory_space<hbm>>
      %dma_start3A_167 = tpu.memref_squeeze %dma_start3A_166 : memref<1x160xi32, #tpu.memory_space<hbm>> -> memref<160xi32, #tpu.memory_space<hbm>>
      tpu.enqueue_dma source(%dma_start3A_167 : memref<160xi32, #tpu.memory_space<hbm>>) target(%dma_start3A_165 : memref<160xi32, #tpu.memory_space<vmem>>) target_semaphore(%run_scoped3A_157 : memref<!tpu.dma_semaphore, #tpu.memory_space<semaphore_mem>>)
      %dma_wait3A_168 = arith.constant 0 : i32
      %dma_wait3A_169 = tpu.memref_slice %arg10[%run_scoped3A_129, %dma_wait3A_168] : memref<2x160xi32, #tpu.memory_space<vmem>> -> memref<1x160xi32, #tpu.memory_space<vmem>>
      %dma_wait3A_170 = tpu.memref_squeeze %dma_wait3A_169 : memref<1x160xi32, #tpu.memory_space<vmem>> -> memref<160xi32, #tpu.memory_space<vmem>>
      %dma_wait3A_171 = tpu.memref_slice %arg4[%run_scoped3A, %add3A_128] : memref<2x1600000xi32, #tpu.memory_space<hbm>> -> memref<1x160xi32, #tpu.memory_space<hbm>>
      %dma_wait3A_172 = tpu.memref_squeeze %dma_wait3A_171 : memref<1x160xi32, #tpu.memory_space<hbm>> -> memref<160xi32, #tpu.memory_space<hbm>>
      %dma_wait3A_173 = arith.constant 0 : i32
      %dma_wait3A_174 = tpu.memref_slice %arg10[%run_scoped3A_129, %dma_wait3A_173] : memref<2x160xi32, #tpu.memory_space<vmem>> -> memref<1x160xi32, #tpu.memory_space<vmem>>
      %dma_wait3A_175 = tpu.memref_squeeze %dma_wait3A_174 : memref<1x160xi32, #tpu.memory_space<vmem>> -> memref<160xi32, #tpu.memory_space<vmem>>
      %dma_wait3A_176 = tpu.memref_slice %arg4[%run_scoped3A, %add3A_128] : memref<2x1600000xi32, #tpu.memory_space<hbm>> -> memref<1x160xi32, #tpu.memory_space<hbm>>
      %dma_wait3A_177 = tpu.memref_squeeze %dma_wait3A_176 : memref<1x160xi32, #tpu.memory_space<hbm>> -> memref<160xi32, #tpu.memory_space<hbm>>
      tpu.wait_dma2 semaphore(%run_scoped3A_157 : memref<!tpu.dma_semaphore, #tpu.memory_space<semaphore_mem>>) src(%dma_wait3A_177 : memref<160xi32, #tpu.memory_space<hbm>>) dst(%dma_wait3A_175 : memref<160xi32, #tpu.memory_space<vmem>>)
      tpu.yield
    }) : () -> ()
    %run_scoped3A_130 = arith.constant 1 : i32
    %run_scoped3A_131 = arith.constant 1 : i32
    "tpu.region"() ({
      %run_scoped3A_157 = tpu.sem_alloc : memref<!tpu.dma_semaphore, #tpu.memory_space<semaphore_mem>>
      %dma_start3A_158 = arith.constant 0 : i32
      %dma_start3A_159 = tpu.memref_slice %arg10[%run_scoped3A_131, %dma_start3A_158] : memref<2x160xi32, #tpu.memory_space<vmem>> -> memref<1x160xi32, #tpu.memory_space<vmem>>
      %dma_start3A_160 = tpu.memref_squeeze %dma_start3A_159 : memref<1x160xi32, #tpu.memory_space<vmem>> -> memref<160xi32, #tpu.memory_space<vmem>>
      %dma_start3A_161 = tpu.memref_slice %arg4[%run_scoped3A_130, %add3A_128] : memref<2x1600000xi32, #tpu.memory_space<hbm>> -> memref<1x160xi32, #tpu.memory_space<hbm>>
      %dma_start3A_162 = tpu.memref_squeeze %dma_start3A_161 : memref<1x160xi32, #tpu.memory_space<hbm>> -> memref<160xi32, #tpu.memory_space<hbm>>
      %dma_start3A_163 = arith.constant 0 : i32
      %dma_start3A_164 = tpu.memref_slice %arg10[%run_scoped3A_131, %dma_start3A_163] : memref<2x160xi32, #tpu.memory_space<vmem>> -> memref<1x160xi32, #tpu.memory_space<vmem>>
      %dma_start3A_165 = tpu.memref_squeeze %dma_start3A_164 : memref<1x160xi32, #tpu.memory_space<vmem>> -> memref<160xi32, #tpu.memory_space<vmem>>
      %dma_start3A_166 = tpu.memref_slice %arg4[%run_scoped3A_130, %add3A_128] : memref<2x1600000xi32, #tpu.memory_space<hbm>> -> memref<1x160xi32, #tpu.memory_space<hbm>>
      %dma_start3A_167 = tpu.memref_squeeze %dma_start3A_166 : memref<1x160xi32, #tpu.memory_space<hbm>> -> memref<160xi32, #tpu.memory_space<hbm>>
      tpu.enqueue_dma source(%dma_start3A_167 : memref<160xi32, #tpu.memory_space<hbm>>) target(%dma_start3A_165 : memref<160xi32, #tpu.memory_space<vmem>>) target_semaphore(%run_scoped3A_157 : memref<!tpu.dma_semaphore, #tpu.memory_space<semaphore_mem>>)
      %dma_wait3A_168 = arith.constant 0 : i32
      %dma_wait3A_169 = tpu.memref_slice %arg10[%run_scoped3A_131, %dma_wait3A_168] : memref<2x160xi32, #tpu.memory_space<vmem>> -> memref<1x160xi32, #tpu.memory_space<vmem>>
      %dma_wait3A_170 = tpu.memref_squeeze %dma_wait3A_169 : memref<1x160xi32, #tpu.memory_space<vmem>> -> memref<160xi32, #tpu.memory_space<vmem>>
      %dma_wait3A_171 = tpu.memref_slice %arg4[%run_scoped3A_130, %add3A_128] : memref<2x1600000xi32, #tpu.memory_space<hbm>> -> memref<1x160xi32, #tpu.memory_space<hbm>>
      %dma_wait3A_172 = tpu.memref_squeeze %dma_wait3A_171 : memref<1x160xi32, #tpu.memory_space<hbm>> -> memref<160xi32, #tpu.memory_space<hbm>>
      %dma_wait3A_173 = arith.constant 0 : i32
      %dma_wait3A_174 = tpu.memref_slice %arg10[%run_scoped3A_131, %dma_wait3A_173] : memref<2x160xi32, #tpu.memory_space<vmem>> -> memref<1x160xi32, #tpu.memory_space<vmem>>
      %dma_wait3A_175 = tpu.memref_squeeze %dma_wait3A_174 : memref<1x160xi32, #tpu.memory_space<vmem>> -> memref<160xi32, #tpu.memory_space<vmem>>
      %dma_wait3A_176 = tpu.memref_slice %arg4[%run_scoped3A_130, %add3A_128] : memref<2x1600000xi32, #tpu.memory_space<hbm>> -> memref<1x160xi32, #tpu.memory_space<hbm>>
      %dma_wait3A_177 = tpu.memref_squeeze %dma_wait3A_176 : memref<1x160xi32, #tpu.memory_space<hbm>> -> memref<160xi32, #tpu.memory_space<hbm>>
      tpu.wait_dma2 semaphore(%run_scoped3A_157 : memref<!tpu.dma_semaphore, #tpu.memory_space<semaphore_mem>>) src(%dma_wait3A_177 : memref<160xi32, #tpu.memory_space<hbm>>) dst(%dma_wait3A_175 : memref<160xi32, #tpu.memory_space<vmem>>)
      tpu.yield
    }) : () -> ()
    %eq3A_132 = arith.constant 0 : i32
    %eq3A_133 = arith.cmpi eq, %arg0, %eq3A_132 : i32
    %convert_element_type3A_134 = arith.extui %eq3A_133 : i1 to i32
    %cond3A_135 = arith.constant 0 : i32
    %cond3A_136 = arith.cmpi ne, %convert_element_type3A_134, %cond3A_135 : i32
    scf.if %cond3A_136 {
      %run_scoped3A_157 = arith.constant 0 : i32
      %run_scoped3A_158 = arith.constant 0 : i32
      "tpu.region"() ({
        %run_scoped3A_159 = tpu.sem_alloc : memref<!tpu.dma_semaphore, #tpu.memory_space<semaphore_mem>>
        %dma_start3A_160 = arith.constant 0 : i32
        %dma_start3A_161 = arith.constant 0 : i32
        %dma_start3A_162 = tpu.memref_slice %arg11[%run_scoped3A_158, %dma_start3A_160, %dma_start3A_161] : memref<3x512x16xf32, #tpu.memory_space<vmem>> -> memref<1x160x16xf32, #tpu.memory_space<vmem>>
        %dma_start3A_163 = tpu.memref_squeeze %dma_start3A_162 : memref<1x160x16xf32, #tpu.memory_space<vmem>> -> memref<160x16xf32, #tpu.memory_space<vmem>>
        %dma_start3A_164 = arith.constant 0 : i32
        %dma_start3A_165 = tpu.memref_slice %arg10[%run_scoped3A_157, %dma_start3A_164] : memref<2x160xi32, #tpu.memory_space<vmem>> -> memref<1x160xi32, #tpu.memory_space<vmem>>
        %dma_start3A_166 = tpu.memref_squeeze %dma_start3A_165 : memref<1x160xi32, #tpu.memory_space<vmem>> -> memref<160xi32, #tpu.memory_space<vmem>>
        %dma_start3A_167 = arith.constant 0 : i32
        %dma_start3A_168 = arith.constant 0 : i32
        %dma_start3A_169 = tpu.memref_slice %arg2[%dma_start3A_167, %dma_start3A_168] : memref<100000x16xf32, #tpu.memory_space<hbm>> -> memref<100000x16xf32, #tpu.memory_space<hbm>>
        tpu.enqueue_indirect_dma source(%dma_start3A_169 : memref<100000x16xf32, #tpu.memory_space<hbm>>) target(%dma_start3A_163 : memref<160x16xf32, #tpu.memory_space<vmem>>) offsets(%dma_start3A_166 : memref<160xi32, #tpu.memory_space<vmem>>) semaphore(%run_scoped3A_159 : memref<!tpu.dma_semaphore, #tpu.memory_space<semaphore_mem>>)
        %dma_wait3A_170 = arith.constant 0 : i32
        %dma_wait3A_171 = arith.constant 0 : i32
        %dma_wait3A_172 = tpu.memref_slice %arg11[%run_scoped3A_158, %dma_wait3A_170, %dma_wait3A_171] : memref<3x512x16xf32, #tpu.memory_space<vmem>> -> memref<1x160x16xf32, #tpu.memory_space<vmem>>
        %dma_wait3A_173 = tpu.memref_squeeze %dma_wait3A_172 : memref<1x160x16xf32, #tpu.memory_space<vmem>> -> memref<160x16xf32, #tpu.memory_space<vmem>>
        %dma_wait3A_174 = arith.constant 0 : i32
        %dma_wait3A_175 = tpu.memref_slice %arg10[%run_scoped3A_157, %dma_wait3A_174] : memref<2x160xi32, #tpu.memory_space<vmem>> -> memref<1x160xi32, #tpu.memory_space<vmem>>
        %dma_wait3A_176 = tpu.memref_squeeze %dma_wait3A_175 : memref<1x160xi32, #tpu.memory_space<vmem>> -> memref<160xi32, #tpu.memory_space<vmem>>
        %dma_wait3A_177 = arith.constant 0 : i32
        %dma_wait3A_178 = arith.constant 0 : i32
        %dma_wait3A_179 = tpu.memref_slice %arg2[%dma_wait3A_177, %dma_wait3A_178] : memref<100000x16xf32, #tpu.memory_space<hbm>> -> memref<100000x16xf32, #tpu.memory_space<hbm>>
        tpu.wait_indirect_dma semaphore(%run_scoped3A_159 : memref<!tpu.dma_semaphore, #tpu.memory_space<semaphore_mem>>) src(%dma_wait3A_179 : memref<100000x16xf32, #tpu.memory_space<hbm>>) dst(%dma_wait3A_173 : memref<160x16xf32, #tpu.memory_space<vmem>>)
        tpu.yield
      }) : () -> ()
    } else {
    }
    %eq3A_137 = arith.constant 1 : i32
    %eq3A_138 = arith.cmpi eq, %arg0, %eq3A_137 : i32
    %convert_element_type3A_139 = arith.extui %eq3A_138 : i1 to i32
    %cond3A_140 = arith.constant 0 : i32
    %cond3A_141 = arith.cmpi ne, %convert_element_type3A_139, %cond3A_140 : i32
    scf.if %cond3A_141 {
      %run_scoped3A_157 = arith.constant 0 : i32
      %run_scoped3A_158 = arith.constant 0 : i32
      "tpu.region"() ({
        %run_scoped3A_159 = tpu.sem_alloc : memref<!tpu.dma_semaphore, #tpu.memory_space<semaphore_mem>>
        %dma_start3A_160 = arith.constant 0 : i32
        %dma_start3A_161 = arith.constant 0 : i32
        %dma_start3A_162 = tpu.memref_slice %arg11[%run_scoped3A_158, %dma_start3A_160, %dma_start3A_161] : memref<3x512x16xf32, #tpu.memory_space<vmem>> -> memref<1x160x16xf32, #tpu.memory_space<vmem>>
        %dma_start3A_163 = tpu.memref_squeeze %dma_start3A_162 : memref<1x160x16xf32, #tpu.memory_space<vmem>> -> memref<160x16xf32, #tpu.memory_space<vmem>>
        %dma_start3A_164 = arith.constant 0 : i32
        %dma_start3A_165 = tpu.memref_slice %arg10[%run_scoped3A_157, %dma_start3A_164] : memref<2x160xi32, #tpu.memory_space<vmem>> -> memref<1x160xi32, #tpu.memory_space<vmem>>
        %dma_start3A_166 = tpu.memref_squeeze %dma_start3A_165 : memref<1x160xi32, #tpu.memory_space<vmem>> -> memref<160xi32, #tpu.memory_space<vmem>>
        %dma_start3A_167 = arith.constant 0 : i32
        %dma_start3A_168 = arith.constant 0 : i32
        %dma_start3A_169 = tpu.memref_slice %arg3[%dma_start3A_167, %dma_start3A_168] : memref<100000x16xf32, #tpu.memory_space<hbm>> -> memref<100000x16xf32, #tpu.memory_space<hbm>>
        tpu.enqueue_indirect_dma source(%dma_start3A_169 : memref<100000x16xf32, #tpu.memory_space<hbm>>) target(%dma_start3A_163 : memref<160x16xf32, #tpu.memory_space<vmem>>) offsets(%dma_start3A_166 : memref<160xi32, #tpu.memory_space<vmem>>) semaphore(%run_scoped3A_159 : memref<!tpu.dma_semaphore, #tpu.memory_space<semaphore_mem>>)
        %dma_wait3A_170 = arith.constant 0 : i32
        %dma_wait3A_171 = arith.constant 0 : i32
        %dma_wait3A_172 = tpu.memref_slice %arg11[%run_scoped3A_158, %dma_wait3A_170, %dma_wait3A_171] : memref<3x512x16xf32, #tpu.memory_space<vmem>> -> memref<1x160x16xf32, #tpu.memory_space<vmem>>
        %dma_wait3A_173 = tpu.memref_squeeze %dma_wait3A_172 : memref<1x160x16xf32, #tpu.memory_space<vmem>> -> memref<160x16xf32, #tpu.memory_space<vmem>>
        %dma_wait3A_174 = arith.constant 0 : i32
        %dma_wait3A_175 = tpu.memref_slice %arg10[%run_scoped3A_157, %dma_wait3A_174] : memref<2x160xi32, #tpu.memory_space<vmem>> -> memref<1x160xi32, #tpu.memory_space<vmem>>
        %dma_wait3A_176 = tpu.memref_squeeze %dma_wait3A_175 : memref<1x160xi32, #tpu.memory_space<vmem>> -> memref<160xi32, #tpu.memory_space<vmem>>
        %dma_wait3A_177 = arith.constant 0 : i32
        %dma_wait3A_178 = arith.constant 0 : i32
        %dma_wait3A_179 = tpu.memref_slice %arg3[%dma_wait3A_177, %dma_wait3A_178] : memref<100000x16xf32, #tpu.memory_space<hbm>> -> memref<100000x16xf32, #tpu.memory_space<hbm>>
        tpu.wait_indirect_dma semaphore(%run_scoped3A_159 : memref<!tpu.dma_semaphore, #tpu.memory_space<semaphore_mem>>) src(%dma_wait3A_179 : memref<100000x16xf32, #tpu.memory_space<hbm>>) dst(%dma_wait3A_173 : memref<160x16xf32, #tpu.memory_space<vmem>>)
        tpu.yield
      }) : () -> ()
    } else {
    }
    %run_scoped3A_142 = arith.constant 0 : i32
    %run_scoped3A_143 = arith.constant 1 : i32
    "tpu.region"() ({
      %run_scoped3A_157 = tpu.sem_alloc : memref<!tpu.dma_semaphore, #tpu.memory_space<semaphore_mem>>
      %dma_start3A_158 = arith.constant 0 : i32
      %dma_start3A_159 = arith.constant 0 : i32
      %dma_start3A_160 = tpu.memref_slice %arg11[%run_scoped3A_142, %dma_start3A_158, %dma_start3A_159] : memref<3x512x16xf32, #tpu.memory_space<vmem>> -> memref<1x160x16xf32, #tpu.memory_space<vmem>>
      %dma_start3A_161 = tpu.memref_squeeze %dma_start3A_160 : memref<1x160x16xf32, #tpu.memory_space<vmem>> -> memref<160x16xf32, #tpu.memory_space<vmem>>
      %dma_start3A_162 = arith.constant 0 : i32
      %dma_start3A_163 = tpu.memref_slice %arg10[%run_scoped3A_143, %dma_start3A_162] : memref<2x160xi32, #tpu.memory_space<vmem>> -> memref<1x160xi32, #tpu.memory_space<vmem>>
      %dma_start3A_164 = tpu.memref_squeeze %dma_start3A_163 : memref<1x160xi32, #tpu.memory_space<vmem>> -> memref<160xi32, #tpu.memory_space<vmem>>
      %dma_start3A_165 = arith.constant 0 : i32
      %dma_start3A_166 = arith.constant 0 : i32
      %dma_start3A_167 = tpu.memref_slice %arg15[%dma_start3A_165, %dma_start3A_166] : memref<100352x16xf32, #tpu.memory_space<vmem_shared>> -> memref<100352x16xf32, #tpu.memory_space<vmem_shared>>
      tpu.enqueue_indirect_dma source(%dma_start3A_161 : memref<160x16xf32, #tpu.memory_space<vmem>>) target(%dma_start3A_167 : memref<100352x16xf32, #tpu.memory_space<vmem_shared>>) offsets(%dma_start3A_164 : memref<160xi32, #tpu.memory_space<vmem>>) semaphore(%run_scoped3A_157 : memref<!tpu.dma_semaphore, #tpu.memory_space<semaphore_mem>>) {add = true}
      %dma_wait3A_168 = arith.constant 0 : i32
      %dma_wait3A_169 = arith.constant 0 : i32
      %dma_wait3A_170 = tpu.memref_slice %arg11[%run_scoped3A_142, %dma_wait3A_168, %dma_wait3A_169] : memref<3x512x16xf32, #tpu.memory_space<vmem>> -> memref<1x160x16xf32, #tpu.memory_space<vmem>>
      %dma_wait3A_171 = tpu.memref_squeeze %dma_wait3A_170 : memref<1x160x16xf32, #tpu.memory_space<vmem>> -> memref<160x16xf32, #tpu.memory_space<vmem>>
      %dma_wait3A_172 = arith.constant 0 : i32
      %dma_wait3A_173 = tpu.memref_slice %arg10[%run_scoped3A_143, %dma_wait3A_172] : memref<2x160xi32, #tpu.memory_space<vmem>> -> memref<1x160xi32, #tpu.memory_space<vmem>>
      %dma_wait3A_174 = tpu.memref_squeeze %dma_wait3A_173 : memref<1x160xi32, #tpu.memory_space<vmem>> -> memref<160xi32, #tpu.memory_space<vmem>>
      %dma_wait3A_175 = arith.constant 0 : i32
      %dma_wait3A_176 = arith.constant 0 : i32
      %dma_wait3A_177 = tpu.memref_slice %arg15[%dma_wait3A_175, %dma_wait3A_176] : memref<100352x16xf32, #tpu.memory_space<vmem_shared>> -> memref<100352x16xf32, #tpu.memory_space<vmem_shared>>
      tpu.wait_indirect_dma semaphore(%run_scoped3A_157 : memref<!tpu.dma_semaphore, #tpu.memory_space<semaphore_mem>>) src(%dma_wait3A_171 : memref<160x16xf32, #tpu.memory_space<vmem>>) dst(%dma_wait3A_177 : memref<100352x16xf32, #tpu.memory_space<vmem_shared>>)
      tpu.yield
    }) : () -> ()
    %barrier3A_144 = arith.constant 0 : index
    tpu.barrier barrier_id(%barrier3A_144)
    %mul3A_145 = arith.constant 6272 : i32
    %mul3A_146 = arith.muli %arg1, %mul3A_145 : i32
    %eq3A_147 = arith.constant 0 : i32
    %eq3A_148 = arith.cmpi eq, %arg0, %eq3A_147 : i32
    %convert_element_type3A_149 = arith.extui %eq3A_148 : i1 to i32
    %cond3A_150 = arith.constant 0 : i32
    %cond3A_151 = arith.cmpi ne, %convert_element_type3A_149, %cond3A_150 : i32
    scf.if %cond3A_151 {
      "tpu.region"() ({
        %run_scoped3A_157 = tpu.sem_alloc : memref<!tpu.dma_semaphore, #tpu.memory_space<semaphore_mem>>
        %dma_start3A_158 = arith.constant 0 : i32
        %dma_start3A_159 = tpu.memref_slice %arg6[%mul3A_146, %dma_start3A_158] : memref<100352x16xf32, #tpu.memory_space<hbm>> -> memref<6272x16xf32, #tpu.memory_space<hbm>>
        %dma_start3A_160 = arith.constant 0 : i32
        %dma_start3A_161 = tpu.memref_slice %arg15[%mul3A_146, %dma_start3A_160] : memref<100352x16xf32, #tpu.memory_space<vmem_shared>> -> memref<6272x16xf32, #tpu.memory_space<vmem_shared>>
        tpu.enqueue_dma source(%dma_start3A_161 : memref<6272x16xf32, #tpu.memory_space<vmem_shared>>) target(%dma_start3A_159 : memref<6272x16xf32, #tpu.memory_space<hbm>>) target_semaphore(%run_scoped3A_157 : memref<!tpu.dma_semaphore, #tpu.memory_space<semaphore_mem>>)
        %dma_wait3A_162 = arith.constant 0 : i32
        %dma_wait3A_163 = tpu.memref_slice %arg6[%mul3A_146, %dma_wait3A_162] : memref<100352x16xf32, #tpu.memory_space<hbm>> -> memref<6272x16xf32, #tpu.memory_space<hbm>>
        %dma_wait3A_164 = arith.constant 0 : i32
        %dma_wait3A_165 = tpu.memref_slice %arg15[%mul3A_146, %dma_wait3A_164] : memref<100352x16xf32, #tpu.memory_space<vmem_shared>> -> memref<6272x16xf32, #tpu.memory_space<vmem_shared>>
        tpu.wait_dma2 semaphore(%run_scoped3A_157 : memref<!tpu.dma_semaphore, #tpu.memory_space<semaphore_mem>>) src(%dma_wait3A_165 : memref<6272x16xf32, #tpu.memory_space<vmem_shared>>) dst(%dma_wait3A_163 : memref<6272x16xf32, #tpu.memory_space<hbm>>)
        tpu.yield
      }) : () -> ()
    } else {
    }
    %eq3A_152 = arith.constant 1 : i32
    %eq3A_153 = arith.cmpi eq, %arg0, %eq3A_152 : i32
    %convert_element_type3A_154 = arith.extui %eq3A_153 : i1 to i32
    %cond3A_155 = arith.constant 0 : i32
    %cond3A_156 = arith.cmpi ne, %convert_element_type3A_154, %cond3A_155 : i32
    scf.if %cond3A_156 {
      "tpu.region"() ({
        %run_scoped3A_157 = tpu.sem_alloc : memref<!tpu.dma_semaphore, #tpu.memory_space<semaphore_mem>>
        %dma_start3A_158 = arith.constant 0 : i32
        %dma_start3A_159 = tpu.memref_slice %arg7[%mul3A_146, %dma_start3A_158] : memref<100352x16xf32, #tpu.memory_space<hbm>> -> memref<6272x16xf32, #tpu.memory_space<hbm>>
        %dma_start3A_160 = arith.constant 0 : i32
        %dma_start3A_161 = tpu.memref_slice %arg15[%mul3A_146, %dma_start3A_160] : memref<100352x16xf32, #tpu.memory_space<vmem_shared>> -> memref<6272x16xf32, #tpu.memory_space<vmem_shared>>
        tpu.enqueue_dma source(%dma_start3A_161 : memref<6272x16xf32, #tpu.memory_space<vmem_shared>>) target(%dma_start3A_159 : memref<6272x16xf32, #tpu.memory_space<hbm>>) target_semaphore(%run_scoped3A_157 : memref<!tpu.dma_semaphore, #tpu.memory_space<semaphore_mem>>)
        %dma_wait3A_162 = arith.constant 0 : i32
        %dma_wait3A_163 = tpu.memref_slice %arg7[%mul3A_146, %dma_wait3A_162] : memref<100352x16xf32, #tpu.memory_space<hbm>> -> memref<6272x16xf32, #tpu.memory_space<hbm>>
        %dma_wait3A_164 = arith.constant 0 : i32
        %dma_wait3A_165 = tpu.memref_slice %arg15[%mul3A_146, %dma_wait3A_164] : memref<100352x16xf32, #tpu.memory_space<vmem_shared>> -> memref<6272x16xf32, #tpu.memory_space<vmem_shared>>
        tpu.wait_dma2 semaphore(%run_scoped3A_157 : memref<!tpu.dma_semaphore, #tpu.memory_space<semaphore_mem>>) src(%dma_wait3A_165 : memref<6272x16xf32, #tpu.memory_space<vmem_shared>>) dst(%dma_wait3A_163 : memref<6272x16xf32, #tpu.memory_space<hbm>>)
        tpu.yield
      }) : () -> ()
    } else {
    }
    return
  }
}

#map = affine_map<(d0, d1) -> (0, 0)>
module attributes {stable_mosaic.version = 14 : i64} {
  func.func @_aggr_body(%arg0: i32, %arg1: i32, %arg2: memref<100000x16xf32, #tpu.memory_space<hbm>>, %arg3: memref<100000x16xf32, #tpu.memory_space<hbm>>, %arg4: memref<2x1600000xi32, #tpu.memory_space<hbm>>, %arg5: memref<6272x16xf32, #tpu.memory_space<hbm>>, %arg6: memref<100352x16xf32, #tpu.memory_space<hbm>>, %arg7: memref<100352x16xf32, #tpu.memory_space<hbm>>, %arg8: memref<3x512xi32, #tpu.memory_space<vmem>>, %arg9: memref<3x512xi32, #tpu.memory_space<vmem>>, %arg10: memref<2x160xi32, #tpu.memory_space<vmem>>, %arg11: memref<3x512x16xf32, #tpu.memory_space<vmem>>, %arg12: memref<3x!tpu.dma_semaphore, #tpu.memory_space<semaphore_mem>>, %arg13: memref<3x!tpu.dma_semaphore, #tpu.memory_space<semaphore_mem>>, %arg14: memref<3x!tpu.dma_semaphore, #tpu.memory_space<semaphore_mem>>, %arg15: memref<100352x16xf32, #tpu.memory_space<vmem_shared>>) attributes {dimension_semantics = [#tpu.dimension_semantics<core_parallel>, #tpu.dimension_semantics<subcore_parallel>], iteration_bounds = array<i64: 2, 16>, scalar_prefetch = 0 : i64, scratch_operands = 8 : i64, tpu.core_type = #tpu.core_type<sc_vector_subcore>, window_params = [{transform_indices = #map}, {transform_indices = #map}, {transform_indices = #map}, {transform_indices = #map}, {transform_indices = #map}, {transform_indices = #map}]} {
    %mul3A = arith.constant 100000 : i32
    %mul3A_0 = arith.muli %arg1, %mul3A : i32
    %add3A = arith.constant 0 : i32
    %add3A_1 = arith.addi %mul3A_0, %add3A : i32
    %dma_start3A = arith.constant 0 : i32
    %dma_start3A_2 = arith.constant 0 : i32
    %dma_start3A_3 = arith.constant 0 : i32
    %dma_start3A_4 = arith.constant 0 : i32
    %dma_start3A_5 = tpu.memref_slice %arg8[%dma_start3A_2, %dma_start3A_4] : memref<3x512xi32, #tpu.memory_space<vmem>> -> memref<1x512xi32, #tpu.memory_space<vmem>>
    %dma_start3A_6 = tpu.memref_squeeze %dma_start3A_5 : memref<1x512xi32, #tpu.memory_space<vmem>> -> memref<512xi32, #tpu.memory_space<vmem>>
    %dma_start3A_7 = tpu.memref_slice %arg4[%dma_start3A, %add3A_1] : memref<2x1600000xi32, #tpu.memory_space<hbm>> -> memref<1x512xi32, #tpu.memory_space<hbm>>
    %dma_start3A_8 = tpu.memref_squeeze %dma_start3A_7 : memref<1x512xi32, #tpu.memory_space<hbm>> -> memref<512xi32, #tpu.memory_space<hbm>>
    %dma_start3A_9 = tpu.memref_slice %arg12[%dma_start3A_3] : memref<3x!tpu.dma_semaphore, #tpu.memory_space<semaphore_mem>> -> memref<1x!tpu.dma_semaphore, #tpu.memory_space<semaphore_mem>>
    %dma_start3A_10 = tpu.memref_squeeze %dma_start3A_9 : memref<1x!tpu.dma_semaphore, #tpu.memory_space<semaphore_mem>> -> memref<!tpu.dma_semaphore, #tpu.memory_space<semaphore_mem>>
    %dma_start3A_11 = arith.constant 0 : i32
    %dma_start3A_12 = tpu.memref_slice %arg8[%dma_start3A_2, %dma_start3A_11] : memref<3x512xi32, #tpu.memory_space<vmem>> -> memref<1x512xi32, #tpu.memory_space<vmem>>
    %dma_start3A_13 = tpu.memref_squeeze %dma_start3A_12 : memref<1x512xi32, #tpu.memory_space<vmem>> -> memref<512xi32, #tpu.memory_space<vmem>>
    %dma_start3A_14 = tpu.memref_slice %arg4[%dma_start3A, %add3A_1] : memref<2x1600000xi32, #tpu.memory_space<hbm>> -> memref<1x512xi32, #tpu.memory_space<hbm>>
    %dma_start3A_15 = tpu.memref_squeeze %dma_start3A_14 : memref<1x512xi32, #tpu.memory_space<hbm>> -> memref<512xi32, #tpu.memory_space<hbm>>
    tpu.enqueue_dma source(%dma_start3A_15 : memref<512xi32, #tpu.memory_space<hbm>>) target(%dma_start3A_13 : memref<512xi32, #tpu.memory_space<vmem>>) target_semaphore(%dma_start3A_10 : memref<!tpu.dma_semaphore, #tpu.memory_space<semaphore_mem>>)
    %add3A_16 = arith.constant 0 : i32
    %add3A_17 = arith.addi %mul3A_0, %add3A_16 : i32
    %dma_start3A_18 = arith.constant 1 : i32
    %dma_start3A_19 = arith.constant 0 : i32
    %dma_start3A_20 = arith.constant 0 : i32
    %dma_start3A_21 = arith.constant 0 : i32
    %dma_start3A_22 = tpu.memref_slice %arg9[%dma_start3A_19, %dma_start3A_21] : memref<3x512xi32, #tpu.memory_space<vmem>> -> memref<1x512xi32, #tpu.memory_space<vmem>>
    %dma_start3A_23 = tpu.memref_squeeze %dma_start3A_22 : memref<1x512xi32, #tpu.memory_space<vmem>> -> memref<512xi32, #tpu.memory_space<vmem>>
    %dma_start3A_24 = tpu.memref_slice %arg4[%dma_start3A_18, %add3A_17] : memref<2x1600000xi32, #tpu.memory_space<hbm>> -> memref<1x512xi32, #tpu.memory_space<hbm>>
    %dma_start3A_25 = tpu.memref_squeeze %dma_start3A_24 : memref<1x512xi32, #tpu.memory_space<hbm>> -> memref<512xi32, #tpu.memory_space<hbm>>
    %dma_start3A_26 = tpu.memref_slice %arg12[%dma_start3A_20] : memref<3x!tpu.dma_semaphore, #tpu.memory_space<semaphore_mem>> -> memref<1x!tpu.dma_semaphore, #tpu.memory_space<semaphore_mem>>
    %dma_start3A_27 = tpu.memref_squeeze %dma_start3A_26 : memref<1x!tpu.dma_semaphore, #tpu.memory_space<semaphore_mem>> -> memref<!tpu.dma_semaphore, #tpu.memory_space<semaphore_mem>>
    %dma_start3A_28 = arith.constant 0 : i32
    %dma_start3A_29 = tpu.memref_slice %arg9[%dma_start3A_19, %dma_start3A_28] : memref<3x512xi32, #tpu.memory_space<vmem>> -> memref<1x512xi32, #tpu.memory_space<vmem>>
    %dma_start3A_30 = tpu.memref_squeeze %dma_start3A_29 : memref<1x512xi32, #tpu.memory_space<vmem>> -> memref<512xi32, #tpu.memory_space<vmem>>
    %dma_start3A_31 = tpu.memref_slice %arg4[%dma_start3A_18, %add3A_17] : memref<2x1600000xi32, #tpu.memory_space<hbm>> -> memref<1x512xi32, #tpu.memory_space<hbm>>
    %dma_start3A_32 = tpu.memref_squeeze %dma_start3A_31 : memref<1x512xi32, #tpu.memory_space<hbm>> -> memref<512xi32, #tpu.memory_space<hbm>>
    tpu.enqueue_dma source(%dma_start3A_32 : memref<512xi32, #tpu.memory_space<hbm>>) target(%dma_start3A_30 : memref<512xi32, #tpu.memory_space<vmem>>) target_semaphore(%dma_start3A_27 : memref<!tpu.dma_semaphore, #tpu.memory_space<semaphore_mem>>)
    %add3A_33 = arith.constant 512 : i32
    %add3A_34 = arith.addi %mul3A_0, %add3A_33 : i32
    %dma_start3A_35 = arith.constant 0 : i32
    %dma_start3A_36 = arith.constant 1 : i32
    %dma_start3A_37 = arith.constant 1 : i32
    %dma_start3A_38 = arith.constant 0 : i32
    %dma_start3A_39 = tpu.memref_slice %arg8[%dma_start3A_36, %dma_start3A_38] : memref<3x512xi32, #tpu.memory_space<vmem>> -> memref<1x512xi32, #tpu.memory_space<vmem>>
    %dma_start3A_40 = tpu.memref_squeeze %dma_start3A_39 : memref<1x512xi32, #tpu.memory_space<vmem>> -> memref<512xi32, #tpu.memory_space<vmem>>
    %dma_start3A_41 = tpu.memref_slice %arg4[%dma_start3A_35, %add3A_34] : memref<2x1600000xi32, #tpu.memory_space<hbm>> -> memref<1x512xi32, #tpu.memory_space<hbm>>
    %dma_start3A_42 = tpu.memref_squeeze %dma_start3A_41 : memref<1x512xi32, #tpu.memory_space<hbm>> -> memref<512xi32, #tpu.memory_space<hbm>>
    %dma_start3A_43 = tpu.memref_slice %arg12[%dma_start3A_37] : memref<3x!tpu.dma_semaphore, #tpu.memory_space<semaphore_mem>> -> memref<1x!tpu.dma_semaphore, #tpu.memory_space<semaphore_mem>>
    %dma_start3A_44 = tpu.memref_squeeze %dma_start3A_43 : memref<1x!tpu.dma_semaphore, #tpu.memory_space<semaphore_mem>> -> memref<!tpu.dma_semaphore, #tpu.memory_space<semaphore_mem>>
    %dma_start3A_45 = arith.constant 0 : i32
    %dma_start3A_46 = tpu.memref_slice %arg8[%dma_start3A_36, %dma_start3A_45] : memref<3x512xi32, #tpu.memory_space<vmem>> -> memref<1x512xi32, #tpu.memory_space<vmem>>
    %dma_start3A_47 = tpu.memref_squeeze %dma_start3A_46 : memref<1x512xi32, #tpu.memory_space<vmem>> -> memref<512xi32, #tpu.memory_space<vmem>>
    %dma_start3A_48 = tpu.memref_slice %arg4[%dma_start3A_35, %add3A_34] : memref<2x1600000xi32, #tpu.memory_space<hbm>> -> memref<1x512xi32, #tpu.memory_space<hbm>>
    %dma_start3A_49 = tpu.memref_squeeze %dma_start3A_48 : memref<1x512xi32, #tpu.memory_space<hbm>> -> memref<512xi32, #tpu.memory_space<hbm>>
    tpu.enqueue_dma source(%dma_start3A_49 : memref<512xi32, #tpu.memory_space<hbm>>) target(%dma_start3A_47 : memref<512xi32, #tpu.memory_space<vmem>>) target_semaphore(%dma_start3A_44 : memref<!tpu.dma_semaphore, #tpu.memory_space<semaphore_mem>>)
    %add3A_50 = arith.constant 512 : i32
    %add3A_51 = arith.addi %mul3A_0, %add3A_50 : i32
    %dma_start3A_52 = arith.constant 1 : i32
    %dma_start3A_53 = arith.constant 1 : i32
    %dma_start3A_54 = arith.constant 1 : i32
    %dma_start3A_55 = arith.constant 0 : i32
    %dma_start3A_56 = tpu.memref_slice %arg9[%dma_start3A_53, %dma_start3A_55] : memref<3x512xi32, #tpu.memory_space<vmem>> -> memref<1x512xi32, #tpu.memory_space<vmem>>
    %dma_start3A_57 = tpu.memref_squeeze %dma_start3A_56 : memref<1x512xi32, #tpu.memory_space<vmem>> -> memref<512xi32, #tpu.memory_space<vmem>>
    %dma_start3A_58 = tpu.memref_slice %arg4[%dma_start3A_52, %add3A_51] : memref<2x1600000xi32, #tpu.memory_space<hbm>> -> memref<1x512xi32, #tpu.memory_space<hbm>>
    %dma_start3A_59 = tpu.memref_squeeze %dma_start3A_58 : memref<1x512xi32, #tpu.memory_space<hbm>> -> memref<512xi32, #tpu.memory_space<hbm>>
    %dma_start3A_60 = tpu.memref_slice %arg12[%dma_start3A_54] : memref<3x!tpu.dma_semaphore, #tpu.memory_space<semaphore_mem>> -> memref<1x!tpu.dma_semaphore, #tpu.memory_space<semaphore_mem>>
    %dma_start3A_61 = tpu.memref_squeeze %dma_start3A_60 : memref<1x!tpu.dma_semaphore, #tpu.memory_space<semaphore_mem>> -> memref<!tpu.dma_semaphore, #tpu.memory_space<semaphore_mem>>
    %dma_start3A_62 = arith.constant 0 : i32
    %dma_start3A_63 = tpu.memref_slice %arg9[%dma_start3A_53, %dma_start3A_62] : memref<3x512xi32, #tpu.memory_space<vmem>> -> memref<1x512xi32, #tpu.memory_space<vmem>>
    %dma_start3A_64 = tpu.memref_squeeze %dma_start3A_63 : memref<1x512xi32, #tpu.memory_space<vmem>> -> memref<512xi32, #tpu.memory_space<vmem>>
    %dma_start3A_65 = tpu.memref_slice %arg4[%dma_start3A_52, %add3A_51] : memref<2x1600000xi32, #tpu.memory_space<hbm>> -> memref<1x512xi32, #tpu.memory_space<hbm>>
    %dma_start3A_66 = tpu.memref_squeeze %dma_start3A_65 : memref<1x512xi32, #tpu.memory_space<hbm>> -> memref<512xi32, #tpu.memory_space<hbm>>
    tpu.enqueue_dma source(%dma_start3A_66 : memref<512xi32, #tpu.memory_space<hbm>>) target(%dma_start3A_64 : memref<512xi32, #tpu.memory_space<vmem>>) target_semaphore(%dma_start3A_61 : memref<!tpu.dma_semaphore, #tpu.memory_space<semaphore_mem>>)
    %mul3A_67 = arith.constant 6272 : i32
    %mul3A_68 = arith.muli %arg1, %mul3A_67 : i32
    "tpu.region"() ({
      %run_scoped3A_157 = tpu.sem_alloc : memref<!tpu.dma_semaphore, #tpu.memory_space<semaphore_mem>>
      %dma_start3A_158 = arith.constant 0 : i32
      %dma_start3A_159 = tpu.memref_slice %arg15[%mul3A_68, %dma_start3A_158] : memref<100352x16xf32, #tpu.memory_space<vmem_shared>> -> memref<6272x16xf32, #tpu.memory_space<vmem_shared>>
      tpu.enqueue_dma source(%arg5 : memref<6272x16xf32, #tpu.memory_space<hbm>>) target(%dma_start3A_159 : memref<6272x16xf32, #tpu.memory_space<vmem_shared>>) target_semaphore(%run_scoped3A_157 : memref<!tpu.dma_semaphore, #tpu.memory_space<semaphore_mem>>)
      %dma_wait3A_160 = arith.constant 0 : i32
      %dma_wait3A_161 = tpu.memref_slice %arg15[%mul3A_68, %dma_wait3A_160] : memref<100352x16xf32, #tpu.memory_space<vmem_shared>> -> memref<6272x16xf32, #tpu.memory_space<vmem_shared>>
      tpu.wait_dma2 semaphore(%run_scoped3A_157 : memref<!tpu.dma_semaphore, #tpu.memory_space<semaphore_mem>>) src(%arg5 : memref<6272x16xf32, #tpu.memory_space<hbm>>) dst(%dma_wait3A_161 : memref<6272x16xf32, #tpu.memory_space<vmem_shared>>)
      tpu.yield
    }) : () -> ()
    %add3A_69 = arith.constant 0 : i32
    %add3A_70 = arith.addi %mul3A_0, %add3A_69 : i32
    %dma_wait3A = arith.constant 0 : i32
    %dma_wait3A_71 = arith.constant 0 : i32
    %dma_wait3A_72 = arith.constant 0 : i32
    %dma_wait3A_73 = arith.constant 0 : i32
    %dma_wait3A_74 = tpu.memref_slice %arg8[%dma_wait3A_71, %dma_wait3A_73] : memref<3x512xi32, #tpu.memory_space<vmem>> -> memref<1x512xi32, #tpu.memory_space<vmem>>
    %dma_wait3A_75 = tpu.memref_squeeze %dma_wait3A_74 : memref<1x512xi32, #tpu.memory_space<vmem>> -> memref<512xi32, #tpu.memory_space<vmem>>
    %dma_wait3A_76 = tpu.memref_slice %arg4[%dma_wait3A, %add3A_70] : memref<2x1600000xi32, #tpu.memory_space<hbm>> -> memref<1x512xi32, #tpu.memory_space<hbm>>
    %dma_wait3A_77 = tpu.memref_squeeze %dma_wait3A_76 : memref<1x512xi32, #tpu.memory_space<hbm>> -> memref<512xi32, #tpu.memory_space<hbm>>
    %dma_wait3A_78 = tpu.memref_slice %arg12[%dma_wait3A_72] : memref<3x!tpu.dma_semaphore, #tpu.memory_space<semaphore_mem>> -> memref<1x!tpu.dma_semaphore, #tpu.memory_space<semaphore_mem>>
    %dma_wait3A_79 = tpu.memref_squeeze %dma_wait3A_78 : memref<1x!tpu.dma_semaphore, #tpu.memory_space<semaphore_mem>> -> memref<!tpu.dma_semaphore, #tpu.memory_space<semaphore_mem>>
    %dma_wait3A_80 = arith.constant 0 : i32
    %dma_wait3A_81 = tpu.memref_slice %arg8[%dma_wait3A_71, %dma_wait3A_80] : memref<3x512xi32, #tpu.memory_space<vmem>> -> memref<1x512xi32, #tpu.memory_space<vmem>>
    %dma_wait3A_82 = tpu.memref_squeeze %dma_wait3A_81 : memref<1x512xi32, #tpu.memory_space<vmem>> -> memref<512xi32, #tpu.memory_space<vmem>>
    %dma_wait3A_83 = tpu.memref_slice %arg4[%dma_wait3A, %add3A_70] : memref<2x1600000xi32, #tpu.memory_space<hbm>> -> memref<1x512xi32, #tpu.memory_space<hbm>>
    %dma_wait3A_84 = tpu.memref_squeeze %dma_wait3A_83 : memref<1x512xi32, #tpu.memory_space<hbm>> -> memref<512xi32, #tpu.memory_space<hbm>>
    tpu.wait_dma2 semaphore(%dma_wait3A_79 : memref<!tpu.dma_semaphore, #tpu.memory_space<semaphore_mem>>) src(%dma_wait3A_84 : memref<512xi32, #tpu.memory_space<hbm>>) dst(%dma_wait3A_82 : memref<512xi32, #tpu.memory_space<vmem>>)
    %add3A_85 = arith.constant 0 : i32
    %add3A_86 = arith.addi %mul3A_0, %add3A_85 : i32
    %dma_wait3A_87 = arith.constant 1 : i32
    %dma_wait3A_88 = arith.constant 0 : i32
    %dma_wait3A_89 = arith.constant 0 : i32
    %dma_wait3A_90 = arith.constant 0 : i32
    %dma_wait3A_91 = tpu.memref_slice %arg9[%dma_wait3A_88, %dma_wait3A_90] : memref<3x512xi32, #tpu.memory_space<vmem>> -> memref<1x512xi32, #tpu.memory_space<vmem>>
    %dma_wait3A_92 = tpu.memref_squeeze %dma_wait3A_91 : memref<1x512xi32, #tpu.memory_space<vmem>> -> memref<512xi32, #tpu.memory_space<vmem>>
    %dma_wait3A_93 = tpu.memref_slice %arg4[%dma_wait3A_87, %add3A_86] : memref<2x1600000xi32, #tpu.memory_space<hbm>> -> memref<1x512xi32, #tpu.memory_space<hbm>>
    %dma_wait3A_94 = tpu.memref_squeeze %dma_wait3A_93 : memref<1x512xi32, #tpu.memory_space<hbm>> -> memref<512xi32, #tpu.memory_space<hbm>>
    %dma_wait3A_95 = tpu.memref_slice %arg12[%dma_wait3A_89] : memref<3x!tpu.dma_semaphore, #tpu.memory_space<semaphore_mem>> -> memref<1x!tpu.dma_semaphore, #tpu.memory_space<semaphore_mem>>
    %dma_wait3A_96 = tpu.memref_squeeze %dma_wait3A_95 : memref<1x!tpu.dma_semaphore, #tpu.memory_space<semaphore_mem>> -> memref<!tpu.dma_semaphore, #tpu.memory_space<semaphore_mem>>
    %dma_wait3A_97 = arith.constant 0 : i32
    %dma_wait3A_98 = tpu.memref_slice %arg9[%dma_wait3A_88, %dma_wait3A_97] : memref<3x512xi32, #tpu.memory_space<vmem>> -> memref<1x512xi32, #tpu.memory_space<vmem>>
    %dma_wait3A_99 = tpu.memref_squeeze %dma_wait3A_98 : memref<1x512xi32, #tpu.memory_space<vmem>> -> memref<512xi32, #tpu.memory_space<vmem>>
    %dma_wait3A_100 = tpu.memref_slice %arg4[%dma_wait3A_87, %add3A_86] : memref<2x1600000xi32, #tpu.memory_space<hbm>> -> memref<1x512xi32, #tpu.memory_space<hbm>>
    %dma_wait3A_101 = tpu.memref_squeeze %dma_wait3A_100 : memref<1x512xi32, #tpu.memory_space<hbm>> -> memref<512xi32, #tpu.memory_space<hbm>>
    tpu.wait_dma2 semaphore(%dma_wait3A_96 : memref<!tpu.dma_semaphore, #tpu.memory_space<semaphore_mem>>) src(%dma_wait3A_101 : memref<512xi32, #tpu.memory_space<hbm>>) dst(%dma_wait3A_99 : memref<512xi32, #tpu.memory_space<vmem>>)
    %eq3A = arith.constant 0 : i32
    %eq3A_102 = arith.cmpi eq, %arg0, %eq3A : i32
    %convert_element_type3A = arith.extui %eq3A_102 : i1 to i32
    %cond3A = arith.constant 0 : i32
    %cond3A_103 = arith.cmpi ne, %convert_element_type3A, %cond3A : i32
    scf.if %cond3A_103 {
      %dma_start3A_157 = arith.constant 0 : i32
      %dma_start3A_158 = arith.constant 0 : i32
      %dma_start3A_159 = arith.constant 0 : i32
      %dma_start3A_160 = arith.constant 0 : i32
      %dma_start3A_161 = arith.constant 0 : i32
      %dma_start3A_162 = tpu.memref_slice %arg11[%dma_start3A_158, %dma_start3A_160, %dma_start3A_161] : memref<3x512x16xf32, #tpu.memory_space<vmem>> -> memref<1x512x16xf32, #tpu.memory_space<vmem>>
      %dma_start3A_163 = tpu.memref_squeeze %dma_start3A_162 : memref<1x512x16xf32, #tpu.memory_space<vmem>> -> memref<512x16xf32, #tpu.memory_space<vmem>>
      %dma_start3A_164 = arith.constant 0 : i32
      %dma_start3A_165 = tpu.memref_slice %arg8[%dma_start3A_157, %dma_start3A_164] : memref<3x512xi32, #tpu.memory_space<vmem>> -> memref<1x512xi32, #tpu.memory_space<vmem>>
      %dma_start3A_166 = tpu.memref_squeeze %dma_start3A_165 : memref<1x512xi32, #tpu.memory_space<vmem>> -> memref<512xi32, #tpu.memory_space<vmem>>
      %dma_start3A_167 = arith.constant 0 : i32
      %dma_start3A_168 = arith.constant 0 : i32
      %dma_start3A_169 = tpu.memref_slice %arg2[%dma_start3A_167, %dma_start3A_168] : memref<100000x16xf32, #tpu.memory_space<hbm>> -> memref<100000x16xf32, #tpu.memory_space<hbm>>
      %dma_start3A_170 = tpu.memref_slice %arg13[%dma_start3A_159] : memref<3x!tpu.dma_semaphore, #tpu.memory_space<semaphore_mem>> -> memref<1x!tpu.dma_semaphore, #tpu.memory_space<semaphore_mem>>
      %dma_start3A_171 = tpu.memref_squeeze %dma_start3A_170 : memref<1x!tpu.dma_semaphore, #tpu.memory_space<semaphore_mem>> -> memref<!tpu.dma_semaphore, #tpu.memory_space<semaphore_mem>>
      tpu.enqueue_indirect_dma source(%dma_start3A_169 : memref<100000x16xf32, #tpu.memory_space<hbm>>) target(%dma_start3A_163 : memref<512x16xf32, #tpu.memory_space<vmem>>) offsets(%dma_start3A_166 : memref<512xi32, #tpu.memory_space<vmem>>) semaphore(%dma_start3A_171 : memref<!tpu.dma_semaphore, #tpu.memory_space<semaphore_mem>>)
    } else {
    }
    %eq3A_104 = arith.constant 1 : i32
    %eq3A_105 = arith.cmpi eq, %arg0, %eq3A_104 : i32
    %convert_element_type3A_106 = arith.extui %eq3A_105 : i1 to i32
    %cond3A_107 = arith.constant 0 : i32
    %cond3A_108 = arith.cmpi ne, %convert_element_type3A_106, %cond3A_107 : i32
    scf.if %cond3A_108 {
      %dma_start3A_157 = arith.constant 0 : i32
      %dma_start3A_158 = arith.constant 0 : i32
      %dma_start3A_159 = arith.constant 0 : i32
      %dma_start3A_160 = arith.constant 0 : i32
      %dma_start3A_161 = arith.constant 0 : i32
      %dma_start3A_162 = tpu.memref_slice %arg11[%dma_start3A_158, %dma_start3A_160, %dma_start3A_161] : memref<3x512x16xf32, #tpu.memory_space<vmem>> -> memref<1x512x16xf32, #tpu.memory_space<vmem>>
      %dma_start3A_163 = tpu.memref_squeeze %dma_start3A_162 : memref<1x512x16xf32, #tpu.memory_space<vmem>> -> memref<512x16xf32, #tpu.memory_space<vmem>>
      %dma_start3A_164 = arith.constant 0 : i32
      %dma_start3A_165 = tpu.memref_slice %arg8[%dma_start3A_157, %dma_start3A_164] : memref<3x512xi32, #tpu.memory_space<vmem>> -> memref<1x512xi32, #tpu.memory_space<vmem>>
      %dma_start3A_166 = tpu.memref_squeeze %dma_start3A_165 : memref<1x512xi32, #tpu.memory_space<vmem>> -> memref<512xi32, #tpu.memory_space<vmem>>
      %dma_start3A_167 = arith.constant 0 : i32
      %dma_start3A_168 = arith.constant 0 : i32
      %dma_start3A_169 = tpu.memref_slice %arg3[%dma_start3A_167, %dma_start3A_168] : memref<100000x16xf32, #tpu.memory_space<hbm>> -> memref<100000x16xf32, #tpu.memory_space<hbm>>
      %dma_start3A_170 = tpu.memref_slice %arg13[%dma_start3A_159] : memref<3x!tpu.dma_semaphore, #tpu.memory_space<semaphore_mem>> -> memref<1x!tpu.dma_semaphore, #tpu.memory_space<semaphore_mem>>
      %dma_start3A_171 = tpu.memref_squeeze %dma_start3A_170 : memref<1x!tpu.dma_semaphore, #tpu.memory_space<semaphore_mem>> -> memref<!tpu.dma_semaphore, #tpu.memory_space<semaphore_mem>>
      tpu.enqueue_indirect_dma source(%dma_start3A_169 : memref<100000x16xf32, #tpu.memory_space<hbm>>) target(%dma_start3A_163 : memref<512x16xf32, #tpu.memory_space<vmem>>) offsets(%dma_start3A_166 : memref<512xi32, #tpu.memory_space<vmem>>) semaphore(%dma_start3A_171 : memref<!tpu.dma_semaphore, #tpu.memory_space<semaphore_mem>>)
    } else {
    }
    %barrier3A = arith.constant 0 : index
    tpu.barrier barrier_id(%barrier3A)
    %scan3A = arith.constant 0 : i32
    %scan3A_109 = arith.constant 195 : i32
    %scan3A_110 = arith.addi %scan3A, %scan3A_109 : i32
    %scan3A_111 = arith.constant 1 : i32
    scf.for %scan3A_157 = %scan3A to %scan3A_110 step %scan3A_111  : i32 {
      %rem3A_158 = arith.constant 3 : i32
      %rem3A_159 = arith.remsi %scan3A_157, %rem3A_158 : i32
      %add3A_160 = arith.constant 1 : i32
      %add3A_161 = arith.addi %scan3A_157, %add3A_160 : i32
      %rem3A_162 = arith.constant 3 : i32
      %rem3A_163 = arith.remsi %add3A_161, %rem3A_162 : i32
      %add3A_164 = arith.constant 2 : i32
      %add3A_165 = arith.addi %scan3A_157, %add3A_164 : i32
      %rem3A_166 = arith.constant 3 : i32
      %rem3A_167 = arith.remsi %add3A_165, %rem3A_166 : i32
      %add3A_168 = arith.constant 1 : i32
      %add3A_169 = arith.addi %scan3A_157, %add3A_168 : i32
      %lt3A = arith.constant 195 : i32
      %lt3A_170 = arith.cmpi slt, %add3A_169, %lt3A : i32
      %convert_element_type3A_171 = arith.extui %lt3A_170 : i1 to i32
      %cond3A_172 = arith.constant 0 : i32
      %cond3A_173 = arith.cmpi ne, %convert_element_type3A_171, %cond3A_172 : i32
      scf.if %cond3A_173 {
        %add3A_207 = arith.constant 1 : i32
        %add3A_208 = arith.addi %scan3A_157, %add3A_207 : i32
        %mul3A_209 = arith.constant 512 : i32
        %mul3A_210 = arith.muli %add3A_208, %mul3A_209 : i32
        %add3A_211 = arith.addi %mul3A_0, %mul3A_210 : i32
        %dma_wait3A_212 = arith.constant 0 : i32
        %dma_wait3A_213 = arith.constant 0 : i32
        %dma_wait3A_214 = tpu.memref_slice %arg8[%rem3A_163, %dma_wait3A_213] : memref<3x512xi32, #tpu.memory_space<vmem>> -> memref<1x512xi32, #tpu.memory_space<vmem>>
        %dma_wait3A_215 = tpu.memref_squeeze %dma_wait3A_214 : memref<1x512xi32, #tpu.memory_space<vmem>> -> memref<512xi32, #tpu.memory_space<vmem>>
        %dma_wait3A_216 = tpu.memref_slice %arg4[%dma_wait3A_212, %add3A_211] : memref<2x1600000xi32, #tpu.memory_space<hbm>> -> memref<1x512xi32, #tpu.memory_space<hbm>>
        %dma_wait3A_217 = tpu.memref_squeeze %dma_wait3A_216 : memref<1x512xi32, #tpu.memory_space<hbm>> -> memref<512xi32, #tpu.memory_space<hbm>>
        %dma_wait3A_218 = tpu.memref_slice %arg12[%rem3A_163] : memref<3x!tpu.dma_semaphore, #tpu.memory_space<semaphore_mem>> -> memref<1x!tpu.dma_semaphore, #tpu.memory_space<semaphore_mem>>
        %dma_wait3A_219 = tpu.memref_squeeze %dma_wait3A_218 : memref<1x!tpu.dma_semaphore, #tpu.memory_space<semaphore_mem>> -> memref<!tpu.dma_semaphore, #tpu.memory_space<semaphore_mem>>
        %dma_wait3A_220 = arith.constant 0 : i32
        %dma_wait3A_221 = tpu.memref_slice %arg8[%rem3A_163, %dma_wait3A_220] : memref<3x512xi32, #tpu.memory_space<vmem>> -> memref<1x512xi32, #tpu.memory_space<vmem>>
        %dma_wait3A_222 = tpu.memref_squeeze %dma_wait3A_221 : memref<1x512xi32, #tpu.memory_space<vmem>> -> memref<512xi32, #tpu.memory_space<vmem>>
        %dma_wait3A_223 = tpu.memref_slice %arg4[%dma_wait3A_212, %add3A_211] : memref<2x1600000xi32, #tpu.memory_space<hbm>> -> memref<1x512xi32, #tpu.memory_space<hbm>>
        %dma_wait3A_224 = tpu.memref_squeeze %dma_wait3A_223 : memref<1x512xi32, #tpu.memory_space<hbm>> -> memref<512xi32, #tpu.memory_space<hbm>>
        tpu.wait_dma2 semaphore(%dma_wait3A_219 : memref<!tpu.dma_semaphore, #tpu.memory_space<semaphore_mem>>) src(%dma_wait3A_224 : memref<512xi32, #tpu.memory_space<hbm>>) dst(%dma_wait3A_222 : memref<512xi32, #tpu.memory_space<vmem>>)
        %mul3A_225 = arith.constant 512 : i32
        %mul3A_226 = arith.muli %add3A_208, %mul3A_225 : i32
        %add3A_227 = arith.addi %mul3A_0, %mul3A_226 : i32
        %dma_wait3A_228 = arith.constant 1 : i32
        %dma_wait3A_229 = arith.constant 0 : i32
        %dma_wait3A_230 = tpu.memref_slice %arg9[%rem3A_163, %dma_wait3A_229] : memref<3x512xi32, #tpu.memory_space<vmem>> -> memref<1x512xi32, #tpu.memory_space<vmem>>
        %dma_wait3A_231 = tpu.memref_squeeze %dma_wait3A_230 : memref<1x512xi32, #tpu.memory_space<vmem>> -> memref<512xi32, #tpu.memory_space<vmem>>
        %dma_wait3A_232 = tpu.memref_slice %arg4[%dma_wait3A_228, %add3A_227] : memref<2x1600000xi32, #tpu.memory_space<hbm>> -> memref<1x512xi32, #tpu.memory_space<hbm>>
        %dma_wait3A_233 = tpu.memref_squeeze %dma_wait3A_232 : memref<1x512xi32, #tpu.memory_space<hbm>> -> memref<512xi32, #tpu.memory_space<hbm>>
        %dma_wait3A_234 = tpu.memref_slice %arg12[%rem3A_163] : memref<3x!tpu.dma_semaphore, #tpu.memory_space<semaphore_mem>> -> memref<1x!tpu.dma_semaphore, #tpu.memory_space<semaphore_mem>>
        %dma_wait3A_235 = tpu.memref_squeeze %dma_wait3A_234 : memref<1x!tpu.dma_semaphore, #tpu.memory_space<semaphore_mem>> -> memref<!tpu.dma_semaphore, #tpu.memory_space<semaphore_mem>>
        %dma_wait3A_236 = arith.constant 0 : i32
        %dma_wait3A_237 = tpu.memref_slice %arg9[%rem3A_163, %dma_wait3A_236] : memref<3x512xi32, #tpu.memory_space<vmem>> -> memref<1x512xi32, #tpu.memory_space<vmem>>
        %dma_wait3A_238 = tpu.memref_squeeze %dma_wait3A_237 : memref<1x512xi32, #tpu.memory_space<vmem>> -> memref<512xi32, #tpu.memory_space<vmem>>
        %dma_wait3A_239 = tpu.memref_slice %arg4[%dma_wait3A_228, %add3A_227] : memref<2x1600000xi32, #tpu.memory_space<hbm>> -> memref<1x512xi32, #tpu.memory_space<hbm>>
        %dma_wait3A_240 = tpu.memref_squeeze %dma_wait3A_239 : memref<1x512xi32, #tpu.memory_space<hbm>> -> memref<512xi32, #tpu.memory_space<hbm>>
        tpu.wait_dma2 semaphore(%dma_wait3A_235 : memref<!tpu.dma_semaphore, #tpu.memory_space<semaphore_mem>>) src(%dma_wait3A_240 : memref<512xi32, #tpu.memory_space<hbm>>) dst(%dma_wait3A_238 : memref<512xi32, #tpu.memory_space<vmem>>)
        %eq3A_241 = arith.constant 0 : i32
        %eq3A_242 = arith.cmpi eq, %arg0, %eq3A_241 : i32
        %convert_element_type3A_243 = arith.extui %eq3A_242 : i1 to i32
        %cond3A_244 = arith.constant 0 : i32
        %cond3A_245 = arith.cmpi ne, %convert_element_type3A_243, %cond3A_244 : i32
        scf.if %cond3A_245 {
          %dma_start3A_251 = arith.constant 0 : i32
          %dma_start3A_252 = arith.constant 0 : i32
          %dma_start3A_253 = tpu.memref_slice %arg11[%rem3A_163, %dma_start3A_251, %dma_start3A_252] : memref<3x512x16xf32, #tpu.memory_space<vmem>> -> memref<1x512x16xf32, #tpu.memory_space<vmem>>
          %dma_start3A_254 = tpu.memref_squeeze %dma_start3A_253 : memref<1x512x16xf32, #tpu.memory_space<vmem>> -> memref<512x16xf32, #tpu.memory_space<vmem>>
          %dma_start3A_255 = arith.constant 0 : i32
          %dma_start3A_256 = tpu.memref_slice %arg8[%rem3A_163, %dma_start3A_255] : memref<3x512xi32, #tpu.memory_space<vmem>> -> memref<1x512xi32, #tpu.memory_space<vmem>>
          %dma_start3A_257 = tpu.memref_squeeze %dma_start3A_256 : memref<1x512xi32, #tpu.memory_space<vmem>> -> memref<512xi32, #tpu.memory_space<vmem>>
          %dma_start3A_258 = arith.constant 0 : i32
          %dma_start3A_259 = arith.constant 0 : i32
          %dma_start3A_260 = tpu.memref_slice %arg2[%dma_start3A_258, %dma_start3A_259] : memref<100000x16xf32, #tpu.memory_space<hbm>> -> memref<100000x16xf32, #tpu.memory_space<hbm>>
          %dma_start3A_261 = tpu.memref_slice %arg13[%rem3A_163] : memref<3x!tpu.dma_semaphore, #tpu.memory_space<semaphore_mem>> -> memref<1x!tpu.dma_semaphore, #tpu.memory_space<semaphore_mem>>
          %dma_start3A_262 = tpu.memref_squeeze %dma_start3A_261 : memref<1x!tpu.dma_semaphore, #tpu.memory_space<semaphore_mem>> -> memref<!tpu.dma_semaphore, #tpu.memory_space<semaphore_mem>>
          tpu.enqueue_indirect_dma source(%dma_start3A_260 : memref<100000x16xf32, #tpu.memory_space<hbm>>) target(%dma_start3A_254 : memref<512x16xf32, #tpu.memory_space<vmem>>) offsets(%dma_start3A_257 : memref<512xi32, #tpu.memory_space<vmem>>) semaphore(%dma_start3A_262 : memref<!tpu.dma_semaphore, #tpu.memory_space<semaphore_mem>>)
        } else {
        }
        %eq3A_246 = arith.constant 1 : i32
        %eq3A_247 = arith.cmpi eq, %arg0, %eq3A_246 : i32
        %convert_element_type3A_248 = arith.extui %eq3A_247 : i1 to i32
        %cond3A_249 = arith.constant 0 : i32
        %cond3A_250 = arith.cmpi ne, %convert_element_type3A_248, %cond3A_249 : i32
        scf.if %cond3A_250 {
          %dma_start3A_251 = arith.constant 0 : i32
          %dma_start3A_252 = arith.constant 0 : i32
          %dma_start3A_253 = tpu.memref_slice %arg11[%rem3A_163, %dma_start3A_251, %dma_start3A_252] : memref<3x512x16xf32, #tpu.memory_space<vmem>> -> memref<1x512x16xf32, #tpu.memory_space<vmem>>
          %dma_start3A_254 = tpu.memref_squeeze %dma_start3A_253 : memref<1x512x16xf32, #tpu.memory_space<vmem>> -> memref<512x16xf32, #tpu.memory_space<vmem>>
          %dma_start3A_255 = arith.constant 0 : i32
          %dma_start3A_256 = tpu.memref_slice %arg8[%rem3A_163, %dma_start3A_255] : memref<3x512xi32, #tpu.memory_space<vmem>> -> memref<1x512xi32, #tpu.memory_space<vmem>>
          %dma_start3A_257 = tpu.memref_squeeze %dma_start3A_256 : memref<1x512xi32, #tpu.memory_space<vmem>> -> memref<512xi32, #tpu.memory_space<vmem>>
          %dma_start3A_258 = arith.constant 0 : i32
          %dma_start3A_259 = arith.constant 0 : i32
          %dma_start3A_260 = tpu.memref_slice %arg3[%dma_start3A_258, %dma_start3A_259] : memref<100000x16xf32, #tpu.memory_space<hbm>> -> memref<100000x16xf32, #tpu.memory_space<hbm>>
          %dma_start3A_261 = tpu.memref_slice %arg13[%rem3A_163] : memref<3x!tpu.dma_semaphore, #tpu.memory_space<semaphore_mem>> -> memref<1x!tpu.dma_semaphore, #tpu.memory_space<semaphore_mem>>
          %dma_start3A_262 = tpu.memref_squeeze %dma_start3A_261 : memref<1x!tpu.dma_semaphore, #tpu.memory_space<semaphore_mem>> -> memref<!tpu.dma_semaphore, #tpu.memory_space<semaphore_mem>>
          tpu.enqueue_indirect_dma source(%dma_start3A_260 : memref<100000x16xf32, #tpu.memory_space<hbm>>) target(%dma_start3A_254 : memref<512x16xf32, #tpu.memory_space<vmem>>) offsets(%dma_start3A_257 : memref<512xi32, #tpu.memory_space<vmem>>) semaphore(%dma_start3A_262 : memref<!tpu.dma_semaphore, #tpu.memory_space<semaphore_mem>>)
        } else {
        }
      } else {
      }
      %eq3A_174 = arith.constant 0 : i32
      %eq3A_175 = arith.cmpi eq, %arg0, %eq3A_174 : i32
      %convert_element_type3A_176 = arith.extui %eq3A_175 : i1 to i32
      %cond3A_177 = arith.constant 0 : i32
      %cond3A_178 = arith.cmpi ne, %convert_element_type3A_176, %cond3A_177 : i32
      scf.if %cond3A_178 {
        %dma_wait3A_207 = arith.constant 0 : i32
        %dma_wait3A_208 = arith.constant 0 : i32
        %dma_wait3A_209 = tpu.memref_slice %arg11[%rem3A_159, %dma_wait3A_207, %dma_wait3A_208] : memref<3x512x16xf32, #tpu.memory_space<vmem>> -> memref<1x512x16xf32, #tpu.memory_space<vmem>>
        %dma_wait3A_210 = tpu.memref_squeeze %dma_wait3A_209 : memref<1x512x16xf32, #tpu.memory_space<vmem>> -> memref<512x16xf32, #tpu.memory_space<vmem>>
        %dma_wait3A_211 = arith.constant 0 : i32
        %dma_wait3A_212 = tpu.memref_slice %arg8[%rem3A_159, %dma_wait3A_211] : memref<3x512xi32, #tpu.memory_space<vmem>> -> memref<1x512xi32, #tpu.memory_space<vmem>>
        %dma_wait3A_213 = tpu.memref_squeeze %dma_wait3A_212 : memref<1x512xi32, #tpu.memory_space<vmem>> -> memref<512xi32, #tpu.memory_space<vmem>>
        %dma_wait3A_214 = arith.constant 0 : i32
        %dma_wait3A_215 = arith.constant 0 : i32
        %dma_wait3A_216 = tpu.memref_slice %arg2[%dma_wait3A_214, %dma_wait3A_215] : memref<100000x16xf32, #tpu.memory_space<hbm>> -> memref<100000x16xf32, #tpu.memory_space<hbm>>
        %dma_wait3A_217 = tpu.memref_slice %arg13[%rem3A_159] : memref<3x!tpu.dma_semaphore, #tpu.memory_space<semaphore_mem>> -> memref<1x!tpu.dma_semaphore, #tpu.memory_space<semaphore_mem>>
        %dma_wait3A_218 = tpu.memref_squeeze %dma_wait3A_217 : memref<1x!tpu.dma_semaphore, #tpu.memory_space<semaphore_mem>> -> memref<!tpu.dma_semaphore, #tpu.memory_space<semaphore_mem>>
        tpu.wait_indirect_dma semaphore(%dma_wait3A_218 : memref<!tpu.dma_semaphore, #tpu.memory_space<semaphore_mem>>) src(%dma_wait3A_216 : memref<100000x16xf32, #tpu.memory_space<hbm>>) dst(%dma_wait3A_210 : memref<512x16xf32, #tpu.memory_space<vmem>>)
      } else {
      }
      %eq3A_179 = arith.constant 1 : i32
      %eq3A_180 = arith.cmpi eq, %arg0, %eq3A_179 : i32
      %convert_element_type3A_181 = arith.extui %eq3A_180 : i1 to i32
      %cond3A_182 = arith.constant 0 : i32
      %cond3A_183 = arith.cmpi ne, %convert_element_type3A_181, %cond3A_182 : i32
      scf.if %cond3A_183 {
        %dma_wait3A_207 = arith.constant 0 : i32
        %dma_wait3A_208 = arith.constant 0 : i32
        %dma_wait3A_209 = tpu.memref_slice %arg11[%rem3A_159, %dma_wait3A_207, %dma_wait3A_208] : memref<3x512x16xf32, #tpu.memory_space<vmem>> -> memref<1x512x16xf32, #tpu.memory_space<vmem>>
        %dma_wait3A_210 = tpu.memref_squeeze %dma_wait3A_209 : memref<1x512x16xf32, #tpu.memory_space<vmem>> -> memref<512x16xf32, #tpu.memory_space<vmem>>
        %dma_wait3A_211 = arith.constant 0 : i32
        %dma_wait3A_212 = tpu.memref_slice %arg8[%rem3A_159, %dma_wait3A_211] : memref<3x512xi32, #tpu.memory_space<vmem>> -> memref<1x512xi32, #tpu.memory_space<vmem>>
        %dma_wait3A_213 = tpu.memref_squeeze %dma_wait3A_212 : memref<1x512xi32, #tpu.memory_space<vmem>> -> memref<512xi32, #tpu.memory_space<vmem>>
        %dma_wait3A_214 = arith.constant 0 : i32
        %dma_wait3A_215 = arith.constant 0 : i32
        %dma_wait3A_216 = tpu.memref_slice %arg3[%dma_wait3A_214, %dma_wait3A_215] : memref<100000x16xf32, #tpu.memory_space<hbm>> -> memref<100000x16xf32, #tpu.memory_space<hbm>>
        %dma_wait3A_217 = tpu.memref_slice %arg13[%rem3A_159] : memref<3x!tpu.dma_semaphore, #tpu.memory_space<semaphore_mem>> -> memref<1x!tpu.dma_semaphore, #tpu.memory_space<semaphore_mem>>
        %dma_wait3A_218 = tpu.memref_squeeze %dma_wait3A_217 : memref<1x!tpu.dma_semaphore, #tpu.memory_space<semaphore_mem>> -> memref<!tpu.dma_semaphore, #tpu.memory_space<semaphore_mem>>
        tpu.wait_indirect_dma semaphore(%dma_wait3A_218 : memref<!tpu.dma_semaphore, #tpu.memory_space<semaphore_mem>>) src(%dma_wait3A_216 : memref<100000x16xf32, #tpu.memory_space<hbm>>) dst(%dma_wait3A_210 : memref<512x16xf32, #tpu.memory_space<vmem>>)
      } else {
      }
      %gt3A = arith.constant 0 : i32
      %gt3A_184 = arith.cmpi sgt, %scan3A_157, %gt3A : i32
      %convert_element_type3A_185 = arith.extui %gt3A_184 : i1 to i32
      %cond3A_186 = arith.constant 0 : i32
      %cond3A_187 = arith.cmpi ne, %convert_element_type3A_185, %cond3A_186 : i32
      scf.if %cond3A_187 {
        %dma_wait3A_207 = arith.constant 0 : i32
        %dma_wait3A_208 = arith.constant 0 : i32
        %dma_wait3A_209 = tpu.memref_slice %arg11[%rem3A_167, %dma_wait3A_207, %dma_wait3A_208] : memref<3x512x16xf32, #tpu.memory_space<vmem>> -> memref<1x512x16xf32, #tpu.memory_space<vmem>>
        %dma_wait3A_210 = tpu.memref_squeeze %dma_wait3A_209 : memref<1x512x16xf32, #tpu.memory_space<vmem>> -> memref<512x16xf32, #tpu.memory_space<vmem>>
        %dma_wait3A_211 = arith.constant 0 : i32
        %dma_wait3A_212 = tpu.memref_slice %arg9[%rem3A_167, %dma_wait3A_211] : memref<3x512xi32, #tpu.memory_space<vmem>> -> memref<1x512xi32, #tpu.memory_space<vmem>>
        %dma_wait3A_213 = tpu.memref_squeeze %dma_wait3A_212 : memref<1x512xi32, #tpu.memory_space<vmem>> -> memref<512xi32, #tpu.memory_space<vmem>>
        %dma_wait3A_214 = arith.constant 0 : i32
        %dma_wait3A_215 = arith.constant 0 : i32
        %dma_wait3A_216 = tpu.memref_slice %arg15[%dma_wait3A_214, %dma_wait3A_215] : memref<100352x16xf32, #tpu.memory_space<vmem_shared>> -> memref<100352x16xf32, #tpu.memory_space<vmem_shared>>
        %dma_wait3A_217 = tpu.memref_slice %arg14[%rem3A_167] : memref<3x!tpu.dma_semaphore, #tpu.memory_space<semaphore_mem>> -> memref<1x!tpu.dma_semaphore, #tpu.memory_space<semaphore_mem>>
        %dma_wait3A_218 = tpu.memref_squeeze %dma_wait3A_217 : memref<1x!tpu.dma_semaphore, #tpu.memory_space<semaphore_mem>> -> memref<!tpu.dma_semaphore, #tpu.memory_space<semaphore_mem>>
        tpu.wait_indirect_dma semaphore(%dma_wait3A_218 : memref<!tpu.dma_semaphore, #tpu.memory_space<semaphore_mem>>) src(%dma_wait3A_210 : memref<512x16xf32, #tpu.memory_space<vmem>>) dst(%dma_wait3A_216 : memref<100352x16xf32, #tpu.memory_space<vmem_shared>>)
      } else {
      }
      %dma_start3A_188 = arith.constant 0 : i32
      %dma_start3A_189 = arith.constant 0 : i32
      %dma_start3A_190 = tpu.memref_slice %arg11[%rem3A_159, %dma_start3A_188, %dma_start3A_189] : memref<3x512x16xf32, #tpu.memory_space<vmem>> -> memref<1x512x16xf32, #tpu.memory_space<vmem>>
      %dma_start3A_191 = tpu.memref_squeeze %dma_start3A_190 : memref<1x512x16xf32, #tpu.memory_space<vmem>> -> memref<512x16xf32, #tpu.memory_space<vmem>>
      %dma_start3A_192 = arith.constant 0 : i32
      %dma_start3A_193 = tpu.memref_slice %arg9[%rem3A_159, %dma_start3A_192] : memref<3x512xi32, #tpu.memory_space<vmem>> -> memref<1x512xi32, #tpu.memory_space<vmem>>
      %dma_start3A_194 = tpu.memref_squeeze %dma_start3A_193 : memref<1x512xi32, #tpu.memory_space<vmem>> -> memref<512xi32, #tpu.memory_space<vmem>>
      %dma_start3A_195 = arith.constant 0 : i32
      %dma_start3A_196 = arith.constant 0 : i32
      %dma_start3A_197 = tpu.memref_slice %arg15[%dma_start3A_195, %dma_start3A_196] : memref<100352x16xf32, #tpu.memory_space<vmem_shared>> -> memref<100352x16xf32, #tpu.memory_space<vmem_shared>>
      %dma_start3A_198 = tpu.memref_slice %arg14[%rem3A_159] : memref<3x!tpu.dma_semaphore, #tpu.memory_space<semaphore_mem>> -> memref<1x!tpu.dma_semaphore, #tpu.memory_space<semaphore_mem>>
      %dma_start3A_199 = tpu.memref_squeeze %dma_start3A_198 : memref<1x!tpu.dma_semaphore, #tpu.memory_space<semaphore_mem>> -> memref<!tpu.dma_semaphore, #tpu.memory_space<semaphore_mem>>
      tpu.enqueue_indirect_dma source(%dma_start3A_191 : memref<512x16xf32, #tpu.memory_space<vmem>>) target(%dma_start3A_197 : memref<100352x16xf32, #tpu.memory_space<vmem_shared>>) offsets(%dma_start3A_194 : memref<512xi32, #tpu.memory_space<vmem>>) semaphore(%dma_start3A_199 : memref<!tpu.dma_semaphore, #tpu.memory_space<semaphore_mem>>) {add = true}
      %add3A_200 = arith.constant 2 : i32
      %add3A_201 = arith.addi %scan3A_157, %add3A_200 : i32
      %lt3A_202 = arith.constant 195 : i32
      %lt3A_203 = arith.cmpi slt, %add3A_201, %lt3A_202 : i32
      %convert_element_type3A_204 = arith.extui %lt3A_203 : i1 to i32
      %cond3A_205 = arith.constant 0 : i32
      %cond3A_206 = arith.cmpi ne, %convert_element_type3A_204, %cond3A_205 : i32
      scf.if %cond3A_206 {
        %add3A_207 = arith.constant 2 : i32
        %add3A_208 = arith.addi %scan3A_157, %add3A_207 : i32
        %mul3A_209 = arith.constant 512 : i32
        %mul3A_210 = arith.muli %add3A_208, %mul3A_209 : i32
        %add3A_211 = arith.addi %mul3A_0, %mul3A_210 : i32
        %dma_start3A_212 = arith.constant 0 : i32
        %dma_start3A_213 = arith.constant 0 : i32
        %dma_start3A_214 = tpu.memref_slice %arg8[%rem3A_167, %dma_start3A_213] : memref<3x512xi32, #tpu.memory_space<vmem>> -> memref<1x512xi32, #tpu.memory_space<vmem>>
        %dma_start3A_215 = tpu.memref_squeeze %dma_start3A_214 : memref<1x512xi32, #tpu.memory_space<vmem>> -> memref<512xi32, #tpu.memory_space<vmem>>
        %dma_start3A_216 = tpu.memref_slice %arg4[%dma_start3A_212, %add3A_211] : memref<2x1600000xi32, #tpu.memory_space<hbm>> -> memref<1x512xi32, #tpu.memory_space<hbm>>
        %dma_start3A_217 = tpu.memref_squeeze %dma_start3A_216 : memref<1x512xi32, #tpu.memory_space<hbm>> -> memref<512xi32, #tpu.memory_space<hbm>>
        %dma_start3A_218 = tpu.memref_slice %arg12[%rem3A_167] : memref<3x!tpu.dma_semaphore, #tpu.memory_space<semaphore_mem>> -> memref<1x!tpu.dma_semaphore, #tpu.memory_space<semaphore_mem>>
        %dma_start3A_219 = tpu.memref_squeeze %dma_start3A_218 : memref<1x!tpu.dma_semaphore, #tpu.memory_space<semaphore_mem>> -> memref<!tpu.dma_semaphore, #tpu.memory_space<semaphore_mem>>
        %dma_start3A_220 = arith.constant 0 : i32
        %dma_start3A_221 = tpu.memref_slice %arg8[%rem3A_167, %dma_start3A_220] : memref<3x512xi32, #tpu.memory_space<vmem>> -> memref<1x512xi32, #tpu.memory_space<vmem>>
        %dma_start3A_222 = tpu.memref_squeeze %dma_start3A_221 : memref<1x512xi32, #tpu.memory_space<vmem>> -> memref<512xi32, #tpu.memory_space<vmem>>
        %dma_start3A_223 = tpu.memref_slice %arg4[%dma_start3A_212, %add3A_211] : memref<2x1600000xi32, #tpu.memory_space<hbm>> -> memref<1x512xi32, #tpu.memory_space<hbm>>
        %dma_start3A_224 = tpu.memref_squeeze %dma_start3A_223 : memref<1x512xi32, #tpu.memory_space<hbm>> -> memref<512xi32, #tpu.memory_space<hbm>>
        tpu.enqueue_dma source(%dma_start3A_224 : memref<512xi32, #tpu.memory_space<hbm>>) target(%dma_start3A_222 : memref<512xi32, #tpu.memory_space<vmem>>) target_semaphore(%dma_start3A_219 : memref<!tpu.dma_semaphore, #tpu.memory_space<semaphore_mem>>)
        %mul3A_225 = arith.constant 512 : i32
        %mul3A_226 = arith.muli %add3A_208, %mul3A_225 : i32
        %add3A_227 = arith.addi %mul3A_0, %mul3A_226 : i32
        %dma_start3A_228 = arith.constant 1 : i32
        %dma_start3A_229 = arith.constant 0 : i32
        %dma_start3A_230 = tpu.memref_slice %arg9[%rem3A_167, %dma_start3A_229] : memref<3x512xi32, #tpu.memory_space<vmem>> -> memref<1x512xi32, #tpu.memory_space<vmem>>
        %dma_start3A_231 = tpu.memref_squeeze %dma_start3A_230 : memref<1x512xi32, #tpu.memory_space<vmem>> -> memref<512xi32, #tpu.memory_space<vmem>>
        %dma_start3A_232 = tpu.memref_slice %arg4[%dma_start3A_228, %add3A_227] : memref<2x1600000xi32, #tpu.memory_space<hbm>> -> memref<1x512xi32, #tpu.memory_space<hbm>>
        %dma_start3A_233 = tpu.memref_squeeze %dma_start3A_232 : memref<1x512xi32, #tpu.memory_space<hbm>> -> memref<512xi32, #tpu.memory_space<hbm>>
        %dma_start3A_234 = tpu.memref_slice %arg12[%rem3A_167] : memref<3x!tpu.dma_semaphore, #tpu.memory_space<semaphore_mem>> -> memref<1x!tpu.dma_semaphore, #tpu.memory_space<semaphore_mem>>
        %dma_start3A_235 = tpu.memref_squeeze %dma_start3A_234 : memref<1x!tpu.dma_semaphore, #tpu.memory_space<semaphore_mem>> -> memref<!tpu.dma_semaphore, #tpu.memory_space<semaphore_mem>>
        %dma_start3A_236 = arith.constant 0 : i32
        %dma_start3A_237 = tpu.memref_slice %arg9[%rem3A_167, %dma_start3A_236] : memref<3x512xi32, #tpu.memory_space<vmem>> -> memref<1x512xi32, #tpu.memory_space<vmem>>
        %dma_start3A_238 = tpu.memref_squeeze %dma_start3A_237 : memref<1x512xi32, #tpu.memory_space<vmem>> -> memref<512xi32, #tpu.memory_space<vmem>>
        %dma_start3A_239 = tpu.memref_slice %arg4[%dma_start3A_228, %add3A_227] : memref<2x1600000xi32, #tpu.memory_space<hbm>> -> memref<1x512xi32, #tpu.memory_space<hbm>>
        %dma_start3A_240 = tpu.memref_squeeze %dma_start3A_239 : memref<1x512xi32, #tpu.memory_space<hbm>> -> memref<512xi32, #tpu.memory_space<hbm>>
        tpu.enqueue_dma source(%dma_start3A_240 : memref<512xi32, #tpu.memory_space<hbm>>) target(%dma_start3A_238 : memref<512xi32, #tpu.memory_space<vmem>>) target_semaphore(%dma_start3A_235 : memref<!tpu.dma_semaphore, #tpu.memory_space<semaphore_mem>>)
      } else {
      }
    }
    %scan3A_112 = arith.constant 195 : i32
    %rem3A = arith.constant 194 : i32
    %rem3A_113 = arith.constant 3 : i32
    %rem3A_114 = arith.remsi %rem3A, %rem3A_113 : i32
    %dma_wait3A_115 = arith.constant 0 : i32
    %dma_wait3A_116 = arith.constant 0 : i32
    %dma_wait3A_117 = tpu.memref_slice %arg11[%rem3A_114, %dma_wait3A_115, %dma_wait3A_116] : memref<3x512x16xf32, #tpu.memory_space<vmem>> -> memref<1x512x16xf32, #tpu.memory_space<vmem>>
    %dma_wait3A_118 = tpu.memref_squeeze %dma_wait3A_117 : memref<1x512x16xf32, #tpu.memory_space<vmem>> -> memref<512x16xf32, #tpu.memory_space<vmem>>
    %dma_wait3A_119 = arith.constant 0 : i32
    %dma_wait3A_120 = tpu.memref_slice %arg9[%rem3A_114, %dma_wait3A_119] : memref<3x512xi32, #tpu.memory_space<vmem>> -> memref<1x512xi32, #tpu.memory_space<vmem>>
    %dma_wait3A_121 = tpu.memref_squeeze %dma_wait3A_120 : memref<1x512xi32, #tpu.memory_space<vmem>> -> memref<512xi32, #tpu.memory_space<vmem>>
    %dma_wait3A_122 = arith.constant 0 : i32
    %dma_wait3A_123 = arith.constant 0 : i32
    %dma_wait3A_124 = tpu.memref_slice %arg15[%dma_wait3A_122, %dma_wait3A_123] : memref<100352x16xf32, #tpu.memory_space<vmem_shared>> -> memref<100352x16xf32, #tpu.memory_space<vmem_shared>>
    %dma_wait3A_125 = tpu.memref_slice %arg14[%rem3A_114] : memref<3x!tpu.dma_semaphore, #tpu.memory_space<semaphore_mem>> -> memref<1x!tpu.dma_semaphore, #tpu.memory_space<semaphore_mem>>
    %dma_wait3A_126 = tpu.memref_squeeze %dma_wait3A_125 : memref<1x!tpu.dma_semaphore, #tpu.memory_space<semaphore_mem>> -> memref<!tpu.dma_semaphore, #tpu.memory_space<semaphore_mem>>
    tpu.wait_indirect_dma semaphore(%dma_wait3A_126 : memref<!tpu.dma_semaphore, #tpu.memory_space<semaphore_mem>>) src(%dma_wait3A_118 : memref<512x16xf32, #tpu.memory_space<vmem>>) dst(%dma_wait3A_124 : memref<100352x16xf32, #tpu.memory_space<vmem_shared>>)
    %add3A_127 = arith.constant 99840 : i32
    %add3A_128 = arith.addi %mul3A_0, %add3A_127 : i32
    %run_scoped3A = arith.constant 0 : i32
    %run_scoped3A_129 = arith.constant 0 : i32
    "tpu.region"() ({
      %run_scoped3A_157 = tpu.sem_alloc : memref<!tpu.dma_semaphore, #tpu.memory_space<semaphore_mem>>
      %dma_start3A_158 = arith.constant 0 : i32
      %dma_start3A_159 = tpu.memref_slice %arg10[%run_scoped3A_129, %dma_start3A_158] : memref<2x160xi32, #tpu.memory_space<vmem>> -> memref<1x160xi32, #tpu.memory_space<vmem>>
      %dma_start3A_160 = tpu.memref_squeeze %dma_start3A_159 : memref<1x160xi32, #tpu.memory_space<vmem>> -> memref<160xi32, #tpu.memory_space<vmem>>
      %dma_start3A_161 = tpu.memref_slice %arg4[%run_scoped3A, %add3A_128] : memref<2x1600000xi32, #tpu.memory_space<hbm>> -> memref<1x160xi32, #tpu.memory_space<hbm>>
      %dma_start3A_162 = tpu.memref_squeeze %dma_start3A_161 : memref<1x160xi32, #tpu.memory_space<hbm>> -> memref<160xi32, #tpu.memory_space<hbm>>
      %dma_start3A_163 = arith.constant 0 : i32
      %dma_start3A_164 = tpu.memref_slice %arg10[%run_scoped3A_129, %dma_start3A_163] : memref<2x160xi32, #tpu.memory_space<vmem>> -> memref<1x160xi32, #tpu.memory_space<vmem>>
      %dma_start3A_165 = tpu.memref_squeeze %dma_start3A_164 : memref<1x160xi32, #tpu.memory_space<vmem>> -> memref<160xi32, #tpu.memory_space<vmem>>
      %dma_start3A_166 = tpu.memref_slice %arg4[%run_scoped3A, %add3A_128] : memref<2x1600000xi32, #tpu.memory_space<hbm>> -> memref<1x160xi32, #tpu.memory_space<hbm>>
      %dma_start3A_167 = tpu.memref_squeeze %dma_start3A_166 : memref<1x160xi32, #tpu.memory_space<hbm>> -> memref<160xi32, #tpu.memory_space<hbm>>
      tpu.enqueue_dma source(%dma_start3A_167 : memref<160xi32, #tpu.memory_space<hbm>>) target(%dma_start3A_165 : memref<160xi32, #tpu.memory_space<vmem>>) target_semaphore(%run_scoped3A_157 : memref<!tpu.dma_semaphore, #tpu.memory_space<semaphore_mem>>)
      %dma_wait3A_168 = arith.constant 0 : i32
      %dma_wait3A_169 = tpu.memref_slice %arg10[%run_scoped3A_129, %dma_wait3A_168] : memref<2x160xi32, #tpu.memory_space<vmem>> -> memref<1x160xi32, #tpu.memory_space<vmem>>
      %dma_wait3A_170 = tpu.memref_squeeze %dma_wait3A_169 : memref<1x160xi32, #tpu.memory_space<vmem>> -> memref<160xi32, #tpu.memory_space<vmem>>
      %dma_wait3A_171 = tpu.memref_slice %arg4[%run_scoped3A, %add3A_128] : memref<2x1600000xi32, #tpu.memory_space<hbm>> -> memref<1x160xi32, #tpu.memory_space<hbm>>
      %dma_wait3A_172 = tpu.memref_squeeze %dma_wait3A_171 : memref<1x160xi32, #tpu.memory_space<hbm>> -> memref<160xi32, #tpu.memory_space<hbm>>
      %dma_wait3A_173 = arith.constant 0 : i32
      %dma_wait3A_174 = tpu.memref_slice %arg10[%run_scoped3A_129, %dma_wait3A_173] : memref<2x160xi32, #tpu.memory_space<vmem>> -> memref<1x160xi32, #tpu.memory_space<vmem>>
      %dma_wait3A_175 = tpu.memref_squeeze %dma_wait3A_174 : memref<1x160xi32, #tpu.memory_space<vmem>> -> memref<160xi32, #tpu.memory_space<vmem>>
      %dma_wait3A_176 = tpu.memref_slice %arg4[%run_scoped3A, %add3A_128] : memref<2x1600000xi32, #tpu.memory_space<hbm>> -> memref<1x160xi32, #tpu.memory_space<hbm>>
      %dma_wait3A_177 = tpu.memref_squeeze %dma_wait3A_176 : memref<1x160xi32, #tpu.memory_space<hbm>> -> memref<160xi32, #tpu.memory_space<hbm>>
      tpu.wait_dma2 semaphore(%run_scoped3A_157 : memref<!tpu.dma_semaphore, #tpu.memory_space<semaphore_mem>>) src(%dma_wait3A_177 : memref<160xi32, #tpu.memory_space<hbm>>) dst(%dma_wait3A_175 : memref<160xi32, #tpu.memory_space<vmem>>)
      tpu.yield
    }) : () -> ()
    %run_scoped3A_130 = arith.constant 1 : i32
    %run_scoped3A_131 = arith.constant 1 : i32
    "tpu.region"() ({
      %run_scoped3A_157 = tpu.sem_alloc : memref<!tpu.dma_semaphore, #tpu.memory_space<semaphore_mem>>
      %dma_start3A_158 = arith.constant 0 : i32
      %dma_start3A_159 = tpu.memref_slice %arg10[%run_scoped3A_131, %dma_start3A_158] : memref<2x160xi32, #tpu.memory_space<vmem>> -> memref<1x160xi32, #tpu.memory_space<vmem>>
      %dma_start3A_160 = tpu.memref_squeeze %dma_start3A_159 : memref<1x160xi32, #tpu.memory_space<vmem>> -> memref<160xi32, #tpu.memory_space<vmem>>
      %dma_start3A_161 = tpu.memref_slice %arg4[%run_scoped3A_130, %add3A_128] : memref<2x1600000xi32, #tpu.memory_space<hbm>> -> memref<1x160xi32, #tpu.memory_space<hbm>>
      %dma_start3A_162 = tpu.memref_squeeze %dma_start3A_161 : memref<1x160xi32, #tpu.memory_space<hbm>> -> memref<160xi32, #tpu.memory_space<hbm>>
      %dma_start3A_163 = arith.constant 0 : i32
      %dma_start3A_164 = tpu.memref_slice %arg10[%run_scoped3A_131, %dma_start3A_163] : memref<2x160xi32, #tpu.memory_space<vmem>> -> memref<1x160xi32, #tpu.memory_space<vmem>>
      %dma_start3A_165 = tpu.memref_squeeze %dma_start3A_164 : memref<1x160xi32, #tpu.memory_space<vmem>> -> memref<160xi32, #tpu.memory_space<vmem>>
      %dma_start3A_166 = tpu.memref_slice %arg4[%run_scoped3A_130, %add3A_128] : memref<2x1600000xi32, #tpu.memory_space<hbm>> -> memref<1x160xi32, #tpu.memory_space<hbm>>
      %dma_start3A_167 = tpu.memref_squeeze %dma_start3A_166 : memref<1x160xi32, #tpu.memory_space<hbm>> -> memref<160xi32, #tpu.memory_space<hbm>>
      tpu.enqueue_dma source(%dma_start3A_167 : memref<160xi32, #tpu.memory_space<hbm>>) target(%dma_start3A_165 : memref<160xi32, #tpu.memory_space<vmem>>) target_semaphore(%run_scoped3A_157 : memref<!tpu.dma_semaphore, #tpu.memory_space<semaphore_mem>>)
      %dma_wait3A_168 = arith.constant 0 : i32
      %dma_wait3A_169 = tpu.memref_slice %arg10[%run_scoped3A_131, %dma_wait3A_168] : memref<2x160xi32, #tpu.memory_space<vmem>> -> memref<1x160xi32, #tpu.memory_space<vmem>>
      %dma_wait3A_170 = tpu.memref_squeeze %dma_wait3A_169 : memref<1x160xi32, #tpu.memory_space<vmem>> -> memref<160xi32, #tpu.memory_space<vmem>>
      %dma_wait3A_171 = tpu.memref_slice %arg4[%run_scoped3A_130, %add3A_128] : memref<2x1600000xi32, #tpu.memory_space<hbm>> -> memref<1x160xi32, #tpu.memory_space<hbm>>
      %dma_wait3A_172 = tpu.memref_squeeze %dma_wait3A_171 : memref<1x160xi32, #tpu.memory_space<hbm>> -> memref<160xi32, #tpu.memory_space<hbm>>
      %dma_wait3A_173 = arith.constant 0 : i32
      %dma_wait3A_174 = tpu.memref_slice %arg10[%run_scoped3A_131, %dma_wait3A_173] : memref<2x160xi32, #tpu.memory_space<vmem>> -> memref<1x160xi32, #tpu.memory_space<vmem>>
      %dma_wait3A_175 = tpu.memref_squeeze %dma_wait3A_174 : memref<1x160xi32, #tpu.memory_space<vmem>> -> memref<160xi32, #tpu.memory_space<vmem>>
      %dma_wait3A_176 = tpu.memref_slice %arg4[%run_scoped3A_130, %add3A_128] : memref<2x1600000xi32, #tpu.memory_space<hbm>> -> memref<1x160xi32, #tpu.memory_space<hbm>>
      %dma_wait3A_177 = tpu.memref_squeeze %dma_wait3A_176 : memref<1x160xi32, #tpu.memory_space<hbm>> -> memref<160xi32, #tpu.memory_space<hbm>>
      tpu.wait_dma2 semaphore(%run_scoped3A_157 : memref<!tpu.dma_semaphore, #tpu.memory_space<semaphore_mem>>) src(%dma_wait3A_177 : memref<160xi32, #tpu.memory_space<hbm>>) dst(%dma_wait3A_175 : memref<160xi32, #tpu.memory_space<vmem>>)
      tpu.yield
    }) : () -> ()
    %eq3A_132 = arith.constant 0 : i32
    %eq3A_133 = arith.cmpi eq, %arg0, %eq3A_132 : i32
    %convert_element_type3A_134 = arith.extui %eq3A_133 : i1 to i32
    %cond3A_135 = arith.constant 0 : i32
    %cond3A_136 = arith.cmpi ne, %convert_element_type3A_134, %cond3A_135 : i32
    scf.if %cond3A_136 {
      %run_scoped3A_157 = arith.constant 0 : i32
      %run_scoped3A_158 = arith.constant 0 : i32
      "tpu.region"() ({
        %run_scoped3A_159 = tpu.sem_alloc : memref<!tpu.dma_semaphore, #tpu.memory_space<semaphore_mem>>
        %dma_start3A_160 = arith.constant 0 : i32
        %dma_start3A_161 = arith.constant 0 : i32
        %dma_start3A_162 = tpu.memref_slice %arg11[%run_scoped3A_158, %dma_start3A_160, %dma_start3A_161] : memref<3x512x16xf32, #tpu.memory_space<vmem>> -> memref<1x160x16xf32, #tpu.memory_space<vmem>>
        %dma_start3A_163 = tpu.memref_squeeze %dma_start3A_162 : memref<1x160x16xf32, #tpu.memory_space<vmem>> -> memref<160x16xf32, #tpu.memory_space<vmem>>
        %dma_start3A_164 = arith.constant 0 : i32
        %dma_start3A_165 = tpu.memref_slice %arg10[%run_scoped3A_157, %dma_start3A_164] : memref<2x160xi32, #tpu.memory_space<vmem>> -> memref<1x160xi32, #tpu.memory_space<vmem>>
        %dma_start3A_166 = tpu.memref_squeeze %dma_start3A_165 : memref<1x160xi32, #tpu.memory_space<vmem>> -> memref<160xi32, #tpu.memory_space<vmem>>
        %dma_start3A_167 = arith.constant 0 : i32
        %dma_start3A_168 = arith.constant 0 : i32
        %dma_start3A_169 = tpu.memref_slice %arg2[%dma_start3A_167, %dma_start3A_168] : memref<100000x16xf32, #tpu.memory_space<hbm>> -> memref<100000x16xf32, #tpu.memory_space<hbm>>
        tpu.enqueue_indirect_dma source(%dma_start3A_169 : memref<100000x16xf32, #tpu.memory_space<hbm>>) target(%dma_start3A_163 : memref<160x16xf32, #tpu.memory_space<vmem>>) offsets(%dma_start3A_166 : memref<160xi32, #tpu.memory_space<vmem>>) semaphore(%run_scoped3A_159 : memref<!tpu.dma_semaphore, #tpu.memory_space<semaphore_mem>>)
        %dma_wait3A_170 = arith.constant 0 : i32
        %dma_wait3A_171 = arith.constant 0 : i32
        %dma_wait3A_172 = tpu.memref_slice %arg11[%run_scoped3A_158, %dma_wait3A_170, %dma_wait3A_171] : memref<3x512x16xf32, #tpu.memory_space<vmem>> -> memref<1x160x16xf32, #tpu.memory_space<vmem>>
        %dma_wait3A_173 = tpu.memref_squeeze %dma_wait3A_172 : memref<1x160x16xf32, #tpu.memory_space<vmem>> -> memref<160x16xf32, #tpu.memory_space<vmem>>
        %dma_wait3A_174 = arith.constant 0 : i32
        %dma_wait3A_175 = tpu.memref_slice %arg10[%run_scoped3A_157, %dma_wait3A_174] : memref<2x160xi32, #tpu.memory_space<vmem>> -> memref<1x160xi32, #tpu.memory_space<vmem>>
        %dma_wait3A_176 = tpu.memref_squeeze %dma_wait3A_175 : memref<1x160xi32, #tpu.memory_space<vmem>> -> memref<160xi32, #tpu.memory_space<vmem>>
        %dma_wait3A_177 = arith.constant 0 : i32
        %dma_wait3A_178 = arith.constant 0 : i32
        %dma_wait3A_179 = tpu.memref_slice %arg2[%dma_wait3A_177, %dma_wait3A_178] : memref<100000x16xf32, #tpu.memory_space<hbm>> -> memref<100000x16xf32, #tpu.memory_space<hbm>>
        tpu.wait_indirect_dma semaphore(%run_scoped3A_159 : memref<!tpu.dma_semaphore, #tpu.memory_space<semaphore_mem>>) src(%dma_wait3A_179 : memref<100000x16xf32, #tpu.memory_space<hbm>>) dst(%dma_wait3A_173 : memref<160x16xf32, #tpu.memory_space<vmem>>)
        tpu.yield
      }) : () -> ()
    } else {
    }
    %eq3A_137 = arith.constant 1 : i32
    %eq3A_138 = arith.cmpi eq, %arg0, %eq3A_137 : i32
    %convert_element_type3A_139 = arith.extui %eq3A_138 : i1 to i32
    %cond3A_140 = arith.constant 0 : i32
    %cond3A_141 = arith.cmpi ne, %convert_element_type3A_139, %cond3A_140 : i32
    scf.if %cond3A_141 {
      %run_scoped3A_157 = arith.constant 0 : i32
      %run_scoped3A_158 = arith.constant 0 : i32
      "tpu.region"() ({
        %run_scoped3A_159 = tpu.sem_alloc : memref<!tpu.dma_semaphore, #tpu.memory_space<semaphore_mem>>
        %dma_start3A_160 = arith.constant 0 : i32
        %dma_start3A_161 = arith.constant 0 : i32
        %dma_start3A_162 = tpu.memref_slice %arg11[%run_scoped3A_158, %dma_start3A_160, %dma_start3A_161] : memref<3x512x16xf32, #tpu.memory_space<vmem>> -> memref<1x160x16xf32, #tpu.memory_space<vmem>>
        %dma_start3A_163 = tpu.memref_squeeze %dma_start3A_162 : memref<1x160x16xf32, #tpu.memory_space<vmem>> -> memref<160x16xf32, #tpu.memory_space<vmem>>
        %dma_start3A_164 = arith.constant 0 : i32
        %dma_start3A_165 = tpu.memref_slice %arg10[%run_scoped3A_157, %dma_start3A_164] : memref<2x160xi32, #tpu.memory_space<vmem>> -> memref<1x160xi32, #tpu.memory_space<vmem>>
        %dma_start3A_166 = tpu.memref_squeeze %dma_start3A_165 : memref<1x160xi32, #tpu.memory_space<vmem>> -> memref<160xi32, #tpu.memory_space<vmem>>
        %dma_start3A_167 = arith.constant 0 : i32
        %dma_start3A_168 = arith.constant 0 : i32
        %dma_start3A_169 = tpu.memref_slice %arg3[%dma_start3A_167, %dma_start3A_168] : memref<100000x16xf32, #tpu.memory_space<hbm>> -> memref<100000x16xf32, #tpu.memory_space<hbm>>
        tpu.enqueue_indirect_dma source(%dma_start3A_169 : memref<100000x16xf32, #tpu.memory_space<hbm>>) target(%dma_start3A_163 : memref<160x16xf32, #tpu.memory_space<vmem>>) offsets(%dma_start3A_166 : memref<160xi32, #tpu.memory_space<vmem>>) semaphore(%run_scoped3A_159 : memref<!tpu.dma_semaphore, #tpu.memory_space<semaphore_mem>>)
        %dma_wait3A_170 = arith.constant 0 : i32
        %dma_wait3A_171 = arith.constant 0 : i32
        %dma_wait3A_172 = tpu.memref_slice %arg11[%run_scoped3A_158, %dma_wait3A_170, %dma_wait3A_171] : memref<3x512x16xf32, #tpu.memory_space<vmem>> -> memref<1x160x16xf32, #tpu.memory_space<vmem>>
        %dma_wait3A_173 = tpu.memref_squeeze %dma_wait3A_172 : memref<1x160x16xf32, #tpu.memory_space<vmem>> -> memref<160x16xf32, #tpu.memory_space<vmem>>
        %dma_wait3A_174 = arith.constant 0 : i32
        %dma_wait3A_175 = tpu.memref_slice %arg10[%run_scoped3A_157, %dma_wait3A_174] : memref<2x160xi32, #tpu.memory_space<vmem>> -> memref<1x160xi32, #tpu.memory_space<vmem>>
        %dma_wait3A_176 = tpu.memref_squeeze %dma_wait3A_175 : memref<1x160xi32, #tpu.memory_space<vmem>> -> memref<160xi32, #tpu.memory_space<vmem>>
        %dma_wait3A_177 = arith.constant 0 : i32
        %dma_wait3A_178 = arith.constant 0 : i32
        %dma_wait3A_179 = tpu.memref_slice %arg3[%dma_wait3A_177, %dma_wait3A_178] : memref<100000x16xf32, #tpu.memory_space<hbm>> -> memref<100000x16xf32, #tpu.memory_space<hbm>>
        tpu.wait_indirect_dma semaphore(%run_scoped3A_159 : memref<!tpu.dma_semaphore, #tpu.memory_space<semaphore_mem>>) src(%dma_wait3A_179 : memref<100000x16xf32, #tpu.memory_space<hbm>>) dst(%dma_wait3A_173 : memref<160x16xf32, #tpu.memory_space<vmem>>)
        tpu.yield
      }) : () -> ()
    } else {
    }
    %run_scoped3A_142 = arith.constant 0 : i32
    %run_scoped3A_143 = arith.constant 1 : i32
    "tpu.region"() ({
      %run_scoped3A_157 = tpu.sem_alloc : memref<!tpu.dma_semaphore, #tpu.memory_space<semaphore_mem>>
      %dma_start3A_158 = arith.constant 0 : i32
      %dma_start3A_159 = arith.constant 0 : i32
      %dma_start3A_160 = tpu.memref_slice %arg11[%run_scoped3A_142, %dma_start3A_158, %dma_start3A_159] : memref<3x512x16xf32, #tpu.memory_space<vmem>> -> memref<1x160x16xf32, #tpu.memory_space<vmem>>
      %dma_start3A_161 = tpu.memref_squeeze %dma_start3A_160 : memref<1x160x16xf32, #tpu.memory_space<vmem>> -> memref<160x16xf32, #tpu.memory_space<vmem>>
      %dma_start3A_162 = arith.constant 0 : i32
      %dma_start3A_163 = tpu.memref_slice %arg10[%run_scoped3A_143, %dma_start3A_162] : memref<2x160xi32, #tpu.memory_space<vmem>> -> memref<1x160xi32, #tpu.memory_space<vmem>>
      %dma_start3A_164 = tpu.memref_squeeze %dma_start3A_163 : memref<1x160xi32, #tpu.memory_space<vmem>> -> memref<160xi32, #tpu.memory_space<vmem>>
      %dma_start3A_165 = arith.constant 0 : i32
      %dma_start3A_166 = arith.constant 0 : i32
      %dma_start3A_167 = tpu.memref_slice %arg15[%dma_start3A_165, %dma_start3A_166] : memref<100352x16xf32, #tpu.memory_space<vmem_shared>> -> memref<100352x16xf32, #tpu.memory_space<vmem_shared>>
      tpu.enqueue_indirect_dma source(%dma_start3A_161 : memref<160x16xf32, #tpu.memory_space<vmem>>) target(%dma_start3A_167 : memref<100352x16xf32, #tpu.memory_space<vmem_shared>>) offsets(%dma_start3A_164 : memref<160xi32, #tpu.memory_space<vmem>>) semaphore(%run_scoped3A_157 : memref<!tpu.dma_semaphore, #tpu.memory_space<semaphore_mem>>) {add = true}
      %dma_wait3A_168 = arith.constant 0 : i32
      %dma_wait3A_169 = arith.constant 0 : i32
      %dma_wait3A_170 = tpu.memref_slice %arg11[%run_scoped3A_142, %dma_wait3A_168, %dma_wait3A_169] : memref<3x512x16xf32, #tpu.memory_space<vmem>> -> memref<1x160x16xf32, #tpu.memory_space<vmem>>
      %dma_wait3A_171 = tpu.memref_squeeze %dma_wait3A_170 : memref<1x160x16xf32, #tpu.memory_space<vmem>> -> memref<160x16xf32, #tpu.memory_space<vmem>>
      %dma_wait3A_172 = arith.constant 0 : i32
      %dma_wait3A_173 = tpu.memref_slice %arg10[%run_scoped3A_143, %dma_wait3A_172] : memref<2x160xi32, #tpu.memory_space<vmem>> -> memref<1x160xi32, #tpu.memory_space<vmem>>
      %dma_wait3A_174 = tpu.memref_squeeze %dma_wait3A_173 : memref<1x160xi32, #tpu.memory_space<vmem>> -> memref<160xi32, #tpu.memory_space<vmem>>
      %dma_wait3A_175 = arith.constant 0 : i32
      %dma_wait3A_176 = arith.constant 0 : i32
      %dma_wait3A_177 = tpu.memref_slice %arg15[%dma_wait3A_175, %dma_wait3A_176] : memref<100352x16xf32, #tpu.memory_space<vmem_shared>> -> memref<100352x16xf32, #tpu.memory_space<vmem_shared>>
      tpu.wait_indirect_dma semaphore(%run_scoped3A_157 : memref<!tpu.dma_semaphore, #tpu.memory_space<semaphore_mem>>) src(%dma_wait3A_171 : memref<160x16xf32, #tpu.memory_space<vmem>>) dst(%dma_wait3A_177 : memref<100352x16xf32, #tpu.memory_space<vmem_shared>>)
      tpu.yield
    }) : () -> ()
    %barrier3A_144 = arith.constant 0 : index
    tpu.barrier barrier_id(%barrier3A_144)
    %mul3A_145 = arith.constant 6272 : i32
    %mul3A_146 = arith.muli %arg1, %mul3A_145 : i32
    %eq3A_147 = arith.constant 0 : i32
    %eq3A_148 = arith.cmpi eq, %arg0, %eq3A_147 : i32
    %convert_element_type3A_149 = arith.extui %eq3A_148 : i1 to i32
    %cond3A_150 = arith.constant 0 : i32
    %cond3A_151 = arith.cmpi ne, %convert_element_type3A_149, %cond3A_150 : i32
    scf.if %cond3A_151 {
      "tpu.region"() ({
        %run_scoped3A_157 = tpu.sem_alloc : memref<!tpu.dma_semaphore, #tpu.memory_space<semaphore_mem>>
        %dma_start3A_158 = arith.constant 0 : i32
        %dma_start3A_159 = tpu.memref_slice %arg6[%mul3A_146, %dma_start3A_158] : memref<100352x16xf32, #tpu.memory_space<hbm>> -> memref<6272x16xf32, #tpu.memory_space<hbm>>
        %dma_start3A_160 = arith.constant 0 : i32
        %dma_start3A_161 = tpu.memref_slice %arg15[%mul3A_146, %dma_start3A_160] : memref<100352x16xf32, #tpu.memory_space<vmem_shared>> -> memref<6272x16xf32, #tpu.memory_space<vmem_shared>>
        tpu.enqueue_dma source(%dma_start3A_161 : memref<6272x16xf32, #tpu.memory_space<vmem_shared>>) target(%dma_start3A_159 : memref<6272x16xf32, #tpu.memory_space<hbm>>) target_semaphore(%run_scoped3A_157 : memref<!tpu.dma_semaphore, #tpu.memory_space<semaphore_mem>>)
        %dma_wait3A_162 = arith.constant 0 : i32
        %dma_wait3A_163 = tpu.memref_slice %arg6[%mul3A_146, %dma_wait3A_162] : memref<100352x16xf32, #tpu.memory_space<hbm>> -> memref<6272x16xf32, #tpu.memory_space<hbm>>
        %dma_wait3A_164 = arith.constant 0 : i32
        %dma_wait3A_165 = tpu.memref_slice %arg15[%mul3A_146, %dma_wait3A_164] : memref<100352x16xf32, #tpu.memory_space<vmem_shared>> -> memref<6272x16xf32, #tpu.memory_space<vmem_shared>>
        tpu.wait_dma2 semaphore(%run_scoped3A_157 : memref<!tpu.dma_semaphore, #tpu.memory_space<semaphore_mem>>) src(%dma_wait3A_165 : memref<6272x16xf32, #tpu.memory_space<vmem_shared>>) dst(%dma_wait3A_163 : memref<6272x16xf32, #tpu.memory_space<hbm>>)
        tpu.yield
      }) : () -> ()
    } else {
    }
    %eq3A_152 = arith.constant 1 : i32
    %eq3A_153 = arith.cmpi eq, %arg0, %eq3A_152 : i32
    %convert_element_type3A_154 = arith.extui %eq3A_153 : i1 to i32
    %cond3A_155 = arith.constant 0 : i32
    %cond3A_156 = arith.cmpi ne, %convert_element_type3A_154, %cond3A_155 : i32
    scf.if %cond3A_156 {
      "tpu.region"() ({
        %run_scoped3A_157 = tpu.sem_alloc : memref<!tpu.dma_semaphore, #tpu.memory_space<semaphore_mem>>
        %dma_start3A_158 = arith.constant 0 : i32
        %dma_start3A_159 = tpu.memref_slice %arg7[%mul3A_146, %dma_start3A_158] : memref<100352x16xf32, #tpu.memory_space<hbm>> -> memref<6272x16xf32, #tpu.memory_space<hbm>>
        %dma_start3A_160 = arith.constant 0 : i32
        %dma_start3A_161 = tpu.memref_slice %arg15[%mul3A_146, %dma_start3A_160] : memref<100352x16xf32, #tpu.memory_space<vmem_shared>> -> memref<6272x16xf32, #tpu.memory_space<vmem_shared>>
        tpu.enqueue_dma source(%dma_start3A_161 : memref<6272x16xf32, #tpu.memory_space<vmem_shared>>) target(%dma_start3A_159 : memref<6272x16xf32, #tpu.memory_space<hbm>>) target_semaphore(%run_scoped3A_157 : memref<!tpu.dma_semaphore, #tpu.memory_space<semaphore_mem>>)
        %dma_wait3A_162 = arith.constant 0 : i32
        %dma_wait3A_163 = tpu.memref_slice %arg7[%mul3A_146, %dma_wait3A_162] : memref<100352x16xf32, #tpu.memory_space<hbm>> -> memref<6272x16xf32, #tpu.memory_space<hbm>>
        %dma_wait3A_164 = arith.constant 0 : i32
        %dma_wait3A_165 = tpu.memref_slice %arg15[%mul3A_146, %dma_wait3A_164] : memref<100352x16xf32, #tpu.memory_space<vmem_shared>> -> memref<6272x16xf32, #tpu.memory_space<vmem_shared>>
        tpu.wait_dma2 semaphore(%run_scoped3A_157 : memref<!tpu.dma_semaphore, #tpu.memory_space<semaphore_mem>>) src(%dma_wait3A_165 : memref<6272x16xf32, #tpu.memory_space<vmem_shared>>) dst(%dma_wait3A_163 : memref<6272x16xf32, #tpu.memory_space<hbm>>)
        tpu.yield
      }) : () -> ()
    } else {
    }
    return
  }
}

#map = affine_map<(d0, d1) -> (0, 0)>
module attributes {stable_mosaic.version = 14 : i64} {
  func.func @_aggr_body(%arg0: i32, %arg1: i32, %arg2: memref<100000x16xf32, #tpu.memory_space<hbm>>, %arg3: memref<100000x16xf32, #tpu.memory_space<hbm>>, %arg4: memref<2x1600000xi32, #tpu.memory_space<hbm>>, %arg5: memref<6272x16xf32, #tpu.memory_space<hbm>>, %arg6: memref<100352x16xf32, #tpu.memory_space<hbm>>, %arg7: memref<100352x16xf32, #tpu.memory_space<hbm>>, %arg8: memref<3x512xi32, #tpu.memory_space<vmem>>, %arg9: memref<3x512xi32, #tpu.memory_space<vmem>>, %arg10: memref<2x160xi32, #tpu.memory_space<vmem>>, %arg11: memref<3x512x16xf32, #tpu.memory_space<vmem>>, %arg12: memref<3x!tpu.dma_semaphore, #tpu.memory_space<semaphore_mem>>, %arg13: memref<3x!tpu.dma_semaphore, #tpu.memory_space<semaphore_mem>>, %arg14: memref<3x!tpu.dma_semaphore, #tpu.memory_space<semaphore_mem>>, %arg15: memref<100352x16xf32, #tpu.memory_space<vmem_shared>>) attributes {dimension_semantics = [#tpu.dimension_semantics<core_parallel>, #tpu.dimension_semantics<subcore_parallel>], iteration_bounds = array<i64: 2, 16>, scalar_prefetch = 0 : i64, scratch_operands = 8 : i64, tpu.core_type = #tpu.core_type<sc_vector_subcore>, window_params = [{transform_indices = #map}, {transform_indices = #map}, {transform_indices = #map}, {transform_indices = #map}, {transform_indices = #map}, {transform_indices = #map}]} {
    %mul3A = arith.constant 100000 : i32
    %mul3A_0 = arith.muli %arg1, %mul3A : i32
    %add3A = arith.constant 0 : i32
    %add3A_1 = arith.addi %mul3A_0, %add3A : i32
    %dma_start3A = arith.constant 0 : i32
    %dma_start3A_2 = arith.constant 0 : i32
    %dma_start3A_3 = arith.constant 0 : i32
    %dma_start3A_4 = arith.constant 0 : i32
    %dma_start3A_5 = tpu.memref_slice %arg8[%dma_start3A_2, %dma_start3A_4] : memref<3x512xi32, #tpu.memory_space<vmem>> -> memref<1x512xi32, #tpu.memory_space<vmem>>
    %dma_start3A_6 = tpu.memref_squeeze %dma_start3A_5 : memref<1x512xi32, #tpu.memory_space<vmem>> -> memref<512xi32, #tpu.memory_space<vmem>>
    %dma_start3A_7 = tpu.memref_slice %arg4[%dma_start3A, %add3A_1] : memref<2x1600000xi32, #tpu.memory_space<hbm>> -> memref<1x512xi32, #tpu.memory_space<hbm>>
    %dma_start3A_8 = tpu.memref_squeeze %dma_start3A_7 : memref<1x512xi32, #tpu.memory_space<hbm>> -> memref<512xi32, #tpu.memory_space<hbm>>
    %dma_start3A_9 = tpu.memref_slice %arg12[%dma_start3A_3] : memref<3x!tpu.dma_semaphore, #tpu.memory_space<semaphore_mem>> -> memref<1x!tpu.dma_semaphore, #tpu.memory_space<semaphore_mem>>
    %dma_start3A_10 = tpu.memref_squeeze %dma_start3A_9 : memref<1x!tpu.dma_semaphore, #tpu.memory_space<semaphore_mem>> -> memref<!tpu.dma_semaphore, #tpu.memory_space<semaphore_mem>>
    %dma_start3A_11 = arith.constant 0 : i32
    %dma_start3A_12 = tpu.memref_slice %arg8[%dma_start3A_2, %dma_start3A_11] : memref<3x512xi32, #tpu.memory_space<vmem>> -> memref<1x512xi32, #tpu.memory_space<vmem>>
    %dma_start3A_13 = tpu.memref_squeeze %dma_start3A_12 : memref<1x512xi32, #tpu.memory_space<vmem>> -> memref<512xi32, #tpu.memory_space<vmem>>
    %dma_start3A_14 = tpu.memref_slice %arg4[%dma_start3A, %add3A_1] : memref<2x1600000xi32, #tpu.memory_space<hbm>> -> memref<1x512xi32, #tpu.memory_space<hbm>>
    %dma_start3A_15 = tpu.memref_squeeze %dma_start3A_14 : memref<1x512xi32, #tpu.memory_space<hbm>> -> memref<512xi32, #tpu.memory_space<hbm>>
    tpu.enqueue_dma source(%dma_start3A_15 : memref<512xi32, #tpu.memory_space<hbm>>) target(%dma_start3A_13 : memref<512xi32, #tpu.memory_space<vmem>>) target_semaphore(%dma_start3A_10 : memref<!tpu.dma_semaphore, #tpu.memory_space<semaphore_mem>>)
    %add3A_16 = arith.constant 0 : i32
    %add3A_17 = arith.addi %mul3A_0, %add3A_16 : i32
    %dma_start3A_18 = arith.constant 1 : i32
    %dma_start3A_19 = arith.constant 0 : i32
    %dma_start3A_20 = arith.constant 0 : i32
    %dma_start3A_21 = arith.constant 0 : i32
    %dma_start3A_22 = tpu.memref_slice %arg9[%dma_start3A_19, %dma_start3A_21] : memref<3x512xi32, #tpu.memory_space<vmem>> -> memref<1x512xi32, #tpu.memory_space<vmem>>
    %dma_start3A_23 = tpu.memref_squeeze %dma_start3A_22 : memref<1x512xi32, #tpu.memory_space<vmem>> -> memref<512xi32, #tpu.memory_space<vmem>>
    %dma_start3A_24 = tpu.memref_slice %arg4[%dma_start3A_18, %add3A_17] : memref<2x1600000xi32, #tpu.memory_space<hbm>> -> memref<1x512xi32, #tpu.memory_space<hbm>>
    %dma_start3A_25 = tpu.memref_squeeze %dma_start3A_24 : memref<1x512xi32, #tpu.memory_space<hbm>> -> memref<512xi32, #tpu.memory_space<hbm>>
    %dma_start3A_26 = tpu.memref_slice %arg12[%dma_start3A_20] : memref<3x!tpu.dma_semaphore, #tpu.memory_space<semaphore_mem>> -> memref<1x!tpu.dma_semaphore, #tpu.memory_space<semaphore_mem>>
    %dma_start3A_27 = tpu.memref_squeeze %dma_start3A_26 : memref<1x!tpu.dma_semaphore, #tpu.memory_space<semaphore_mem>> -> memref<!tpu.dma_semaphore, #tpu.memory_space<semaphore_mem>>
    %dma_start3A_28 = arith.constant 0 : i32
    %dma_start3A_29 = tpu.memref_slice %arg9[%dma_start3A_19, %dma_start3A_28] : memref<3x512xi32, #tpu.memory_space<vmem>> -> memref<1x512xi32, #tpu.memory_space<vmem>>
    %dma_start3A_30 = tpu.memref_squeeze %dma_start3A_29 : memref<1x512xi32, #tpu.memory_space<vmem>> -> memref<512xi32, #tpu.memory_space<vmem>>
    %dma_start3A_31 = tpu.memref_slice %arg4[%dma_start3A_18, %add3A_17] : memref<2x1600000xi32, #tpu.memory_space<hbm>> -> memref<1x512xi32, #tpu.memory_space<hbm>>
    %dma_start3A_32 = tpu.memref_squeeze %dma_start3A_31 : memref<1x512xi32, #tpu.memory_space<hbm>> -> memref<512xi32, #tpu.memory_space<hbm>>
    tpu.enqueue_dma source(%dma_start3A_32 : memref<512xi32, #tpu.memory_space<hbm>>) target(%dma_start3A_30 : memref<512xi32, #tpu.memory_space<vmem>>) target_semaphore(%dma_start3A_27 : memref<!tpu.dma_semaphore, #tpu.memory_space<semaphore_mem>>)
    %add3A_33 = arith.constant 512 : i32
    %add3A_34 = arith.addi %mul3A_0, %add3A_33 : i32
    %dma_start3A_35 = arith.constant 0 : i32
    %dma_start3A_36 = arith.constant 1 : i32
    %dma_start3A_37 = arith.constant 1 : i32
    %dma_start3A_38 = arith.constant 0 : i32
    %dma_start3A_39 = tpu.memref_slice %arg8[%dma_start3A_36, %dma_start3A_38] : memref<3x512xi32, #tpu.memory_space<vmem>> -> memref<1x512xi32, #tpu.memory_space<vmem>>
    %dma_start3A_40 = tpu.memref_squeeze %dma_start3A_39 : memref<1x512xi32, #tpu.memory_space<vmem>> -> memref<512xi32, #tpu.memory_space<vmem>>
    %dma_start3A_41 = tpu.memref_slice %arg4[%dma_start3A_35, %add3A_34] : memref<2x1600000xi32, #tpu.memory_space<hbm>> -> memref<1x512xi32, #tpu.memory_space<hbm>>
    %dma_start3A_42 = tpu.memref_squeeze %dma_start3A_41 : memref<1x512xi32, #tpu.memory_space<hbm>> -> memref<512xi32, #tpu.memory_space<hbm>>
    %dma_start3A_43 = tpu.memref_slice %arg12[%dma_start3A_37] : memref<3x!tpu.dma_semaphore, #tpu.memory_space<semaphore_mem>> -> memref<1x!tpu.dma_semaphore, #tpu.memory_space<semaphore_mem>>
    %dma_start3A_44 = tpu.memref_squeeze %dma_start3A_43 : memref<1x!tpu.dma_semaphore, #tpu.memory_space<semaphore_mem>> -> memref<!tpu.dma_semaphore, #tpu.memory_space<semaphore_mem>>
    %dma_start3A_45 = arith.constant 0 : i32
    %dma_start3A_46 = tpu.memref_slice %arg8[%dma_start3A_36, %dma_start3A_45] : memref<3x512xi32, #tpu.memory_space<vmem>> -> memref<1x512xi32, #tpu.memory_space<vmem>>
    %dma_start3A_47 = tpu.memref_squeeze %dma_start3A_46 : memref<1x512xi32, #tpu.memory_space<vmem>> -> memref<512xi32, #tpu.memory_space<vmem>>
    %dma_start3A_48 = tpu.memref_slice %arg4[%dma_start3A_35, %add3A_34] : memref<2x1600000xi32, #tpu.memory_space<hbm>> -> memref<1x512xi32, #tpu.memory_space<hbm>>
    %dma_start3A_49 = tpu.memref_squeeze %dma_start3A_48 : memref<1x512xi32, #tpu.memory_space<hbm>> -> memref<512xi32, #tpu.memory_space<hbm>>
    tpu.enqueue_dma source(%dma_start3A_49 : memref<512xi32, #tpu.memory_space<hbm>>) target(%dma_start3A_47 : memref<512xi32, #tpu.memory_space<vmem>>) target_semaphore(%dma_start3A_44 : memref<!tpu.dma_semaphore, #tpu.memory_space<semaphore_mem>>)
    %add3A_50 = arith.constant 512 : i32
    %add3A_51 = arith.addi %mul3A_0, %add3A_50 : i32
    %dma_start3A_52 = arith.constant 1 : i32
    %dma_start3A_53 = arith.constant 1 : i32
    %dma_start3A_54 = arith.constant 1 : i32
    %dma_start3A_55 = arith.constant 0 : i32
    %dma_start3A_56 = tpu.memref_slice %arg9[%dma_start3A_53, %dma_start3A_55] : memref<3x512xi32, #tpu.memory_space<vmem>> -> memref<1x512xi32, #tpu.memory_space<vmem>>
    %dma_start3A_57 = tpu.memref_squeeze %dma_start3A_56 : memref<1x512xi32, #tpu.memory_space<vmem>> -> memref<512xi32, #tpu.memory_space<vmem>>
    %dma_start3A_58 = tpu.memref_slice %arg4[%dma_start3A_52, %add3A_51] : memref<2x1600000xi32, #tpu.memory_space<hbm>> -> memref<1x512xi32, #tpu.memory_space<hbm>>
    %dma_start3A_59 = tpu.memref_squeeze %dma_start3A_58 : memref<1x512xi32, #tpu.memory_space<hbm>> -> memref<512xi32, #tpu.memory_space<hbm>>
    %dma_start3A_60 = tpu.memref_slice %arg12[%dma_start3A_54] : memref<3x!tpu.dma_semaphore, #tpu.memory_space<semaphore_mem>> -> memref<1x!tpu.dma_semaphore, #tpu.memory_space<semaphore_mem>>
    %dma_start3A_61 = tpu.memref_squeeze %dma_start3A_60 : memref<1x!tpu.dma_semaphore, #tpu.memory_space<semaphore_mem>> -> memref<!tpu.dma_semaphore, #tpu.memory_space<semaphore_mem>>
    %dma_start3A_62 = arith.constant 0 : i32
    %dma_start3A_63 = tpu.memref_slice %arg9[%dma_start3A_53, %dma_start3A_62] : memref<3x512xi32, #tpu.memory_space<vmem>> -> memref<1x512xi32, #tpu.memory_space<vmem>>
    %dma_start3A_64 = tpu.memref_squeeze %dma_start3A_63 : memref<1x512xi32, #tpu.memory_space<vmem>> -> memref<512xi32, #tpu.memory_space<vmem>>
    %dma_start3A_65 = tpu.memref_slice %arg4[%dma_start3A_52, %add3A_51] : memref<2x1600000xi32, #tpu.memory_space<hbm>> -> memref<1x512xi32, #tpu.memory_space<hbm>>
    %dma_start3A_66 = tpu.memref_squeeze %dma_start3A_65 : memref<1x512xi32, #tpu.memory_space<hbm>> -> memref<512xi32, #tpu.memory_space<hbm>>
    tpu.enqueue_dma source(%dma_start3A_66 : memref<512xi32, #tpu.memory_space<hbm>>) target(%dma_start3A_64 : memref<512xi32, #tpu.memory_space<vmem>>) target_semaphore(%dma_start3A_61 : memref<!tpu.dma_semaphore, #tpu.memory_space<semaphore_mem>>)
    %mul3A_67 = arith.constant 6272 : i32
    %mul3A_68 = arith.muli %arg1, %mul3A_67 : i32
    "tpu.region"() ({
      %run_scoped3A_157 = tpu.sem_alloc : memref<!tpu.dma_semaphore, #tpu.memory_space<semaphore_mem>>
      %dma_start3A_158 = arith.constant 0 : i32
      %dma_start3A_159 = tpu.memref_slice %arg15[%mul3A_68, %dma_start3A_158] : memref<100352x16xf32, #tpu.memory_space<vmem_shared>> -> memref<6272x16xf32, #tpu.memory_space<vmem_shared>>
      tpu.enqueue_dma source(%arg5 : memref<6272x16xf32, #tpu.memory_space<hbm>>) target(%dma_start3A_159 : memref<6272x16xf32, #tpu.memory_space<vmem_shared>>) target_semaphore(%run_scoped3A_157 : memref<!tpu.dma_semaphore, #tpu.memory_space<semaphore_mem>>)
      %dma_wait3A_160 = arith.constant 0 : i32
      %dma_wait3A_161 = tpu.memref_slice %arg15[%mul3A_68, %dma_wait3A_160] : memref<100352x16xf32, #tpu.memory_space<vmem_shared>> -> memref<6272x16xf32, #tpu.memory_space<vmem_shared>>
      tpu.wait_dma2 semaphore(%run_scoped3A_157 : memref<!tpu.dma_semaphore, #tpu.memory_space<semaphore_mem>>) src(%arg5 : memref<6272x16xf32, #tpu.memory_space<hbm>>) dst(%dma_wait3A_161 : memref<6272x16xf32, #tpu.memory_space<vmem_shared>>)
      tpu.yield
    }) : () -> ()
    %add3A_69 = arith.constant 0 : i32
    %add3A_70 = arith.addi %mul3A_0, %add3A_69 : i32
    %dma_wait3A = arith.constant 0 : i32
    %dma_wait3A_71 = arith.constant 0 : i32
    %dma_wait3A_72 = arith.constant 0 : i32
    %dma_wait3A_73 = arith.constant 0 : i32
    %dma_wait3A_74 = tpu.memref_slice %arg8[%dma_wait3A_71, %dma_wait3A_73] : memref<3x512xi32, #tpu.memory_space<vmem>> -> memref<1x512xi32, #tpu.memory_space<vmem>>
    %dma_wait3A_75 = tpu.memref_squeeze %dma_wait3A_74 : memref<1x512xi32, #tpu.memory_space<vmem>> -> memref<512xi32, #tpu.memory_space<vmem>>
    %dma_wait3A_76 = tpu.memref_slice %arg4[%dma_wait3A, %add3A_70] : memref<2x1600000xi32, #tpu.memory_space<hbm>> -> memref<1x512xi32, #tpu.memory_space<hbm>>
    %dma_wait3A_77 = tpu.memref_squeeze %dma_wait3A_76 : memref<1x512xi32, #tpu.memory_space<hbm>> -> memref<512xi32, #tpu.memory_space<hbm>>
    %dma_wait3A_78 = tpu.memref_slice %arg12[%dma_wait3A_72] : memref<3x!tpu.dma_semaphore, #tpu.memory_space<semaphore_mem>> -> memref<1x!tpu.dma_semaphore, #tpu.memory_space<semaphore_mem>>
    %dma_wait3A_79 = tpu.memref_squeeze %dma_wait3A_78 : memref<1x!tpu.dma_semaphore, #tpu.memory_space<semaphore_mem>> -> memref<!tpu.dma_semaphore, #tpu.memory_space<semaphore_mem>>
    %dma_wait3A_80 = arith.constant 0 : i32
    %dma_wait3A_81 = tpu.memref_slice %arg8[%dma_wait3A_71, %dma_wait3A_80] : memref<3x512xi32, #tpu.memory_space<vmem>> -> memref<1x512xi32, #tpu.memory_space<vmem>>
    %dma_wait3A_82 = tpu.memref_squeeze %dma_wait3A_81 : memref<1x512xi32, #tpu.memory_space<vmem>> -> memref<512xi32, #tpu.memory_space<vmem>>
    %dma_wait3A_83 = tpu.memref_slice %arg4[%dma_wait3A, %add3A_70] : memref<2x1600000xi32, #tpu.memory_space<hbm>> -> memref<1x512xi32, #tpu.memory_space<hbm>>
    %dma_wait3A_84 = tpu.memref_squeeze %dma_wait3A_83 : memref<1x512xi32, #tpu.memory_space<hbm>> -> memref<512xi32, #tpu.memory_space<hbm>>
    tpu.wait_dma2 semaphore(%dma_wait3A_79 : memref<!tpu.dma_semaphore, #tpu.memory_space<semaphore_mem>>) src(%dma_wait3A_84 : memref<512xi32, #tpu.memory_space<hbm>>) dst(%dma_wait3A_82 : memref<512xi32, #tpu.memory_space<vmem>>)
    %add3A_85 = arith.constant 0 : i32
    %add3A_86 = arith.addi %mul3A_0, %add3A_85 : i32
    %dma_wait3A_87 = arith.constant 1 : i32
    %dma_wait3A_88 = arith.constant 0 : i32
    %dma_wait3A_89 = arith.constant 0 : i32
    %dma_wait3A_90 = arith.constant 0 : i32
    %dma_wait3A_91 = tpu.memref_slice %arg9[%dma_wait3A_88, %dma_wait3A_90] : memref<3x512xi32, #tpu.memory_space<vmem>> -> memref<1x512xi32, #tpu.memory_space<vmem>>
    %dma_wait3A_92 = tpu.memref_squeeze %dma_wait3A_91 : memref<1x512xi32, #tpu.memory_space<vmem>> -> memref<512xi32, #tpu.memory_space<vmem>>
    %dma_wait3A_93 = tpu.memref_slice %arg4[%dma_wait3A_87, %add3A_86] : memref<2x1600000xi32, #tpu.memory_space<hbm>> -> memref<1x512xi32, #tpu.memory_space<hbm>>
    %dma_wait3A_94 = tpu.memref_squeeze %dma_wait3A_93 : memref<1x512xi32, #tpu.memory_space<hbm>> -> memref<512xi32, #tpu.memory_space<hbm>>
    %dma_wait3A_95 = tpu.memref_slice %arg12[%dma_wait3A_89] : memref<3x!tpu.dma_semaphore, #tpu.memory_space<semaphore_mem>> -> memref<1x!tpu.dma_semaphore, #tpu.memory_space<semaphore_mem>>
    %dma_wait3A_96 = tpu.memref_squeeze %dma_wait3A_95 : memref<1x!tpu.dma_semaphore, #tpu.memory_space<semaphore_mem>> -> memref<!tpu.dma_semaphore, #tpu.memory_space<semaphore_mem>>
    %dma_wait3A_97 = arith.constant 0 : i32
    %dma_wait3A_98 = tpu.memref_slice %arg9[%dma_wait3A_88, %dma_wait3A_97] : memref<3x512xi32, #tpu.memory_space<vmem>> -> memref<1x512xi32, #tpu.memory_space<vmem>>
    %dma_wait3A_99 = tpu.memref_squeeze %dma_wait3A_98 : memref<1x512xi32, #tpu.memory_space<vmem>> -> memref<512xi32, #tpu.memory_space<vmem>>
    %dma_wait3A_100 = tpu.memref_slice %arg4[%dma_wait3A_87, %add3A_86] : memref<2x1600000xi32, #tpu.memory_space<hbm>> -> memref<1x512xi32, #tpu.memory_space<hbm>>
    %dma_wait3A_101 = tpu.memref_squeeze %dma_wait3A_100 : memref<1x512xi32, #tpu.memory_space<hbm>> -> memref<512xi32, #tpu.memory_space<hbm>>
    tpu.wait_dma2 semaphore(%dma_wait3A_96 : memref<!tpu.dma_semaphore, #tpu.memory_space<semaphore_mem>>) src(%dma_wait3A_101 : memref<512xi32, #tpu.memory_space<hbm>>) dst(%dma_wait3A_99 : memref<512xi32, #tpu.memory_space<vmem>>)
    %eq3A = arith.constant 0 : i32
    %eq3A_102 = arith.cmpi eq, %arg0, %eq3A : i32
    %convert_element_type3A = arith.extui %eq3A_102 : i1 to i32
    %cond3A = arith.constant 0 : i32
    %cond3A_103 = arith.cmpi ne, %convert_element_type3A, %cond3A : i32
    scf.if %cond3A_103 {
      %dma_start3A_157 = arith.constant 0 : i32
      %dma_start3A_158 = arith.constant 0 : i32
      %dma_start3A_159 = arith.constant 0 : i32
      %dma_start3A_160 = arith.constant 0 : i32
      %dma_start3A_161 = arith.constant 0 : i32
      %dma_start3A_162 = tpu.memref_slice %arg11[%dma_start3A_158, %dma_start3A_160, %dma_start3A_161] : memref<3x512x16xf32, #tpu.memory_space<vmem>> -> memref<1x512x16xf32, #tpu.memory_space<vmem>>
      %dma_start3A_163 = tpu.memref_squeeze %dma_start3A_162 : memref<1x512x16xf32, #tpu.memory_space<vmem>> -> memref<512x16xf32, #tpu.memory_space<vmem>>
      %dma_start3A_164 = arith.constant 0 : i32
      %dma_start3A_165 = tpu.memref_slice %arg8[%dma_start3A_157, %dma_start3A_164] : memref<3x512xi32, #tpu.memory_space<vmem>> -> memref<1x512xi32, #tpu.memory_space<vmem>>
      %dma_start3A_166 = tpu.memref_squeeze %dma_start3A_165 : memref<1x512xi32, #tpu.memory_space<vmem>> -> memref<512xi32, #tpu.memory_space<vmem>>
      %dma_start3A_167 = arith.constant 0 : i32
      %dma_start3A_168 = arith.constant 0 : i32
      %dma_start3A_169 = tpu.memref_slice %arg2[%dma_start3A_167, %dma_start3A_168] : memref<100000x16xf32, #tpu.memory_space<hbm>> -> memref<100000x16xf32, #tpu.memory_space<hbm>>
      %dma_start3A_170 = tpu.memref_slice %arg13[%dma_start3A_159] : memref<3x!tpu.dma_semaphore, #tpu.memory_space<semaphore_mem>> -> memref<1x!tpu.dma_semaphore, #tpu.memory_space<semaphore_mem>>
      %dma_start3A_171 = tpu.memref_squeeze %dma_start3A_170 : memref<1x!tpu.dma_semaphore, #tpu.memory_space<semaphore_mem>> -> memref<!tpu.dma_semaphore, #tpu.memory_space<semaphore_mem>>
      tpu.enqueue_indirect_dma source(%dma_start3A_169 : memref<100000x16xf32, #tpu.memory_space<hbm>>) target(%dma_start3A_163 : memref<512x16xf32, #tpu.memory_space<vmem>>) offsets(%dma_start3A_166 : memref<512xi32, #tpu.memory_space<vmem>>) semaphore(%dma_start3A_171 : memref<!tpu.dma_semaphore, #tpu.memory_space<semaphore_mem>>)
    } else {
    }
    %eq3A_104 = arith.constant 1 : i32
    %eq3A_105 = arith.cmpi eq, %arg0, %eq3A_104 : i32
    %convert_element_type3A_106 = arith.extui %eq3A_105 : i1 to i32
    %cond3A_107 = arith.constant 0 : i32
    %cond3A_108 = arith.cmpi ne, %convert_element_type3A_106, %cond3A_107 : i32
    scf.if %cond3A_108 {
      %dma_start3A_157 = arith.constant 0 : i32
      %dma_start3A_158 = arith.constant 0 : i32
      %dma_start3A_159 = arith.constant 0 : i32
      %dma_start3A_160 = arith.constant 0 : i32
      %dma_start3A_161 = arith.constant 0 : i32
      %dma_start3A_162 = tpu.memref_slice %arg11[%dma_start3A_158, %dma_start3A_160, %dma_start3A_161] : memref<3x512x16xf32, #tpu.memory_space<vmem>> -> memref<1x512x16xf32, #tpu.memory_space<vmem>>
      %dma_start3A_163 = tpu.memref_squeeze %dma_start3A_162 : memref<1x512x16xf32, #tpu.memory_space<vmem>> -> memref<512x16xf32, #tpu.memory_space<vmem>>
      %dma_start3A_164 = arith.constant 0 : i32
      %dma_start3A_165 = tpu.memref_slice %arg8[%dma_start3A_157, %dma_start3A_164] : memref<3x512xi32, #tpu.memory_space<vmem>> -> memref<1x512xi32, #tpu.memory_space<vmem>>
      %dma_start3A_166 = tpu.memref_squeeze %dma_start3A_165 : memref<1x512xi32, #tpu.memory_space<vmem>> -> memref<512xi32, #tpu.memory_space<vmem>>
      %dma_start3A_167 = arith.constant 0 : i32
      %dma_start3A_168 = arith.constant 0 : i32
      %dma_start3A_169 = tpu.memref_slice %arg3[%dma_start3A_167, %dma_start3A_168] : memref<100000x16xf32, #tpu.memory_space<hbm>> -> memref<100000x16xf32, #tpu.memory_space<hbm>>
      %dma_start3A_170 = tpu.memref_slice %arg13[%dma_start3A_159] : memref<3x!tpu.dma_semaphore, #tpu.memory_space<semaphore_mem>> -> memref<1x!tpu.dma_semaphore, #tpu.memory_space<semaphore_mem>>
      %dma_start3A_171 = tpu.memref_squeeze %dma_start3A_170 : memref<1x!tpu.dma_semaphore, #tpu.memory_space<semaphore_mem>> -> memref<!tpu.dma_semaphore, #tpu.memory_space<semaphore_mem>>
      tpu.enqueue_indirect_dma source(%dma_start3A_169 : memref<100000x16xf32, #tpu.memory_space<hbm>>) target(%dma_start3A_163 : memref<512x16xf32, #tpu.memory_space<vmem>>) offsets(%dma_start3A_166 : memref<512xi32, #tpu.memory_space<vmem>>) semaphore(%dma_start3A_171 : memref<!tpu.dma_semaphore, #tpu.memory_space<semaphore_mem>>)
    } else {
    }
    %barrier3A = arith.constant 0 : index
    tpu.barrier barrier_id(%barrier3A)
    %scan3A = arith.constant 0 : i32
    %scan3A_109 = arith.constant 195 : i32
    %scan3A_110 = arith.addi %scan3A, %scan3A_109 : i32
    %scan3A_111 = arith.constant 1 : i32
    scf.for %scan3A_157 = %scan3A to %scan3A_110 step %scan3A_111  : i32 {
      %rem3A_158 = arith.constant 3 : i32
      %rem3A_159 = arith.remsi %scan3A_157, %rem3A_158 : i32
      %add3A_160 = arith.constant 1 : i32
      %add3A_161 = arith.addi %scan3A_157, %add3A_160 : i32
      %rem3A_162 = arith.constant 3 : i32
      %rem3A_163 = arith.remsi %add3A_161, %rem3A_162 : i32
      %add3A_164 = arith.constant 2 : i32
      %add3A_165 = arith.addi %scan3A_157, %add3A_164 : i32
      %rem3A_166 = arith.constant 3 : i32
      %rem3A_167 = arith.remsi %add3A_165, %rem3A_166 : i32
      %add3A_168 = arith.constant 1 : i32
      %add3A_169 = arith.addi %scan3A_157, %add3A_168 : i32
      %lt3A = arith.constant 195 : i32
      %lt3A_170 = arith.cmpi slt, %add3A_169, %lt3A : i32
      %convert_element_type3A_171 = arith.extui %lt3A_170 : i1 to i32
      %cond3A_172 = arith.constant 0 : i32
      %cond3A_173 = arith.cmpi ne, %convert_element_type3A_171, %cond3A_172 : i32
      scf.if %cond3A_173 {
        %add3A_207 = arith.constant 1 : i32
        %add3A_208 = arith.addi %scan3A_157, %add3A_207 : i32
        %mul3A_209 = arith.constant 512 : i32
        %mul3A_210 = arith.muli %add3A_208, %mul3A_209 : i32
        %add3A_211 = arith.addi %mul3A_0, %mul3A_210 : i32
        %dma_wait3A_212 = arith.constant 0 : i32
        %dma_wait3A_213 = arith.constant 0 : i32
        %dma_wait3A_214 = tpu.memref_slice %arg8[%rem3A_163, %dma_wait3A_213] : memref<3x512xi32, #tpu.memory_space<vmem>> -> memref<1x512xi32, #tpu.memory_space<vmem>>
        %dma_wait3A_215 = tpu.memref_squeeze %dma_wait3A_214 : memref<1x512xi32, #tpu.memory_space<vmem>> -> memref<512xi32, #tpu.memory_space<vmem>>
        %dma_wait3A_216 = tpu.memref_slice %arg4[%dma_wait3A_212, %add3A_211] : memref<2x1600000xi32, #tpu.memory_space<hbm>> -> memref<1x512xi32, #tpu.memory_space<hbm>>
        %dma_wait3A_217 = tpu.memref_squeeze %dma_wait3A_216 : memref<1x512xi32, #tpu.memory_space<hbm>> -> memref<512xi32, #tpu.memory_space<hbm>>
        %dma_wait3A_218 = tpu.memref_slice %arg12[%rem3A_163] : memref<3x!tpu.dma_semaphore, #tpu.memory_space<semaphore_mem>> -> memref<1x!tpu.dma_semaphore, #tpu.memory_space<semaphore_mem>>
        %dma_wait3A_219 = tpu.memref_squeeze %dma_wait3A_218 : memref<1x!tpu.dma_semaphore, #tpu.memory_space<semaphore_mem>> -> memref<!tpu.dma_semaphore, #tpu.memory_space<semaphore_mem>>
        %dma_wait3A_220 = arith.constant 0 : i32
        %dma_wait3A_221 = tpu.memref_slice %arg8[%rem3A_163, %dma_wait3A_220] : memref<3x512xi32, #tpu.memory_space<vmem>> -> memref<1x512xi32, #tpu.memory_space<vmem>>
        %dma_wait3A_222 = tpu.memref_squeeze %dma_wait3A_221 : memref<1x512xi32, #tpu.memory_space<vmem>> -> memref<512xi32, #tpu.memory_space<vmem>>
        %dma_wait3A_223 = tpu.memref_slice %arg4[%dma_wait3A_212, %add3A_211] : memref<2x1600000xi32, #tpu.memory_space<hbm>> -> memref<1x512xi32, #tpu.memory_space<hbm>>
        %dma_wait3A_224 = tpu.memref_squeeze %dma_wait3A_223 : memref<1x512xi32, #tpu.memory_space<hbm>> -> memref<512xi32, #tpu.memory_space<hbm>>
        tpu.wait_dma2 semaphore(%dma_wait3A_219 : memref<!tpu.dma_semaphore, #tpu.memory_space<semaphore_mem>>) src(%dma_wait3A_224 : memref<512xi32, #tpu.memory_space<hbm>>) dst(%dma_wait3A_222 : memref<512xi32, #tpu.memory_space<vmem>>)
        %mul3A_225 = arith.constant 512 : i32
        %mul3A_226 = arith.muli %add3A_208, %mul3A_225 : i32
        %add3A_227 = arith.addi %mul3A_0, %mul3A_226 : i32
        %dma_wait3A_228 = arith.constant 1 : i32
        %dma_wait3A_229 = arith.constant 0 : i32
        %dma_wait3A_230 = tpu.memref_slice %arg9[%rem3A_163, %dma_wait3A_229] : memref<3x512xi32, #tpu.memory_space<vmem>> -> memref<1x512xi32, #tpu.memory_space<vmem>>
        %dma_wait3A_231 = tpu.memref_squeeze %dma_wait3A_230 : memref<1x512xi32, #tpu.memory_space<vmem>> -> memref<512xi32, #tpu.memory_space<vmem>>
        %dma_wait3A_232 = tpu.memref_slice %arg4[%dma_wait3A_228, %add3A_227] : memref<2x1600000xi32, #tpu.memory_space<hbm>> -> memref<1x512xi32, #tpu.memory_space<hbm>>
        %dma_wait3A_233 = tpu.memref_squeeze %dma_wait3A_232 : memref<1x512xi32, #tpu.memory_space<hbm>> -> memref<512xi32, #tpu.memory_space<hbm>>
        %dma_wait3A_234 = tpu.memref_slice %arg12[%rem3A_163] : memref<3x!tpu.dma_semaphore, #tpu.memory_space<semaphore_mem>> -> memref<1x!tpu.dma_semaphore, #tpu.memory_space<semaphore_mem>>
        %dma_wait3A_235 = tpu.memref_squeeze %dma_wait3A_234 : memref<1x!tpu.dma_semaphore, #tpu.memory_space<semaphore_mem>> -> memref<!tpu.dma_semaphore, #tpu.memory_space<semaphore_mem>>
        %dma_wait3A_236 = arith.constant 0 : i32
        %dma_wait3A_237 = tpu.memref_slice %arg9[%rem3A_163, %dma_wait3A_236] : memref<3x512xi32, #tpu.memory_space<vmem>> -> memref<1x512xi32, #tpu.memory_space<vmem>>
        %dma_wait3A_238 = tpu.memref_squeeze %dma_wait3A_237 : memref<1x512xi32, #tpu.memory_space<vmem>> -> memref<512xi32, #tpu.memory_space<vmem>>
        %dma_wait3A_239 = tpu.memref_slice %arg4[%dma_wait3A_228, %add3A_227] : memref<2x1600000xi32, #tpu.memory_space<hbm>> -> memref<1x512xi32, #tpu.memory_space<hbm>>
        %dma_wait3A_240 = tpu.memref_squeeze %dma_wait3A_239 : memref<1x512xi32, #tpu.memory_space<hbm>> -> memref<512xi32, #tpu.memory_space<hbm>>
        tpu.wait_dma2 semaphore(%dma_wait3A_235 : memref<!tpu.dma_semaphore, #tpu.memory_space<semaphore_mem>>) src(%dma_wait3A_240 : memref<512xi32, #tpu.memory_space<hbm>>) dst(%dma_wait3A_238 : memref<512xi32, #tpu.memory_space<vmem>>)
        %eq3A_241 = arith.constant 0 : i32
        %eq3A_242 = arith.cmpi eq, %arg0, %eq3A_241 : i32
        %convert_element_type3A_243 = arith.extui %eq3A_242 : i1 to i32
        %cond3A_244 = arith.constant 0 : i32
        %cond3A_245 = arith.cmpi ne, %convert_element_type3A_243, %cond3A_244 : i32
        scf.if %cond3A_245 {
          %dma_start3A_251 = arith.constant 0 : i32
          %dma_start3A_252 = arith.constant 0 : i32
          %dma_start3A_253 = tpu.memref_slice %arg11[%rem3A_163, %dma_start3A_251, %dma_start3A_252] : memref<3x512x16xf32, #tpu.memory_space<vmem>> -> memref<1x512x16xf32, #tpu.memory_space<vmem>>
          %dma_start3A_254 = tpu.memref_squeeze %dma_start3A_253 : memref<1x512x16xf32, #tpu.memory_space<vmem>> -> memref<512x16xf32, #tpu.memory_space<vmem>>
          %dma_start3A_255 = arith.constant 0 : i32
          %dma_start3A_256 = tpu.memref_slice %arg8[%rem3A_163, %dma_start3A_255] : memref<3x512xi32, #tpu.memory_space<vmem>> -> memref<1x512xi32, #tpu.memory_space<vmem>>
          %dma_start3A_257 = tpu.memref_squeeze %dma_start3A_256 : memref<1x512xi32, #tpu.memory_space<vmem>> -> memref<512xi32, #tpu.memory_space<vmem>>
          %dma_start3A_258 = arith.constant 0 : i32
          %dma_start3A_259 = arith.constant 0 : i32
          %dma_start3A_260 = tpu.memref_slice %arg2[%dma_start3A_258, %dma_start3A_259] : memref<100000x16xf32, #tpu.memory_space<hbm>> -> memref<100000x16xf32, #tpu.memory_space<hbm>>
          %dma_start3A_261 = tpu.memref_slice %arg13[%rem3A_163] : memref<3x!tpu.dma_semaphore, #tpu.memory_space<semaphore_mem>> -> memref<1x!tpu.dma_semaphore, #tpu.memory_space<semaphore_mem>>
          %dma_start3A_262 = tpu.memref_squeeze %dma_start3A_261 : memref<1x!tpu.dma_semaphore, #tpu.memory_space<semaphore_mem>> -> memref<!tpu.dma_semaphore, #tpu.memory_space<semaphore_mem>>
          tpu.enqueue_indirect_dma source(%dma_start3A_260 : memref<100000x16xf32, #tpu.memory_space<hbm>>) target(%dma_start3A_254 : memref<512x16xf32, #tpu.memory_space<vmem>>) offsets(%dma_start3A_257 : memref<512xi32, #tpu.memory_space<vmem>>) semaphore(%dma_start3A_262 : memref<!tpu.dma_semaphore, #tpu.memory_space<semaphore_mem>>)
        } else {
        }
        %eq3A_246 = arith.constant 1 : i32
        %eq3A_247 = arith.cmpi eq, %arg0, %eq3A_246 : i32
        %convert_element_type3A_248 = arith.extui %eq3A_247 : i1 to i32
        %cond3A_249 = arith.constant 0 : i32
        %cond3A_250 = arith.cmpi ne, %convert_element_type3A_248, %cond3A_249 : i32
        scf.if %cond3A_250 {
          %dma_start3A_251 = arith.constant 0 : i32
          %dma_start3A_252 = arith.constant 0 : i32
          %dma_start3A_253 = tpu.memref_slice %arg11[%rem3A_163, %dma_start3A_251, %dma_start3A_252] : memref<3x512x16xf32, #tpu.memory_space<vmem>> -> memref<1x512x16xf32, #tpu.memory_space<vmem>>
          %dma_start3A_254 = tpu.memref_squeeze %dma_start3A_253 : memref<1x512x16xf32, #tpu.memory_space<vmem>> -> memref<512x16xf32, #tpu.memory_space<vmem>>
          %dma_start3A_255 = arith.constant 0 : i32
          %dma_start3A_256 = tpu.memref_slice %arg8[%rem3A_163, %dma_start3A_255] : memref<3x512xi32, #tpu.memory_space<vmem>> -> memref<1x512xi32, #tpu.memory_space<vmem>>
          %dma_start3A_257 = tpu.memref_squeeze %dma_start3A_256 : memref<1x512xi32, #tpu.memory_space<vmem>> -> memref<512xi32, #tpu.memory_space<vmem>>
          %dma_start3A_258 = arith.constant 0 : i32
          %dma_start3A_259 = arith.constant 0 : i32
          %dma_start3A_260 = tpu.memref_slice %arg3[%dma_start3A_258, %dma_start3A_259] : memref<100000x16xf32, #tpu.memory_space<hbm>> -> memref<100000x16xf32, #tpu.memory_space<hbm>>
          %dma_start3A_261 = tpu.memref_slice %arg13[%rem3A_163] : memref<3x!tpu.dma_semaphore, #tpu.memory_space<semaphore_mem>> -> memref<1x!tpu.dma_semaphore, #tpu.memory_space<semaphore_mem>>
          %dma_start3A_262 = tpu.memref_squeeze %dma_start3A_261 : memref<1x!tpu.dma_semaphore, #tpu.memory_space<semaphore_mem>> -> memref<!tpu.dma_semaphore, #tpu.memory_space<semaphore_mem>>
          tpu.enqueue_indirect_dma source(%dma_start3A_260 : memref<100000x16xf32, #tpu.memory_space<hbm>>) target(%dma_start3A_254 : memref<512x16xf32, #tpu.memory_space<vmem>>) offsets(%dma_start3A_257 : memref<512xi32, #tpu.memory_space<vmem>>) semaphore(%dma_start3A_262 : memref<!tpu.dma_semaphore, #tpu.memory_space<semaphore_mem>>)
        } else {
        }
      } else {
      }
      %eq3A_174 = arith.constant 0 : i32
      %eq3A_175 = arith.cmpi eq, %arg0, %eq3A_174 : i32
      %convert_element_type3A_176 = arith.extui %eq3A_175 : i1 to i32
      %cond3A_177 = arith.constant 0 : i32
      %cond3A_178 = arith.cmpi ne, %convert_element_type3A_176, %cond3A_177 : i32
      scf.if %cond3A_178 {
        %dma_wait3A_207 = arith.constant 0 : i32
        %dma_wait3A_208 = arith.constant 0 : i32
        %dma_wait3A_209 = tpu.memref_slice %arg11[%rem3A_159, %dma_wait3A_207, %dma_wait3A_208] : memref<3x512x16xf32, #tpu.memory_space<vmem>> -> memref<1x512x16xf32, #tpu.memory_space<vmem>>
        %dma_wait3A_210 = tpu.memref_squeeze %dma_wait3A_209 : memref<1x512x16xf32, #tpu.memory_space<vmem>> -> memref<512x16xf32, #tpu.memory_space<vmem>>
        %dma_wait3A_211 = arith.constant 0 : i32
        %dma_wait3A_212 = tpu.memref_slice %arg8[%rem3A_159, %dma_wait3A_211] : memref<3x512xi32, #tpu.memory_space<vmem>> -> memref<1x512xi32, #tpu.memory_space<vmem>>
        %dma_wait3A_213 = tpu.memref_squeeze %dma_wait3A_212 : memref<1x512xi32, #tpu.memory_space<vmem>> -> memref<512xi32, #tpu.memory_space<vmem>>
        %dma_wait3A_214 = arith.constant 0 : i32
        %dma_wait3A_215 = arith.constant 0 : i32
        %dma_wait3A_216 = tpu.memref_slice %arg2[%dma_wait3A_214, %dma_wait3A_215] : memref<100000x16xf32, #tpu.memory_space<hbm>> -> memref<100000x16xf32, #tpu.memory_space<hbm>>
        %dma_wait3A_217 = tpu.memref_slice %arg13[%rem3A_159] : memref<3x!tpu.dma_semaphore, #tpu.memory_space<semaphore_mem>> -> memref<1x!tpu.dma_semaphore, #tpu.memory_space<semaphore_mem>>
        %dma_wait3A_218 = tpu.memref_squeeze %dma_wait3A_217 : memref<1x!tpu.dma_semaphore, #tpu.memory_space<semaphore_mem>> -> memref<!tpu.dma_semaphore, #tpu.memory_space<semaphore_mem>>
        tpu.wait_indirect_dma semaphore(%dma_wait3A_218 : memref<!tpu.dma_semaphore, #tpu.memory_space<semaphore_mem>>) src(%dma_wait3A_216 : memref<100000x16xf32, #tpu.memory_space<hbm>>) dst(%dma_wait3A_210 : memref<512x16xf32, #tpu.memory_space<vmem>>)
      } else {
      }
      %eq3A_179 = arith.constant 1 : i32
      %eq3A_180 = arith.cmpi eq, %arg0, %eq3A_179 : i32
      %convert_element_type3A_181 = arith.extui %eq3A_180 : i1 to i32
      %cond3A_182 = arith.constant 0 : i32
      %cond3A_183 = arith.cmpi ne, %convert_element_type3A_181, %cond3A_182 : i32
      scf.if %cond3A_183 {
        %dma_wait3A_207 = arith.constant 0 : i32
        %dma_wait3A_208 = arith.constant 0 : i32
        %dma_wait3A_209 = tpu.memref_slice %arg11[%rem3A_159, %dma_wait3A_207, %dma_wait3A_208] : memref<3x512x16xf32, #tpu.memory_space<vmem>> -> memref<1x512x16xf32, #tpu.memory_space<vmem>>
        %dma_wait3A_210 = tpu.memref_squeeze %dma_wait3A_209 : memref<1x512x16xf32, #tpu.memory_space<vmem>> -> memref<512x16xf32, #tpu.memory_space<vmem>>
        %dma_wait3A_211 = arith.constant 0 : i32
        %dma_wait3A_212 = tpu.memref_slice %arg8[%rem3A_159, %dma_wait3A_211] : memref<3x512xi32, #tpu.memory_space<vmem>> -> memref<1x512xi32, #tpu.memory_space<vmem>>
        %dma_wait3A_213 = tpu.memref_squeeze %dma_wait3A_212 : memref<1x512xi32, #tpu.memory_space<vmem>> -> memref<512xi32, #tpu.memory_space<vmem>>
        %dma_wait3A_214 = arith.constant 0 : i32
        %dma_wait3A_215 = arith.constant 0 : i32
        %dma_wait3A_216 = tpu.memref_slice %arg3[%dma_wait3A_214, %dma_wait3A_215] : memref<100000x16xf32, #tpu.memory_space<hbm>> -> memref<100000x16xf32, #tpu.memory_space<hbm>>
        %dma_wait3A_217 = tpu.memref_slice %arg13[%rem3A_159] : memref<3x!tpu.dma_semaphore, #tpu.memory_space<semaphore_mem>> -> memref<1x!tpu.dma_semaphore, #tpu.memory_space<semaphore_mem>>
        %dma_wait3A_218 = tpu.memref_squeeze %dma_wait3A_217 : memref<1x!tpu.dma_semaphore, #tpu.memory_space<semaphore_mem>> -> memref<!tpu.dma_semaphore, #tpu.memory_space<semaphore_mem>>
        tpu.wait_indirect_dma semaphore(%dma_wait3A_218 : memref<!tpu.dma_semaphore, #tpu.memory_space<semaphore_mem>>) src(%dma_wait3A_216 : memref<100000x16xf32, #tpu.memory_space<hbm>>) dst(%dma_wait3A_210 : memref<512x16xf32, #tpu.memory_space<vmem>>)
      } else {
      }
      %gt3A = arith.constant 0 : i32
      %gt3A_184 = arith.cmpi sgt, %scan3A_157, %gt3A : i32
      %convert_element_type3A_185 = arith.extui %gt3A_184 : i1 to i32
      %cond3A_186 = arith.constant 0 : i32
      %cond3A_187 = arith.cmpi ne, %convert_element_type3A_185, %cond3A_186 : i32
      scf.if %cond3A_187 {
        %dma_wait3A_207 = arith.constant 0 : i32
        %dma_wait3A_208 = arith.constant 0 : i32
        %dma_wait3A_209 = tpu.memref_slice %arg11[%rem3A_167, %dma_wait3A_207, %dma_wait3A_208] : memref<3x512x16xf32, #tpu.memory_space<vmem>> -> memref<1x512x16xf32, #tpu.memory_space<vmem>>
        %dma_wait3A_210 = tpu.memref_squeeze %dma_wait3A_209 : memref<1x512x16xf32, #tpu.memory_space<vmem>> -> memref<512x16xf32, #tpu.memory_space<vmem>>
        %dma_wait3A_211 = arith.constant 0 : i32
        %dma_wait3A_212 = tpu.memref_slice %arg9[%rem3A_167, %dma_wait3A_211] : memref<3x512xi32, #tpu.memory_space<vmem>> -> memref<1x512xi32, #tpu.memory_space<vmem>>
        %dma_wait3A_213 = tpu.memref_squeeze %dma_wait3A_212 : memref<1x512xi32, #tpu.memory_space<vmem>> -> memref<512xi32, #tpu.memory_space<vmem>>
        %dma_wait3A_214 = arith.constant 0 : i32
        %dma_wait3A_215 = arith.constant 0 : i32
        %dma_wait3A_216 = tpu.memref_slice %arg15[%dma_wait3A_214, %dma_wait3A_215] : memref<100352x16xf32, #tpu.memory_space<vmem_shared>> -> memref<100352x16xf32, #tpu.memory_space<vmem_shared>>
        %dma_wait3A_217 = tpu.memref_slice %arg14[%rem3A_167] : memref<3x!tpu.dma_semaphore, #tpu.memory_space<semaphore_mem>> -> memref<1x!tpu.dma_semaphore, #tpu.memory_space<semaphore_mem>>
        %dma_wait3A_218 = tpu.memref_squeeze %dma_wait3A_217 : memref<1x!tpu.dma_semaphore, #tpu.memory_space<semaphore_mem>> -> memref<!tpu.dma_semaphore, #tpu.memory_space<semaphore_mem>>
        tpu.wait_indirect_dma semaphore(%dma_wait3A_218 : memref<!tpu.dma_semaphore, #tpu.memory_space<semaphore_mem>>) src(%dma_wait3A_210 : memref<512x16xf32, #tpu.memory_space<vmem>>) dst(%dma_wait3A_216 : memref<100352x16xf32, #tpu.memory_space<vmem_shared>>)
      } else {
      }
      %dma_start3A_188 = arith.constant 0 : i32
      %dma_start3A_189 = arith.constant 0 : i32
      %dma_start3A_190 = tpu.memref_slice %arg11[%rem3A_159, %dma_start3A_188, %dma_start3A_189] : memref<3x512x16xf32, #tpu.memory_space<vmem>> -> memref<1x512x16xf32, #tpu.memory_space<vmem>>
      %dma_start3A_191 = tpu.memref_squeeze %dma_start3A_190 : memref<1x512x16xf32, #tpu.memory_space<vmem>> -> memref<512x16xf32, #tpu.memory_space<vmem>>
      %dma_start3A_192 = arith.constant 0 : i32
      %dma_start3A_193 = tpu.memref_slice %arg9[%rem3A_159, %dma_start3A_192] : memref<3x512xi32, #tpu.memory_space<vmem>> -> memref<1x512xi32, #tpu.memory_space<vmem>>
      %dma_start3A_194 = tpu.memref_squeeze %dma_start3A_193 : memref<1x512xi32, #tpu.memory_space<vmem>> -> memref<512xi32, #tpu.memory_space<vmem>>
      %dma_start3A_195 = arith.constant 0 : i32
      %dma_start3A_196 = arith.constant 0 : i32
      %dma_start3A_197 = tpu.memref_slice %arg15[%dma_start3A_195, %dma_start3A_196] : memref<100352x16xf32, #tpu.memory_space<vmem_shared>> -> memref<100352x16xf32, #tpu.memory_space<vmem_shared>>
      %dma_start3A_198 = tpu.memref_slice %arg14[%rem3A_159] : memref<3x!tpu.dma_semaphore, #tpu.memory_space<semaphore_mem>> -> memref<1x!tpu.dma_semaphore, #tpu.memory_space<semaphore_mem>>
      %dma_start3A_199 = tpu.memref_squeeze %dma_start3A_198 : memref<1x!tpu.dma_semaphore, #tpu.memory_space<semaphore_mem>> -> memref<!tpu.dma_semaphore, #tpu.memory_space<semaphore_mem>>
      tpu.enqueue_indirect_dma source(%dma_start3A_191 : memref<512x16xf32, #tpu.memory_space<vmem>>) target(%dma_start3A_197 : memref<100352x16xf32, #tpu.memory_space<vmem_shared>>) offsets(%dma_start3A_194 : memref<512xi32, #tpu.memory_space<vmem>>) semaphore(%dma_start3A_199 : memref<!tpu.dma_semaphore, #tpu.memory_space<semaphore_mem>>) {add = true}
      %add3A_200 = arith.constant 2 : i32
      %add3A_201 = arith.addi %scan3A_157, %add3A_200 : i32
      %lt3A_202 = arith.constant 195 : i32
      %lt3A_203 = arith.cmpi slt, %add3A_201, %lt3A_202 : i32
      %convert_element_type3A_204 = arith.extui %lt3A_203 : i1 to i32
      %cond3A_205 = arith.constant 0 : i32
      %cond3A_206 = arith.cmpi ne, %convert_element_type3A_204, %cond3A_205 : i32
      scf.if %cond3A_206 {
        %add3A_207 = arith.constant 2 : i32
        %add3A_208 = arith.addi %scan3A_157, %add3A_207 : i32
        %mul3A_209 = arith.constant 512 : i32
        %mul3A_210 = arith.muli %add3A_208, %mul3A_209 : i32
        %add3A_211 = arith.addi %mul3A_0, %mul3A_210 : i32
        %dma_start3A_212 = arith.constant 0 : i32
        %dma_start3A_213 = arith.constant 0 : i32
        %dma_start3A_214 = tpu.memref_slice %arg8[%rem3A_167, %dma_start3A_213] : memref<3x512xi32, #tpu.memory_space<vmem>> -> memref<1x512xi32, #tpu.memory_space<vmem>>
        %dma_start3A_215 = tpu.memref_squeeze %dma_start3A_214 : memref<1x512xi32, #tpu.memory_space<vmem>> -> memref<512xi32, #tpu.memory_space<vmem>>
        %dma_start3A_216 = tpu.memref_slice %arg4[%dma_start3A_212, %add3A_211] : memref<2x1600000xi32, #tpu.memory_space<hbm>> -> memref<1x512xi32, #tpu.memory_space<hbm>>
        %dma_start3A_217 = tpu.memref_squeeze %dma_start3A_216 : memref<1x512xi32, #tpu.memory_space<hbm>> -> memref<512xi32, #tpu.memory_space<hbm>>
        %dma_start3A_218 = tpu.memref_slice %arg12[%rem3A_167] : memref<3x!tpu.dma_semaphore, #tpu.memory_space<semaphore_mem>> -> memref<1x!tpu.dma_semaphore, #tpu.memory_space<semaphore_mem>>
        %dma_start3A_219 = tpu.memref_squeeze %dma_start3A_218 : memref<1x!tpu.dma_semaphore, #tpu.memory_space<semaphore_mem>> -> memref<!tpu.dma_semaphore, #tpu.memory_space<semaphore_mem>>
        %dma_start3A_220 = arith.constant 0 : i32
        %dma_start3A_221 = tpu.memref_slice %arg8[%rem3A_167, %dma_start3A_220] : memref<3x512xi32, #tpu.memory_space<vmem>> -> memref<1x512xi32, #tpu.memory_space<vmem>>
        %dma_start3A_222 = tpu.memref_squeeze %dma_start3A_221 : memref<1x512xi32, #tpu.memory_space<vmem>> -> memref<512xi32, #tpu.memory_space<vmem>>
        %dma_start3A_223 = tpu.memref_slice %arg4[%dma_start3A_212, %add3A_211] : memref<2x1600000xi32, #tpu.memory_space<hbm>> -> memref<1x512xi32, #tpu.memory_space<hbm>>
        %dma_start3A_224 = tpu.memref_squeeze %dma_start3A_223 : memref<1x512xi32, #tpu.memory_space<hbm>> -> memref<512xi32, #tpu.memory_space<hbm>>
        tpu.enqueue_dma source(%dma_start3A_224 : memref<512xi32, #tpu.memory_space<hbm>>) target(%dma_start3A_222 : memref<512xi32, #tpu.memory_space<vmem>>) target_semaphore(%dma_start3A_219 : memref<!tpu.dma_semaphore, #tpu.memory_space<semaphore_mem>>)
        %mul3A_225 = arith.constant 512 : i32
        %mul3A_226 = arith.muli %add3A_208, %mul3A_225 : i32
        %add3A_227 = arith.addi %mul3A_0, %mul3A_226 : i32
        %dma_start3A_228 = arith.constant 1 : i32
        %dma_start3A_229 = arith.constant 0 : i32
        %dma_start3A_230 = tpu.memref_slice %arg9[%rem3A_167, %dma_start3A_229] : memref<3x512xi32, #tpu.memory_space<vmem>> -> memref<1x512xi32, #tpu.memory_space<vmem>>
        %dma_start3A_231 = tpu.memref_squeeze %dma_start3A_230 : memref<1x512xi32, #tpu.memory_space<vmem>> -> memref<512xi32, #tpu.memory_space<vmem>>
        %dma_start3A_232 = tpu.memref_slice %arg4[%dma_start3A_228, %add3A_227] : memref<2x1600000xi32, #tpu.memory_space<hbm>> -> memref<1x512xi32, #tpu.memory_space<hbm>>
        %dma_start3A_233 = tpu.memref_squeeze %dma_start3A_232 : memref<1x512xi32, #tpu.memory_space<hbm>> -> memref<512xi32, #tpu.memory_space<hbm>>
        %dma_start3A_234 = tpu.memref_slice %arg12[%rem3A_167] : memref<3x!tpu.dma_semaphore, #tpu.memory_space<semaphore_mem>> -> memref<1x!tpu.dma_semaphore, #tpu.memory_space<semaphore_mem>>
        %dma_start3A_235 = tpu.memref_squeeze %dma_start3A_234 : memref<1x!tpu.dma_semaphore, #tpu.memory_space<semaphore_mem>> -> memref<!tpu.dma_semaphore, #tpu.memory_space<semaphore_mem>>
        %dma_start3A_236 = arith.constant 0 : i32
        %dma_start3A_237 = tpu.memref_slice %arg9[%rem3A_167, %dma_start3A_236] : memref<3x512xi32, #tpu.memory_space<vmem>> -> memref<1x512xi32, #tpu.memory_space<vmem>>
        %dma_start3A_238 = tpu.memref_squeeze %dma_start3A_237 : memref<1x512xi32, #tpu.memory_space<vmem>> -> memref<512xi32, #tpu.memory_space<vmem>>
        %dma_start3A_239 = tpu.memref_slice %arg4[%dma_start3A_228, %add3A_227] : memref<2x1600000xi32, #tpu.memory_space<hbm>> -> memref<1x512xi32, #tpu.memory_space<hbm>>
        %dma_start3A_240 = tpu.memref_squeeze %dma_start3A_239 : memref<1x512xi32, #tpu.memory_space<hbm>> -> memref<512xi32, #tpu.memory_space<hbm>>
        tpu.enqueue_dma source(%dma_start3A_240 : memref<512xi32, #tpu.memory_space<hbm>>) target(%dma_start3A_238 : memref<512xi32, #tpu.memory_space<vmem>>) target_semaphore(%dma_start3A_235 : memref<!tpu.dma_semaphore, #tpu.memory_space<semaphore_mem>>)
      } else {
      }
    }
    %scan3A_112 = arith.constant 195 : i32
    %rem3A = arith.constant 194 : i32
    %rem3A_113 = arith.constant 3 : i32
    %rem3A_114 = arith.remsi %rem3A, %rem3A_113 : i32
    %dma_wait3A_115 = arith.constant 0 : i32
    %dma_wait3A_116 = arith.constant 0 : i32
    %dma_wait3A_117 = tpu.memref_slice %arg11[%rem3A_114, %dma_wait3A_115, %dma_wait3A_116] : memref<3x512x16xf32, #tpu.memory_space<vmem>> -> memref<1x512x16xf32, #tpu.memory_space<vmem>>
    %dma_wait3A_118 = tpu.memref_squeeze %dma_wait3A_117 : memref<1x512x16xf32, #tpu.memory_space<vmem>> -> memref<512x16xf32, #tpu.memory_space<vmem>>
    %dma_wait3A_119 = arith.constant 0 : i32
    %dma_wait3A_120 = tpu.memref_slice %arg9[%rem3A_114, %dma_wait3A_119] : memref<3x512xi32, #tpu.memory_space<vmem>> -> memref<1x512xi32, #tpu.memory_space<vmem>>
    %dma_wait3A_121 = tpu.memref_squeeze %dma_wait3A_120 : memref<1x512xi32, #tpu.memory_space<vmem>> -> memref<512xi32, #tpu.memory_space<vmem>>
    %dma_wait3A_122 = arith.constant 0 : i32
    %dma_wait3A_123 = arith.constant 0 : i32
    %dma_wait3A_124 = tpu.memref_slice %arg15[%dma_wait3A_122, %dma_wait3A_123] : memref<100352x16xf32, #tpu.memory_space<vmem_shared>> -> memref<100352x16xf32, #tpu.memory_space<vmem_shared>>
    %dma_wait3A_125 = tpu.memref_slice %arg14[%rem3A_114] : memref<3x!tpu.dma_semaphore, #tpu.memory_space<semaphore_mem>> -> memref<1x!tpu.dma_semaphore, #tpu.memory_space<semaphore_mem>>
    %dma_wait3A_126 = tpu.memref_squeeze %dma_wait3A_125 : memref<1x!tpu.dma_semaphore, #tpu.memory_space<semaphore_mem>> -> memref<!tpu.dma_semaphore, #tpu.memory_space<semaphore_mem>>
    tpu.wait_indirect_dma semaphore(%dma_wait3A_126 : memref<!tpu.dma_semaphore, #tpu.memory_space<semaphore_mem>>) src(%dma_wait3A_118 : memref<512x16xf32, #tpu.memory_space<vmem>>) dst(%dma_wait3A_124 : memref<100352x16xf32, #tpu.memory_space<vmem_shared>>)
    %add3A_127 = arith.constant 99840 : i32
    %add3A_128 = arith.addi %mul3A_0, %add3A_127 : i32
    %run_scoped3A = arith.constant 0 : i32
    %run_scoped3A_129 = arith.constant 0 : i32
    "tpu.region"() ({
      %run_scoped3A_157 = tpu.sem_alloc : memref<!tpu.dma_semaphore, #tpu.memory_space<semaphore_mem>>
      %dma_start3A_158 = arith.constant 0 : i32
      %dma_start3A_159 = tpu.memref_slice %arg10[%run_scoped3A_129, %dma_start3A_158] : memref<2x160xi32, #tpu.memory_space<vmem>> -> memref<1x160xi32, #tpu.memory_space<vmem>>
      %dma_start3A_160 = tpu.memref_squeeze %dma_start3A_159 : memref<1x160xi32, #tpu.memory_space<vmem>> -> memref<160xi32, #tpu.memory_space<vmem>>
      %dma_start3A_161 = tpu.memref_slice %arg4[%run_scoped3A, %add3A_128] : memref<2x1600000xi32, #tpu.memory_space<hbm>> -> memref<1x160xi32, #tpu.memory_space<hbm>>
      %dma_start3A_162 = tpu.memref_squeeze %dma_start3A_161 : memref<1x160xi32, #tpu.memory_space<hbm>> -> memref<160xi32, #tpu.memory_space<hbm>>
      %dma_start3A_163 = arith.constant 0 : i32
      %dma_start3A_164 = tpu.memref_slice %arg10[%run_scoped3A_129, %dma_start3A_163] : memref<2x160xi32, #tpu.memory_space<vmem>> -> memref<1x160xi32, #tpu.memory_space<vmem>>
      %dma_start3A_165 = tpu.memref_squeeze %dma_start3A_164 : memref<1x160xi32, #tpu.memory_space<vmem>> -> memref<160xi32, #tpu.memory_space<vmem>>
      %dma_start3A_166 = tpu.memref_slice %arg4[%run_scoped3A, %add3A_128] : memref<2x1600000xi32, #tpu.memory_space<hbm>> -> memref<1x160xi32, #tpu.memory_space<hbm>>
      %dma_start3A_167 = tpu.memref_squeeze %dma_start3A_166 : memref<1x160xi32, #tpu.memory_space<hbm>> -> memref<160xi32, #tpu.memory_space<hbm>>
      tpu.enqueue_dma source(%dma_start3A_167 : memref<160xi32, #tpu.memory_space<hbm>>) target(%dma_start3A_165 : memref<160xi32, #tpu.memory_space<vmem>>) target_semaphore(%run_scoped3A_157 : memref<!tpu.dma_semaphore, #tpu.memory_space<semaphore_mem>>)
      %dma_wait3A_168 = arith.constant 0 : i32
      %dma_wait3A_169 = tpu.memref_slice %arg10[%run_scoped3A_129, %dma_wait3A_168] : memref<2x160xi32, #tpu.memory_space<vmem>> -> memref<1x160xi32, #tpu.memory_space<vmem>>
      %dma_wait3A_170 = tpu.memref_squeeze %dma_wait3A_169 : memref<1x160xi32, #tpu.memory_space<vmem>> -> memref<160xi32, #tpu.memory_space<vmem>>
      %dma_wait3A_171 = tpu.memref_slice %arg4[%run_scoped3A, %add3A_128] : memref<2x1600000xi32, #tpu.memory_space<hbm>> -> memref<1x160xi32, #tpu.memory_space<hbm>>
      %dma_wait3A_172 = tpu.memref_squeeze %dma_wait3A_171 : memref<1x160xi32, #tpu.memory_space<hbm>> -> memref<160xi32, #tpu.memory_space<hbm>>
      %dma_wait3A_173 = arith.constant 0 : i32
      %dma_wait3A_174 = tpu.memref_slice %arg10[%run_scoped3A_129, %dma_wait3A_173] : memref<2x160xi32, #tpu.memory_space<vmem>> -> memref<1x160xi32, #tpu.memory_space<vmem>>
      %dma_wait3A_175 = tpu.memref_squeeze %dma_wait3A_174 : memref<1x160xi32, #tpu.memory_space<vmem>> -> memref<160xi32, #tpu.memory_space<vmem>>
      %dma_wait3A_176 = tpu.memref_slice %arg4[%run_scoped3A, %add3A_128] : memref<2x1600000xi32, #tpu.memory_space<hbm>> -> memref<1x160xi32, #tpu.memory_space<hbm>>
      %dma_wait3A_177 = tpu.memref_squeeze %dma_wait3A_176 : memref<1x160xi32, #tpu.memory_space<hbm>> -> memref<160xi32, #tpu.memory_space<hbm>>
      tpu.wait_dma2 semaphore(%run_scoped3A_157 : memref<!tpu.dma_semaphore, #tpu.memory_space<semaphore_mem>>) src(%dma_wait3A_177 : memref<160xi32, #tpu.memory_space<hbm>>) dst(%dma_wait3A_175 : memref<160xi32, #tpu.memory_space<vmem>>)
      tpu.yield
    }) : () -> ()
    %run_scoped3A_130 = arith.constant 1 : i32
    %run_scoped3A_131 = arith.constant 1 : i32
    "tpu.region"() ({
      %run_scoped3A_157 = tpu.sem_alloc : memref<!tpu.dma_semaphore, #tpu.memory_space<semaphore_mem>>
      %dma_start3A_158 = arith.constant 0 : i32
      %dma_start3A_159 = tpu.memref_slice %arg10[%run_scoped3A_131, %dma_start3A_158] : memref<2x160xi32, #tpu.memory_space<vmem>> -> memref<1x160xi32, #tpu.memory_space<vmem>>
      %dma_start3A_160 = tpu.memref_squeeze %dma_start3A_159 : memref<1x160xi32, #tpu.memory_space<vmem>> -> memref<160xi32, #tpu.memory_space<vmem>>
      %dma_start3A_161 = tpu.memref_slice %arg4[%run_scoped3A_130, %add3A_128] : memref<2x1600000xi32, #tpu.memory_space<hbm>> -> memref<1x160xi32, #tpu.memory_space<hbm>>
      %dma_start3A_162 = tpu.memref_squeeze %dma_start3A_161 : memref<1x160xi32, #tpu.memory_space<hbm>> -> memref<160xi32, #tpu.memory_space<hbm>>
      %dma_start3A_163 = arith.constant 0 : i32
      %dma_start3A_164 = tpu.memref_slice %arg10[%run_scoped3A_131, %dma_start3A_163] : memref<2x160xi32, #tpu.memory_space<vmem>> -> memref<1x160xi32, #tpu.memory_space<vmem>>
      %dma_start3A_165 = tpu.memref_squeeze %dma_start3A_164 : memref<1x160xi32, #tpu.memory_space<vmem>> -> memref<160xi32, #tpu.memory_space<vmem>>
      %dma_start3A_166 = tpu.memref_slice %arg4[%run_scoped3A_130, %add3A_128] : memref<2x1600000xi32, #tpu.memory_space<hbm>> -> memref<1x160xi32, #tpu.memory_space<hbm>>
      %dma_start3A_167 = tpu.memref_squeeze %dma_start3A_166 : memref<1x160xi32, #tpu.memory_space<hbm>> -> memref<160xi32, #tpu.memory_space<hbm>>
      tpu.enqueue_dma source(%dma_start3A_167 : memref<160xi32, #tpu.memory_space<hbm>>) target(%dma_start3A_165 : memref<160xi32, #tpu.memory_space<vmem>>) target_semaphore(%run_scoped3A_157 : memref<!tpu.dma_semaphore, #tpu.memory_space<semaphore_mem>>)
      %dma_wait3A_168 = arith.constant 0 : i32
      %dma_wait3A_169 = tpu.memref_slice %arg10[%run_scoped3A_131, %dma_wait3A_168] : memref<2x160xi32, #tpu.memory_space<vmem>> -> memref<1x160xi32, #tpu.memory_space<vmem>>
      %dma_wait3A_170 = tpu.memref_squeeze %dma_wait3A_169 : memref<1x160xi32, #tpu.memory_space<vmem>> -> memref<160xi32, #tpu.memory_space<vmem>>
      %dma_wait3A_171 = tpu.memref_slice %arg4[%run_scoped3A_130, %add3A_128] : memref<2x1600000xi32, #tpu.memory_space<hbm>> -> memref<1x160xi32, #tpu.memory_space<hbm>>
      %dma_wait3A_172 = tpu.memref_squeeze %dma_wait3A_171 : memref<1x160xi32, #tpu.memory_space<hbm>> -> memref<160xi32, #tpu.memory_space<hbm>>
      %dma_wait3A_173 = arith.constant 0 : i32
      %dma_wait3A_174 = tpu.memref_slice %arg10[%run_scoped3A_131, %dma_wait3A_173] : memref<2x160xi32, #tpu.memory_space<vmem>> -> memref<1x160xi32, #tpu.memory_space<vmem>>
      %dma_wait3A_175 = tpu.memref_squeeze %dma_wait3A_174 : memref<1x160xi32, #tpu.memory_space<vmem>> -> memref<160xi32, #tpu.memory_space<vmem>>
      %dma_wait3A_176 = tpu.memref_slice %arg4[%run_scoped3A_130, %add3A_128] : memref<2x1600000xi32, #tpu.memory_space<hbm>> -> memref<1x160xi32, #tpu.memory_space<hbm>>
      %dma_wait3A_177 = tpu.memref_squeeze %dma_wait3A_176 : memref<1x160xi32, #tpu.memory_space<hbm>> -> memref<160xi32, #tpu.memory_space<hbm>>
      tpu.wait_dma2 semaphore(%run_scoped3A_157 : memref<!tpu.dma_semaphore, #tpu.memory_space<semaphore_mem>>) src(%dma_wait3A_177 : memref<160xi32, #tpu.memory_space<hbm>>) dst(%dma_wait3A_175 : memref<160xi32, #tpu.memory_space<vmem>>)
      tpu.yield
    }) : () -> ()
    %eq3A_132 = arith.constant 0 : i32
    %eq3A_133 = arith.cmpi eq, %arg0, %eq3A_132 : i32
    %convert_element_type3A_134 = arith.extui %eq3A_133 : i1 to i32
    %cond3A_135 = arith.constant 0 : i32
    %cond3A_136 = arith.cmpi ne, %convert_element_type3A_134, %cond3A_135 : i32
    scf.if %cond3A_136 {
      %run_scoped3A_157 = arith.constant 0 : i32
      %run_scoped3A_158 = arith.constant 0 : i32
      "tpu.region"() ({
        %run_scoped3A_159 = tpu.sem_alloc : memref<!tpu.dma_semaphore, #tpu.memory_space<semaphore_mem>>
        %dma_start3A_160 = arith.constant 0 : i32
        %dma_start3A_161 = arith.constant 0 : i32
        %dma_start3A_162 = tpu.memref_slice %arg11[%run_scoped3A_158, %dma_start3A_160, %dma_start3A_161] : memref<3x512x16xf32, #tpu.memory_space<vmem>> -> memref<1x160x16xf32, #tpu.memory_space<vmem>>
        %dma_start3A_163 = tpu.memref_squeeze %dma_start3A_162 : memref<1x160x16xf32, #tpu.memory_space<vmem>> -> memref<160x16xf32, #tpu.memory_space<vmem>>
        %dma_start3A_164 = arith.constant 0 : i32
        %dma_start3A_165 = tpu.memref_slice %arg10[%run_scoped3A_157, %dma_start3A_164] : memref<2x160xi32, #tpu.memory_space<vmem>> -> memref<1x160xi32, #tpu.memory_space<vmem>>
        %dma_start3A_166 = tpu.memref_squeeze %dma_start3A_165 : memref<1x160xi32, #tpu.memory_space<vmem>> -> memref<160xi32, #tpu.memory_space<vmem>>
        %dma_start3A_167 = arith.constant 0 : i32
        %dma_start3A_168 = arith.constant 0 : i32
        %dma_start3A_169 = tpu.memref_slice %arg2[%dma_start3A_167, %dma_start3A_168] : memref<100000x16xf32, #tpu.memory_space<hbm>> -> memref<100000x16xf32, #tpu.memory_space<hbm>>
        tpu.enqueue_indirect_dma source(%dma_start3A_169 : memref<100000x16xf32, #tpu.memory_space<hbm>>) target(%dma_start3A_163 : memref<160x16xf32, #tpu.memory_space<vmem>>) offsets(%dma_start3A_166 : memref<160xi32, #tpu.memory_space<vmem>>) semaphore(%run_scoped3A_159 : memref<!tpu.dma_semaphore, #tpu.memory_space<semaphore_mem>>)
        %dma_wait3A_170 = arith.constant 0 : i32
        %dma_wait3A_171 = arith.constant 0 : i32
        %dma_wait3A_172 = tpu.memref_slice %arg11[%run_scoped3A_158, %dma_wait3A_170, %dma_wait3A_171] : memref<3x512x16xf32, #tpu.memory_space<vmem>> -> memref<1x160x16xf32, #tpu.memory_space<vmem>>
        %dma_wait3A_173 = tpu.memref_squeeze %dma_wait3A_172 : memref<1x160x16xf32, #tpu.memory_space<vmem>> -> memref<160x16xf32, #tpu.memory_space<vmem>>
        %dma_wait3A_174 = arith.constant 0 : i32
        %dma_wait3A_175 = tpu.memref_slice %arg10[%run_scoped3A_157, %dma_wait3A_174] : memref<2x160xi32, #tpu.memory_space<vmem>> -> memref<1x160xi32, #tpu.memory_space<vmem>>
        %dma_wait3A_176 = tpu.memref_squeeze %dma_wait3A_175 : memref<1x160xi32, #tpu.memory_space<vmem>> -> memref<160xi32, #tpu.memory_space<vmem>>
        %dma_wait3A_177 = arith.constant 0 : i32
        %dma_wait3A_178 = arith.constant 0 : i32
        %dma_wait3A_179 = tpu.memref_slice %arg2[%dma_wait3A_177, %dma_wait3A_178] : memref<100000x16xf32, #tpu.memory_space<hbm>> -> memref<100000x16xf32, #tpu.memory_space<hbm>>
        tpu.wait_indirect_dma semaphore(%run_scoped3A_159 : memref<!tpu.dma_semaphore, #tpu.memory_space<semaphore_mem>>) src(%dma_wait3A_179 : memref<100000x16xf32, #tpu.memory_space<hbm>>) dst(%dma_wait3A_173 : memref<160x16xf32, #tpu.memory_space<vmem>>)
        tpu.yield
      }) : () -> ()
    } else {
    }
    %eq3A_137 = arith.constant 1 : i32
    %eq3A_138 = arith.cmpi eq, %arg0, %eq3A_137 : i32
    %convert_element_type3A_139 = arith.extui %eq3A_138 : i1 to i32
    %cond3A_140 = arith.constant 0 : i32
    %cond3A_141 = arith.cmpi ne, %convert_element_type3A_139, %cond3A_140 : i32
    scf.if %cond3A_141 {
      %run_scoped3A_157 = arith.constant 0 : i32
      %run_scoped3A_158 = arith.constant 0 : i32
      "tpu.region"() ({
        %run_scoped3A_159 = tpu.sem_alloc : memref<!tpu.dma_semaphore, #tpu.memory_space<semaphore_mem>>
        %dma_start3A_160 = arith.constant 0 : i32
        %dma_start3A_161 = arith.constant 0 : i32
        %dma_start3A_162 = tpu.memref_slice %arg11[%run_scoped3A_158, %dma_start3A_160, %dma_start3A_161] : memref<3x512x16xf32, #tpu.memory_space<vmem>> -> memref<1x160x16xf32, #tpu.memory_space<vmem>>
        %dma_start3A_163 = tpu.memref_squeeze %dma_start3A_162 : memref<1x160x16xf32, #tpu.memory_space<vmem>> -> memref<160x16xf32, #tpu.memory_space<vmem>>
        %dma_start3A_164 = arith.constant 0 : i32
        %dma_start3A_165 = tpu.memref_slice %arg10[%run_scoped3A_157, %dma_start3A_164] : memref<2x160xi32, #tpu.memory_space<vmem>> -> memref<1x160xi32, #tpu.memory_space<vmem>>
        %dma_start3A_166 = tpu.memref_squeeze %dma_start3A_165 : memref<1x160xi32, #tpu.memory_space<vmem>> -> memref<160xi32, #tpu.memory_space<vmem>>
        %dma_start3A_167 = arith.constant 0 : i32
        %dma_start3A_168 = arith.constant 0 : i32
        %dma_start3A_169 = tpu.memref_slice %arg3[%dma_start3A_167, %dma_start3A_168] : memref<100000x16xf32, #tpu.memory_space<hbm>> -> memref<100000x16xf32, #tpu.memory_space<hbm>>
        tpu.enqueue_indirect_dma source(%dma_start3A_169 : memref<100000x16xf32, #tpu.memory_space<hbm>>) target(%dma_start3A_163 : memref<160x16xf32, #tpu.memory_space<vmem>>) offsets(%dma_start3A_166 : memref<160xi32, #tpu.memory_space<vmem>>) semaphore(%run_scoped3A_159 : memref<!tpu.dma_semaphore, #tpu.memory_space<semaphore_mem>>)
        %dma_wait3A_170 = arith.constant 0 : i32
        %dma_wait3A_171 = arith.constant 0 : i32
        %dma_wait3A_172 = tpu.memref_slice %arg11[%run_scoped3A_158, %dma_wait3A_170, %dma_wait3A_171] : memref<3x512x16xf32, #tpu.memory_space<vmem>> -> memref<1x160x16xf32, #tpu.memory_space<vmem>>
        %dma_wait3A_173 = tpu.memref_squeeze %dma_wait3A_172 : memref<1x160x16xf32, #tpu.memory_space<vmem>> -> memref<160x16xf32, #tpu.memory_space<vmem>>
        %dma_wait3A_174 = arith.constant 0 : i32
        %dma_wait3A_175 = tpu.memref_slice %arg10[%run_scoped3A_157, %dma_wait3A_174] : memref<2x160xi32, #tpu.memory_space<vmem>> -> memref<1x160xi32, #tpu.memory_space<vmem>>
        %dma_wait3A_176 = tpu.memref_squeeze %dma_wait3A_175 : memref<1x160xi32, #tpu.memory_space<vmem>> -> memref<160xi32, #tpu.memory_space<vmem>>
        %dma_wait3A_177 = arith.constant 0 : i32
        %dma_wait3A_178 = arith.constant 0 : i32
        %dma_wait3A_179 = tpu.memref_slice %arg3[%dma_wait3A_177, %dma_wait3A_178] : memref<100000x16xf32, #tpu.memory_space<hbm>> -> memref<100000x16xf32, #tpu.memory_space<hbm>>
        tpu.wait_indirect_dma semaphore(%run_scoped3A_159 : memref<!tpu.dma_semaphore, #tpu.memory_space<semaphore_mem>>) src(%dma_wait3A_179 : memref<100000x16xf32, #tpu.memory_space<hbm>>) dst(%dma_wait3A_173 : memref<160x16xf32, #tpu.memory_space<vmem>>)
        tpu.yield
      }) : () -> ()
    } else {
    }
    %run_scoped3A_142 = arith.constant 0 : i32
    %run_scoped3A_143 = arith.constant 1 : i32
    "tpu.region"() ({
      %run_scoped3A_157 = tpu.sem_alloc : memref<!tpu.dma_semaphore, #tpu.memory_space<semaphore_mem>>
      %dma_start3A_158 = arith.constant 0 : i32
      %dma_start3A_159 = arith.constant 0 : i32
      %dma_start3A_160 = tpu.memref_slice %arg11[%run_scoped3A_142, %dma_start3A_158, %dma_start3A_159] : memref<3x512x16xf32, #tpu.memory_space<vmem>> -> memref<1x160x16xf32, #tpu.memory_space<vmem>>
      %dma_start3A_161 = tpu.memref_squeeze %dma_start3A_160 : memref<1x160x16xf32, #tpu.memory_space<vmem>> -> memref<160x16xf32, #tpu.memory_space<vmem>>
      %dma_start3A_162 = arith.constant 0 : i32
      %dma_start3A_163 = tpu.memref_slice %arg10[%run_scoped3A_143, %dma_start3A_162] : memref<2x160xi32, #tpu.memory_space<vmem>> -> memref<1x160xi32, #tpu.memory_space<vmem>>
      %dma_start3A_164 = tpu.memref_squeeze %dma_start3A_163 : memref<1x160xi32, #tpu.memory_space<vmem>> -> memref<160xi32, #tpu.memory_space<vmem>>
      %dma_start3A_165 = arith.constant 0 : i32
      %dma_start3A_166 = arith.constant 0 : i32
      %dma_start3A_167 = tpu.memref_slice %arg15[%dma_start3A_165, %dma_start3A_166] : memref<100352x16xf32, #tpu.memory_space<vmem_shared>> -> memref<100352x16xf32, #tpu.memory_space<vmem_shared>>
      tpu.enqueue_indirect_dma source(%dma_start3A_161 : memref<160x16xf32, #tpu.memory_space<vmem>>) target(%dma_start3A_167 : memref<100352x16xf32, #tpu.memory_space<vmem_shared>>) offsets(%dma_start3A_164 : memref<160xi32, #tpu.memory_space<vmem>>) semaphore(%run_scoped3A_157 : memref<!tpu.dma_semaphore, #tpu.memory_space<semaphore_mem>>) {add = true}
      %dma_wait3A_168 = arith.constant 0 : i32
      %dma_wait3A_169 = arith.constant 0 : i32
      %dma_wait3A_170 = tpu.memref_slice %arg11[%run_scoped3A_142, %dma_wait3A_168, %dma_wait3A_169] : memref<3x512x16xf32, #tpu.memory_space<vmem>> -> memref<1x160x16xf32, #tpu.memory_space<vmem>>
      %dma_wait3A_171 = tpu.memref_squeeze %dma_wait3A_170 : memref<1x160x16xf32, #tpu.memory_space<vmem>> -> memref<160x16xf32, #tpu.memory_space<vmem>>
      %dma_wait3A_172 = arith.constant 0 : i32
      %dma_wait3A_173 = tpu.memref_slice %arg10[%run_scoped3A_143, %dma_wait3A_172] : memref<2x160xi32, #tpu.memory_space<vmem>> -> memref<1x160xi32, #tpu.memory_space<vmem>>
      %dma_wait3A_174 = tpu.memref_squeeze %dma_wait3A_173 : memref<1x160xi32, #tpu.memory_space<vmem>> -> memref<160xi32, #tpu.memory_space<vmem>>
      %dma_wait3A_175 = arith.constant 0 : i32
      %dma_wait3A_176 = arith.constant 0 : i32
      %dma_wait3A_177 = tpu.memref_slice %arg15[%dma_wait3A_175, %dma_wait3A_176] : memref<100352x16xf32, #tpu.memory_space<vmem_shared>> -> memref<100352x16xf32, #tpu.memory_space<vmem_shared>>
      tpu.wait_indirect_dma semaphore(%run_scoped3A_157 : memref<!tpu.dma_semaphore, #tpu.memory_space<semaphore_mem>>) src(%dma_wait3A_171 : memref<160x16xf32, #tpu.memory_space<vmem>>) dst(%dma_wait3A_177 : memref<100352x16xf32, #tpu.memory_space<vmem_shared>>)
      tpu.yield
    }) : () -> ()
    %barrier3A_144 = arith.constant 0 : index
    tpu.barrier barrier_id(%barrier3A_144)
    %mul3A_145 = arith.constant 6272 : i32
    %mul3A_146 = arith.muli %arg1, %mul3A_145 : i32
    %eq3A_147 = arith.constant 0 : i32
    %eq3A_148 = arith.cmpi eq, %arg0, %eq3A_147 : i32
    %convert_element_type3A_149 = arith.extui %eq3A_148 : i1 to i32
    %cond3A_150 = arith.constant 0 : i32
    %cond3A_151 = arith.cmpi ne, %convert_element_type3A_149, %cond3A_150 : i32
    scf.if %cond3A_151 {
      "tpu.region"() ({
        %run_scoped3A_157 = tpu.sem_alloc : memref<!tpu.dma_semaphore, #tpu.memory_space<semaphore_mem>>
        %dma_start3A_158 = arith.constant 0 : i32
        %dma_start3A_159 = tpu.memref_slice %arg6[%mul3A_146, %dma_start3A_158] : memref<100352x16xf32, #tpu.memory_space<hbm>> -> memref<6272x16xf32, #tpu.memory_space<hbm>>
        %dma_start3A_160 = arith.constant 0 : i32
        %dma_start3A_161 = tpu.memref_slice %arg15[%mul3A_146, %dma_start3A_160] : memref<100352x16xf32, #tpu.memory_space<vmem_shared>> -> memref<6272x16xf32, #tpu.memory_space<vmem_shared>>
        tpu.enqueue_dma source(%dma_start3A_161 : memref<6272x16xf32, #tpu.memory_space<vmem_shared>>) target(%dma_start3A_159 : memref<6272x16xf32, #tpu.memory_space<hbm>>) target_semaphore(%run_scoped3A_157 : memref<!tpu.dma_semaphore, #tpu.memory_space<semaphore_mem>>)
        %dma_wait3A_162 = arith.constant 0 : i32
        %dma_wait3A_163 = tpu.memref_slice %arg6[%mul3A_146, %dma_wait3A_162] : memref<100352x16xf32, #tpu.memory_space<hbm>> -> memref<6272x16xf32, #tpu.memory_space<hbm>>
        %dma_wait3A_164 = arith.constant 0 : i32
        %dma_wait3A_165 = tpu.memref_slice %arg15[%mul3A_146, %dma_wait3A_164] : memref<100352x16xf32, #tpu.memory_space<vmem_shared>> -> memref<6272x16xf32, #tpu.memory_space<vmem_shared>>
        tpu.wait_dma2 semaphore(%run_scoped3A_157 : memref<!tpu.dma_semaphore, #tpu.memory_space<semaphore_mem>>) src(%dma_wait3A_165 : memref<6272x16xf32, #tpu.memory_space<vmem_shared>>) dst(%dma_wait3A_163 : memref<6272x16xf32, #tpu.memory_space<hbm>>)
        tpu.yield
      }) : () -> ()
    } else {
    }
    %eq3A_152 = arith.constant 1 : i32
    %eq3A_153 = arith.cmpi eq, %arg0, %eq3A_152 : i32
    %convert_element_type3A_154 = arith.extui %eq3A_153 : i1 to i32
    %cond3A_155 = arith.constant 0 : i32
    %cond3A_156 = arith.cmpi ne, %convert_element_type3A_154, %cond3A_155 : i32
    scf.if %cond3A_156 {
      "tpu.region"() ({
        %run_scoped3A_157 = tpu.sem_alloc : memref<!tpu.dma_semaphore, #tpu.memory_space<semaphore_mem>>
        %dma_start3A_158 = arith.constant 0 : i32
        %dma_start3A_159 = tpu.memref_slice %arg7[%mul3A_146, %dma_start3A_158] : memref<100352x16xf32, #tpu.memory_space<hbm>> -> memref<6272x16xf32, #tpu.memory_space<hbm>>
        %dma_start3A_160 = arith.constant 0 : i32
        %dma_start3A_161 = tpu.memref_slice %arg15[%mul3A_146, %dma_start3A_160] : memref<100352x16xf32, #tpu.memory_space<vmem_shared>> -> memref<6272x16xf32, #tpu.memory_space<vmem_shared>>
        tpu.enqueue_dma source(%dma_start3A_161 : memref<6272x16xf32, #tpu.memory_space<vmem_shared>>) target(%dma_start3A_159 : memref<6272x16xf32, #tpu.memory_space<hbm>>) target_semaphore(%run_scoped3A_157 : memref<!tpu.dma_semaphore, #tpu.memory_space<semaphore_mem>>)
        %dma_wait3A_162 = arith.constant 0 : i32
        %dma_wait3A_163 = tpu.memref_slice %arg7[%mul3A_146, %dma_wait3A_162] : memref<100352x16xf32, #tpu.memory_space<hbm>> -> memref<6272x16xf32, #tpu.memory_space<hbm>>
        %dma_wait3A_164 = arith.constant 0 : i32
        %dma_wait3A_165 = tpu.memref_slice %arg15[%mul3A_146, %dma_wait3A_164] : memref<100352x16xf32, #tpu.memory_space<vmem_shared>> -> memref<6272x16xf32, #tpu.memory_space<vmem_shared>>
        tpu.wait_dma2 semaphore(%run_scoped3A_157 : memref<!tpu.dma_semaphore, #tpu.memory_space<semaphore_mem>>) src(%dma_wait3A_165 : memref<6272x16xf32, #tpu.memory_space<vmem_shared>>) dst(%dma_wait3A_163 : memref<6272x16xf32, #tpu.memory_space<hbm>>)
        tpu.yield
      }) : () -> ()
    } else {
    }
    return
  }
}

module attributes {stable_mosaic.version = 14 : i64} {
  func.func @_prologue_body(%arg0: i32, %arg1: memref<2000x3xf32, #tpu.memory_space<vmem>>, %arg2: memref<2000x16xf32, #tpu.memory_space<vmem>>, %arg3: memref<2000x16xf32, #tpu.memory_space<vmem>>, %arg4: memref<3x32xf32, #tpu.memory_space<vmem>>, %arg5: memref<1x32xf32, #tpu.memory_space<vmem>>, %arg6: memref<2000x32xf32, #tpu.memory_space<vmem>>, %arg7: memref<2000x16xf32, #tpu.memory_space<vmem>>, %arg8: memref<2000x16xf32, #tpu.memory_space<vmem>>, %arg9: memref<2000x1xf32, #tpu.memory_space<vmem>>) attributes {dimension_semantics = [#tpu.dimension_semantics<arbitrary>], iteration_bounds = array<i64: 50>, scalar_prefetch = 0 : i64, scratch_operands = 0 : i64, tpu.core_type = #tpu.core_type<tc>, window_params = [{transform_indices = @transform_0, window_bounds = array<i64: 2000, 3>}, {transform_indices = @transform_1, window_bounds = array<i64: 2000, 16>}, {transform_indices = @transform_2, window_bounds = array<i64: 2000, 16>}, {pipeline_mode = #tpu.pipeline_mode<synchronous>, transform_indices = @transform_3, window_bounds = array<i64: 3, 32>}, {pipeline_mode = #tpu.pipeline_mode<synchronous>, transform_indices = @transform_4, window_bounds = array<i64: 1, 32>}, {transform_indices = @transform_5, window_bounds = array<i64: 2000, 32>}, {transform_indices = @transform_6, window_bounds = array<i64: 2000, 16>}, {transform_indices = @transform_7, window_bounds = array<i64: 2000, 16>}, {transform_indices = @transform_8, window_bounds = array<i64: 2000, 1>}]} {
    %get3A = arith.constant 0 : index
    %get3A_0 = arith.constant 0 : index
    %get3A_1 = vector.load %arg2[%get3A, %get3A_0] : memref<2000x16xf32, #tpu.memory_space<vmem>>, vector<2000x1xf32>
    %get3A_2 = arith.constant 0 : index
    %get3A_3 = arith.constant 0 : index
    %get3A_4 = vector.load %arg3[%get3A_2, %get3A_3] : memref<2000x16xf32, #tpu.memory_space<vmem>>, vector<2000x1xf32>
    %add3A = arith.addf %get3A_1, %get3A_4 : vector<2000x1xf32>
    %add3A_5 = arith.constant 1.000000e+00 : f32
    %add3A_6 = vector.broadcast %add3A_5 : f32 to vector<2000x1xf32>
    %add3A_7 = arith.addf %add3A, %add3A_6 : vector<2000x1xf32>
    %rsqrt3A = math.rsqrt %add3A_7 : vector<2000x1xf32>
    %get3A_8 = arith.constant 0 : index
    %get3A_9 = arith.constant 0 : index
    %get3A_10 = vector.load %arg1[%get3A_8, %get3A_9] : memref<2000x3xf32, #tpu.memory_space<vmem>>, vector<2000x3xf32>
    %get3A_11 = arith.constant 0 : index
    %get3A_12 = arith.constant 0 : index
    %get3A_13 = vector.load %arg4[%get3A_11, %get3A_12] : memref<3x32xf32, #tpu.memory_space<vmem>>, vector<3x32xf32>
    %dot_general3A = arith.constant dense<0.000000e+00> : vector<2000x32xf32>
    %dot_general3A_14 = tpu.matmul %get3A_10, %get3A_13, %dot_general3A {dimension_numbers = #tpu.dot_dimension_numbers<[1], [0], [0], [1], [0, 0, 1, 1], [], []>, transpose_lhs_hint = false} : vector<2000x3xf32>, vector<3x32xf32>, vector<2000x32xf32> -> vector<2000x32xf32>
    %get3A_15 = arith.constant 0 : index
    %get3A_16 = arith.constant 0 : index
    %get3A_17 = vector.load %arg5[%get3A_15, %get3A_16] : memref<1x32xf32, #tpu.memory_space<vmem>>, vector<1x32xf32>
    %add3A_18 = vector.broadcast %get3A_17 : vector<1x32xf32> to vector<2000x32xf32>
    %add3A_19 = arith.addf %dot_general3A_14, %add3A_18 : vector<2000x32xf32>
    %max3A = arith.constant 0.000000e+00 : f32
    %max3A_20 = vector.broadcast %max3A : f32 to vector<2000x32xf32>
    %max3A_21 = arith.maximumf %add3A_19, %max3A_20 : vector<2000x32xf32>
    %mul3A = arith.mulf %max3A_21, %max3A_21 : vector<2000x32xf32>
    %reduce_sum3A = arith.constant dense<0.000000e+00> : vector<2000xf32>
    %reduce_sum3A_22 = vector.multi_reduction <add>, %mul3A, %reduce_sum3A [1] : vector<2000x32xf32> to vector<2000xf32>
    %broadcast_in_dim3A = vector.shape_cast %reduce_sum3A_22 : vector<2000xf32> to vector<2000x1xf32>
    %sqrt3A = math.sqrt %broadcast_in_dim3A : vector<2000x1xf32>
    %max3A_23 = arith.constant 9.99999996E-13 : f32
    %max3A_24 = vector.broadcast %max3A_23 : f32 to vector<2000x1xf32>
    %max3A_25 = arith.maximumf %sqrt3A, %max3A_24 : vector<2000x1xf32>
    %div3A = vector.broadcast %max3A_25 : vector<2000x1xf32> to vector<2000x32xf32>
    %div3A_26 = arith.divf %max3A_21, %div3A : vector<2000x32xf32>
    %mul3A_27 = vector.broadcast %rsqrt3A : vector<2000x1xf32> to vector<2000x32xf32>
    %mul3A_28 = arith.mulf %mul3A_27, %div3A_26 : vector<2000x32xf32>
    %swap3A = arith.constant 0 : index
    %swap3A_29 = arith.constant 0 : index
    %swap3A_30 = vector.load %arg6[%swap3A, %swap3A_29] : memref<2000x32xf32, #tpu.memory_space<vmem>>, vector<2000x32xf32>
    tpu.vector_store %arg6[%swap3A, %swap3A_29], %div3A_26 {strides = array<i32>} : memref<2000x32xf32, #tpu.memory_space<vmem>>, vector<2000x32xf32>,
    %slice3A = vector.extract_strided_slice %mul3A_28 {offsets = [0, 0], sizes = [2000, 16], strides = [1, 1]} : vector<2000x32xf32> to vector<2000x16xf32>
    %swap3A_31 = arith.constant 0 : index
    %swap3A_32 = arith.constant 0 : index
    %swap3A_33 = vector.load %arg7[%swap3A_31, %swap3A_32] : memref<2000x16xf32, #tpu.memory_space<vmem>>, vector<2000x16xf32>
    tpu.vector_store %arg7[%swap3A_31, %swap3A_32], %slice3A {strides = array<i32>} : memref<2000x16xf32, #tpu.memory_space<vmem>>, vector<2000x16xf32>,
    %slice3A_34 = vector.extract_strided_slice %mul3A_28 {offsets = [0, 16], sizes = [2000, 16], strides = [1, 1]} : vector<2000x32xf32> to vector<2000x16xf32>
    %swap3A_35 = arith.constant 0 : index
    %swap3A_36 = arith.constant 0 : index
    %swap3A_37 = vector.load %arg8[%swap3A_35, %swap3A_36] : memref<2000x16xf32, #tpu.memory_space<vmem>>, vector<2000x16xf32>
    tpu.vector_store %arg8[%swap3A_35, %swap3A_36], %slice3A_34 {strides = array<i32>} : memref<2000x16xf32, #tpu.memory_space<vmem>>, vector<2000x16xf32>,
    %swap3A_38 = arith.constant 0 : index
    %swap3A_39 = arith.constant 0 : index
    %swap3A_40 = vector.load %arg9[%swap3A_38, %swap3A_39] : memref<2000x1xf32, #tpu.memory_space<vmem>>, vector<2000x1xf32>
    tpu.vector_store %arg9[%swap3A_38, %swap3A_39], %rsqrt3A {strides = array<i32>} : memref<2000x1xf32, #tpu.memory_space<vmem>>, vector<2000x1xf32>,
    return
  }
  func.func @transform_0(%arg0: i32) -> (i32, i32) {
    %c0_i32 = arith.constant 0 : i32
    %c0_i32_0 = arith.constant 0 : i32
    return %arg0, %c0_i32 : i32, i32
  }
  func.func @transform_1(%arg0: i32) -> (i32, i32) {
    %c0_i32 = arith.constant 0 : i32
    %c0_i32_0 = arith.constant 0 : i32
    return %arg0, %c0_i32 : i32, i32
  }
  func.func @transform_2(%arg0: i32) -> (i32, i32) {
    %c0_i32 = arith.constant 0 : i32
    %c0_i32_0 = arith.constant 0 : i32
    return %arg0, %c0_i32 : i32, i32
  }
  func.func @transform_3(%arg0: i32) -> (i32, i32) {
    %c0_i32 = arith.constant 0 : i32
    %c0_i32_0 = arith.constant 0 : i32
    %c0_i32_1 = arith.constant 0 : i32
    return %c0_i32, %c0_i32_0 : i32, i32
  }
  func.func @transform_4(%arg0: i32) -> (i32, i32) {
    %c0_i32 = arith.constant 0 : i32
    %c0_i32_0 = arith.constant 0 : i32
    %c0_i32_1 = arith.constant 0 : i32
    return %c0_i32, %c0_i32_0 : i32, i32
  }
  func.func @transform_5(%arg0: i32) -> (i32, i32) {
    %c0_i32 = arith.constant 0 : i32
    %c0_i32_0 = arith.constant 0 : i32
    return %arg0, %c0_i32 : i32, i32
  }
  func.func @transform_6(%arg0: i32) -> (i32, i32) {
    %c0_i32 = arith.constant 0 : i32
    %c0_i32_0 = arith.constant 0 : i32
    return %arg0, %c0_i32 : i32, i32
  }
  func.func @transform_7(%arg0: i32) -> (i32, i32) {
    %c0_i32 = arith.constant 0 : i32
    %c0_i32_0 = arith.constant 0 : i32
    return %arg0, %c0_i32 : i32, i32
  }
  func.func @transform_8(%arg0: i32) -> (i32, i32) {
    %c0_i32 = arith.constant 0 : i32
    %c0_i32_0 = arith.constant 0 : i32
    return %arg0, %c0_i32 : i32, i32
  }
}

module attributes {stable_mosaic.version = 14 : i64} {
  func.func @_gru_body(%arg0: i32, %arg1: memref<2000x32xf32, #tpu.memory_space<vmem>>, %arg2: memref<2000x16xf32, #tpu.memory_space<vmem>>, %arg3: memref<2000x16xf32, #tpu.memory_space<vmem>>, %arg4: memref<2000x1xf32, #tpu.memory_space<vmem>>, %arg5: memref<2000x32xf32, #tpu.memory_space<vmem>>, %arg6: memref<32x96xf32, #tpu.memory_space<vmem>>, %arg7: memref<32x96xf32, #tpu.memory_space<vmem>>, %arg8: memref<1x96xf32, #tpu.memory_space<vmem>>, %arg9: memref<1x96xf32, #tpu.memory_space<vmem>>, %arg10: memref<2000x32xf32, #tpu.memory_space<vmem>>, %arg11: memref<2000x16xf32, #tpu.memory_space<vmem>>, %arg12: memref<2000x16xf32, #tpu.memory_space<vmem>>, %arg13: memref<2000x32xf32, #tpu.memory_space<vmem>>) attributes {dimension_semantics = [#tpu.dimension_semantics<arbitrary>], iteration_bounds = array<i64: 50>, scalar_prefetch = 0 : i64, scratch_operands = 0 : i64, tpu.core_type = #tpu.core_type<tc>, window_params = [{transform_indices = @transform_0, window_bounds = array<i64: 2000, 32>}, {transform_indices = @transform_1, window_bounds = array<i64: 2000, 16>}, {transform_indices = @transform_2, window_bounds = array<i64: 2000, 16>}, {transform_indices = @transform_3, window_bounds = array<i64: 2000, 1>}, {transform_indices = @transform_4, window_bounds = array<i64: 2000, 32>}, {pipeline_mode = #tpu.pipeline_mode<synchronous>, transform_indices = @transform_5, window_bounds = array<i64: 32, 96>}, {pipeline_mode = #tpu.pipeline_mode<synchronous>, transform_indices = @transform_6, window_bounds = array<i64: 32, 96>}, {pipeline_mode = #tpu.pipeline_mode<synchronous>, transform_indices = @transform_7, window_bounds = array<i64: 1, 96>}, {pipeline_mode = #tpu.pipeline_mode<synchronous>, transform_indices = @transform_8, window_bounds = array<i64: 1, 96>}, {transform_indices = @transform_9, window_bounds = array<i64: 2000, 32>}, {transform_indices = @transform_10, window_bounds = array<i64: 2000, 16>}, {transform_indices = @transform_11, window_bounds = array<i64: 2000, 16>}, {transform_indices = @transform_12, window_bounds = array<i64: 2000, 32>}]} {
    %get3A = arith.constant 0 : index
    %get3A_0 = arith.constant 0 : index
    %get3A_1 = vector.load %arg4[%get3A, %get3A_0] : memref<2000x1xf32, #tpu.memory_space<vmem>>, vector<2000x1xf32>
    %get3A_2 = arith.constant 0 : index
    %get3A_3 = arith.constant 0 : index
    %get3A_4 = vector.load %arg1[%get3A_2, %get3A_3] : memref<2000x32xf32, #tpu.memory_space<vmem>>, vector<2000x32xf32>
    %get3A_5 = arith.constant 0 : index
    %get3A_6 = arith.constant 0 : index
    %get3A_7 = vector.load %arg2[%get3A_5, %get3A_6] : memref<2000x16xf32, #tpu.memory_space<vmem>>, vector<2000x16xf32>
    %get3A_8 = arith.constant 0 : index
    %get3A_9 = arith.constant 0 : index
    %get3A_10 = vector.load %arg3[%get3A_8, %get3A_9] : memref<2000x16xf32, #tpu.memory_space<vmem>>, vector<2000x16xf32>
    %concatenate3A = tpu.concatenate %get3A_7, %get3A_10 in 1 : vector<2000x16xf32>, vector<2000x16xf32> -> vector<2000x32xf32>
    %mul3A = vector.broadcast %get3A_1 : vector<2000x1xf32> to vector<2000x32xf32>
    %mul3A_11 = arith.mulf %concatenate3A, %mul3A : vector<2000x32xf32>
    %get3A_12 = arith.constant 0 : index
    %get3A_13 = arith.constant 0 : index
    %get3A_14 = vector.load %arg6[%get3A_12, %get3A_13] : memref<32x96xf32, #tpu.memory_space<vmem>>, vector<32x96xf32>
    %dot_general3A = arith.constant dense<0.000000e+00> : vector<2000x96xf32>
    %dot_general3A_15 = tpu.matmul %get3A_4, %get3A_14, %dot_general3A {dimension_numbers = #tpu.dot_dimension_numbers<[1], [0], [0], [1], [0, 0, 1, 1], [], []>, transpose_lhs_hint = false} : vector<2000x32xf32>, vector<32x96xf32>, vector<2000x96xf32> -> vector<2000x96xf32>
    %get3A_16 = arith.constant 0 : index
    %get3A_17 = arith.constant 0 : index
    %get3A_18 = vector.load %arg8[%get3A_16, %get3A_17] : memref<1x96xf32, #tpu.memory_space<vmem>>, vector<1x96xf32>
    %add3A = vector.broadcast %get3A_18 : vector<1x96xf32> to vector<2000x96xf32>
    %add3A_19 = arith.addf %dot_general3A_15, %add3A : vector<2000x96xf32>
    %get3A_20 = arith.constant 0 : index
    %get3A_21 = arith.constant 0 : index
    %get3A_22 = vector.load %arg7[%get3A_20, %get3A_21] : memref<32x96xf32, #tpu.memory_space<vmem>>, vector<32x96xf32>
    %dot_general3A_23 = arith.constant dense<0.000000e+00> : vector<2000x96xf32>
    %dot_general3A_24 = tpu.matmul %mul3A_11, %get3A_22, %dot_general3A_23 {dimension_numbers = #tpu.dot_dimension_numbers<[1], [0], [0], [1], [0, 0, 1, 1], [], []>, transpose_lhs_hint = false} : vector<2000x32xf32>, vector<32x96xf32>, vector<2000x96xf32> -> vector<2000x96xf32>
    %get3A_25 = arith.constant 0 : index
    %get3A_26 = arith.constant 0 : index
    %get3A_27 = vector.load %arg9[%get3A_25, %get3A_26] : memref<1x96xf32, #tpu.memory_space<vmem>>, vector<1x96xf32>
    %add3A_28 = vector.broadcast %get3A_27 : vector<1x96xf32> to vector<2000x96xf32>
    %add3A_29 = arith.addf %dot_general3A_24, %add3A_28 : vector<2000x96xf32>
    %slice3A = vector.extract_strided_slice %add3A_19 {offsets = [0, 0], sizes = [2000, 32], strides = [1, 1]} : vector<2000x96xf32> to vector<2000x32xf32>
    %slice3A_30 = vector.extract_strided_slice %add3A_29 {offsets = [0, 0], sizes = [2000, 32], strides = [1, 1]} : vector<2000x96xf32> to vector<2000x32xf32>
    %add3A_31 = arith.addf %slice3A, %slice3A_30 : vector<2000x32xf32>
    %logistic3A = arith.negf %add3A_31 : vector<2000x32xf32>
    %logistic3A_32 = math.exp %logistic3A : vector<2000x32xf32>
    %logistic3A_33 = arith.constant 1.000000e+00 : f32
    %logistic3A_34 = vector.broadcast %logistic3A_33 : f32 to vector<2000x32xf32>
    %logistic3A_35 = arith.addf %logistic3A_34, %logistic3A_32 : vector<2000x32xf32>
    %logistic3A_36 = arith.divf %logistic3A_34, %logistic3A_35 : vector<2000x32xf32>
    %slice3A_37 = vector.extract_strided_slice %add3A_19 {offsets = [0, 32], sizes = [2000, 32], strides = [1, 1]} : vector<2000x96xf32> to vector<2000x32xf32>
    %slice3A_38 = vector.extract_strided_slice %add3A_29 {offsets = [0, 32], sizes = [2000, 32], strides = [1, 1]} : vector<2000x96xf32> to vector<2000x32xf32>
    %add3A_39 = arith.addf %slice3A_37, %slice3A_38 : vector<2000x32xf32>
    %logistic3A_40 = arith.negf %add3A_39 : vector<2000x32xf32>
    %logistic3A_41 = math.exp %logistic3A_40 : vector<2000x32xf32>
    %logistic3A_42 = arith.constant 1.000000e+00 : f32
    %logistic3A_43 = vector.broadcast %logistic3A_42 : f32 to vector<2000x32xf32>
    %logistic3A_44 = arith.addf %logistic3A_43, %logistic3A_41 : vector<2000x32xf32>
    %logistic3A_45 = arith.divf %logistic3A_43, %logistic3A_44 : vector<2000x32xf32>
    %slice3A_46 = vector.extract_strided_slice %add3A_19 {offsets = [0, 64], sizes = [2000, 32], strides = [1, 1]} : vector<2000x96xf32> to vector<2000x32xf32>
    %slice3A_47 = vector.extract_strided_slice %add3A_29 {offsets = [0, 64], sizes = [2000, 32], strides = [1, 1]} : vector<2000x96xf32> to vector<2000x32xf32>
    %mul3A_48 = arith.mulf %logistic3A_36, %slice3A_47 : vector<2000x32xf32>
    %add3A_49 = arith.addf %slice3A_46, %mul3A_48 : vector<2000x32xf32>
    %tanh3A = math.tanh %add3A_49 : vector<2000x32xf32>
    %sub3A = arith.constant 1.000000e+00 : f32
    %sub3A_50 = vector.broadcast %sub3A : f32 to vector<2000x32xf32>
    %sub3A_51 = arith.subf %sub3A_50, %logistic3A_45 : vector<2000x32xf32>
    %mul3A_52 = arith.mulf %sub3A_51, %tanh3A : vector<2000x32xf32>
    %mul3A_53 = arith.mulf %logistic3A_45, %mul3A_11 : vector<2000x32xf32>
    %add3A_54 = arith.addf %mul3A_52, %mul3A_53 : vector<2000x32xf32>
    %mul3A_55 = arith.mulf %add3A_54, %add3A_54 : vector<2000x32xf32>
    %reduce_sum3A = arith.constant dense<0.000000e+00> : vector<2000xf32>
    %reduce_sum3A_56 = vector.multi_reduction <add>, %mul3A_55, %reduce_sum3A [1] : vector<2000x32xf32> to vector<2000xf32>
    %broadcast_in_dim3A = vector.shape_cast %reduce_sum3A_56 : vector<2000xf32> to vector<2000x1xf32>
    %sqrt3A = math.sqrt %broadcast_in_dim3A : vector<2000x1xf32>
    %max3A = arith.constant 9.99999996E-13 : f32
    %max3A_57 = vector.broadcast %max3A : f32 to vector<2000x1xf32>
    %max3A_58 = arith.maximumf %sqrt3A, %max3A_57 : vector<2000x1xf32>
    %div3A = vector.broadcast %max3A_58 : vector<2000x1xf32> to vector<2000x32xf32>
    %div3A_59 = arith.divf %add3A_54, %div3A : vector<2000x32xf32>
    %mul3A_60 = vector.broadcast %get3A_1 : vector<2000x1xf32> to vector<2000x32xf32>
    %mul3A_61 = arith.mulf %mul3A_60, %div3A_59 : vector<2000x32xf32>
    %swap3A = arith.constant 0 : index
    %swap3A_62 = arith.constant 0 : index
    %swap3A_63 = vector.load %arg10[%swap3A, %swap3A_62] : memref<2000x32xf32, #tpu.memory_space<vmem>>, vector<2000x32xf32>
    tpu.vector_store %arg10[%swap3A, %swap3A_62], %div3A_59 {strides = array<i32>} : memref<2000x32xf32, #tpu.memory_space<vmem>>, vector<2000x32xf32>,
    %slice3A_64 = vector.extract_strided_slice %mul3A_61 {offsets = [0, 0], sizes = [2000, 16], strides = [1, 1]} : vector<2000x32xf32> to vector<2000x16xf32>
    %swap3A_65 = arith.constant 0 : index
    %swap3A_66 = arith.constant 0 : index
    %swap3A_67 = vector.load %arg11[%swap3A_65, %swap3A_66] : memref<2000x16xf32, #tpu.memory_space<vmem>>, vector<2000x16xf32>
    tpu.vector_store %arg11[%swap3A_65, %swap3A_66], %slice3A_64 {strides = array<i32>} : memref<2000x16xf32, #tpu.memory_space<vmem>>, vector<2000x16xf32>,
    %slice3A_68 = vector.extract_strided_slice %mul3A_61 {offsets = [0, 16], sizes = [2000, 16], strides = [1, 1]} : vector<2000x32xf32> to vector<2000x16xf32>
    %swap3A_69 = arith.constant 0 : index
    %swap3A_70 = arith.constant 0 : index
    %swap3A_71 = vector.load %arg12[%swap3A_69, %swap3A_70] : memref<2000x16xf32, #tpu.memory_space<vmem>>, vector<2000x16xf32>
    tpu.vector_store %arg12[%swap3A_69, %swap3A_70], %slice3A_68 {strides = array<i32>} : memref<2000x16xf32, #tpu.memory_space<vmem>>, vector<2000x16xf32>,
    %get3A_72 = arith.constant 0 : index
    %get3A_73 = arith.constant 0 : index
    %get3A_74 = vector.load %arg5[%get3A_72, %get3A_73] : memref<2000x32xf32, #tpu.memory_space<vmem>>, vector<2000x32xf32>
    %max3A_75 = arith.maximumf %get3A_74, %div3A_59 : vector<2000x32xf32>
    %swap3A_76 = arith.constant 0 : index
    %swap3A_77 = arith.constant 0 : index
    %swap3A_78 = vector.load %arg13[%swap3A_76, %swap3A_77] : memref<2000x32xf32, #tpu.memory_space<vmem>>, vector<2000x32xf32>
    tpu.vector_store %arg13[%swap3A_76, %swap3A_77], %max3A_75 {strides = array<i32>} : memref<2000x32xf32, #tpu.memory_space<vmem>>, vector<2000x32xf32>,
    return
  }
  func.func @transform_0(%arg0: i32) -> (i32, i32) {
    %c0_i32 = arith.constant 0 : i32
    %c0_i32_0 = arith.constant 0 : i32
    return %arg0, %c0_i32 : i32, i32
  }
  func.func @transform_1(%arg0: i32) -> (i32, i32) {
    %c0_i32 = arith.constant 0 : i32
    %c0_i32_0 = arith.constant 0 : i32
    return %arg0, %c0_i32 : i32, i32
  }
  func.func @transform_2(%arg0: i32) -> (i32, i32) {
    %c0_i32 = arith.constant 0 : i32
    %c0_i32_0 = arith.constant 0 : i32
    return %arg0, %c0_i32 : i32, i32
  }
  func.func @transform_3(%arg0: i32) -> (i32, i32) {
    %c0_i32 = arith.constant 0 : i32
    %c0_i32_0 = arith.constant 0 : i32
    return %arg0, %c0_i32 : i32, i32
  }
  func.func @transform_4(%arg0: i32) -> (i32, i32) {
    %c0_i32 = arith.constant 0 : i32
    %c0_i32_0 = arith.constant 0 : i32
    return %arg0, %c0_i32 : i32, i32
  }
  func.func @transform_5(%arg0: i32) -> (i32, i32) {
    %c0_i32 = arith.constant 0 : i32
    %c0_i32_0 = arith.constant 0 : i32
    %c0_i32_1 = arith.constant 0 : i32
    return %c0_i32, %c0_i32_0 : i32, i32
  }
  func.func @transform_6(%arg0: i32) -> (i32, i32) {
    %c0_i32 = arith.constant 0 : i32
    %c0_i32_0 = arith.constant 0 : i32
    %c0_i32_1 = arith.constant 0 : i32
    return %c0_i32, %c0_i32_0 : i32, i32
  }
  func.func @transform_7(%arg0: i32) -> (i32, i32) {
    %c0_i32 = arith.constant 0 : i32
    %c0_i32_0 = arith.constant 0 : i32
    %c0_i32_1 = arith.constant 0 : i32
    return %c0_i32, %c0_i32_0 : i32, i32
  }
  func.func @transform_8(%arg0: i32) -> (i32, i32) {
    %c0_i32 = arith.constant 0 : i32
    %c0_i32_0 = arith.constant 0 : i32
    %c0_i32_1 = arith.constant 0 : i32
    return %c0_i32, %c0_i32_0 : i32, i32
  }
  func.func @transform_9(%arg0: i32) -> (i32, i32) {
    %c0_i32 = arith.constant 0 : i32
    %c0_i32_0 = arith.constant 0 : i32
    return %arg0, %c0_i32 : i32, i32
  }
  func.func @transform_10(%arg0: i32) -> (i32, i32) {
    %c0_i32 = arith.constant 0 : i32
    %c0_i32_0 = arith.constant 0 : i32
    return %arg0, %c0_i32 : i32, i32
  }
  func.func @transform_11(%arg0: i32) -> (i32, i32) {
    %c0_i32 = arith.constant 0 : i32
    %c0_i32_0 = arith.constant 0 : i32
    return %arg0, %c0_i32 : i32, i32
  }
  func.func @transform_12(%arg0: i32) -> (i32, i32) {
    %c0_i32 = arith.constant 0 : i32
    %c0_i32_0 = arith.constant 0 : i32
    return %arg0, %c0_i32 : i32, i32
  }
}

module attributes {stable_mosaic.version = 14 : i64} {
  func.func @_gru_final_body(%arg0: i32, %arg1: memref<2000x32xf32, #tpu.memory_space<vmem>>, %arg2: memref<2000x16xf32, #tpu.memory_space<vmem>>, %arg3: memref<2000x16xf32, #tpu.memory_space<vmem>>, %arg4: memref<2000x1xf32, #tpu.memory_space<vmem>>, %arg5: memref<2000x32xf32, #tpu.memory_space<vmem>>, %arg6: memref<32x96xf32, #tpu.memory_space<vmem>>, %arg7: memref<32x96xf32, #tpu.memory_space<vmem>>, %arg8: memref<1x96xf32, #tpu.memory_space<vmem>>, %arg9: memref<1x96xf32, #tpu.memory_space<vmem>>, %arg10: memref<32x16xf32, #tpu.memory_space<vmem>>, %arg11: memref<1x16xf32, #tpu.memory_space<vmem>>, %arg12: memref<16x1xf32, #tpu.memory_space<vmem>>, %arg13: memref<1x1xf32, #tpu.memory_space<vmem>>, %arg14: memref<2000x1xf32, #tpu.memory_space<vmem>>) attributes {dimension_semantics = [#tpu.dimension_semantics<arbitrary>], iteration_bounds = array<i64: 50>, scalar_prefetch = 0 : i64, scratch_operands = 0 : i64, tpu.core_type = #tpu.core_type<tc>, window_params = [{transform_indices = @transform_0, window_bounds = array<i64: 2000, 32>}, {transform_indices = @transform_1, window_bounds = array<i64: 2000, 16>}, {transform_indices = @transform_2, window_bounds = array<i64: 2000, 16>}, {transform_indices = @transform_3, window_bounds = array<i64: 2000, 1>}, {transform_indices = @transform_4, window_bounds = array<i64: 2000, 32>}, {pipeline_mode = #tpu.pipeline_mode<synchronous>, transform_indices = @transform_5, window_bounds = array<i64: 32, 96>}, {pipeline_mode = #tpu.pipeline_mode<synchronous>, transform_indices = @transform_6, window_bounds = array<i64: 32, 96>}, {pipeline_mode = #tpu.pipeline_mode<synchronous>, transform_indices = @transform_7, window_bounds = array<i64: 1, 96>}, {pipeline_mode = #tpu.pipeline_mode<synchronous>, transform_indices = @transform_8, window_bounds = array<i64: 1, 96>}, {pipeline_mode = #tpu.pipeline_mode<synchronous>, transform_indices = @transform_9, window_bounds = array<i64: 32, 16>}, {pipeline_mode = #tpu.pipeline_mode<synchronous>, transform_indices = @transform_10, window_bounds = array<i64: 1, 16>}, {pipeline_mode = #tpu.pipeline_mode<synchronous>, transform_indices = @transform_11, window_bounds = array<i64: 16, 1>}, {pipeline_mode = #tpu.pipeline_mode<synchronous>, transform_indices = @transform_12, window_bounds = array<i64: 1, 1>}, {transform_indices = @transform_13, window_bounds = array<i64: 2000, 1>}]} {
    %get3A = arith.constant 0 : index
    %get3A_0 = arith.constant 0 : index
    %get3A_1 = vector.load %arg4[%get3A, %get3A_0] : memref<2000x1xf32, #tpu.memory_space<vmem>>, vector<2000x1xf32>
    %get3A_2 = arith.constant 0 : index
    %get3A_3 = arith.constant 0 : index
    %get3A_4 = vector.load %arg1[%get3A_2, %get3A_3] : memref<2000x32xf32, #tpu.memory_space<vmem>>, vector<2000x32xf32>
    %get3A_5 = arith.constant 0 : index
    %get3A_6 = arith.constant 0 : index
    %get3A_7 = vector.load %arg2[%get3A_5, %get3A_6] : memref<2000x16xf32, #tpu.memory_space<vmem>>, vector<2000x16xf32>
    %get3A_8 = arith.constant 0 : index
    %get3A_9 = arith.constant 0 : index
    %get3A_10 = vector.load %arg3[%get3A_8, %get3A_9] : memref<2000x16xf32, #tpu.memory_space<vmem>>, vector<2000x16xf32>
    %concatenate3A = tpu.concatenate %get3A_7, %get3A_10 in 1 : vector<2000x16xf32>, vector<2000x16xf32> -> vector<2000x32xf32>
    %mul3A = vector.broadcast %get3A_1 : vector<2000x1xf32> to vector<2000x32xf32>
    %mul3A_11 = arith.mulf %concatenate3A, %mul3A : vector<2000x32xf32>
    %get3A_12 = arith.constant 0 : index
    %get3A_13 = arith.constant 0 : index
    %get3A_14 = vector.load %arg6[%get3A_12, %get3A_13] : memref<32x96xf32, #tpu.memory_space<vmem>>, vector<32x96xf32>
    %dot_general3A = arith.constant dense<0.000000e+00> : vector<2000x96xf32>
    %dot_general3A_15 = tpu.matmul %get3A_4, %get3A_14, %dot_general3A {dimension_numbers = #tpu.dot_dimension_numbers<[1], [0], [0], [1], [0, 0, 1, 1], [], []>, transpose_lhs_hint = false} : vector<2000x32xf32>, vector<32x96xf32>, vector<2000x96xf32> -> vector<2000x96xf32>
    %get3A_16 = arith.constant 0 : index
    %get3A_17 = arith.constant 0 : index
    %get3A_18 = vector.load %arg8[%get3A_16, %get3A_17] : memref<1x96xf32, #tpu.memory_space<vmem>>, vector<1x96xf32>
    %add3A = vector.broadcast %get3A_18 : vector<1x96xf32> to vector<2000x96xf32>
    %add3A_19 = arith.addf %dot_general3A_15, %add3A : vector<2000x96xf32>
    %get3A_20 = arith.constant 0 : index
    %get3A_21 = arith.constant 0 : index
    %get3A_22 = vector.load %arg7[%get3A_20, %get3A_21] : memref<32x96xf32, #tpu.memory_space<vmem>>, vector<32x96xf32>
    %dot_general3A_23 = arith.constant dense<0.000000e+00> : vector<2000x96xf32>
    %dot_general3A_24 = tpu.matmul %mul3A_11, %get3A_22, %dot_general3A_23 {dimension_numbers = #tpu.dot_dimension_numbers<[1], [0], [0], [1], [0, 0, 1, 1], [], []>, transpose_lhs_hint = false} : vector<2000x32xf32>, vector<32x96xf32>, vector<2000x96xf32> -> vector<2000x96xf32>
    %get3A_25 = arith.constant 0 : index
    %get3A_26 = arith.constant 0 : index
    %get3A_27 = vector.load %arg9[%get3A_25, %get3A_26] : memref<1x96xf32, #tpu.memory_space<vmem>>, vector<1x96xf32>
    %add3A_28 = vector.broadcast %get3A_27 : vector<1x96xf32> to vector<2000x96xf32>
    %add3A_29 = arith.addf %dot_general3A_24, %add3A_28 : vector<2000x96xf32>
    %slice3A = vector.extract_strided_slice %add3A_19 {offsets = [0, 0], sizes = [2000, 32], strides = [1, 1]} : vector<2000x96xf32> to vector<2000x32xf32>
    %slice3A_30 = vector.extract_strided_slice %add3A_29 {offsets = [0, 0], sizes = [2000, 32], strides = [1, 1]} : vector<2000x96xf32> to vector<2000x32xf32>
    %add3A_31 = arith.addf %slice3A, %slice3A_30 : vector<2000x32xf32>
    %logistic3A = arith.negf %add3A_31 : vector<2000x32xf32>
    %logistic3A_32 = math.exp %logistic3A : vector<2000x32xf32>
    %logistic3A_33 = arith.constant 1.000000e+00 : f32
    %logistic3A_34 = vector.broadcast %logistic3A_33 : f32 to vector<2000x32xf32>
    %logistic3A_35 = arith.addf %logistic3A_34, %logistic3A_32 : vector<2000x32xf32>
    %logistic3A_36 = arith.divf %logistic3A_34, %logistic3A_35 : vector<2000x32xf32>
    %slice3A_37 = vector.extract_strided_slice %add3A_19 {offsets = [0, 32], sizes = [2000, 32], strides = [1, 1]} : vector<2000x96xf32> to vector<2000x32xf32>
    %slice3A_38 = vector.extract_strided_slice %add3A_29 {offsets = [0, 32], sizes = [2000, 32], strides = [1, 1]} : vector<2000x96xf32> to vector<2000x32xf32>
    %add3A_39 = arith.addf %slice3A_37, %slice3A_38 : vector<2000x32xf32>
    %logistic3A_40 = arith.negf %add3A_39 : vector<2000x32xf32>
    %logistic3A_41 = math.exp %logistic3A_40 : vector<2000x32xf32>
    %logistic3A_42 = arith.constant 1.000000e+00 : f32
    %logistic3A_43 = vector.broadcast %logistic3A_42 : f32 to vector<2000x32xf32>
    %logistic3A_44 = arith.addf %logistic3A_43, %logistic3A_41 : vector<2000x32xf32>
    %logistic3A_45 = arith.divf %logistic3A_43, %logistic3A_44 : vector<2000x32xf32>
    %slice3A_46 = vector.extract_strided_slice %add3A_19 {offsets = [0, 64], sizes = [2000, 32], strides = [1, 1]} : vector<2000x96xf32> to vector<2000x32xf32>
    %slice3A_47 = vector.extract_strided_slice %add3A_29 {offsets = [0, 64], sizes = [2000, 32], strides = [1, 1]} : vector<2000x96xf32> to vector<2000x32xf32>
    %mul3A_48 = arith.mulf %logistic3A_36, %slice3A_47 : vector<2000x32xf32>
    %add3A_49 = arith.addf %slice3A_46, %mul3A_48 : vector<2000x32xf32>
    %tanh3A = math.tanh %add3A_49 : vector<2000x32xf32>
    %sub3A = arith.constant 1.000000e+00 : f32
    %sub3A_50 = vector.broadcast %sub3A : f32 to vector<2000x32xf32>
    %sub3A_51 = arith.subf %sub3A_50, %logistic3A_45 : vector<2000x32xf32>
    %mul3A_52 = arith.mulf %sub3A_51, %tanh3A : vector<2000x32xf32>
    %mul3A_53 = arith.mulf %logistic3A_45, %mul3A_11 : vector<2000x32xf32>
    %add3A_54 = arith.addf %mul3A_52, %mul3A_53 : vector<2000x32xf32>
    %mul3A_55 = arith.mulf %add3A_54, %add3A_54 : vector<2000x32xf32>
    %reduce_sum3A = arith.constant dense<0.000000e+00> : vector<2000xf32>
    %reduce_sum3A_56 = vector.multi_reduction <add>, %mul3A_55, %reduce_sum3A [1] : vector<2000x32xf32> to vector<2000xf32>
    %broadcast_in_dim3A = vector.shape_cast %reduce_sum3A_56 : vector<2000xf32> to vector<2000x1xf32>
    %sqrt3A = math.sqrt %broadcast_in_dim3A : vector<2000x1xf32>
    %max3A = arith.constant 9.99999996E-13 : f32
    %max3A_57 = vector.broadcast %max3A : f32 to vector<2000x1xf32>
    %max3A_58 = arith.maximumf %sqrt3A, %max3A_57 : vector<2000x1xf32>
    %div3A = vector.broadcast %max3A_58 : vector<2000x1xf32> to vector<2000x32xf32>
    %div3A_59 = arith.divf %add3A_54, %div3A : vector<2000x32xf32>
    %get3A_60 = arith.constant 0 : index
    %get3A_61 = arith.constant 0 : index
    %get3A_62 = vector.load %arg5[%get3A_60, %get3A_61] : memref<2000x32xf32, #tpu.memory_space<vmem>>, vector<2000x32xf32>
    %max3A_63 = arith.maximumf %get3A_62, %div3A_59 : vector<2000x32xf32>
    %get3A_64 = arith.constant 0 : index
    %get3A_65 = arith.constant 0 : index
    %get3A_66 = vector.load %arg10[%get3A_64, %get3A_65] : memref<32x16xf32, #tpu.memory_space<vmem>>, vector<32x16xf32>
    %dot_general3A_67 = arith.constant dense<0.000000e+00> : vector<2000x16xf32>
    %dot_general3A_68 = tpu.matmul %max3A_63, %get3A_66, %dot_general3A_67 {dimension_numbers = #tpu.dot_dimension_numbers<[1], [0], [0], [1], [0, 0, 1, 1], [], []>, transpose_lhs_hint = false} : vector<2000x32xf32>, vector<32x16xf32>, vector<2000x16xf32> -> vector<2000x16xf32>
    %get3A_69 = arith.constant 0 : index
    %get3A_70 = arith.constant 0 : index
    %get3A_71 = vector.load %arg11[%get3A_69, %get3A_70] : memref<1x16xf32, #tpu.memory_space<vmem>>, vector<1x16xf32>
    %add3A_72 = vector.broadcast %get3A_71 : vector<1x16xf32> to vector<2000x16xf32>
    %add3A_73 = arith.addf %dot_general3A_68, %add3A_72 : vector<2000x16xf32>
    %max3A_74 = arith.constant 0.000000e+00 : f32
    %max3A_75 = vector.broadcast %max3A_74 : f32 to vector<2000x16xf32>
    %max3A_76 = arith.maximumf %add3A_73, %max3A_75 : vector<2000x16xf32>
    %get3A_77 = arith.constant 0 : index
    %get3A_78 = arith.constant 0 : index
    %get3A_79 = vector.load %arg12[%get3A_77, %get3A_78] : memref<16x1xf32, #tpu.memory_space<vmem>>, vector<16x1xf32>
    %dot_general3A_80 = arith.constant dense<0.000000e+00> : vector<2000x1xf32>
    %dot_general3A_81 = tpu.matmul %max3A_76, %get3A_79, %dot_general3A_80 {dimension_numbers = #tpu.dot_dimension_numbers<[1], [0], [0], [1], [0, 0, 1, 1], [], []>, transpose_lhs_hint = false} : vector<2000x16xf32>, vector<16x1xf32>, vector<2000x1xf32> -> vector<2000x1xf32>
    %get3A_82 = arith.constant 0 : index
    %get3A_83 = arith.constant 0 : index
    %get3A_84 = vector.load %arg13[%get3A_82, %get3A_83] : memref<1x1xf32, #tpu.memory_space<vmem>>, vector<1x1xf32>
    %add3A_85 = vector.broadcast %get3A_84 : vector<1x1xf32> to vector<2000x1xf32>
    %add3A_86 = arith.addf %dot_general3A_81, %add3A_85 : vector<2000x1xf32>
    %swap3A = arith.constant 0 : index
    %swap3A_87 = arith.constant 0 : index
    %swap3A_88 = vector.load %arg14[%swap3A, %swap3A_87] : memref<2000x1xf32, #tpu.memory_space<vmem>>, vector<2000x1xf32>
    tpu.vector_store %arg14[%swap3A, %swap3A_87], %add3A_86 {strides = array<i32>} : memref<2000x1xf32, #tpu.memory_space<vmem>>, vector<2000x1xf32>,
    return
  }
  func.func @transform_0(%arg0: i32) -> (i32, i32) {
    %c0_i32 = arith.constant 0 : i32
    %c0_i32_0 = arith.constant 0 : i32
    return %arg0, %c0_i32 : i32, i32
  }
  func.func @transform_1(%arg0: i32) -> (i32, i32) {
    %c0_i32 = arith.constant 0 : i32
    %c0_i32_0 = arith.constant 0 : i32
    return %arg0, %c0_i32 : i32, i32
  }
  func.func @transform_2(%arg0: i32) -> (i32, i32) {
    %c0_i32 = arith.constant 0 : i32
    %c0_i32_0 = arith.constant 0 : i32
    return %arg0, %c0_i32 : i32, i32
  }
  func.func @transform_3(%arg0: i32) -> (i32, i32) {
    %c0_i32 = arith.constant 0 : i32
    %c0_i32_0 = arith.constant 0 : i32
    return %arg0, %c0_i32 : i32, i32
  }
  func.func @transform_4(%arg0: i32) -> (i32, i32) {
    %c0_i32 = arith.constant 0 : i32
    %c0_i32_0 = arith.constant 0 : i32
    return %arg0, %c0_i32 : i32, i32
  }
  func.func @transform_5(%arg0: i32) -> (i32, i32) {
    %c0_i32 = arith.constant 0 : i32
    %c0_i32_0 = arith.constant 0 : i32
    %c0_i32_1 = arith.constant 0 : i32
    return %c0_i32, %c0_i32_0 : i32, i32
  }
  func.func @transform_6(%arg0: i32) -> (i32, i32) {
    %c0_i32 = arith.constant 0 : i32
    %c0_i32_0 = arith.constant 0 : i32
    %c0_i32_1 = arith.constant 0 : i32
    return %c0_i32, %c0_i32_0 : i32, i32
  }
  func.func @transform_7(%arg0: i32) -> (i32, i32) {
    %c0_i32 = arith.constant 0 : i32
    %c0_i32_0 = arith.constant 0 : i32
    %c0_i32_1 = arith.constant 0 : i32
    return %c0_i32, %c0_i32_0 : i32, i32
  }
  func.func @transform_8(%arg0: i32) -> (i32, i32) {
    %c0_i32 = arith.constant 0 : i32
    %c0_i32_0 = arith.constant 0 : i32
    %c0_i32_1 = arith.constant 0 : i32
    return %c0_i32, %c0_i32_0 : i32, i32
  }
  func.func @transform_9(%arg0: i32) -> (i32, i32) {
    %c0_i32 = arith.constant 0 : i32
    %c0_i32_0 = arith.constant 0 : i32
    %c0_i32_1 = arith.constant 0 : i32
    return %c0_i32, %c0_i32_0 : i32, i32
  }
  func.func @transform_10(%arg0: i32) -> (i32, i32) {
    %c0_i32 = arith.constant 0 : i32
    %c0_i32_0 = arith.constant 0 : i32
    %c0_i32_1 = arith.constant 0 : i32
    return %c0_i32, %c0_i32_0 : i32, i32
  }
  func.func @transform_11(%arg0: i32) -> (i32, i32) {
    %c0_i32 = arith.constant 0 : i32
    %c0_i32_0 = arith.constant 0 : i32
    %c0_i32_1 = arith.constant 0 : i32
    return %c0_i32, %c0_i32_0 : i32, i32
  }
  func.func @transform_12(%arg0: i32) -> (i32, i32) {
    %c0_i32 = arith.constant 0 : i32
    %c0_i32_0 = arith.constant 0 : i32
    %c0_i32_1 = arith.constant 0 : i32
    return %c0_i32, %c0_i32_0 : i32, i32
  }
  func.func @transform_13(%arg0: i32) -> (i32, i32) {
    %c0_i32 = arith.constant 0 : i32
    %c0_i32_0 = arith.constant 0 : i32
    return %arg0, %c0_i32 : i32, i32
  }
}

</mosaic_0001>

<sc_bundles>
// kernel: kernel.12.cloned.1.call-start
scs
__scs_entry_jumppad:
0x0: {  	(pc) =	sbr.rel $0x88, $3  }
0x1: {  	(tag) =	ssettag $0x0;
	lr =	simm.s32 $0x1  }
0x2: {  	[smem:$0x3F95] =	sst lr;
	_ =	strace $0xD0000000  }
0x3: {  	_ = 	snop  }
0x4: {  	_ = 	snop  }
0x5: {  	_ = 	snop  }
0x6: {  	_ = 	snop  }
0x7: {  	_ = 	snop  }
__scs_overlays_trampoline_lowered:
0x8: {  	[smem:$0x3FA4] =	sst s0  }
0x9: {  	[smem:$0x3FA5] =	sst s1  }
0xa: {  	[smem:$0x3FA6] =	sst s2  }
0xb: {  	[smem:$0x3FA7] =	sst s3  }
0xc: {  	[smem:$0x3FA8] =	sst s4  }
0xd: {  	[smem:$0x3FA9] =	sst s5  }
0xe: {  	[smem:$0x3FAA] =	sst s6  }
0xf: {  	[smem:$0x3FAB] =	sst s7  }
0x10: {  	[smem:$0x3FAC] =	sst s8  }
0x11: {  	[smem:$0x3FAD] =	sst s9;
	s0 =	simm.s32 @!p0 $0x0  }
0x12: {  	s1 =	sld [smem:$0x3F93];
	s0 =	simm.s32 @p0 $0x1  }
0x13: {  	[smem:$0x3FAE] =	sst s0;
	s0 =	simm.s32 @!p1 $0x0  }
0x14: {  	s2 =	sld [smem:$0x3F92];
	s0 =	simm.s32 @p1 $0x1  }
0x15: {  	[smem:$0x3FAF] =	sst s0;
	s0 =	simm.s32 @!p2 $0x0  }
0x16: {  	s3 =	sld [smem:$0x3FDB];
	s0 =	simm.s32 @p2 $0x1  }
0x17: {  	s4 =	simm.s32 $0x1BF5;
	[smem:$0x3FB1] =	sst s0  }
0x18: {  	s0 =	sld [smem:$0x3F94];
	_ =	swait.ge [sflag:s4], $0x0  }
0x19: {  	s7 =	sld [smem:$0x3F95]  }
0x1a: {  	s8 =	sadd.s32 $0xFFFFE003, lr  }
0x1b: {  	s9 =	sadd.s32 $0xFFFFFEF7, lr;
	s5 =	simm.s32 $0xFFFFFFFF;
	p2 =	slt.u32 s8, $0xFFFFF086  }
0x1c: {  	p1 =	slt.u32 s9, $0xF7A;
	s5 =	simm.s32 @!p2 $0x0  }
0x1d: {  	s5 =	simm.s32 @p1 $0x1;
	p0 =	seq.s32 s7, s2  }
0x1e: {  	s7 =	smul.u32 @!p0 $0xF7A, s2;
	p2 =	seq.s32 @!p0 s5, $0x0  }
0x1f: {  	s9 =	smul.u32 $0xF7A, s1;
	s8 =	simm.s32 @!p0 $0x1BF5;
	p2 =	por !p2, p0  }
0x20: {  	[sflag:s8] =	ssyncset.s32 @!p0 $0xFFFFF086;
	s6 =	sadd.s32 @!p0 s3, s7;
	s7 =	simm.s32 @!p0 $0x108  }
0x21: {  	s3 =	sadd.s32 s3, s9;
	s6 =	sadd.s32 @!p0 $0x88, s6;
	s7 =	simm.s32 @p2 $0x1082  }
0x22: {  	[simem:s7], [sflag:s8] =	dma.local @!p0 [hbm:s6], $0xF7A  }
0x23: {  	s9 =	sor.u32 $0xD0000000, s2;
	s6 =	simm.s32 $0x108;
	_ =	swait.ge @!p0 [sflag:s8], $0x0  }
0x24: {  	s3 =	sadd.s32 $0x88, s3;
	s6 =	simm.s32 @!p1 $0x1082;
	[sflag:s4] =	ssyncset.s32 $0xFFFFF086  }
0x25: {  	[simem:s6], [sflag:s4] =	dma.local [hbm:s3], $0xF7A  }
0x26: {  	[smem:$0x3F95] =	sst s1;
	(tag) =	ssettag s2;
	_ =	strace s9  }
0x27: {  	s1 =	sld [smem:$0x3FA5]  }
0x28: {  	s2 =	sld [smem:$0x3FA6]  }
0x29: {  	s4 =	sld [smem:$0x3FA8]  }
0x2a: {  	p0 =	seq.s32 s5, $0x0;
	s5 =	sld [smem:$0x3FA9]  }
0x2b: {  	s6 =	sld [smem:$0x3FAA]  }
0x2c: {  	s7 =	sld [smem:$0x3FAB]  }
0x2d: {  	s3 =	simm.s32 $0x108;
	s8 =	sld [smem:$0x3FAC]  }
0x2e: {  	s3 =	simm.s32 @!p0 $0x1082;
	s9 =	sld [smem:$0x3FAD]  }
0x2f: {  	lr =	sadd.s32 s0, s3;
	s0 =	sld [smem:$0x3FA4]  }
0x30: {  	s3 =	sld [smem:$0x3FA7]  }
0x31: {  	[smem:$0x3FB0] =	sst s10  }
0x32: {  	s10 =	sld [smem:$0x3FAE];
	_ =	sdelay $0x3  }
0x33: {  	p0 =	seq.s32 s10, $0x1;
	s10 =	sld [smem:$0x3FB0];
	_ =	sdelay $0x3  }
0x34: {  	[smem:$0x3FB0] =	sst s10  }
0x35: {  	s10 =	sld [smem:$0x3FAF];
	_ =	sdelay $0x3  }
0x36: {  	p1 =	seq.s32 s10, $0x1;
	s10 =	sld [smem:$0x3FB0];
	_ =	sdelay $0x3  }
0x37: {  	[smem:$0x3FB0] =	sst s10  }
0x38: {  	s10 =	sld [smem:$0x3FB1]  }
0x39: {  	_ = 	snop;
	(pc) =	sbr.ind lr, $3  }
0x3a: {  	_ = 	snop  }
0x3b: {  	_ = 	snop  }
0x3c: {  	p2 =	seq.s32 s10, $0x1;
	s10 =	sld [smem:$0x3FB0]  }
0x3d: {  	_ =	shalt  }
0x3e: {  	_ =	shalt  }
0x3f: {  	_ =	shalt  }
0x40: {  	_ =	shalt  }
0x41: {  	_ =	shalt  }
0x42: {  	_ =	shalt  }
0x43: {  	_ =	shalt  }
0x44: {  	_ =	shalt  }
0x45: {  	_ =	shalt  }
0x46: {  	_ =	shalt  }
0x47: {  	_ =	shalt  }
0x48: {  	_ =	shalt  }
0x49: {  	_ =	shalt  }
0x4a: {  	_ =	shalt  }
0x4b: {  	_ =	shalt  }
0x4c: {  	_ =	shalt  }
0x4d: {  	_ =	shalt  }
0x4e: {  	_ =	shalt  }
0x4f: {  	_ =	shalt  }
0x50: {  	_ =	shalt  }
0x51: {  	_ =	shalt  }
0x52: {  	_ =	shalt  }
0x53: {  	_ =	shalt  }
0x54: {  	_ =	shalt  }
0x55: {  	_ =	shalt  }
0x56: {  	_ =	shalt  }
0x57: {  	_ =	shalt  }
0x58: {  	_ =	shalt  }
0x59: {  	_ =	shalt  }
0x5a: {  	_ =	shalt  }
0x5b: {  	_ =	shalt  }
0x5c: {  	_ =	shalt  }
0x5d: {  	_ =	shalt  }
0x5e: {  	_ =	shalt  }
0x5f: {  	_ =	shalt  }
0x60: {  	_ =	shalt  }
0x61: {  	_ =	shalt  }
0x62: {  	_ =	shalt  }
0x63: {  	_ =	shalt  }
0x64: {  	_ =	shalt  }
0x65: {  	_ =	shalt  }
0x66: {  	_ =	shalt  }
0x67: {  	_ =	shalt  }
0x68: {  	_ =	shalt  }
0x69: {  	_ =	shalt  }
0x6a: {  	_ =	shalt  }
0x6b: {  	_ =	shalt  }
0x6c: {  	_ =	shalt  }
0x6d: {  	_ =	shalt  }
0x6e: {  	_ =	shalt  }
0x6f: {  	_ =	shalt  }
0x70: {  	_ =	shalt  }
0x71: {  	_ =	shalt  }
0x72: {  	_ =	shalt  }
0x73: {  	_ =	shalt  }
0x74: {  	_ =	shalt  }
0x75: {  	_ =	shalt  }
0x76: {  	_ =	shalt  }
0x77: {  	_ =	shalt  }
0x78: {  	_ =	shalt  }
0x79: {  	_ =	shalt  }
0x7a: {  	_ =	shalt  }
0x7b: {  	_ =	shalt  }
0x7c: {  	_ =	shalt  }
0x7d: {  	_ =	shalt  }
0x7e: {  	_ =	shalt  }
0x7f: {  	_ =	shalt  }
0x80: {  	_ =	shalt  }
0x81: {  	_ =	shalt  }
0x82: {  	_ =	shalt  }
0x83: {  	_ =	shalt  }
0x84: {  	_ =	shalt  }
0x85: {  	_ =	shalt  }
0x86: {  	_ =	shalt  }
0x87: {  	_ =	shalt  }
.Lfunc_end0:
.L_simem_size_0:
called_computation_lowered:
.L_overlay_start_0:
0x88: {  	s2 =	sld [smem:$0x3FD9]  }
0x89: {  	s3 =	sld [smem:$0x3FFE];
	_ =	sdelay $0x1  }
0x8a: {  	s1 =	srdreg.scid  }
0x8b: {  	s0 =	sand.u32 $0x1, s1  }
0x8c: {  	s17 =	sshll.u32 s0, $0xA;
	s2 =	sadd.s32 s3, s2  }
0x8d: {  	s2 =	sadd.s32 s2, s17  }
0x8e: {  	[smem:$0x3FBC] =	sst s2  }
0x8f: {  	_ = 	snop  }
0x90: {  	s2 =	sld [smem:$0x3FD0];
	(tm) =	ssettm $0x1  }
0x91: {  	s18 =	sld [smem:$0x3FFB];
	_ =	sdelay $0x3  }
0x92: {  	_ =	strace s18  }
0x93: {  	s3 =	sld [smem:$0x3FFC];
	_ =	sdelay $0x3  }
0x94: {  	_ =	strace s3  }
0x95: {  	s3 =	sld [smem:$0x3FFD];
	_ =	sdelay $0x3  }
0x96: {  	_ =	strace s3  }
0x97: {  	_ =	strace $0x8FFFFFFF  }
0x98: {  	s19 =	sld [smem:$0x3FDB];
	_ =	sdelay $0x1  }
0x99: {  	s4 =	simm.s32 $_scs_section_size  }
0x9a: {  	s5 =	simm.s32 $_size__tile_overlayer_lowered;
	s6 =	simm.s32 $_tile_overlayer_lowered  }
0x9b: {  	s22 =	simm.s32 $0x1BFF;
	s21 =	sshll.u32 s6, $0x1;
	s3 =	sadd.s32 s4, s19  }
0x9c: {  	s7 =	simm.s32 $0x0;
	s20 =	sshll.u32 s5, $0x1;
	s5 =	sadd.s32 s21, s3  }
0x9d: {  	[timem:s7], [sflag:s22] =	dma.local [hbm:s5], s20  }
0x9e: {  	_ =	swait.ge [sflag:s22], s20  }
0x9f: {  	s4 =	ssub.s32 $0x0, s20;
	[sflag:s22] =	ssyncset.done $0x0  }
0xa0: {  	[sflag:s22] =	ssyncadd.s32 s4;
	_ =	sdelay $0x1  }
0xa1: {  	s23 =	simm.s32 $0x1B8B  }
0xa2: {  	_ =	swait.ge [sflag:s23], $0x1  }
0xa3: {  	[sflag:s23] =	ssyncset.done $0x0  }
0xa4: {  	s25 =	simm.s32 $0x1B8E;
	s24 =	sld [smem:$0x3FFE];
	[sflag:s23] =	ssyncadd.s32 $0xFFFFFFFF  }
0xa5: {  	s26 =	simm.s32 $execute0_lowered;
	[smem:$0x3FD2] =	sst s25  }
0xa6: {  	s5 =	sshll.u32 s26, $0x1;
	_ =	strace $0x80000046;
	[dreg:$0x1] =	wrdreg $0xFFFFFFFF  }
0xa7: {  	s28 =	simm.s32 $_size_execute0_lowered;
	s3 =	sadd.s32 s3, s5;
	[dreg:$0x0] =	wrdreg $0x0  }
0xa8: {  	s5 =	sshll.u32 s28, $0x1;
	[dreg:$0x2] =	wrdreg s3  }
0xa9: {  	[dreg:$0x3] =	wrdreg s5  }
0xaa: {  	[dreg:$0x4] =	wrdreg $0xC0  }
0xab: {  	_ =	task [dreg:s7], $0x5FFFF  }
0xac: {  	[dreg:$0x1] =	wrdreg $0xFFFFFFFF  }
0xad: {  	[dreg:$0x0] =	wrdreg $0x60  }
0xae: {  	[dreg:$0x2] =	wrdreg s24  }
0xaf: {  	[dreg:$0x3] =	wrdreg s2  }
0xb0: {  	[dreg:$0x4] =	wrdreg $0x27500  }
0xb1: {  	[dreg:$0x5] =	wrdreg $0x9  }
0xb2: {  	_ =	task.clear_ibuf [dreg:s7], $0x6FFFF;
	_ =	strace $0x90000046  }
0xb3: {  	s29 =	simm.s32 $0x9;
	_ =	strace $0x80000048  }
0xb4: {  	_ =	swait.ge [sflag:s29], $0x1  }
0xb5: {  	[sflag:s29] =	ssyncadd.s32 $0xFFFFFFFF  }
0xb6: {  	_ =	strace $0x90000048  }
0xb7: {  	_ =	sfence  }
0xb8: {  	s30 =	sld [smem:$0x0];
	_ =	sdelay $0x2  }
0xb9: {  	s31 =	sshll.u32 s1, $0xD;
	s1 =	sshrl.u32 s1, $0x2  }
0xba: {  	s3 =	sand.u32 $0x4000, s31;
	s1 =	sadd.s32 s1, s30  }
0xbb: {  	s0 =	sor.u32 s3, s0;
	s1 =	sshll.u32 s1, $0x11  }
0xbc: {  	s0 =	sor.u32 s1, s0  }
0xbd: {  	s0 =	sadd.s32 $0x8F2B, s0  }
0xbe: {  	[sflag:s0] =	ssyncadd.remote.s32 $0x1  }
0xbf: {  	_ =	sfence.sel $0xFFFF  }
0xc0: {  	[dreg:$0x0] =	wrdreg $0xFFFFFFFF;
	(pc) =	sbr.abs _section_cstart, $3  }
0xc1: {  	[dreg:$0x1] =	wrdreg $0xFFFFFFFF  }
0xc2: {  	_ =	task.clear_ibuf [dreg:s7], $0x2FFFF;
	_ =	strace $0x9FFFFFFF  }
0xc3: {  	(tm) =	ssettm $0x7FFFFFFF  }
tec
execute0_lowered:
.L_overlay_start_1:
0x0: {  	(tag) =	ssettag $0x1  }
0x1: {  	s9 =	rddreg [dreg:$0x0]  }
0x2: {  	s2 =	rddreg [dreg:$0x1]  }
0x3: {  	s3 =	rddreg [dreg:$0x2]  }
0x4: {  	s0 =	rddreg [dreg:$0x3];
	s5 =	srdreg.scid  }
0x5: {  	s1 =	stileid.u32;
	s4 =	simm.s32 $0x0;
	s17 =	simm.s32 $0x69C00  }
0x6: {  	s18 =	simm.s32 $0x4;
	s19 =	simm.s32 $0x600;
	s20 =	simm.s32 $0x150  }
0x7: {  	s21 =	simm.s32 $0x0;
	s8 =	sand.u32 $0x1, s5;
	s26 =	sshll.u32 s1, $0x1  }
0x8: {  	[smem:$0x7FF] =	sst s4;
	s11 =	sadd.s32 $0x4E00, s9;
	s12 =	smul.u32 $0x18800, s1  }
0x9: {  	s14 =	smul.u32 $0x186A0, s1;
	s31 =	sshll.u32 s1, $0x6;
	s5 =	sor.u32 s8, s26  }
0xa: {  	_ =	strace $0x80000047;
	s7 =	ssub.s32 $0x2, s8;
	s15 =	smul.u32 $0xC350, s8  }
0xb: {  	p0 =	seq.s32 s8, $0x1;
	s6 =	smul.u32 $0xC350, s5;
	s5 =	sadd.s32 $0x66A00, s9  }
0xc: {  	s10 =	sshrl.u32 s7, $0x1;
	s16 =	sadd.s32 s12, s3;
	s17 =	simm.s32 @!p0 $0x9AC00  }
0xd: {  	s12 =	sshrl.u32 s12, $0x3;
	s10 =	ssub.s32 s7, s10;
	s28 =	sadd.s32 s15, s14  }
0xe: {  	s29 =	sadd.s32 s17, s9;
	s14 =	simm.s32 $0x7;
	s6 =	sshrl.u32 s6, $0x3  }
.Ltmp0:
0xf: {  	s15 =	sor.u32 $0x1C07, s31;
	s13 =	sadd.s32 s11, s6;
	(pc) =	sbr.rel .LBB2_1-.Ltmp0, $4  }
0x10: {  	s16 =	sshrl.u32 s16, $0x3;
	s17 =	simm.s32 $0x1;
	s6 =	sadd.s32 $0x30D40, s13  }
0x11: {  	s7 =	sadd.s32 $0x30D80, s13;
	s8 =	sadd.s32 $0x32580, s13;
	s13 =	sadd.s32 $0x186E00, s28  }
0x12: {  	s9 =	smax.u32 s10, $0x1;
	s10 =	sadd.s32 s29, s12;
	s30 =	sshrl.u32 s13, $0x3  }
0x13: {  	s12 =	simm.s32 $0x200;
	s13 =	simm.s32 $0x750;
	s11 =	sadd.s32 s30, s11  }
.LBB2_7:
0x14: {  	_ =	swait.ge [sflag:s18], $0x2000  }
0x15: {  	[sflag:s18] =	ssyncset.done $0x0  }
0x16: {  	[sflag:s18] =	ssyncadd.s32 $0xFFFFE000  }
0x17: {  	[tilespmem:s19], [sflag:$0x7] =	stream.linear.gather [hbm4b:s8+s4], $0x150, $0x38;
	[tilespmem:$0x1AF50] =	vst v63  }
0x18: {  	_ =	swait.ge [sflag:s14], $0x150  }
0x19: {  	[sflag:s14] =	ssyncset.done $0x0  }
0x1a: {  	[sflag:s14] =	ssyncadd.s32 $0xFFFFFEB0  }
0x1b: {  	[spmem:s3] =	stream.indirect.scatter.add.f32 [tilespmem:s13], [sflag:$0x7], $0x10, s19, s20, $0xb8;
	[tilespmem:$0x1AF50] =	vst v63  }
0x1c: {  	_ =	swait.ge [sflag:s14], $0x1500  }
0x1d: {  	s21 =	sadd.s32 $0x1, s21;
	[sflag:s14] =	ssyncset.done $0x0  }
0x1e: {  	p0 =	sne.s32 s21, s9;
	[sflag:s14] =	ssyncadd.s32 $0xFFFFEB00  }
.Ltmp1:
0x1f: {  	[bflag:$0x0] =	sbarrier.arrive $0xFFFF;
	(pc) =	sbr.rel @!p0 .LBB2_8-.Ltmp1, $4  }
0x20: {  	[hbm:s10], [sflag:s15] =	dma.local [spmem:s16], $0x3100  }
0x21: {  	_ =	swait.ge [sflag:s14], $0x3100  }
0x22: {  	[sflag:s14] =	ssyncset.done $0x0  }
0x23: {  	[sflag:s14] =	ssyncadd.s32 $0xFFFFCF00  }
.LBB2_1:
0x24: {  	[tilespmem:s4], [sflag:$0x1] =	stream.linear.gather [hbm4b:s6+s4], $0x200, $0x38;
	[tilespmem:$0x1AF50] =	vst v63  }
0x25: {  	_ = 	snop  }
0x26: {  	[tilespmem:s12], [sflag:$0x2] =	stream.linear.gather [hbm4b:s7+s4], $0x200, $0x38;
	[tilespmem:$0x1AF50] =	vst v63  }
0x27: {  	_ = 	snop  }
0x28: {  	[tilespmem:s13], [sflag:$0x7] =	stream.linear.gather [hbm4b:s2+s4], $0x2000, $0x38;
	[tilespmem:$0x1AF50] =	vst v63  }
0x29: {  	_ =	swait.ge [sflag:s14], $0x2000  }
0x2a: {  	[sflag:s14] =	ssyncset.done $0x0  }
0x2b: {  	[sflag:s14] =	ssyncadd.s32 $0xFFFFE000  }
0x2c: {  	[spmem:s16], [sflag:s15] =	dma.local [hbm:s5], $0x3100  }
.Ltmp2:
0x2d: {  	_ =	swait.ge [sflag:s14], $0x3100;
	(pc) =	sbr.rel .LBB2_2-.Ltmp2, $4  }
0x2e: {  	[sflag:s14] =	ssyncset.done $0x0  }
0x2f: {  	[sflag:s14] =	ssyncadd.s32 $0xFFFFCF00  }
0x30: {  	[bflag:$0x0] =	sbarrier.arrive $0xFFFF  }
0x31: {  	s22 =	simm.s32 $0x2;
	s23 =	smov.u32 s11  }
.LBB2_3:
0x32: {  	_ =	swait.ge [sflag:s17], $0x200  }
0x33: {  	[sflag:s17] =	ssyncset.done $0x0  }
0x34: {  	[sflag:s17] =	ssyncadd.s32 $0xFFFFFE00  }
0x35: {  	[spmem:s3] =	stream.indirect.scatter.add.f32 [tilespmem:s13], [sflag:s28], $0x10, s4, s12, $0xb8;
	[tilespmem:$0x1AF50] =	vst v63  }
.LBB2_5:
0x36: {  	s24 =	sshll.u32 s25, $0x9;
	s31 =	sadd.s32 $0x1, s25  }
0x37: {  	[tilespmem:s24], [sflag:s31] =	stream.linear.gather [hbm4b:s23+s4], $0x200, $0x38;
	[tilespmem:$0x1AF50] =	vst v63  }
.LBB2_6:
0x38: {  	s22 =	sadd.s32 $0x1, s22  }
0x39: {  	p0 =	sne.s32 s22, $0x63  }
.Ltmp3:
0x3a: {  	_ = 	snop;
	(pc) =	sbr.rel @!p0 .LBB2_7-.Ltmp3, $2  }
0x3b: {  	_ =	sdelay $0x2  }
0x3c: {  	s23 =	sadd.s32 $0x40, s23  }
.LBB2_2:
0x3d: {  	s24 =	sadd.s32 $0xFFFFFFFF, s22;
	p0 =	seq.s32 s22, $0x62  }
0x3e: {  	s25 =	smul.u32 @!p0 $0xAB, s24  }
0x3f: {  	s26 =	smul.u32 $0xAB, s22  }
0x40: {  	s25 =	sshrl.u32 @!p0 s25, $0x9  }
0x41: {  	s28 =	sadd.s32 $0xFFFFFEAA, s26;
	s25 =	sand.u32 @!p0 $0x7F, s25  }
0x42: {  	s28 =	sshrl.u32 s28, $0x9;
	s25 =	smul.u32 @!p0 $0x3, s25  }
0x43: {  	p1 =	sne.s32 @!p0 s22, $0x2;
	s26 =	sshrl.u32 s26, $0x9;
	s28 =	sand.u32 $0x7F, s28  }
0x44: {  	p1 =	por p0, p1;
	s28 =	smul.u32 $0x3, s28;
	s25 =	ssub.s32 @!p0 s24, s25  }
.Ltmp4:
0x45: {  	s26 =	sand.u32 $0x7F, s26;
	s25 =	sand.u32 @!p0 $0xFF, s25;
	(pc) =	sbr.rel @!p1 .LBB2_3-.Ltmp4, $4  }
0x46: {  	s29 =	smul.u32 $0x3, s26;
	s24 =	sadd.s32 $0xFFFFFFFE, s22;
	s30 =	sadd.s32 @!p0 $0x1, s25  }
0x47: {  	s28 =	ssub.s32 s24, s28;
	_ =	swait.ge @!p0 [sflag:s30], $0x200  }
0x48: {  	s31 =	ssub.s32 s22, s29;
	s26 =	sand.u32 $0xFF, s28;
	[sflag:s30] =	ssyncset.done @!p0 $0x0  }
0x49: {  	s25 =	sand.u32 $0xFF, s31;
	s28 =	sadd.s32 $0x4, s26;
	[sflag:s30] =	ssyncadd.s32 @!p0 $0xFFFFFE00  }
0x4a: {  	p0 =	sgt.u32 s24, $0x5E  }
.Ltmp5:
0x4b: {  	s29 =	sadd.s32 $0x4, s25;
	(pc) =	sbr.rel @p0 .LBB2_6-.Ltmp5, $4  }
.Ltmp6:
0x4c: {  	_ =	swait.ge [sflag:s29], $0x2000;
	(pc) =	sbr.rel @!p0 .LBB2_5-.Ltmp6, $4  }
0x4d: {  	[sflag:s29] =	ssyncset.done $0x0  }
0x4e: {  	s26 =	sshll.u32 s26, $0x9;
	[sflag:s29] =	ssyncadd.s32 $0xFFFFE000  }
0x4f: {  	[spmem:s3] =	stream.indirect.scatter.add.f32 [tilespmem:s13], [sflag:s28], $0x10, s26, s12, $0xb8;
	[tilespmem:$0x1AF50] =	vst v63  }
0x50: {  	_ = 	snop  }
.LBB2_8:
0x51: {  	_ =	sfence.sel $0x180000  }
0x52: {  	[bflag:$0x0] =	sbarrier.arrive $0xFFFF  }
0x53: {  	p0 =	sne.s32 s1, $0x0;
	_ =	strace $0x90000047  }
0x54: {  	s0 =	sadd.s32 @!p0 $0x100000, s0;
	[bflag:$0x2] =	sbarrier.arrive $0xFFFF  }
0x55: {  	[sflag:s0] =	ssyncadd.tile.s32 @!p0 $0x1;
	_ =	shalt  }
.Lfunc_end2:
_tile_overlayer_lowered:
.L_overlay_start_2:
0x56: {  	(tag) =	ssettag $0x2  }
0x57: {  	s0 =	rddreg [dreg:$0x0];
	s2 =	stileid.u32  }
0x58: {  	s1 =	rddreg [dreg:$0x1];
	p0 =	sne.s32 s2, $0x0  }
0x59: {  	s3 =	rddreg [dreg:$0x2];
	[bflag:$0x3] =	sbarrier.arrive $0xFFFF;
	s2 =	simm.s32 @!p0 $0x1C07  }
0x5a: {  	[timem:s3], [sflag:s2] =	dma.local @!p0 [hbm:s0], s1  }
0x5b: {  	s0 =	simm.s32 @!p0 $0x7  }
0x5c: {  	_ =	swait.ge @!p0 [sflag:s0], s1  }
0x5d: {  	s1 =	ssub.s32 @!p0 $0x0, s1;
	[sflag:s0] =	ssyncset.done @!p0 $0x0  }
0x5e: {  	[sflag:s0] =	ssyncadd.s32 @!p0 s1  }
0x5f: {  	[bflag:$0x3] =	sbarrier.arrive $0xFFFF  }
0x60: {  	_ =	shalt  }

// kernel: kernel.15.cloned.1.call-start
scs
__scs_entry_jumppad:
0x0: {  	(pc) =	sbr.rel $0x88, $3  }
0x1: {  	(tag) =	ssettag $0x0;
	lr =	simm.s32 $0x1  }
0x2: {  	[smem:$0x3F95] =	sst lr;
	_ =	strace $0xD0000000  }
0x3: {  	_ = 	snop  }
0x4: {  	_ = 	snop  }
0x5: {  	_ = 	snop  }
0x6: {  	_ = 	snop  }
0x7: {  	_ = 	snop  }
__scs_overlays_trampoline_lowered:
0x8: {  	[smem:$0x3FA4] =	sst s0  }
0x9: {  	[smem:$0x3FA5] =	sst s1  }
0xa: {  	[smem:$0x3FA6] =	sst s2  }
0xb: {  	[smem:$0x3FA7] =	sst s3  }
0xc: {  	[smem:$0x3FA8] =	sst s4  }
0xd: {  	[smem:$0x3FA9] =	sst s5  }
0xe: {  	[smem:$0x3FAA] =	sst s6  }
0xf: {  	[smem:$0x3FAB] =	sst s7  }
0x10: {  	[smem:$0x3FAC] =	sst s8  }
0x11: {  	[smem:$0x3FAD] =	sst s9;
	s0 =	simm.s32 @!p0 $0x0  }
0x12: {  	s1 =	sld [smem:$0x3F93];
	s0 =	simm.s32 @p0 $0x1  }
0x13: {  	[smem:$0x3FAE] =	sst s0;
	s0 =	simm.s32 @!p1 $0x0  }
0x14: {  	s2 =	sld [smem:$0x3F92];
	s0 =	simm.s32 @p1 $0x1  }
0x15: {  	[smem:$0x3FAF] =	sst s0;
	s0 =	simm.s32 @!p2 $0x0  }
0x16: {  	s3 =	sld [smem:$0x3FDB];
	s0 =	simm.s32 @p2 $0x1  }
0x17: {  	s4 =	simm.s32 $0x1BF5;
	[smem:$0x3FB1] =	sst s0  }
0x18: {  	s0 =	sld [smem:$0x3F94];
	_ =	swait.ge [sflag:s4], $0x0  }
0x19: {  	s7 =	sld [smem:$0x3F95]  }
0x1a: {  	s8 =	sadd.s32 $0xFFFFE003, lr  }
0x1b: {  	s9 =	sadd.s32 $0xFFFFFEF7, lr;
	s5 =	simm.s32 $0xFFFFFFFF;
	p2 =	slt.u32 s8, $0xFFFFF086  }
0x1c: {  	p1 =	slt.u32 s9, $0xF7A;
	s5 =	simm.s32 @!p2 $0x0  }
0x1d: {  	s5 =	simm.s32 @p1 $0x1;
	p0 =	seq.s32 s7, s2  }
0x1e: {  	s7 =	smul.u32 @!p0 $0xF7A, s2;
	p2 =	seq.s32 @!p0 s5, $0x0  }
0x1f: {  	s9 =	smul.u32 $0xF7A, s1;
	s8 =	simm.s32 @!p0 $0x1BF5;
	p2 =	por !p2, p0  }
0x20: {  	[sflag:s8] =	ssyncset.s32 @!p0 $0xFFFFF086;
	s6 =	sadd.s32 @!p0 s3, s7;
	s7 =	simm.s32 @!p0 $0x108  }
0x21: {  	s3 =	sadd.s32 s3, s9;
	s6 =	sadd.s32 @!p0 $0x88, s6;
	s7 =	simm.s32 @p2 $0x1082  }
0x22: {  	[simem:s7], [sflag:s8] =	dma.local @!p0 [hbm:s6], $0xF7A  }
0x23: {  	s9 =	sor.u32 $0xD0000000, s2;
	s6 =	simm.s32 $0x108;
	_ =	swait.ge @!p0 [sflag:s8], $0x0  }
0x24: {  	s3 =	sadd.s32 $0x88, s3;
	s6 =	simm.s32 @!p1 $0x1082;
	[sflag:s4] =	ssyncset.s32 $0xFFFFF086  }
0x25: {  	[simem:s6], [sflag:s4] =	dma.local [hbm:s3], $0xF7A  }
0x26: {  	[smem:$0x3F95] =	sst s1;
	(tag) =	ssettag s2;
	_ =	strace s9  }
0x27: {  	s1 =	sld [smem:$0x3FA5]  }
0x28: {  	s2 =	sld [smem:$0x3FA6]  }
0x29: {  	s4 =	sld [smem:$0x3FA8]  }
0x2a: {  	p0 =	seq.s32 s5, $0x0;
	s5 =	sld [smem:$0x3FA9]  }
0x2b: {  	s6 =	sld [smem:$0x3FAA]  }
0x2c: {  	s7 =	sld [smem:$0x3FAB]  }
0x2d: {  	s3 =	simm.s32 $0x108;
	s8 =	sld [smem:$0x3FAC]  }
0x2e: {  	s3 =	simm.s32 @!p0 $0x1082;
	s9 =	sld [smem:$0x3FAD]  }
0x2f: {  	lr =	sadd.s32 s0, s3;
	s0 =	sld [smem:$0x3FA4]  }
0x30: {  	s3 =	sld [smem:$0x3FA7]  }
0x31: {  	[smem:$0x3FB0] =	sst s10  }
0x32: {  	s10 =	sld [smem:$0x3FAE];
	_ =	sdelay $0x3  }
0x33: {  	p0 =	seq.s32 s10, $0x1;
	s10 =	sld [smem:$0x3FB0];
	_ =	sdelay $0x3  }
0x34: {  	[smem:$0x3FB0] =	sst s10  }
0x35: {  	s10 =	sld [smem:$0x3FAF];
	_ =	sdelay $0x3  }
0x36: {  	p1 =	seq.s32 s10, $0x1;
	s10 =	sld [smem:$0x3FB0];
	_ =	sdelay $0x3  }
0x37: {  	[smem:$0x3FB0] =	sst s10  }
0x38: {  	s10 =	sld [smem:$0x3FB1]  }
0x39: {  	_ = 	snop;
	(pc) =	sbr.ind lr, $3  }
0x3a: {  	_ = 	snop  }
0x3b: {  	_ = 	snop  }
0x3c: {  	p2 =	seq.s32 s10, $0x1;
	s10 =	sld [smem:$0x3FB0]  }
0x3d: {  	_ =	shalt  }
0x3e: {  	_ =	shalt  }
0x3f: {  	_ =	shalt  }
0x40: {  	_ =	shalt  }
0x41: {  	_ =	shalt  }
0x42: {  	_ =	shalt  }
0x43: {  	_ =	shalt  }
0x44: {  	_ =	shalt  }
0x45: {  	_ =	shalt  }
0x46: {  	_ =	shalt  }
0x47: {  	_ =	shalt  }
0x48: {  	_ =	shalt  }
0x49: {  	_ =	shalt  }
0x4a: {  	_ =	shalt  }
0x4b: {  	_ =	shalt  }
0x4c: {  	_ =	shalt  }
0x4d: {  	_ =	shalt  }
0x4e: {  	_ =	shalt  }
0x4f: {  	_ =	shalt  }
0x50: {  	_ =	shalt  }
0x51: {  	_ =	shalt  }
0x52: {  	_ =	shalt  }
0x53: {  	_ =	shalt  }
0x54: {  	_ =	shalt  }
0x55: {  	_ =	shalt  }
0x56: {  	_ =	shalt  }
0x57: {  	_ =	shalt  }
0x58: {  	_ =	shalt  }
0x59: {  	_ =	shalt  }
0x5a: {  	_ =	shalt  }
0x5b: {  	_ =	shalt  }
0x5c: {  	_ =	shalt  }
0x5d: {  	_ =	shalt  }
0x5e: {  	_ =	shalt  }
0x5f: {  	_ =	shalt  }
0x60: {  	_ =	shalt  }
0x61: {  	_ =	shalt  }
0x62: {  	_ =	shalt  }
0x63: {  	_ =	shalt  }
0x64: {  	_ =	shalt  }
0x65: {  	_ =	shalt  }
0x66: {  	_ =	shalt  }
0x67: {  	_ =	shalt  }
0x68: {  	_ =	shalt  }
0x69: {  	_ =	shalt  }
0x6a: {  	_ =	shalt  }
0x6b: {  	_ =	shalt  }
0x6c: {  	_ =	shalt  }
0x6d: {  	_ =	shalt  }
0x6e: {  	_ =	shalt  }
0x6f: {  	_ =	shalt  }
0x70: {  	_ =	shalt  }
0x71: {  	_ =	shalt  }
0x72: {  	_ =	shalt  }
0x73: {  	_ =	shalt  }
0x74: {  	_ =	shalt  }
0x75: {  	_ =	shalt  }
0x76: {  	_ =	shalt  }
0x77: {  	_ =	shalt  }
0x78: {  	_ =	shalt  }
0x79: {  	_ =	shalt  }
0x7a: {  	_ =	shalt  }
0x7b: {  	_ =	shalt  }
0x7c: {  	_ =	shalt  }
0x7d: {  	_ =	shalt  }
0x7e: {  	_ =	shalt  }
0x7f: {  	_ =	shalt  }
0x80: {  	_ =	shalt  }
0x81: {  	_ =	shalt  }
0x82: {  	_ =	shalt  }
0x83: {  	_ =	shalt  }
0x84: {  	_ =	shalt  }
0x85: {  	_ =	shalt  }
0x86: {  	_ =	shalt  }
0x87: {  	_ =	shalt  }
.Lfunc_end0:
.L_simem_size_0:
called_computation.1_lowered:
.L_overlay_start_0:
0x88: {  	s2 =	sld [smem:$0x3FD9]  }
0x89: {  	s3 =	sld [smem:$0x3FFE];
	_ =	sdelay $0x1  }
0x8a: {  	s1 =	srdreg.scid  }
0x8b: {  	s0 =	sand.u32 $0x1, s1  }
0x8c: {  	s16 =	sshll.u32 s0, $0xA;
	s2 =	sadd.s32 s3, s2  }
0x8d: {  	s2 =	sadd.s32 s2, s16  }
0x8e: {  	[smem:$0x3FBC] =	sst s2  }
0x8f: {  	_ = 	snop  }
0x90: {  	(tm) =	ssettm $0x1  }
0x91: {  	s17 =	sld [smem:$0x3FFB];
	_ =	sdelay $0x3  }
0x92: {  	_ =	strace s17  }
0x93: {  	s2 =	sld [smem:$0x3FFC];
	_ =	sdelay $0x3  }
0x94: {  	_ =	strace s2  }
0x95: {  	s2 =	sld [smem:$0x3FFD];
	_ =	sdelay $0x3  }
0x96: {  	_ =	strace s2  }
0x97: {  	_ =	strace $0x8FFFFFFF  }
0x98: {  	s18 =	sld [smem:$0x3FDB];
	_ =	sdelay $0x1  }
0x99: {  	s19 =	simm.s32 $_scs_section_size  }
0x9a: {  	s4 =	simm.s32 $_size__tile_overlayer_lowered;
	s5 =	simm.s32 $_tile_overlayer_lowered  }
0x9b: {  	s22 =	simm.s32 $0x1BFF;
	s21 =	sshll.u32 s5, $0x1;
	s2 =	sadd.s32 s19, s18  }
0x9c: {  	s6 =	simm.s32 $0x0;
	s20 =	sshll.u32 s4, $0x1;
	s4 =	sadd.s32 s21, s2  }
0x9d: {  	[timem:s6], [sflag:s22] =	dma.local [hbm:s4], s20  }
0x9e: {  	_ =	swait.ge [sflag:s22], s20  }
0x9f: {  	s3 =	ssub.s32 $0x0, s20;
	[sflag:s22] =	ssyncset.done $0x0  }
0xa0: {  	[sflag:s22] =	ssyncadd.s32 s3;
	_ =	sdelay $0x1  }
0xa1: {  	s23 =	simm.s32 $0x1B8B  }
0xa2: {  	_ =	swait.ge [sflag:s23], $0x1  }
0xa3: {  	[sflag:s23] =	ssyncset.done $0x0  }
0xa4: {  	s25 =	simm.s32 $0x1B8E;
	s24 =	sld [smem:$0x3FFE];
	[sflag:s23] =	ssyncadd.s32 $0xFFFFFFFF  }
0xa5: {  	s26 =	simm.s32 $execute0_lowered;
	[smem:$0x3FD2] =	sst s25  }
0xa6: {  	s4 =	sshll.u32 s26, $0x1;
	_ =	strace $0x80000049;
	[dreg:$0x1] =	wrdreg $0xFFFFFFFF  }
0xa7: {  	s28 =	simm.s32 $_size_execute0_lowered;
	s2 =	sadd.s32 s2, s4;
	[dreg:$0x0] =	wrdreg $0x0  }
0xa8: {  	s4 =	sshll.u32 s28, $0x1;
	[dreg:$0x2] =	wrdreg s2  }
0xa9: {  	[dreg:$0x3] =	wrdreg s4  }
0xaa: {  	[dreg:$0x4] =	wrdreg $0xC0  }
0xab: {  	_ =	task [dreg:s6], $0x5FFFF  }
0xac: {  	[dreg:$0x1] =	wrdreg $0xFFFFFFFF  }
0xad: {  	[dreg:$0x0] =	wrdreg $0x60  }
0xae: {  	[dreg:$0x2] =	wrdreg s24  }
0xaf: {  	[dreg:$0x3] =	wrdreg $0x6D400  }
0xb0: {  	[dreg:$0x4] =	wrdreg $0x9  }
0xb1: {  	_ =	task.clear_ibuf [dreg:s6], $0x5FFFF;
	_ =	strace $0x90000049  }
0xb2: {  	s29 =	simm.s32 $0x9;
	_ =	strace $0x8000004B  }
0xb3: {  	_ =	swait.ge [sflag:s29], $0x1  }
0xb4: {  	[sflag:s29] =	ssyncadd.s32 $0xFFFFFFFF  }
0xb5: {  	_ =	strace $0x9000004B  }
0xb6: {  	_ =	sfence  }
0xb7: {  	s30 =	sld [smem:$0x0];
	_ =	sdelay $0x2  }
0xb8: {  	s31 =	sshll.u32 s1, $0xD;
	s1 =	sshrl.u32 s1, $0x2  }
0xb9: {  	s3 =	sand.u32 $0x4000, s31;
	s1 =	sadd.s32 s1, s30  }
0xba: {  	s0 =	sor.u32 s3, s0;
	s1 =	sshll.u32 s1, $0x11  }
0xbb: {  	s0 =	sor.u32 s1, s0  }
0xbc: {  	s0 =	sadd.s32 $0x8F2B, s0  }
0xbd: {  	[sflag:s0] =	ssyncadd.remote.s32 $0x1  }
0xbe: {  	_ =	sfence.sel $0xFFFF  }
0xbf: {  	[dreg:$0x0] =	wrdreg $0xFFFFFFFF;
	(pc) =	sbr.abs _section_cstart, $3  }
0xc0: {  	[dreg:$0x1] =	wrdreg $0xFFFFFFFF  }
0xc1: {  	_ =	task.clear_ibuf [dreg:s6], $0x2FFFF;
	_ =	strace $0x9FFFFFFF  }
0xc2: {  	(tm) =	ssettm $0x7FFFFFFF  }
0xc3: {  	_ =	shalt  }
tec
execute0_lowered:
.L_overlay_start_1:
0x0: {  	(tag) =	ssettag $0x1  }
0x1: {  	s0 =	rddreg [dreg:$0x0]  }
0x2: {  	s1 =	rddreg [dreg:$0x1]  }
0x3: {  	s2 =	simm.s32 $0x0;
	s5 =	stileid.u32;
	s6 =	srdreg.scid  }
0x4: {  	s20 =	simm.s32 $0xA;
	s21 =	simm.s32 $0x1;
	s22 =	simm.s32 $0xD40  }
0x5: {  	s23 =	simm.s32 $0x9;
	s28 =	simm.s32 $0x0;
	[smem:$0x7FF] =	sst s2  }
0x6: {  	s3 =	sadd.s32 $0x9AA00, s0;
	s4 =	sadd.s32 $0x69C00, s0;
	s14 =	sadd.s32 $0x4E00, s0  }
0x7: {  	s7 =	smul.u32 $0x186A0, s5;
	s8 =	sadd.s32 $0x66A00, s0;
	s15 =	sadd.s32 $0xFC800, s0  }
0x8: {  	s11 =	sand.u32 $0x1, s6;
	s0 =	sadd.s32 $0xCB800, s0;
	s13 =	smul.u32 $0x18800, s5  }
0x9: {  	s10 =	sshll.u32 s5, $0x6;
	s17 =	smul.u32 $0x30D4, s5;
	_ =	strace $0x8000004A  }
0xa: {  	[dreg:$0x3] =	wrdreg s8;
	s24 =	ssub.s32 $0x2, s11;
	s10 =	sor.u32 $0x1C0A, s10  }
0xb: {  	p0 =	seq.s32 s11, $0x0;
	s25 =	sshrl.u32 s7, $0x3;
	s26 =	sshrl.u32 s24, $0x1  }
0xc: {  	s18 =	sadd.s32 s13, s1;
	s19 =	sshrl.u32 s13, $0x3;
	s0 =	smov.u32 @p0 s15  }
0xd: {  	s31 =	sadd.s32 s17, s14;
	s4 =	smov.u32 @p0 s3;
	s17 =	simm.s32 $0x200  }
0xe: {  	s6 =	sadd.s32 s14, s25;
	s16 =	ssub.s32 s24, s26;
	s14 =	sadd.s32 s0, s19  }
.Ltmp0:
0xf: {  	s15 =	sadd.s32 $0x30DC0, s31;
	s19 =	sshrl.u32 s18, $0x3;
	(pc) =	sbr.rel .LBB2_1-.Ltmp0, $4  }
0x10: {  	s24 =	simm.s32 $0xC00;
	s25 =	simm.s32 $0xCA0;
	s26 =	simm.s32 $0xA0  }
0x11: {  	s29 =	sadd.s32 $0x30D40, s6;
	s30 =	sadd.s32 $0x40, s6;
	s9 =	sadd.s32 $0x30D80, s6  }
0x12: {  	s11 =	sadd.s32 $0x30C0, s6;
	s12 =	sadd.s32 $0x33E00, s6;
	[dreg:$0x4] =	wrdreg s29  }
0x13: {  	s13 =	smax.u32 s16, $0x1;
	s16 =	simm.s32 $0x600;
	[dreg:$0x5] =	wrdreg s30  }
.LBB2_7:
0x14: {  	_ =	swait.ge [sflag:s23], $0x2000  }
0x15: {  	[sflag:s23] =	ssyncset.done $0x0  }
0x16: {  	[sflag:s23] =	ssyncadd.s32 $0xFFFFE000  }
0x17: {  	[tilespmem:s24], [sflag:$0xA] =	stream.linear.gather [hbm4b:s11+s2], $0xA0, $0x38;
	[tilespmem:$0x1F540] =	vst v63  }
0x18: {  	_ =	swait.ge [sflag:s20], $0xA0  }
0x19: {  	[sflag:s20] =	ssyncset.done $0x0  }
0x1a: {  	[sflag:s20] =	ssyncadd.s32 $0xFFFFFF60  }
0x1b: {  	[tilespmem:s25], [sflag:$0xA] =	stream.linear.gather [hbm4b:s12+s2], $0xA0, $0x38;
	[tilespmem:$0x1F540] =	vst v63  }
0x1c: {  	_ =	swait.ge [sflag:s20], $0xA0  }
0x1d: {  	[sflag:s20] =	ssyncset.done $0x0  }
0x1e: {  	[sflag:s20] =	ssyncadd.s32 $0xFFFFFF60  }
0x1f: {  	[tilespmem:s22], [sflag:$0xA] =	stream.indirect.gather [hbm4b:s4+s26], $0x10, s24, s26, $0xb8;
	[tilespmem:$0x1F540] =	vst v63  }
0x20: {  	_ =	swait.ge [sflag:s20], $0xA00  }
0x21: {  	[sflag:s20] =	ssyncset.done $0x0  }
0x22: {  	[sflag:s20] =	ssyncadd.s32 $0xFFFFF600  }
0x23: {  	[spmem:s1] =	stream.indirect.scatter.add.f32 [tilespmem:s22], [sflag:$0xA], $0x10, s25, s26, $0xb8;
	[tilespmem:$0x1F540] =	vst v63  }
0x24: {  	_ =	swait.ge [sflag:s20], $0xA00  }
0x25: {  	s28 =	sadd.s32 $0x1, s28;
	[sflag:s20] =	ssyncset.done $0x0  }
0x26: {  	p0 =	sne.s32 s28, s13;
	[sflag:s20] =	ssyncadd.s32 $0xFFFFF600  }
.Ltmp1:
0x27: {  	[bflag:$0x0] =	sbarrier.arrive $0xFFFF;
	(pc) =	sbr.rel @!p0 .LBB2_8-.Ltmp1, $4  }
0x28: {  	[hbm:s14], [sflag:s10] =	dma.local [spmem:s19], $0x3100  }
0x29: {  	_ =	swait.ge [sflag:s20], $0x3100  }
0x2a: {  	[sflag:s20] =	ssyncset.done $0x0  }
0x2b: {  	[sflag:s20] =	ssyncadd.s32 $0xFFFFCF00  }
.LBB2_1:
0x2c: {  	[tilespmem:s2], [sflag:$0x1] =	stream.linear.gather [hbm4b:s6+s2], $0x200, $0x38;
	[tilespmem:$0x1F540] =	vst v63  }
0x2d: {  	s0 =	rddreg [dreg:$0x4]  }
0x2e: {  	[tilespmem:s16], [sflag:$0x1] =	stream.linear.gather [hbm4b:s0+s2], $0x200, $0x38;
	[tilespmem:$0x1F540] =	vst v63  }
0x2f: {  	s8 =	rddreg [dreg:$0x5]  }
0x30: {  	[tilespmem:s17], [sflag:$0x2] =	stream.linear.gather [hbm4b:s8+s2], $0x200, $0x38;
	[tilespmem:$0x1F540] =	vst v63  }
0x31: {  	s18 =	simm.s32 $0x800;
	s30 =	rddreg [dreg:$0x3]  }
0x32: {  	[tilespmem:s18], [sflag:$0x2] =	stream.linear.gather [hbm4b:s9+s2], $0x200, $0x38;
	[tilespmem:$0x1F540] =	vst v63  }
0x33: {  	[spmem:s19], [sflag:s10] =	dma.local [hbm:s30], $0x3100  }
0x34: {  	_ =	swait.ge [sflag:s20], $0x3100  }
0x35: {  	[sflag:s20] =	ssyncset.done $0x0  }
0x36: {  	[sflag:s20] =	ssyncadd.s32 $0xFFFFCF00  }
0x37: {  	_ =	swait.ge [sflag:s21], $0x200  }
0x38: {  	[sflag:s21] =	ssyncset.done $0x0  }
0x39: {  	[sflag:s21] =	ssyncadd.s32 $0xFFFFFE00  }
0x3a: {  	_ =	swait.ge [sflag:s21], $0x200  }
.Ltmp2:
0x3b: {  	[sflag:s21] =	ssyncset.done $0x0;
	(pc) =	sbr.rel .LBB2_2-.Ltmp2, $4  }
0x3c: {  	[sflag:s21] =	ssyncadd.s32 $0xFFFFFE00  }
0x3d: {  	[tilespmem:s22], [sflag:$0x4] =	stream.indirect.gather [hbm4b:s4+s17], $0x10, s2, s17, $0xb8;
	[tilespmem:$0x1F540] =	vst v63  }
0x3e: {  	[bflag:$0x0] =	sbarrier.arrive $0xFFFF  }
0x3f: {  	s29 =	smov.u32 s15;
	s31 =	simm.s32 $0x0  }
.LBB2_3:
0x40: {  	[spmem:s1] =	stream.indirect.scatter.add.f32 [tilespmem:s22], [sflag:s18], $0x10, s16, s17, $0xb8;
	[tilespmem:$0x1F540] =	vst v63  }
.LBB2_5:
0x41: {  	s3 =	sadd.s32 $0x1, s0;
	s31 =	sshll.u32 s0, $0x9;
	s5 =	sadd.s32 $0xFFFCF2C0, s29  }
0x42: {  	[tilespmem:s31], [sflag:s3] =	stream.linear.gather [hbm4b:s5+s2], $0x200, $0x38;
	[tilespmem:$0x1F540] =	vst v63  }
0x43: {  	s0 =	sadd.s32 $0x600, s31  }
0x44: {  	[tilespmem:s0], [sflag:s3] =	stream.linear.gather [hbm4b:s29+s2], $0x200, $0x38;
	[tilespmem:$0x1F540] =	vst v63  }
.LBB2_6:
0x45: {  	p0 =	sne.s32 s30, $0xC3  }
.Ltmp3:
0x46: {  	_ = 	snop;
	(pc) =	sbr.rel @!p0 .LBB2_7-.Ltmp3, $2  }
0x47: {  	_ =	sdelay $0x2  }
0x48: {  	s29 =	sadd.s32 $0x40, s29;
	s31 =	smov.u32 s30  }
.LBB2_2:
0x49: {  	s30 =	sadd.s32 $0x1, s31;
	p0 =	seq.s32 s31, $0xC2  }
0x4a: {  	s0 =	sand.u32 @!p0 $0xFF, s30  }
0x4b: {  	s0 =	smul.u32 @!p0 $0xAB, s0;
	_ =	sdelay $0x1  }
0x4c: {  	s0 =	sshrl.u32 @!p0 s0, $0x9  }
0x4d: {  	s0 =	smul.u32 @!p0 $0x3, s0;
	_ =	sdelay $0x1  }
0x4e: {  	s0 =	ssub.s32 @!p0 s30, s0  }
0x4f: {  	s0 =	sand.u32 @!p0 $0xFF, s0  }
0x50: {  	s3 =	sadd.s32 @!p0 $0x1, s0  }
0x51: {  	_ =	swait.ge @!p0 [sflag:s3], $0x200  }
0x52: {  	[sflag:s3] =	ssyncset.done @!p0 $0x0  }
0x53: {  	s18 =	smul.u32 $0xAB, s31;
	[sflag:s3] =	ssyncadd.s32 @!p0 $0xFFFFFE00  }
0x54: {  	s5 =	sadd.s32 $0x2, s31;
	_ =	swait.ge @!p0 [sflag:s3], $0x200  }
0x55: {  	s8 =	simm.s32 @!p0 $0x200;
	s18 =	sshrl.u32 s18, $0x9;
	[sflag:s3] =	ssyncset.done @!p0 $0x0  }
0x56: {  	s18 =	sand.u32 $0x7F, s18;
	[sflag:s3] =	ssyncadd.s32 @!p0 $0xFFFFFE00;
	s3 =	sshll.u32 @!p0 s0, $0xD  }
0x57: {  	s7 =	sshll.u32 @!p0 s0, $0x9;
	s0 =	sor.u32 @!p0 $0x4, s0;
	s3 =	sor.u32 @!p0 $0xD40, s3  }
0x58: {  	[tilespmem:s3], [sflag:s0] =	stream.indirect.gather @!p0 [hbm4b:s4+s8], $0x10, s7, s8, $0xb8;
	[tilespmem:$0x1F540] =	vst v63  }
0x59: {  	s7 =	smul.u32 $0x3, s18;
	s8 =	sand.u32 $0xFF, s5  }
0x5a: {  	s18 =	smul.u32 $0xAB, s8  }
0x5b: {  	p0 =	sne.s32 s31, $0x0;
	s0 =	ssub.s32 s31, s7  }
.Ltmp4:
0x5c: {  	s3 =	sand.u32 $0xFF, s0;
	s8 =	sshrl.u32 s18, $0x9;
	(pc) =	sbr.rel @!p0 .LBB2_3-.Ltmp4, $4  }
0x5d: {  	s0 =	smul.u32 $0x3, s8;
	s18 =	sadd.s32 $0x4, s3  }
0x5e: {  	_ =	swait.ge [sflag:s18], $0x2000  }
0x5f: {  	s0 =	ssub.s32 s5, s0;
	[sflag:s18] =	ssyncset.done $0x0  }
0x60: {  	s0 =	sand.u32 $0xFF, s0;
	[sflag:s18] =	ssyncadd.s32 $0xFFFFE000;
	s18 =	sadd.s32 $0x7, s3  }
0x61: {  	p0 =	sgt.u32 s31, $0xC0  }
.Ltmp5:
0x62: {  	s5 =	sadd.s32 $0x7, s0;
	(pc) =	sbr.rel @p0 .LBB2_6-.Ltmp5, $4  }
.Ltmp6:
0x63: {  	_ =	swait.ge [sflag:s5], $0x2000;
	(pc) =	sbr.rel @!p0 .LBB2_5-.Ltmp6, $4  }
0x64: {  	s7 =	sshll.u32 s3, $0xD;
	s3 =	sshll.u32 s3, $0x9;
	[sflag:s5] =	ssyncset.done $0x0  }
0x65: {  	s8 =	sor.u32 $0xD40, s7;
	s3 =	sadd.s32 $0x600, s3;
	[sflag:s5] =	ssyncadd.s32 $0xFFFFE000  }
0x66: {  	[spmem:s1] =	stream.indirect.scatter.add.f32 [tilespmem:s8], [sflag:s18], $0x10, s3, s17, $0xb8;
	[tilespmem:$0x1F540] =	vst v63  }
0x67: {  	_ = 	snop  }
.LBB2_8:
0x68: {  	_ =	sfence.sel $0x180000  }
0x69: {  	[bflag:$0x0] =	sbarrier.arrive $0xFFFF  }
0x6a: {  	_ =	strace $0x9000004A  }
0x6b: {  	s0 =	stileid.u32;
	[bflag:$0x2] =	sbarrier.arrive $0xFFFF  }
0x6c: {  	p0 =	sne.s32 s0, $0x0;
	s0 =	rddreg [dreg:$0x2]  }
0x6d: {  	s0 =	sadd.s32 @!p0 $0x100000, s0  }
0x6e: {  	[sflag:s0] =	ssyncadd.tile.s32 @!p0 $0x1;
	_ =	shalt  }
.Lfunc_end2:
_tile_overlayer_lowered:
.L_overlay_start_2:
0x6f: {  	(tag) =	ssettag $0x2  }
0x70: {  	s0 =	rddreg [dreg:$0x0];
	s2 =	stileid.u32  }
0x71: {  	s1 =	rddreg [dreg:$0x1];
	p0 =	sne.s32 s2, $0x0  }
0x72: {  	s3 =	rddreg [dreg:$0x2];
	[bflag:$0x3] =	sbarrier.arrive $0xFFFF;
	s2 =	simm.s32 @!p0 $0x1C0A  }
0x73: {  	[timem:s3], [sflag:s2] =	dma.local @!p0 [hbm:s0], s1  }
0x74: {  	s0 =	simm.s32 @!p0 $0xA  }
0x75: {  	_ =	swait.ge @!p0 [sflag:s0], s1  }
0x76: {  	s1 =	ssub.s32 @!p0 $0x0, s1;
	[sflag:s0] =	ssyncset.done @!p0 $0x0  }
0x77: {  	[sflag:s0] =	ssyncadd.s32 @!p0 s1  }
0x78: {  	[bflag:$0x3] =	sbarrier.arrive $0xFFFF  }
0x79: {  	_ =	shalt  }

// kernel: kernel.18.cloned.1.call-start
scs
__scs_entry_jumppad:
0x0: {  	(pc) =	sbr.rel $0x88, $3  }
0x1: {  	(tag) =	ssettag $0x0;
	lr =	simm.s32 $0x1  }
0x2: {  	[smem:$0x3F95] =	sst lr;
	_ =	strace $0xD0000000  }
0x3: {  	_ = 	snop  }
0x4: {  	_ = 	snop  }
0x5: {  	_ = 	snop  }
0x6: {  	_ = 	snop  }
0x7: {  	_ = 	snop  }
__scs_overlays_trampoline_lowered:
0x8: {  	[smem:$0x3FA4] =	sst s0  }
0x9: {  	[smem:$0x3FA5] =	sst s1  }
0xa: {  	[smem:$0x3FA6] =	sst s2  }
0xb: {  	[smem:$0x3FA7] =	sst s3  }
0xc: {  	[smem:$0x3FA8] =	sst s4  }
0xd: {  	[smem:$0x3FA9] =	sst s5  }
0xe: {  	[smem:$0x3FAA] =	sst s6  }
0xf: {  	[smem:$0x3FAB] =	sst s7  }
0x10: {  	[smem:$0x3FAC] =	sst s8  }
0x11: {  	[smem:$0x3FAD] =	sst s9;
	s0 =	simm.s32 @!p0 $0x0  }
0x12: {  	s1 =	sld [smem:$0x3F93];
	s0 =	simm.s32 @p0 $0x1  }
0x13: {  	[smem:$0x3FAE] =	sst s0;
	s0 =	simm.s32 @!p1 $0x0  }
0x14: {  	s2 =	sld [smem:$0x3F92];
	s0 =	simm.s32 @p1 $0x1  }
0x15: {  	[smem:$0x3FAF] =	sst s0;
	s0 =	simm.s32 @!p2 $0x0  }
0x16: {  	s3 =	sld [smem:$0x3FDB];
	s0 =	simm.s32 @p2 $0x1  }
0x17: {  	s4 =	simm.s32 $0x1BF5;
	[smem:$0x3FB1] =	sst s0  }
0x18: {  	s0 =	sld [smem:$0x3F94];
	_ =	swait.ge [sflag:s4], $0x0  }
0x19: {  	s7 =	sld [smem:$0x3F95]  }
0x1a: {  	s8 =	sadd.s32 $0xFFFFE003, lr  }
0x1b: {  	s9 =	sadd.s32 $0xFFFFFEF7, lr;
	s5 =	simm.s32 $0xFFFFFFFF;
	p2 =	slt.u32 s8, $0xFFFFF086  }
0x1c: {  	p1 =	slt.u32 s9, $0xF7A;
	s5 =	simm.s32 @!p2 $0x0  }
0x1d: {  	s5 =	simm.s32 @p1 $0x1;
	p0 =	seq.s32 s7, s2  }
0x1e: {  	s7 =	smul.u32 @!p0 $0xF7A, s2;
	p2 =	seq.s32 @!p0 s5, $0x0  }
0x1f: {  	s9 =	smul.u32 $0xF7A, s1;
	s8 =	simm.s32 @!p0 $0x1BF5;
	p2 =	por !p2, p0  }
0x20: {  	[sflag:s8] =	ssyncset.s32 @!p0 $0xFFFFF086;
	s6 =	sadd.s32 @!p0 s3, s7;
	s7 =	simm.s32 @!p0 $0x108  }
0x21: {  	s3 =	sadd.s32 s3, s9;
	s6 =	sadd.s32 @!p0 $0x88, s6;
	s7 =	simm.s32 @p2 $0x1082  }
0x22: {  	[simem:s7], [sflag:s8] =	dma.local @!p0 [hbm:s6], $0xF7A  }
0x23: {  	s9 =	sor.u32 $0xD0000000, s2;
	s6 =	simm.s32 $0x108;
	_ =	swait.ge @!p0 [sflag:s8], $0x0  }
0x24: {  	s3 =	sadd.s32 $0x88, s3;
	s6 =	simm.s32 @!p1 $0x1082;
	[sflag:s4] =	ssyncset.s32 $0xFFFFF086  }
0x25: {  	[simem:s6], [sflag:s4] =	dma.local [hbm:s3], $0xF7A  }
0x26: {  	[smem:$0x3F95] =	sst s1;
	(tag) =	ssettag s2;
	_ =	strace s9  }
0x27: {  	s1 =	sld [smem:$0x3FA5]  }
0x28: {  	s2 =	sld [smem:$0x3FA6]  }
0x29: {  	s4 =	sld [smem:$0x3FA8]  }
0x2a: {  	p0 =	seq.s32 s5, $0x0;
	s5 =	sld [smem:$0x3FA9]  }
0x2b: {  	s6 =	sld [smem:$0x3FAA]  }
0x2c: {  	s7 =	sld [smem:$0x3FAB]  }
0x2d: {  	s3 =	simm.s32 $0x108;
	s8 =	sld [smem:$0x3FAC]  }
0x2e: {  	s3 =	simm.s32 @!p0 $0x1082;
	s9 =	sld [smem:$0x3FAD]  }
0x2f: {  	lr =	sadd.s32 s0, s3;
	s0 =	sld [smem:$0x3FA4]  }
0x30: {  	s3 =	sld [smem:$0x3FA7]  }
0x31: {  	[smem:$0x3FB0] =	sst s10  }
0x32: {  	s10 =	sld [smem:$0x3FAE];
	_ =	sdelay $0x3  }
0x33: {  	p0 =	seq.s32 s10, $0x1;
	s10 =	sld [smem:$0x3FB0];
	_ =	sdelay $0x3  }
0x34: {  	[smem:$0x3FB0] =	sst s10  }
0x35: {  	s10 =	sld [smem:$0x3FAF];
	_ =	sdelay $0x3  }
0x36: {  	p1 =	seq.s32 s10, $0x1;
	s10 =	sld [smem:$0x3FB0];
	_ =	sdelay $0x3  }
0x37: {  	[smem:$0x3FB0] =	sst s10  }
0x38: {  	s10 =	sld [smem:$0x3FB1]  }
0x39: {  	_ = 	snop;
	(pc) =	sbr.ind lr, $3  }
0x3a: {  	_ = 	snop  }
0x3b: {  	_ = 	snop  }
0x3c: {  	p2 =	seq.s32 s10, $0x1;
	s10 =	sld [smem:$0x3FB0]  }
0x3d: {  	_ =	shalt  }
0x3e: {  	_ =	shalt  }
0x3f: {  	_ =	shalt  }
0x40: {  	_ =	shalt  }
0x41: {  	_ =	shalt  }
0x42: {  	_ =	shalt  }
0x43: {  	_ =	shalt  }
0x44: {  	_ =	shalt  }
0x45: {  	_ =	shalt  }
0x46: {  	_ =	shalt  }
0x47: {  	_ =	shalt  }
0x48: {  	_ =	shalt  }
0x49: {  	_ =	shalt  }
0x4a: {  	_ =	shalt  }
0x4b: {  	_ =	shalt  }
0x4c: {  	_ =	shalt  }
0x4d: {  	_ =	shalt  }
0x4e: {  	_ =	shalt  }
0x4f: {  	_ =	shalt  }
0x50: {  	_ =	shalt  }
0x51: {  	_ =	shalt  }
0x52: {  	_ =	shalt  }
0x53: {  	_ =	shalt  }
0x54: {  	_ =	shalt  }
0x55: {  	_ =	shalt  }
0x56: {  	_ =	shalt  }
0x57: {  	_ =	shalt  }
0x58: {  	_ =	shalt  }
0x59: {  	_ =	shalt  }
0x5a: {  	_ =	shalt  }
0x5b: {  	_ =	shalt  }
0x5c: {  	_ =	shalt  }
0x5d: {  	_ =	shalt  }
0x5e: {  	_ =	shalt  }
0x5f: {  	_ =	shalt  }
0x60: {  	_ =	shalt  }
0x61: {  	_ =	shalt  }
0x62: {  	_ =	shalt  }
0x63: {  	_ =	shalt  }
0x64: {  	_ =	shalt  }
0x65: {  	_ =	shalt  }
0x66: {  	_ =	shalt  }
0x67: {  	_ =	shalt  }
0x68: {  	_ =	shalt  }
0x69: {  	_ =	shalt  }
0x6a: {  	_ =	shalt  }
0x6b: {  	_ =	shalt  }
0x6c: {  	_ =	shalt  }
0x6d: {  	_ =	shalt  }
0x6e: {  	_ =	shalt  }
0x6f: {  	_ =	shalt  }
0x70: {  	_ =	shalt  }
0x71: {  	_ =	shalt  }
0x72: {  	_ =	shalt  }
0x73: {  	_ =	shalt  }
0x74: {  	_ =	shalt  }
0x75: {  	_ =	shalt  }
0x76: {  	_ =	shalt  }
0x77: {  	_ =	shalt  }
0x78: {  	_ =	shalt  }
0x79: {  	_ =	shalt  }
0x7a: {  	_ =	shalt  }
0x7b: {  	_ =	shalt  }
0x7c: {  	_ =	shalt  }
0x7d: {  	_ =	shalt  }
0x7e: {  	_ =	shalt  }
0x7f: {  	_ =	shalt  }
0x80: {  	_ =	shalt  }
0x81: {  	_ =	shalt  }
0x82: {  	_ =	shalt  }
0x83: {  	_ =	shalt  }
0x84: {  	_ =	shalt  }
0x85: {  	_ =	shalt  }
0x86: {  	_ =	shalt  }
0x87: {  	_ =	shalt  }
.Lfunc_end0:
.L_simem_size_0:
called_computation.2_lowered:
.L_overlay_start_0:
0x88: {  	s2 =	sld [smem:$0x3FD9]  }
0x89: {  	s3 =	sld [smem:$0x3FFE];
	_ =	sdelay $0x1  }
0x8a: {  	s1 =	srdreg.scid  }
0x8b: {  	s0 =	sand.u32 $0x1, s1  }
0x8c: {  	s16 =	sshll.u32 s0, $0xA;
	s2 =	sadd.s32 s3, s2  }
0x8d: {  	s2 =	sadd.s32 s2, s16  }
0x8e: {  	[smem:$0x3FBC] =	sst s2  }
0x8f: {  	_ = 	snop  }
0x90: {  	(tm) =	ssettm $0x1  }
0x91: {  	s17 =	sld [smem:$0x3FFB];
	_ =	sdelay $0x3  }
0x92: {  	_ =	strace s17  }
0x93: {  	s2 =	sld [smem:$0x3FFC];
	_ =	sdelay $0x3  }
0x94: {  	_ =	strace s2  }
0x95: {  	s2 =	sld [smem:$0x3FFD];
	_ =	sdelay $0x3  }
0x96: {  	_ =	strace s2  }
0x97: {  	_ =	strace $0x8FFFFFFF  }
0x98: {  	s18 =	sld [smem:$0x3FDB];
	_ =	sdelay $0x1  }
0x99: {  	s19 =	simm.s32 $_scs_section_size  }
0x9a: {  	s4 =	simm.s32 $_size__tile_overlayer_lowered;
	s5 =	simm.s32 $_tile_overlayer_lowered  }
0x9b: {  	s22 =	simm.s32 $0x1BFF;
	s21 =	sshll.u32 s5, $0x1;
	s2 =	sadd.s32 s19, s18  }
0x9c: {  	s6 =	simm.s32 $0x0;
	s20 =	sshll.u32 s4, $0x1;
	s4 =	sadd.s32 s21, s2  }
0x9d: {  	[timem:s6], [sflag:s22] =	dma.local [hbm:s4], s20  }
0x9e: {  	_ =	swait.ge [sflag:s22], s20  }
0x9f: {  	s3 =	ssub.s32 $0x0, s20;
	[sflag:s22] =	ssyncset.done $0x0  }
0xa0: {  	[sflag:s22] =	ssyncadd.s32 s3;
	_ =	sdelay $0x1  }
0xa1: {  	s23 =	simm.s32 $0x1B8B  }
0xa2: {  	_ =	swait.ge [sflag:s23], $0x1  }
0xa3: {  	[sflag:s23] =	ssyncset.done $0x0  }
0xa4: {  	s25 =	simm.s32 $0x1B8E;
	s24 =	sld [smem:$0x3FFE];
	[sflag:s23] =	ssyncadd.s32 $0xFFFFFFFF  }
0xa5: {  	s26 =	simm.s32 $execute0_lowered;
	[smem:$0x3FD2] =	sst s25  }
0xa6: {  	s4 =	sshll.u32 s26, $0x1;
	_ =	strace $0x8000004C;
	[dreg:$0x1] =	wrdreg $0xFFFFFFFF  }
0xa7: {  	s28 =	simm.s32 $_size_execute0_lowered;
	s2 =	sadd.s32 s2, s4;
	[dreg:$0x0] =	wrdreg $0x0  }
0xa8: {  	s4 =	sshll.u32 s28, $0x1;
	[dreg:$0x2] =	wrdreg s2  }
0xa9: {  	[dreg:$0x3] =	wrdreg s4  }
0xaa: {  	[dreg:$0x4] =	wrdreg $0xC0  }
0xab: {  	_ =	task [dreg:s6], $0x5FFFF  }
0xac: {  	[dreg:$0x1] =	wrdreg $0xFFFFFFFF  }
0xad: {  	[dreg:$0x0] =	wrdreg $0x60  }
0xae: {  	[dreg:$0x2] =	wrdreg s24  }
0xaf: {  	[dreg:$0x3] =	wrdreg $0x6D400  }
0xb0: {  	[dreg:$0x4] =	wrdreg $0x9  }
0xb1: {  	_ =	task.clear_ibuf [dreg:s6], $0x5FFFF;
	_ =	strace $0x9000004C  }
0xb2: {  	s29 =	simm.s32 $0x9;
	_ =	strace $0x8000004E  }
0xb3: {  	_ =	swait.ge [sflag:s29], $0x1  }
0xb4: {  	[sflag:s29] =	ssyncadd.s32 $0xFFFFFFFF  }
0xb5: {  	_ =	strace $0x9000004E  }
0xb6: {  	_ =	sfence  }
0xb7: {  	s30 =	sld [smem:$0x0];
	_ =	sdelay $0x2  }
0xb8: {  	s31 =	sshll.u32 s1, $0xD;
	s1 =	sshrl.u32 s1, $0x2  }
0xb9: {  	s3 =	sand.u32 $0x4000, s31;
	s1 =	sadd.s32 s1, s30  }
0xba: {  	s0 =	sor.u32 s3, s0;
	s1 =	sshll.u32 s1, $0x11  }
0xbb: {  	s0 =	sor.u32 s1, s0  }
0xbc: {  	s0 =	sadd.s32 $0x8F2B, s0  }
0xbd: {  	[sflag:s0] =	ssyncadd.remote.s32 $0x1  }
0xbe: {  	_ =	sfence.sel $0xFFFF  }
0xbf: {  	[dreg:$0x0] =	wrdreg $0xFFFFFFFF;
	(pc) =	sbr.abs _section_cstart, $3  }
0xc0: {  	[dreg:$0x1] =	wrdreg $0xFFFFFFFF  }
0xc1: {  	_ =	task.clear_ibuf [dreg:s6], $0x2FFFF;
	_ =	strace $0x9FFFFFFF  }
0xc2: {  	(tm) =	ssettm $0x7FFFFFFF  }
0xc3: {  	_ =	shalt  }
tec
execute0_lowered:
.L_overlay_start_1:
0x0: {  	(tag) =	ssettag $0x1  }
0x1: {  	s0 =	rddreg [dreg:$0x0]  }
0x2: {  	s1 =	rddreg [dreg:$0x1]  }
0x3: {  	s2 =	simm.s32 $0x0;
	s5 =	stileid.u32;
	s6 =	srdreg.scid  }
0x4: {  	s20 =	simm.s32 $0xA;
	s21 =	simm.s32 $0x1;
	s22 =	simm.s32 $0xD40  }
0x5: {  	s23 =	simm.s32 $0x9;
	s28 =	simm.s32 $0x0;
	s3 =	sadd.s32 $0x77BA00, s0  }
0x6: {  	[smem:$0x7FF] =	sst s2;
	s4 =	sadd.s32 $0x74AC00, s0;
	s14 =	sadd.s32 $0x4E00, s0  }
0x7: {  	s7 =	smul.u32 $0x186A0, s5;
	s8 =	sadd.s32 $0x66A00, s0;
	s15 =	sadd.s32 $0x7DD800, s0  }
0x8: {  	s11 =	sand.u32 $0x1, s6;
	s0 =	sadd.s32 $0x7AC800, s0;
	s13 =	smul.u32 $0x18800, s5  }
0x9: {  	s10 =	sshll.u32 s5, $0x6;
	s17 =	smul.u32 $0x30D4, s5;
	_ =	strace $0x8000004D  }
0xa: {  	[dreg:$0x3] =	wrdreg s8;
	s24 =	ssub.s32 $0x2, s11;
	s10 =	sor.u32 $0x1C0A, s10  }
0xb: {  	p0 =	seq.s32 s11, $0x0;
	s25 =	sshrl.u32 s7, $0x3;
	s26 =	sshrl.u32 s24, $0x1  }
0xc: {  	s18 =	sadd.s32 s13, s1;
	s19 =	sshrl.u32 s13, $0x3;
	s0 =	smov.u32 @p0 s15  }
0xd: {  	s31 =	sadd.s32 s17, s14;
	s4 =	smov.u32 @p0 s3;
	s17 =	simm.s32 $0x200  }
0xe: {  	s6 =	sadd.s32 s14, s25;
	s16 =	ssub.s32 s24, s26;
	s14 =	sadd.s32 s0, s19  }
.Ltmp0:
0xf: {  	s15 =	sadd.s32 $0x30DC0, s31;
	s19 =	sshrl.u32 s18, $0x3;
	(pc) =	sbr.rel .LBB2_1-.Ltmp0, $4  }
0x10: {  	s24 =	simm.s32 $0xC00;
	s25 =	simm.s32 $0xCA0;
	s26 =	simm.s32 $0xA0  }
0x11: {  	s29 =	sadd.s32 $0x30D40, s6;
	s30 =	sadd.s32 $0x40, s6;
	s9 =	sadd.s32 $0x30D80, s6  }
0x12: {  	s11 =	sadd.s32 $0x30C0, s6;
	s12 =	sadd.s32 $0x33E00, s6;
	[dreg:$0x4] =	wrdreg s29  }
0x13: {  	s13 =	smax.u32 s16, $0x1;
	s16 =	simm.s32 $0x600;
	[dreg:$0x5] =	wrdreg s30  }
.LBB2_7:
0x14: {  	_ =	swait.ge [sflag:s23], $0x2000  }
0x15: {  	[sflag:s23] =	ssyncset.done $0x0  }
0x16: {  	[sflag:s23] =	ssyncadd.s32 $0xFFFFE000  }
0x17: {  	[tilespmem:s24], [sflag:$0xA] =	stream.linear.gather [hbm4b:s11+s2], $0xA0, $0x38;
	[tilespmem:$0x1F540] =	vst v63  }
0x18: {  	_ =	swait.ge [sflag:s20], $0xA0  }
0x19: {  	[sflag:s20] =	ssyncset.done $0x0  }
0x1a: {  	[sflag:s20] =	ssyncadd.s32 $0xFFFFFF60  }
0x1b: {  	[tilespmem:s25], [sflag:$0xA] =	stream.linear.gather [hbm4b:s12+s2], $0xA0, $0x38;
	[tilespmem:$0x1F540] =	vst v63  }
0x1c: {  	_ =	swait.ge [sflag:s20], $0xA0  }
0x1d: {  	[sflag:s20] =	ssyncset.done $0x0  }
0x1e: {  	[sflag:s20] =	ssyncadd.s32 $0xFFFFFF60  }
0x1f: {  	[tilespmem:s22], [sflag:$0xA] =	stream.indirect.gather [hbm4b:s4+s26], $0x10, s24, s26, $0xb8;
	[tilespmem:$0x1F540] =	vst v63  }
0x20: {  	_ =	swait.ge [sflag:s20], $0xA00  }
0x21: {  	[sflag:s20] =	ssyncset.done $0x0  }
0x22: {  	[sflag:s20] =	ssyncadd.s32 $0xFFFFF600  }
0x23: {  	[spmem:s1] =	stream.indirect.scatter.add.f32 [tilespmem:s22], [sflag:$0xA], $0x10, s25, s26, $0xb8;
	[tilespmem:$0x1F540] =	vst v63  }
0x24: {  	_ =	swait.ge [sflag:s20], $0xA00  }
0x25: {  	s28 =	sadd.s32 $0x1, s28;
	[sflag:s20] =	ssyncset.done $0x0  }
0x26: {  	p0 =	sne.s32 s28, s13;
	[sflag:s20] =	ssyncadd.s32 $0xFFFFF600  }
.Ltmp1:
0x27: {  	[bflag:$0x0] =	sbarrier.arrive $0xFFFF;
	(pc) =	sbr.rel @!p0 .LBB2_8-.Ltmp1, $4  }
0x28: {  	[hbm:s14], [sflag:s10] =	dma.local [spmem:s19], $0x3100  }
0x29: {  	_ =	swait.ge [sflag:s20], $0x3100  }
0x2a: {  	[sflag:s20] =	ssyncset.done $0x0  }
0x2b: {  	[sflag:s20] =	ssyncadd.s32 $0xFFFFCF00  }
.LBB2_1:
0x2c: {  	[tilespmem:s2], [sflag:$0x1] =	stream.linear.gather [hbm4b:s6+s2], $0x200, $0x38;
	[tilespmem:$0x1F540] =	vst v63  }
0x2d: {  	s0 =	rddreg [dreg:$0x4]  }
0x2e: {  	[tilespmem:s16], [sflag:$0x1] =	stream.linear.gather [hbm4b:s0+s2], $0x200, $0x38;
	[tilespmem:$0x1F540] =	vst v63  }
0x2f: {  	s8 =	rddreg [dreg:$0x5]  }
0x30: {  	[tilespmem:s17], [sflag:$0x2] =	stream.linear.gather [hbm4b:s8+s2], $0x200, $0x38;
	[tilespmem:$0x1F540] =	vst v63  }
0x31: {  	s18 =	simm.s32 $0x800;
	s30 =	rddreg [dreg:$0x3]  }
0x32: {  	[tilespmem:s18], [sflag:$0x2] =	stream.linear.gather [hbm4b:s9+s2], $0x200, $0x38;
	[tilespmem:$0x1F540] =	vst v63  }
0x33: {  	[spmem:s19], [sflag:s10] =	dma.local [hbm:s30], $0x3100  }
0x34: {  	_ =	swait.ge [sflag:s20], $0x3100  }
0x35: {  	[sflag:s20] =	ssyncset.done $0x0  }
0x36: {  	[sflag:s20] =	ssyncadd.s32 $0xFFFFCF00  }
0x37: {  	_ =	swait.ge [sflag:s21], $0x200  }
0x38: {  	[sflag:s21] =	ssyncset.done $0x0  }
0x39: {  	[sflag:s21] =	ssyncadd.s32 $0xFFFFFE00  }
0x3a: {  	_ =	swait.ge [sflag:s21], $0x200  }
.Ltmp2:
0x3b: {  	[sflag:s21] =	ssyncset.done $0x0;
	(pc) =	sbr.rel .LBB2_2-.Ltmp2, $4  }
0x3c: {  	[sflag:s21] =	ssyncadd.s32 $0xFFFFFE00  }
0x3d: {  	[tilespmem:s22], [sflag:$0x4] =	stream.indirect.gather [hbm4b:s4+s17], $0x10, s2, s17, $0xb8;
	[tilespmem:$0x1F540] =	vst v63  }
0x3e: {  	[bflag:$0x0] =	sbarrier.arrive $0xFFFF  }
0x3f: {  	s29 =	smov.u32 s15;
	s31 =	simm.s32 $0x0  }
.LBB2_3:
0x40: {  	[spmem:s1] =	stream.indirect.scatter.add.f32 [tilespmem:s22], [sflag:s18], $0x10, s16, s17, $0xb8;
	[tilespmem:$0x1F540] =	vst v63  }
.LBB2_5:
0x41: {  	s3 =	sadd.s32 $0x1, s0;
	s31 =	sshll.u32 s0, $0x9;
	s5 =	sadd.s32 $0xFFFCF2C0, s29  }
0x42: {  	[tilespmem:s31], [sflag:s3] =	stream.linear.gather [hbm4b:s5+s2], $0x200, $0x38;
	[tilespmem:$0x1F540] =	vst v63  }
0x43: {  	s0 =	sadd.s32 $0x600, s31  }
0x44: {  	[tilespmem:s0], [sflag:s3] =	stream.linear.gather [hbm4b:s29+s2], $0x200, $0x38;
	[tilespmem:$0x1F540] =	vst v63  }
.LBB2_6:
0x45: {  	p0 =	sne.s32 s30, $0xC3  }
.Ltmp3:
0x46: {  	_ = 	snop;
	(pc) =	sbr.rel @!p0 .LBB2_7-.Ltmp3, $2  }
0x47: {  	_ =	sdelay $0x2  }
0x48: {  	s29 =	sadd.s32 $0x40, s29;
	s31 =	smov.u32 s30  }
.LBB2_2:
0x49: {  	s30 =	sadd.s32 $0x1, s31;
	p0 =	seq.s32 s31, $0xC2  }
0x4a: {  	s0 =	sand.u32 @!p0 $0xFF, s30  }
0x4b: {  	s0 =	smul.u32 @!p0 $0xAB, s0;
	_ =	sdelay $0x1  }
0x4c: {  	s0 =	sshrl.u32 @!p0 s0, $0x9  }
0x4d: {  	s0 =	smul.u32 @!p0 $0x3, s0;
	_ =	sdelay $0x1  }
0x4e: {  	s0 =	ssub.s32 @!p0 s30, s0  }
0x4f: {  	s0 =	sand.u32 @!p0 $0xFF, s0  }
0x50: {  	s3 =	sadd.s32 @!p0 $0x1, s0  }
0x51: {  	_ =	swait.ge @!p0 [sflag:s3], $0x200  }
0x52: {  	[sflag:s3] =	ssyncset.done @!p0 $0x0  }
0x53: {  	s18 =	smul.u32 $0xAB, s31;
	[sflag:s3] =	ssyncadd.s32 @!p0 $0xFFFFFE00  }
0x54: {  	s5 =	sadd.s32 $0x2, s31;
	_ =	swait.ge @!p0 [sflag:s3], $0x200  }
0x55: {  	s8 =	simm.s32 @!p0 $0x200;
	s18 =	sshrl.u32 s18, $0x9;
	[sflag:s3] =	ssyncset.done @!p0 $0x0  }
0x56: {  	s18 =	sand.u32 $0x7F, s18;
	[sflag:s3] =	ssyncadd.s32 @!p0 $0xFFFFFE00;
	s3 =	sshll.u32 @!p0 s0, $0xD  }
0x57: {  	s7 =	sshll.u32 @!p0 s0, $0x9;
	s0 =	sor.u32 @!p0 $0x4, s0;
	s3 =	sor.u32 @!p0 $0xD40, s3  }
0x58: {  	[tilespmem:s3], [sflag:s0] =	stream.indirect.gather @!p0 [hbm4b:s4+s8], $0x10, s7, s8, $0xb8;
	[tilespmem:$0x1F540] =	vst v63  }
0x59: {  	s7 =	smul.u32 $0x3, s18;
	s8 =	sand.u32 $0xFF, s5  }
0x5a: {  	s18 =	smul.u32 $0xAB, s8  }
0x5b: {  	p0 =	sne.s32 s31, $0x0;
	s0 =	ssub.s32 s31, s7  }
.Ltmp4:
0x5c: {  	s3 =	sand.u32 $0xFF, s0;
	s8 =	sshrl.u32 s18, $0x9;
	(pc) =	sbr.rel @!p0 .LBB2_3-.Ltmp4, $4  }
0x5d: {  	s0 =	smul.u32 $0x3, s8;
	s18 =	sadd.s32 $0x4, s3  }
0x5e: {  	_ =	swait.ge [sflag:s18], $0x2000  }
0x5f: {  	s0 =	ssub.s32 s5, s0;
	[sflag:s18] =	ssyncset.done $0x0  }
0x60: {  	s0 =	sand.u32 $0xFF, s0;
	[sflag:s18] =	ssyncadd.s32 $0xFFFFE000;
	s18 =	sadd.s32 $0x7, s3  }
0x61: {  	p0 =	sgt.u32 s31, $0xC0  }
.Ltmp5:
0x62: {  	s5 =	sadd.s32 $0x7, s0;
	(pc) =	sbr.rel @p0 .LBB2_6-.Ltmp5, $4  }
.Ltmp6:
0x63: {  	_ =	swait.ge [sflag:s5], $0x2000;
	(pc) =	sbr.rel @!p0 .LBB2_5-.Ltmp6, $4  }
0x64: {  	s7 =	sshll.u32 s3, $0xD;
	s3 =	sshll.u32 s3, $0x9;
	[sflag:s5] =	ssyncset.done $0x0  }
0x65: {  	s8 =	sor.u32 $0xD40, s7;
	s3 =	sadd.s32 $0x600, s3;
	[sflag:s5] =	ssyncadd.s32 $0xFFFFE000  }
0x66: {  	[spmem:s1] =	stream.indirect.scatter.add.f32 [tilespmem:s8], [sflag:s18], $0x10, s3, s17, $0xb8;
	[tilespmem:$0x1F540] =	vst v63  }
0x67: {  	_ = 	snop  }
.LBB2_8:
0x68: {  	_ =	sfence.sel $0x180000  }
0x69: {  	[bflag:$0x0] =	sbarrier.arrive $0xFFFF  }
0x6a: {  	_ =	strace $0x9000004D  }
0x6b: {  	s0 =	stileid.u32;
	[bflag:$0x2] =	sbarrier.arrive $0xFFFF  }
0x6c: {  	p0 =	sne.s32 s0, $0x0;
	s0 =	rddreg [dreg:$0x2]  }
0x6d: {  	s0 =	sadd.s32 @!p0 $0x100000, s0  }
0x6e: {  	[sflag:s0] =	ssyncadd.tile.s32 @!p0 $0x1;
	_ =	shalt  }
.Lfunc_end2:
_tile_overlayer_lowered:
.L_overlay_start_2:
0x6f: {  	(tag) =	ssettag $0x2  }
0x70: {  	s0 =	rddreg [dreg:$0x0];
	s2 =	stileid.u32  }
0x71: {  	s1 =	rddreg [dreg:$0x1];
	p0 =	sne.s32 s2, $0x0  }
0x72: {  	s3 =	rddreg [dreg:$0x2];
	[bflag:$0x3] =	sbarrier.arrive $0xFFFF;
	s2 =	simm.s32 @!p0 $0x1C0A  }
0x73: {  	[timem:s3], [sflag:s2] =	dma.local @!p0 [hbm:s0], s1  }
0x74: {  	s0 =	simm.s32 @!p0 $0xA  }
0x75: {  	_ =	swait.ge @!p0 [sflag:s0], s1  }
0x76: {  	s1 =	ssub.s32 @!p0 $0x0, s1;
	[sflag:s0] =	ssyncset.done @!p0 $0x0  }
0x77: {  	[sflag:s0] =	ssyncadd.s32 @!p0 s1  }
0x78: {  	[bflag:$0x3] =	sbarrier.arrive $0xFFFF  }
0x79: {  	_ =	shalt  }

// kernel: kernel.21.cloned.1.call-start
scs
__scs_entry_jumppad:
0x0: {  	(pc) =	sbr.rel $0x88, $3  }
0x1: {  	(tag) =	ssettag $0x0;
	lr =	simm.s32 $0x1  }
0x2: {  	[smem:$0x3F95] =	sst lr;
	_ =	strace $0xD0000000  }
0x3: {  	_ = 	snop  }
0x4: {  	_ = 	snop  }
0x5: {  	_ = 	snop  }
0x6: {  	_ = 	snop  }
0x7: {  	_ = 	snop  }
__scs_overlays_trampoline_lowered:
0x8: {  	[smem:$0x3FA4] =	sst s0  }
0x9: {  	[smem:$0x3FA5] =	sst s1  }
0xa: {  	[smem:$0x3FA6] =	sst s2  }
0xb: {  	[smem:$0x3FA7] =	sst s3  }
0xc: {  	[smem:$0x3FA8] =	sst s4  }
0xd: {  	[smem:$0x3FA9] =	sst s5  }
0xe: {  	[smem:$0x3FAA] =	sst s6  }
0xf: {  	[smem:$0x3FAB] =	sst s7  }
0x10: {  	[smem:$0x3FAC] =	sst s8  }
0x11: {  	[smem:$0x3FAD] =	sst s9;
	s0 =	simm.s32 @!p0 $0x0  }
0x12: {  	s1 =	sld [smem:$0x3F93];
	s0 =	simm.s32 @p0 $0x1  }
0x13: {  	[smem:$0x3FAE] =	sst s0;
	s0 =	simm.s32 @!p1 $0x0  }
0x14: {  	s2 =	sld [smem:$0x3F92];
	s0 =	simm.s32 @p1 $0x1  }
0x15: {  	[smem:$0x3FAF] =	sst s0;
	s0 =	simm.s32 @!p2 $0x0  }
0x16: {  	s3 =	sld [smem:$0x3FDB];
	s0 =	simm.s32 @p2 $0x1  }
0x17: {  	s4 =	simm.s32 $0x1BF5;
	[smem:$0x3FB1] =	sst s0  }
0x18: {  	s0 =	sld [smem:$0x3F94];
	_ =	swait.ge [sflag:s4], $0x0  }
0x19: {  	s7 =	sld [smem:$0x3F95]  }
0x1a: {  	s8 =	sadd.s32 $0xFFFFE003, lr  }
0x1b: {  	s9 =	sadd.s32 $0xFFFFFEF7, lr;
	s5 =	simm.s32 $0xFFFFFFFF;
	p2 =	slt.u32 s8, $0xFFFFF086  }
0x1c: {  	p1 =	slt.u32 s9, $0xF7A;
	s5 =	simm.s32 @!p2 $0x0  }
0x1d: {  	s5 =	simm.s32 @p1 $0x1;
	p0 =	seq.s32 s7, s2  }
0x1e: {  	s7 =	smul.u32 @!p0 $0xF7A, s2;
	p2 =	seq.s32 @!p0 s5, $0x0  }
0x1f: {  	s9 =	smul.u32 $0xF7A, s1;
	s8 =	simm.s32 @!p0 $0x1BF5;
	p2 =	por !p2, p0  }
0x20: {  	[sflag:s8] =	ssyncset.s32 @!p0 $0xFFFFF086;
	s6 =	sadd.s32 @!p0 s3, s7;
	s7 =	simm.s32 @!p0 $0x108  }
0x21: {  	s3 =	sadd.s32 s3, s9;
	s6 =	sadd.s32 @!p0 $0x88, s6;
	s7 =	simm.s32 @p2 $0x1082  }
0x22: {  	[simem:s7], [sflag:s8] =	dma.local @!p0 [hbm:s6], $0xF7A  }
0x23: {  	s9 =	sor.u32 $0xD0000000, s2;
	s6 =	simm.s32 $0x108;
	_ =	swait.ge @!p0 [sflag:s8], $0x0  }
0x24: {  	s3 =	sadd.s32 $0x88, s3;
	s6 =	simm.s32 @!p1 $0x1082;
	[sflag:s4] =	ssyncset.s32 $0xFFFFF086  }
0x25: {  	[simem:s6], [sflag:s4] =	dma.local [hbm:s3], $0xF7A  }
0x26: {  	[smem:$0x3F95] =	sst s1;
	(tag) =	ssettag s2;
	_ =	strace s9  }
0x27: {  	s1 =	sld [smem:$0x3FA5]  }
0x28: {  	s2 =	sld [smem:$0x3FA6]  }
0x29: {  	s4 =	sld [smem:$0x3FA8]  }
0x2a: {  	p0 =	seq.s32 s5, $0x0;
	s5 =	sld [smem:$0x3FA9]  }
0x2b: {  	s6 =	sld [smem:$0x3FAA]  }
0x2c: {  	s7 =	sld [smem:$0x3FAB]  }
0x2d: {  	s3 =	simm.s32 $0x108;
	s8 =	sld [smem:$0x3FAC]  }
0x2e: {  	s3 =	simm.s32 @!p0 $0x1082;
	s9 =	sld [smem:$0x3FAD]  }
0x2f: {  	lr =	sadd.s32 s0, s3;
	s0 =	sld [smem:$0x3FA4]  }
0x30: {  	s3 =	sld [smem:$0x3FA7]  }
0x31: {  	[smem:$0x3FB0] =	sst s10  }
0x32: {  	s10 =	sld [smem:$0x3FAE];
	_ =	sdelay $0x3  }
0x33: {  	p0 =	seq.s32 s10, $0x1;
	s10 =	sld [smem:$0x3FB0];
	_ =	sdelay $0x3  }
0x34: {  	[smem:$0x3FB0] =	sst s10  }
0x35: {  	s10 =	sld [smem:$0x3FAF];
	_ =	sdelay $0x3  }
0x36: {  	p1 =	seq.s32 s10, $0x1;
	s10 =	sld [smem:$0x3FB0];
	_ =	sdelay $0x3  }
0x37: {  	[smem:$0x3FB0] =	sst s10  }
0x38: {  	s10 =	sld [smem:$0x3FB1]  }
0x39: {  	_ = 	snop;
	(pc) =	sbr.ind lr, $3  }
0x3a: {  	_ = 	snop  }
0x3b: {  	_ = 	snop  }
0x3c: {  	p2 =	seq.s32 s10, $0x1;
	s10 =	sld [smem:$0x3FB0]  }
0x3d: {  	_ =	shalt  }
0x3e: {  	_ =	shalt  }
0x3f: {  	_ =	shalt  }
0x40: {  	_ =	shalt  }
0x41: {  	_ =	shalt  }
0x42: {  	_ =	shalt  }
0x43: {  	_ =	shalt  }
0x44: {  	_ =	shalt  }
0x45: {  	_ =	shalt  }
0x46: {  	_ =	shalt  }
0x47: {  	_ =	shalt  }
0x48: {  	_ =	shalt  }
0x49: {  	_ =	shalt  }
0x4a: {  	_ =	shalt  }
0x4b: {  	_ =	shalt  }
0x4c: {  	_ =	shalt  }
0x4d: {  	_ =	shalt  }
0x4e: {  	_ =	shalt  }
0x4f: {  	_ =	shalt  }
0x50: {  	_ =	shalt  }
0x51: {  	_ =	shalt  }
0x52: {  	_ =	shalt  }
0x53: {  	_ =	shalt  }
0x54: {  	_ =	shalt  }
0x55: {  	_ =	shalt  }
0x56: {  	_ =	shalt  }
0x57: {  	_ =	shalt  }
0x58: {  	_ =	shalt  }
0x59: {  	_ =	shalt  }
0x5a: {  	_ =	shalt  }
0x5b: {  	_ =	shalt  }
0x5c: {  	_ =	shalt  }
0x5d: {  	_ =	shalt  }
0x5e: {  	_ =	shalt  }
0x5f: {  	_ =	shalt  }
0x60: {  	_ =	shalt  }
0x61: {  	_ =	shalt  }
0x62: {  	_ =	shalt  }
0x63: {  	_ =	shalt  }
0x64: {  	_ =	shalt  }
0x65: {  	_ =	shalt  }
0x66: {  	_ =	shalt  }
0x67: {  	_ =	shalt  }
0x68: {  	_ =	shalt  }
0x69: {  	_ =	shalt  }
0x6a: {  	_ =	shalt  }
0x6b: {  	_ =	shalt  }
0x6c: {  	_ =	shalt  }
0x6d: {  	_ =	shalt  }
0x6e: {  	_ =	shalt  }
0x6f: {  	_ =	shalt  }
0x70: {  	_ =	shalt  }
0x71: {  	_ =	shalt  }
0x72: {  	_ =	shalt  }
0x73: {  	_ =	shalt  }
0x74: {  	_ =	shalt  }
0x75: {  	_ =	shalt  }
0x76: {  	_ =	shalt  }
0x77: {  	_ =	shalt  }
0x78: {  	_ =	shalt  }
0x79: {  	_ =	shalt  }
0x7a: {  	_ =	shalt  }
0x7b: {  	_ =	shalt  }
0x7c: {  	_ =	shalt  }
0x7d: {  	_ =	shalt  }
0x7e: {  	_ =	shalt  }
0x7f: {  	_ =	shalt  }
0x80: {  	_ =	shalt  }
0x81: {  	_ =	shalt  }
0x82: {  	_ =	shalt  }
0x83: {  	_ =	shalt  }
0x84: {  	_ =	shalt  }
0x85: {  	_ =	shalt  }
0x86: {  	_ =	shalt  }
0x87: {  	_ =	shalt  }
.Lfunc_end0:
.L_simem_size_0:
called_computation.3_lowered:
.L_overlay_start_0:
0x88: {  	s2 =	sld [smem:$0x3FD9]  }
0x89: {  	s3 =	sld [smem:$0x3FFE];
	_ =	sdelay $0x1  }
0x8a: {  	s1 =	srdreg.scid  }
0x8b: {  	s0 =	sand.u32 $0x1, s1  }
0x8c: {  	s16 =	sshll.u32 s0, $0xA;
	s2 =	sadd.s32 s3, s2  }
0x8d: {  	s2 =	sadd.s32 s2, s16  }
0x8e: {  	[smem:$0x3FBC] =	sst s2  }
0x8f: {  	_ = 	snop  }
0x90: {  	(tm) =	ssettm $0x1  }
0x91: {  	s17 =	sld [smem:$0x3FFB];
	_ =	sdelay $0x3  }
0x92: {  	_ =	strace s17  }
0x93: {  	s2 =	sld [smem:$0x3FFC];
	_ =	sdelay $0x3  }
0x94: {  	_ =	strace s2  }
0x95: {  	s2 =	sld [smem:$0x3FFD];
	_ =	sdelay $0x3  }
0x96: {  	_ =	strace s2  }
0x97: {  	_ =	strace $0x8FFFFFFF  }
0x98: {  	s18 =	sld [smem:$0x3FDB];
	_ =	sdelay $0x1  }
0x99: {  	s19 =	simm.s32 $_scs_section_size  }
0x9a: {  	s4 =	simm.s32 $_size__tile_overlayer_lowered;
	s5 =	simm.s32 $_tile_overlayer_lowered  }
0x9b: {  	s22 =	simm.s32 $0x1BFF;
	s21 =	sshll.u32 s5, $0x1;
	s2 =	sadd.s32 s19, s18  }
0x9c: {  	s6 =	simm.s32 $0x0;
	s20 =	sshll.u32 s4, $0x1;
	s4 =	sadd.s32 s21, s2  }
0x9d: {  	[timem:s6], [sflag:s22] =	dma.local [hbm:s4], s20  }
0x9e: {  	_ =	swait.ge [sflag:s22], s20  }
0x9f: {  	s3 =	ssub.s32 $0x0, s20;
	[sflag:s22] =	ssyncset.done $0x0  }
0xa0: {  	[sflag:s22] =	ssyncadd.s32 s3;
	_ =	sdelay $0x1  }
0xa1: {  	s23 =	simm.s32 $0x1B8B  }
0xa2: {  	_ =	swait.ge [sflag:s23], $0x1  }
0xa3: {  	[sflag:s23] =	ssyncset.done $0x0  }
0xa4: {  	s25 =	simm.s32 $0x1B8E;
	s24 =	sld [smem:$0x3FFE];
	[sflag:s23] =	ssyncadd.s32 $0xFFFFFFFF  }
0xa5: {  	s26 =	simm.s32 $execute0_lowered;
	[smem:$0x3FD2] =	sst s25  }
0xa6: {  	s4 =	sshll.u32 s26, $0x1;
	_ =	strace $0x8000004F;
	[dreg:$0x1] =	wrdreg $0xFFFFFFFF  }
0xa7: {  	s28 =	simm.s32 $_size_execute0_lowered;
	s2 =	sadd.s32 s2, s4;
	[dreg:$0x0] =	wrdreg $0x0  }
0xa8: {  	s4 =	sshll.u32 s28, $0x1;
	[dreg:$0x2] =	wrdreg s2  }
0xa9: {  	[dreg:$0x3] =	wrdreg s4  }
0xaa: {  	[dreg:$0x4] =	wrdreg $0xC0  }
0xab: {  	_ =	task [dreg:s6], $0x5FFFF  }
0xac: {  	[dreg:$0x1] =	wrdreg $0xFFFFFFFF  }
0xad: {  	[dreg:$0x0] =	wrdreg $0x60  }
0xae: {  	[dreg:$0x2] =	wrdreg s24  }
0xaf: {  	[dreg:$0x3] =	wrdreg $0x6D400  }
0xb0: {  	[dreg:$0x4] =	wrdreg $0x9  }
0xb1: {  	_ =	task.clear_ibuf [dreg:s6], $0x5FFFF;
	_ =	strace $0x9000004F  }
0xb2: {  	s29 =	simm.s32 $0x9;
	_ =	strace $0x80000051  }
0xb3: {  	_ =	swait.ge [sflag:s29], $0x1  }
0xb4: {  	[sflag:s29] =	ssyncadd.s32 $0xFFFFFFFF  }
0xb5: {  	_ =	strace $0x90000051  }
0xb6: {  	_ =	sfence  }
0xb7: {  	s30 =	sld [smem:$0x0];
	_ =	sdelay $0x2  }
0xb8: {  	s31 =	sshll.u32 s1, $0xD;
	s1 =	sshrl.u32 s1, $0x2  }
0xb9: {  	s3 =	sand.u32 $0x4000, s31;
	s1 =	sadd.s32 s1, s30  }
0xba: {  	s0 =	sor.u32 s3, s0;
	s1 =	sshll.u32 s1, $0x11  }
0xbb: {  	s0 =	sor.u32 s1, s0  }
0xbc: {  	s0 =	sadd.s32 $0x8F2B, s0  }
0xbd: {  	[sflag:s0] =	ssyncadd.remote.s32 $0x1  }
0xbe: {  	_ =	sfence.sel $0xFFFF  }
0xbf: {  	[dreg:$0x0] =	wrdreg $0xFFFFFFFF;
	(pc) =	sbr.abs _section_cstart, $3  }
0xc0: {  	[dreg:$0x1] =	wrdreg $0xFFFFFFFF  }
0xc1: {  	_ =	task.clear_ibuf [dreg:s6], $0x2FFFF;
	_ =	strace $0x9FFFFFFF  }
0xc2: {  	(tm) =	ssettm $0x7FFFFFFF  }
0xc3: {  	_ =	shalt  }
tec
execute0_lowered:
.L_overlay_start_1:
0x0: {  	(tag) =	ssettag $0x1  }
0x1: {  	s0 =	rddreg [dreg:$0x0]  }
0x2: {  	s1 =	rddreg [dreg:$0x1]  }
0x3: {  	s2 =	simm.s32 $0x0;
	s5 =	stileid.u32;
	s6 =	srdreg.scid  }
0x4: {  	s20 =	simm.s32 $0xA;
	s21 =	simm.s32 $0x1;
	s22 =	simm.s32 $0xD40  }
0x5: {  	s23 =	simm.s32 $0x9;
	s28 =	simm.s32 $0x0;
	[smem:$0x7FF] =	sst s2  }
0x6: {  	s3 =	sadd.s32 $0x80C400, s0;
	s4 =	sadd.s32 $0x69C00, s0;
	s14 =	sadd.s32 $0x4E00, s0  }
0x7: {  	s7 =	smul.u32 $0x186A0, s5;
	s8 =	sadd.s32 $0x66A00, s0;
	s15 =	sadd.s32 $0x86E200, s0  }
0x8: {  	s11 =	sand.u32 $0x1, s6;
	s0 =	sadd.s32 $0x83D200, s0;
	s13 =	smul.u32 $0x18800, s5  }
0x9: {  	s10 =	sshll.u32 s5, $0x6;
	s17 =	smul.u32 $0x30D4, s5;
	_ =	strace $0x80000050  }
0xa: {  	[dreg:$0x3] =	wrdreg s8;
	s24 =	ssub.s32 $0x2, s11;
	s10 =	sor.u32 $0x1C0A, s10  }
0xb: {  	p0 =	seq.s32 s11, $0x0;
	s25 =	sshrl.u32 s7, $0x3;
	s26 =	sshrl.u32 s24, $0x1  }
0xc: {  	s18 =	sadd.s32 s13, s1;
	s19 =	sshrl.u32 s13, $0x3;
	s0 =	smov.u32 @p0 s15  }
0xd: {  	s31 =	sadd.s32 s17, s14;
	s4 =	smov.u32 @p0 s3;
	s17 =	simm.s32 $0x200  }
0xe: {  	s6 =	sadd.s32 s14, s25;
	s16 =	ssub.s32 s24, s26;
	s14 =	sadd.s32 s0, s19  }
.Ltmp0:
0xf: {  	s15 =	sadd.s32 $0x30DC0, s31;
	s19 =	sshrl.u32 s18, $0x3;
	(pc) =	sbr.rel .LBB2_1-.Ltmp0, $4  }
0x10: {  	s24 =	simm.s32 $0xC00;
	s25 =	simm.s32 $0xCA0;
	s26 =	simm.s32 $0xA0  }
0x11: {  	s29 =	sadd.s32 $0x30D40, s6;
	s30 =	sadd.s32 $0x40, s6;
	s9 =	sadd.s32 $0x30D80, s6  }
0x12: {  	s11 =	sadd.s32 $0x30C0, s6;
	s12 =	sadd.s32 $0x33E00, s6;
	[dreg:$0x4] =	wrdreg s29  }
0x13: {  	s13 =	smax.u32 s16, $0x1;
	s16 =	simm.s32 $0x600;
	[dreg:$0x5] =	wrdreg s30  }
.LBB2_7:
0x14: {  	_ =	swait.ge [sflag:s23], $0x2000  }
0x15: {  	[sflag:s23] =	ssyncset.done $0x0  }
0x16: {  	[sflag:s23] =	ssyncadd.s32 $0xFFFFE000  }
0x17: {  	[tilespmem:s24], [sflag:$0xA] =	stream.linear.gather [hbm4b:s11+s2], $0xA0, $0x38;
	[tilespmem:$0x1F540] =	vst v63  }
0x18: {  	_ =	swait.ge [sflag:s20], $0xA0  }
0x19: {  	[sflag:s20] =	ssyncset.done $0x0  }
0x1a: {  	[sflag:s20] =	ssyncadd.s32 $0xFFFFFF60  }
0x1b: {  	[tilespmem:s25], [sflag:$0xA] =	stream.linear.gather [hbm4b:s12+s2], $0xA0, $0x38;
	[tilespmem:$0x1F540] =	vst v63  }
0x1c: {  	_ =	swait.ge [sflag:s20], $0xA0  }
0x1d: {  	[sflag:s20] =	ssyncset.done $0x0  }
0x1e: {  	[sflag:s20] =	ssyncadd.s32 $0xFFFFFF60  }
0x1f: {  	[tilespmem:s22], [sflag:$0xA] =	stream.indirect.gather [hbm4b:s4+s26], $0x10, s24, s26, $0xb8;
	[tilespmem:$0x1F540] =	vst v63  }
0x20: {  	_ =	swait.ge [sflag:s20], $0xA00  }
0x21: {  	[sflag:s20] =	ssyncset.done $0x0  }
0x22: {  	[sflag:s20] =	ssyncadd.s32 $0xFFFFF600  }
0x23: {  	[spmem:s1] =	stream.indirect.scatter.add.f32 [tilespmem:s22], [sflag:$0xA], $0x10, s25, s26, $0xb8;
	[tilespmem:$0x1F540] =	vst v63  }
0x24: {  	_ =	swait.ge [sflag:s20], $0xA00  }
0x25: {  	s28 =	sadd.s32 $0x1, s28;
	[sflag:s20] =	ssyncset.done $0x0  }
0x26: {  	p0 =	sne.s32 s28, s13;
	[sflag:s20] =	ssyncadd.s32 $0xFFFFF600  }
.Ltmp1:
0x27: {  	[bflag:$0x0] =	sbarrier.arrive $0xFFFF;
	(pc) =	sbr.rel @!p0 .LBB2_8-.Ltmp1, $4  }
0x28: {  	[hbm:s14], [sflag:s10] =	dma.local [spmem:s19], $0x3100  }
0x29: {  	_ =	swait.ge [sflag:s20], $0x3100  }
0x2a: {  	[sflag:s20] =	ssyncset.done $0x0  }
0x2b: {  	[sflag:s20] =	ssyncadd.s32 $0xFFFFCF00  }
.LBB2_1:
0x2c: {  	[tilespmem:s2], [sflag:$0x1] =	stream.linear.gather [hbm4b:s6+s2], $0x200, $0x38;
	[tilespmem:$0x1F540] =	vst v63  }
0x2d: {  	s0 =	rddreg [dreg:$0x4]  }
0x2e: {  	[tilespmem:s16], [sflag:$0x1] =	stream.linear.gather [hbm4b:s0+s2], $0x200, $0x38;
	[tilespmem:$0x1F540] =	vst v63  }
0x2f: {  	s8 =	rddreg [dreg:$0x5]  }
0x30: {  	[tilespmem:s17], [sflag:$0x2] =	stream.linear.gather [hbm4b:s8+s2], $0x200, $0x38;
	[tilespmem:$0x1F540] =	vst v63  }
0x31: {  	s18 =	simm.s32 $0x800;
	s30 =	rddreg [dreg:$0x3]  }
0x32: {  	[tilespmem:s18], [sflag:$0x2] =	stream.linear.gather [hbm4b:s9+s2], $0x200, $0x38;
	[tilespmem:$0x1F540] =	vst v63  }
0x33: {  	[spmem:s19], [sflag:s10] =	dma.local [hbm:s30], $0x3100  }
0x34: {  	_ =	swait.ge [sflag:s20], $0x3100  }
0x35: {  	[sflag:s20] =	ssyncset.done $0x0  }
0x36: {  	[sflag:s20] =	ssyncadd.s32 $0xFFFFCF00  }
0x37: {  	_ =	swait.ge [sflag:s21], $0x200  }
0x38: {  	[sflag:s21] =	ssyncset.done $0x0  }
0x39: {  	[sflag:s21] =	ssyncadd.s32 $0xFFFFFE00  }
0x3a: {  	_ =	swait.ge [sflag:s21], $0x200  }
.Ltmp2:
0x3b: {  	[sflag:s21] =	ssyncset.done $0x0;
	(pc) =	sbr.rel .LBB2_2-.Ltmp2, $4  }
0x3c: {  	[sflag:s21] =	ssyncadd.s32 $0xFFFFFE00  }
0x3d: {  	[tilespmem:s22], [sflag:$0x4] =	stream.indirect.gather [hbm4b:s4+s17], $0x10, s2, s17, $0xb8;
	[tilespmem:$0x1F540] =	vst v63  }
0x3e: {  	[bflag:$0x0] =	sbarrier.arrive $0xFFFF  }
0x3f: {  	s29 =	smov.u32 s15;
	s31 =	simm.s32 $0x0  }
.LBB2_3:
0x40: {  	[spmem:s1] =	stream.indirect.scatter.add.f32 [tilespmem:s22], [sflag:s18], $0x10, s16, s17, $0xb8;
	[tilespmem:$0x1F540] =	vst v63  }
.LBB2_5:
0x41: {  	s3 =	sadd.s32 $0x1, s0;
	s31 =	sshll.u32 s0, $0x9;
	s5 =	sadd.s32 $0xFFFCF2C0, s29  }
0x42: {  	[tilespmem:s31], [sflag:s3] =	stream.linear.gather [hbm4b:s5+s2], $0x200, $0x38;
	[tilespmem:$0x1F540] =	vst v63  }
0x43: {  	s0 =	sadd.s32 $0x600, s31  }
0x44: {  	[tilespmem:s0], [sflag:s3] =	stream.linear.gather [hbm4b:s29+s2], $0x200, $0x38;
	[tilespmem:$0x1F540] =	vst v63  }
.LBB2_6:
0x45: {  	p0 =	sne.s32 s30, $0xC3  }
.Ltmp3:
0x46: {  	_ = 	snop;
	(pc) =	sbr.rel @!p0 .LBB2_7-.Ltmp3, $2  }
0x47: {  	_ =	sdelay $0x2  }
0x48: {  	s29 =	sadd.s32 $0x40, s29;
	s31 =	smov.u32 s30  }
.LBB2_2:
0x49: {  	s30 =	sadd.s32 $0x1, s31;
	p0 =	seq.s32 s31, $0xC2  }
0x4a: {  	s0 =	sand.u32 @!p0 $0xFF, s30  }
0x4b: {  	s0 =	smul.u32 @!p0 $0xAB, s0;
	_ =	sdelay $0x1  }
0x4c: {  	s0 =	sshrl.u32 @!p0 s0, $0x9  }
0x4d: {  	s0 =	smul.u32 @!p0 $0x3, s0;
	_ =	sdelay $0x1  }
0x4e: {  	s0 =	ssub.s32 @!p0 s30, s0  }
0x4f: {  	s0 =	sand.u32 @!p0 $0xFF, s0  }
0x50: {  	s3 =	sadd.s32 @!p0 $0x1, s0  }
0x51: {  	_ =	swait.ge @!p0 [sflag:s3], $0x200  }
0x52: {  	[sflag:s3] =	ssyncset.done @!p0 $0x0  }
0x53: {  	s18 =	smul.u32 $0xAB, s31;
	[sflag:s3] =	ssyncadd.s32 @!p0 $0xFFFFFE00  }
0x54: {  	s5 =	sadd.s32 $0x2, s31;
	_ =	swait.ge @!p0 [sflag:s3], $0x200  }
0x55: {  	s8 =	simm.s32 @!p0 $0x200;
	s18 =	sshrl.u32 s18, $0x9;
	[sflag:s3] =	ssyncset.done @!p0 $0x0  }
0x56: {  	s18 =	sand.u32 $0x7F, s18;
	[sflag:s3] =	ssyncadd.s32 @!p0 $0xFFFFFE00;
	s3 =	sshll.u32 @!p0 s0, $0xD  }
0x57: {  	s7 =	sshll.u32 @!p0 s0, $0x9;
	s0 =	sor.u32 @!p0 $0x4, s0;
	s3 =	sor.u32 @!p0 $0xD40, s3  }
0x58: {  	[tilespmem:s3], [sflag:s0] =	stream.indirect.gather @!p0 [hbm4b:s4+s8], $0x10, s7, s8, $0xb8;
	[tilespmem:$0x1F540] =	vst v63  }
0x59: {  	s7 =	smul.u32 $0x3, s18;
	s8 =	sand.u32 $0xFF, s5  }
0x5a: {  	s18 =	smul.u32 $0xAB, s8  }
0x5b: {  	p0 =	sne.s32 s31, $0x0;
	s0 =	ssub.s32 s31, s7  }
.Ltmp4:
0x5c: {  	s3 =	sand.u32 $0xFF, s0;
	s8 =	sshrl.u32 s18, $0x9;
	(pc) =	sbr.rel @!p0 .LBB2_3-.Ltmp4, $4  }
0x5d: {  	s0 =	smul.u32 $0x3, s8;
	s18 =	sadd.s32 $0x4, s3  }
0x5e: {  	_ =	swait.ge [sflag:s18], $0x2000  }
0x5f: {  	s0 =	ssub.s32 s5, s0;
	[sflag:s18] =	ssyncset.done $0x0  }
0x60: {  	s0 =	sand.u32 $0xFF, s0;
	[sflag:s18] =	ssyncadd.s32 $0xFFFFE000;
	s18 =	sadd.s32 $0x7, s3  }
0x61: {  	p0 =	sgt.u32 s31, $0xC0  }
.Ltmp5:
0x62: {  	s5 =	sadd.s32 $0x7, s0;
	(pc) =	sbr.rel @p0 .LBB2_6-.Ltmp5, $4  }
.Ltmp6:
0x63: {  	_ =	swait.ge [sflag:s5], $0x2000;
	(pc) =	sbr.rel @!p0 .LBB2_5-.Ltmp6, $4  }
0x64: {  	s7 =	sshll.u32 s3, $0xD;
	s3 =	sshll.u32 s3, $0x9;
	[sflag:s5] =	ssyncset.done $0x0  }
0x65: {  	s8 =	sor.u32 $0xD40, s7;
	s3 =	sadd.s32 $0x600, s3;
	[sflag:s5] =	ssyncadd.s32 $0xFFFFE000  }
0x66: {  	[spmem:s1] =	stream.indirect.scatter.add.f32 [tilespmem:s8], [sflag:s18], $0x10, s3, s17, $0xb8;
	[tilespmem:$0x1F540] =	vst v63  }
0x67: {  	_ = 	snop  }
.LBB2_8:
0x68: {  	_ =	sfence.sel $0x180000  }
0x69: {  	[bflag:$0x0] =	sbarrier.arrive $0xFFFF  }
0x6a: {  	_ =	strace $0x90000050  }
0x6b: {  	s0 =	stileid.u32;
	[bflag:$0x2] =	sbarrier.arrive $0xFFFF  }
0x6c: {  	p0 =	sne.s32 s0, $0x0;
	s0 =	rddreg [dreg:$0x2]  }
0x6d: {  	s0 =	sadd.s32 @!p0 $0x100000, s0  }
0x6e: {  	[sflag:s0] =	ssyncadd.tile.s32 @!p0 $0x1;
	_ =	shalt  }
.Lfunc_end2:
_tile_overlayer_lowered:
.L_overlay_start_2:
0x6f: {  	(tag) =	ssettag $0x2  }
0x70: {  	s0 =	rddreg [dreg:$0x0];
	s2 =	stileid.u32  }
0x71: {  	s1 =	rddreg [dreg:$0x1];
	p0 =	sne.s32 s2, $0x0  }
0x72: {  	s3 =	rddreg [dreg:$0x2];
	[bflag:$0x3] =	sbarrier.arrive $0xFFFF;
	s2 =	simm.s32 @!p0 $0x1C0A  }
0x73: {  	[timem:s3], [sflag:s2] =	dma.local @!p0 [hbm:s0], s1  }
0x74: {  	s0 =	simm.s32 @!p0 $0xA  }
0x75: {  	_ =	swait.ge @!p0 [sflag:s0], s1  }
0x76: {  	s1 =	ssub.s32 @!p0 $0x0, s1;
	[sflag:s0] =	ssyncset.done @!p0 $0x0  }
0x77: {  	[sflag:s0] =	ssyncadd.s32 @!p0 s1  }
0x78: {  	[bflag:$0x3] =	sbarrier.arrive $0xFFFF  }
0x79: {  	_ =	shalt  }

// kernel: kernel.24.cloned.1.call-start
scs
__scs_entry_jumppad:
0x0: {  	(pc) =	sbr.rel $0x88, $3  }
0x1: {  	(tag) =	ssettag $0x0;
	lr =	simm.s32 $0x1  }
0x2: {  	[smem:$0x3F95] =	sst lr;
	_ =	strace $0xD0000000  }
0x3: {  	_ = 	snop  }
0x4: {  	_ = 	snop  }
0x5: {  	_ = 	snop  }
0x6: {  	_ = 	snop  }
0x7: {  	_ = 	snop  }
__scs_overlays_trampoline_lowered:
0x8: {  	[smem:$0x3FA4] =	sst s0  }
0x9: {  	[smem:$0x3FA5] =	sst s1  }
0xa: {  	[smem:$0x3FA6] =	sst s2  }
0xb: {  	[smem:$0x3FA7] =	sst s3  }
0xc: {  	[smem:$0x3FA8] =	sst s4  }
0xd: {  	[smem:$0x3FA9] =	sst s5  }
0xe: {  	[smem:$0x3FAA] =	sst s6  }
0xf: {  	[smem:$0x3FAB] =	sst s7  }
0x10: {  	[smem:$0x3FAC] =	sst s8  }
0x11: {  	[smem:$0x3FAD] =	sst s9;
	s0 =	simm.s32 @!p0 $0x0  }
0x12: {  	s1 =	sld [smem:$0x3F93];
	s0 =	simm.s32 @p0 $0x1  }
0x13: {  	[smem:$0x3FAE] =	sst s0;
	s0 =	simm.s32 @!p1 $0x0  }
0x14: {  	s2 =	sld [smem:$0x3F92];
	s0 =	simm.s32 @p1 $0x1  }
0x15: {  	[smem:$0x3FAF] =	sst s0;
	s0 =	simm.s32 @!p2 $0x0  }
0x16: {  	s3 =	sld [smem:$0x3FDB];
	s0 =	simm.s32 @p2 $0x1  }
0x17: {  	s4 =	simm.s32 $0x1BF5;
	[smem:$0x3FB1] =	sst s0  }
0x18: {  	s0 =	sld [smem:$0x3F94];
	_ =	swait.ge [sflag:s4], $0x0  }
0x19: {  	s7 =	sld [smem:$0x3F95]  }
0x1a: {  	s8 =	sadd.s32 $0xFFFFE003, lr  }
0x1b: {  	s9 =	sadd.s32 $0xFFFFFEF7, lr;
	s5 =	simm.s32 $0xFFFFFFFF;
	p2 =	slt.u32 s8, $0xFFFFF086  }
0x1c: {  	p1 =	slt.u32 s9, $0xF7A;
	s5 =	simm.s32 @!p2 $0x0  }
0x1d: {  	s5 =	simm.s32 @p1 $0x1;
	p0 =	seq.s32 s7, s2  }
0x1e: {  	s7 =	smul.u32 @!p0 $0xF7A, s2;
	p2 =	seq.s32 @!p0 s5, $0x0  }
0x1f: {  	s9 =	smul.u32 $0xF7A, s1;
	s8 =	simm.s32 @!p0 $0x1BF5;
	p2 =	por !p2, p0  }
0x20: {  	[sflag:s8] =	ssyncset.s32 @!p0 $0xFFFFF086;
	s6 =	sadd.s32 @!p0 s3, s7;
	s7 =	simm.s32 @!p0 $0x108  }
0x21: {  	s3 =	sadd.s32 s3, s9;
	s6 =	sadd.s32 @!p0 $0x88, s6;
	s7 =	simm.s32 @p2 $0x1082  }
0x22: {  	[simem:s7], [sflag:s8] =	dma.local @!p0 [hbm:s6], $0xF7A  }
0x23: {  	s9 =	sor.u32 $0xD0000000, s2;
	s6 =	simm.s32 $0x108;
	_ =	swait.ge @!p0 [sflag:s8], $0x0  }
0x24: {  	s3 =	sadd.s32 $0x88, s3;
	s6 =	simm.s32 @!p1 $0x1082;
	[sflag:s4] =	ssyncset.s32 $0xFFFFF086  }
0x25: {  	[simem:s6], [sflag:s4] =	dma.local [hbm:s3], $0xF7A  }
0x26: {  	[smem:$0x3F95] =	sst s1;
	(tag) =	ssettag s2;
	_ =	strace s9  }
0x27: {  	s1 =	sld [smem:$0x3FA5]  }
0x28: {  	s2 =	sld [smem:$0x3FA6]  }
0x29: {  	s4 =	sld [smem:$0x3FA8]  }
0x2a: {  	p0 =	seq.s32 s5, $0x0;
	s5 =	sld [smem:$0x3FA9]  }
0x2b: {  	s6 =	sld [smem:$0x3FAA]  }
0x2c: {  	s7 =	sld [smem:$0x3FAB]  }
0x2d: {  	s3 =	simm.s32 $0x108;
	s8 =	sld [smem:$0x3FAC]  }
0x2e: {  	s3 =	simm.s32 @!p0 $0x1082;
	s9 =	sld [smem:$0x3FAD]  }
0x2f: {  	lr =	sadd.s32 s0, s3;
	s0 =	sld [smem:$0x3FA4]  }
0x30: {  	s3 =	sld [smem:$0x3FA7]  }
0x31: {  	[smem:$0x3FB0] =	sst s10  }
0x32: {  	s10 =	sld [smem:$0x3FAE];
	_ =	sdelay $0x3  }
0x33: {  	p0 =	seq.s32 s10, $0x1;
	s10 =	sld [smem:$0x3FB0];
	_ =	sdelay $0x3  }
0x34: {  	[smem:$0x3FB0] =	sst s10  }
0x35: {  	s10 =	sld [smem:$0x3FAF];
	_ =	sdelay $0x3  }
0x36: {  	p1 =	seq.s32 s10, $0x1;
	s10 =	sld [smem:$0x3FB0];
	_ =	sdelay $0x3  }
0x37: {  	[smem:$0x3FB0] =	sst s10  }
0x38: {  	s10 =	sld [smem:$0x3FB1]  }
0x39: {  	_ = 	snop;
	(pc) =	sbr.ind lr, $3  }
0x3a: {  	_ = 	snop  }
0x3b: {  	_ = 	snop  }
0x3c: {  	p2 =	seq.s32 s10, $0x1;
	s10 =	sld [smem:$0x3FB0]  }
0x3d: {  	_ =	shalt  }
0x3e: {  	_ =	shalt  }
0x3f: {  	_ =	shalt  }
0x40: {  	_ =	shalt  }
0x41: {  	_ =	shalt  }
0x42: {  	_ =	shalt  }
0x43: {  	_ =	shalt  }
0x44: {  	_ =	shalt  }
0x45: {  	_ =	shalt  }
0x46: {  	_ =	shalt  }
0x47: {  	_ =	shalt  }
0x48: {  	_ =	shalt  }
0x49: {  	_ =	shalt  }
0x4a: {  	_ =	shalt  }
0x4b: {  	_ =	shalt  }
0x4c: {  	_ =	shalt  }
0x4d: {  	_ =	shalt  }
0x4e: {  	_ =	shalt  }
0x4f: {  	_ =	shalt  }
0x50: {  	_ =	shalt  }
0x51: {  	_ =	shalt  }
0x52: {  	_ =	shalt  }
0x53: {  	_ =	shalt  }
0x54: {  	_ =	shalt  }
0x55: {  	_ =	shalt  }
0x56: {  	_ =	shalt  }
0x57: {  	_ =	shalt  }
0x58: {  	_ =	shalt  }
0x59: {  	_ =	shalt  }
0x5a: {  	_ =	shalt  }
0x5b: {  	_ =	shalt  }
0x5c: {  	_ =	shalt  }
0x5d: {  	_ =	shalt  }
0x5e: {  	_ =	shalt  }
0x5f: {  	_ =	shalt  }
0x60: {  	_ =	shalt  }
0x61: {  	_ =	shalt  }
0x62: {  	_ =	shalt  }
0x63: {  	_ =	shalt  }
0x64: {  	_ =	shalt  }
0x65: {  	_ =	shalt  }
0x66: {  	_ =	shalt  }
0x67: {  	_ =	shalt  }
0x68: {  	_ =	shalt  }
0x69: {  	_ =	shalt  }
0x6a: {  	_ =	shalt  }
0x6b: {  	_ =	shalt  }
0x6c: {  	_ =	shalt  }
0x6d: {  	_ =	shalt  }
0x6e: {  	_ =	shalt  }
0x6f: {  	_ =	shalt  }
0x70: {  	_ =	shalt  }
0x71: {  	_ =	shalt  }
0x72: {  	_ =	shalt  }
0x73: {  	_ =	shalt  }
0x74: {  	_ =	shalt  }
0x75: {  	_ =	shalt  }
0x76: {  	_ =	shalt  }
0x77: {  	_ =	shalt  }
0x78: {  	_ =	shalt  }
0x79: {  	_ =	shalt  }
0x7a: {  	_ =	shalt  }
0x7b: {  	_ =	shalt  }
0x7c: {  	_ =	shalt  }
0x7d: {  	_ =	shalt  }
0x7e: {  	_ =	shalt  }
0x7f: {  	_ =	shalt  }
0x80: {  	_ =	shalt  }
0x81: {  	_ =	shalt  }
0x82: {  	_ =	shalt  }
0x83: {  	_ =	shalt  }
0x84: {  	_ =	shalt  }
0x85: {  	_ =	shalt  }
0x86: {  	_ =	shalt  }
0x87: {  	_ =	shalt  }
.Lfunc_end0:
.L_simem_size_0:
called_computation.4_lowered:
.L_overlay_start_0:
0x88: {  	s2 =	sld [smem:$0x3FD9]  }
0x89: {  	s3 =	sld [smem:$0x3FFE];
	_ =	sdelay $0x1  }
0x8a: {  	s1 =	srdreg.scid  }
0x8b: {  	s0 =	sand.u32 $0x1, s1  }
0x8c: {  	s16 =	sshll.u32 s0, $0xA;
	s2 =	sadd.s32 s3, s2  }
0x8d: {  	s2 =	sadd.s32 s2, s16  }
0x8e: {  	[smem:$0x3FBC] =	sst s2  }
0x8f: {  	_ = 	snop  }
0x90: {  	(tm) =	ssettm $0x1  }
0x91: {  	s17 =	sld [smem:$0x3FFB];
	_ =	sdelay $0x3  }
0x92: {  	_ =	strace s17  }
0x93: {  	s2 =	sld [smem:$0x3FFC];
	_ =	sdelay $0x3  }
0x94: {  	_ =	strace s2  }
0x95: {  	s2 =	sld [smem:$0x3FFD];
	_ =	sdelay $0x3  }
0x96: {  	_ =	strace s2  }
0x97: {  	_ =	strace $0x8FFFFFFF  }
0x98: {  	s18 =	sld [smem:$0x3FDB];
	_ =	sdelay $0x1  }
0x99: {  	s19 =	simm.s32 $_scs_section_size  }
0x9a: {  	s4 =	simm.s32 $_size__tile_overlayer_lowered;
	s5 =	simm.s32 $_tile_overlayer_lowered  }
0x9b: {  	s22 =	simm.s32 $0x1BFF;
	s21 =	sshll.u32 s5, $0x1;
	s2 =	sadd.s32 s19, s18  }
0x9c: {  	s6 =	simm.s32 $0x0;
	s20 =	sshll.u32 s4, $0x1;
	s4 =	sadd.s32 s21, s2  }
0x9d: {  	[timem:s6], [sflag:s22] =	dma.local [hbm:s4], s20  }
0x9e: {  	_ =	swait.ge [sflag:s22], s20  }
0x9f: {  	s3 =	ssub.s32 $0x0, s20;
	[sflag:s22] =	ssyncset.done $0x0  }
0xa0: {  	[sflag:s22] =	ssyncadd.s32 s3;
	_ =	sdelay $0x1  }
0xa1: {  	s23 =	simm.s32 $0x1B8B  }
0xa2: {  	_ =	swait.ge [sflag:s23], $0x1  }
0xa3: {  	[sflag:s23] =	ssyncset.done $0x0  }
0xa4: {  	s25 =	simm.s32 $0x1B8E;
	s24 =	sld [smem:$0x3FFE];
	[sflag:s23] =	ssyncadd.s32 $0xFFFFFFFF  }
0xa5: {  	s26 =	simm.s32 $execute0_lowered;
	[smem:$0x3FD2] =	sst s25  }
0xa6: {  	s4 =	sshll.u32 s26, $0x1;
	_ =	strace $0x80000052;
	[dreg:$0x1] =	wrdreg $0xFFFFFFFF  }
0xa7: {  	s28 =	simm.s32 $_size_execute0_lowered;
	s2 =	sadd.s32 s2, s4;
	[dreg:$0x0] =	wrdreg $0x0  }
0xa8: {  	s4 =	sshll.u32 s28, $0x1;
	[dreg:$0x2] =	wrdreg s2  }
0xa9: {  	[dreg:$0x3] =	wrdreg s4  }
0xaa: {  	[dreg:$0x4] =	wrdreg $0xC0  }
0xab: {  	_ =	task [dreg:s6], $0x5FFFF  }
0xac: {  	[dreg:$0x1] =	wrdreg $0xFFFFFFFF  }
0xad: {  	[dreg:$0x0] =	wrdreg $0x60  }
0xae: {  	[dreg:$0x2] =	wrdreg s24  }
0xaf: {  	[dreg:$0x3] =	wrdreg $0x6D400  }
0xb0: {  	[dreg:$0x4] =	wrdreg $0x9  }
0xb1: {  	_ =	task.clear_ibuf [dreg:s6], $0x5FFFF;
	_ =	strace $0x90000052  }
0xb2: {  	s29 =	simm.s32 $0x9;
	_ =	strace $0x80000054  }
0xb3: {  	_ =	swait.ge [sflag:s29], $0x1  }
0xb4: {  	[sflag:s29] =	ssyncadd.s32 $0xFFFFFFFF  }
0xb5: {  	_ =	strace $0x90000054  }
0xb6: {  	_ =	sfence  }
0xb7: {  	s30 =	sld [smem:$0x0];
	_ =	sdelay $0x2  }
0xb8: {  	s31 =	sshll.u32 s1, $0xD;
	s1 =	sshrl.u32 s1, $0x2  }
0xb9: {  	s3 =	sand.u32 $0x4000, s31;
	s1 =	sadd.s32 s1, s30  }
0xba: {  	s0 =	sor.u32 s3, s0;
	s1 =	sshll.u32 s1, $0x11  }
0xbb: {  	s0 =	sor.u32 s1, s0  }
0xbc: {  	s0 =	sadd.s32 $0x8F2B, s0  }
0xbd: {  	[sflag:s0] =	ssyncadd.remote.s32 $0x1  }
0xbe: {  	_ =	sfence.sel $0xFFFF  }
0xbf: {  	[dreg:$0x0] =	wrdreg $0xFFFFFFFF;
	(pc) =	sbr.abs _section_cstart, $3  }
0xc0: {  	[dreg:$0x1] =	wrdreg $0xFFFFFFFF  }
0xc1: {  	_ =	task.clear_ibuf [dreg:s6], $0x2FFFF;
	_ =	strace $0x9FFFFFFF  }
0xc2: {  	(tm) =	ssettm $0x7FFFFFFF  }
0xc3: {  	_ =	shalt  }
tec
execute0_lowered:
.L_overlay_start_1:
0x0: {  	(tag) =	ssettag $0x1  }
0x1: {  	s0 =	rddreg [dreg:$0x0]  }
0x2: {  	s1 =	rddreg [dreg:$0x1]  }
0x3: {  	s2 =	simm.s32 $0x0;
	s5 =	stileid.u32;
	s6 =	srdreg.scid  }
0x4: {  	s20 =	simm.s32 $0xA;
	s21 =	simm.s32 $0x1;
	s22 =	simm.s32 $0xD40  }
0x5: {  	s23 =	simm.s32 $0x9;
	s28 =	simm.s32 $0x0;
	[smem:$0x7FF] =	sst s2  }
0x6: {  	s3 =	sadd.s32 $0x9AA00, s0;
	s4 =	sadd.s32 $0x69C00, s0;
	s14 =	sadd.s32 $0x4E00, s0  }
0x7: {  	s7 =	smul.u32 $0x186A0, s5;
	s8 =	sadd.s32 $0x66A00, s0;
	s15 =	sadd.s32 $0xFC800, s0  }
0x8: {  	s11 =	sand.u32 $0x1, s6;
	s0 =	sadd.s32 $0xCB800, s0;
	s13 =	smul.u32 $0x18800, s5  }
0x9: {  	s10 =	sshll.u32 s5, $0x6;
	s17 =	smul.u32 $0x30D4, s5;
	_ =	strace $0x80000053  }
0xa: {  	[dreg:$0x3] =	wrdreg s8;
	s24 =	ssub.s32 $0x2, s11;
	s10 =	sor.u32 $0x1C0A, s10  }
0xb: {  	p0 =	seq.s32 s11, $0x0;
	s25 =	sshrl.u32 s7, $0x3;
	s26 =	sshrl.u32 s24, $0x1  }
0xc: {  	s18 =	sadd.s32 s13, s1;
	s19 =	sshrl.u32 s13, $0x3;
	s0 =	smov.u32 @p0 s15  }
0xd: {  	s31 =	sadd.s32 s17, s14;
	s4 =	smov.u32 @p0 s3;
	s17 =	simm.s32 $0x200  }
0xe: {  	s6 =	sadd.s32 s14, s25;
	s16 =	ssub.s32 s24, s26;
	s14 =	sadd.s32 s0, s19  }
.Ltmp0:
0xf: {  	s15 =	sadd.s32 $0x30DC0, s31;
	s19 =	sshrl.u32 s18, $0x3;
	(pc) =	sbr.rel .LBB2_1-.Ltmp0, $4  }
0x10: {  	s24 =	simm.s32 $0xC00;
	s25 =	simm.s32 $0xCA0;
	s26 =	simm.s32 $0xA0  }
0x11: {  	s29 =	sadd.s32 $0x30D40, s6;
	s30 =	sadd.s32 $0x40, s6;
	s9 =	sadd.s32 $0x30D80, s6  }
0x12: {  	s11 =	sadd.s32 $0x30C0, s6;
	s12 =	sadd.s32 $0x33E00, s6;
	[dreg:$0x4] =	wrdreg s29  }
0x13: {  	s13 =	smax.u32 s16, $0x1;
	s16 =	simm.s32 $0x600;
	[dreg:$0x5] =	wrdreg s30  }
.LBB2_7:
0x14: {  	_ =	swait.ge [sflag:s23], $0x2000  }
0x15: {  	[sflag:s23] =	ssyncset.done $0x0  }
0x16: {  	[sflag:s23] =	ssyncadd.s32 $0xFFFFE000  }
0x17: {  	[tilespmem:s24], [sflag:$0xA] =	stream.linear.gather [hbm4b:s11+s2], $0xA0, $0x38;
	[tilespmem:$0x1F540] =	vst v63  }
0x18: {  	_ =	swait.ge [sflag:s20], $0xA0  }
0x19: {  	[sflag:s20] =	ssyncset.done $0x0  }
0x1a: {  	[sflag:s20] =	ssyncadd.s32 $0xFFFFFF60  }
0x1b: {  	[tilespmem:s25], [sflag:$0xA] =	stream.linear.gather [hbm4b:s12+s2], $0xA0, $0x38;
	[tilespmem:$0x1F540] =	vst v63  }
0x1c: {  	_ =	swait.ge [sflag:s20], $0xA0  }
0x1d: {  	[sflag:s20] =	ssyncset.done $0x0  }
0x1e: {  	[sflag:s20] =	ssyncadd.s32 $0xFFFFFF60  }
0x1f: {  	[tilespmem:s22], [sflag:$0xA] =	stream.indirect.gather [hbm4b:s4+s26], $0x10, s24, s26, $0xb8;
	[tilespmem:$0x1F540] =	vst v63  }
0x20: {  	_ =	swait.ge [sflag:s20], $0xA00  }
0x21: {  	[sflag:s20] =	ssyncset.done $0x0  }
0x22: {  	[sflag:s20] =	ssyncadd.s32 $0xFFFFF600  }
0x23: {  	[spmem:s1] =	stream.indirect.scatter.add.f32 [tilespmem:s22], [sflag:$0xA], $0x10, s25, s26, $0xb8;
	[tilespmem:$0x1F540] =	vst v63  }
0x24: {  	_ =	swait.ge [sflag:s20], $0xA00  }
0x25: {  	s28 =	sadd.s32 $0x1, s28;
	[sflag:s20] =	ssyncset.done $0x0  }
0x26: {  	p0 =	sne.s32 s28, s13;
	[sflag:s20] =	ssyncadd.s32 $0xFFFFF600  }
.Ltmp1:
0x27: {  	[bflag:$0x0] =	sbarrier.arrive $0xFFFF;
	(pc) =	sbr.rel @!p0 .LBB2_8-.Ltmp1, $4  }
0x28: {  	[hbm:s14], [sflag:s10] =	dma.local [spmem:s19], $0x3100  }
0x29: {  	_ =	swait.ge [sflag:s20], $0x3100  }
0x2a: {  	[sflag:s20] =	ssyncset.done $0x0  }
0x2b: {  	[sflag:s20] =	ssyncadd.s32 $0xFFFFCF00  }
.LBB2_1:
0x2c: {  	[tilespmem:s2], [sflag:$0x1] =	stream.linear.gather [hbm4b:s6+s2], $0x200, $0x38;
	[tilespmem:$0x1F540] =	vst v63  }
0x2d: {  	s0 =	rddreg [dreg:$0x4]  }
0x2e: {  	[tilespmem:s16], [sflag:$0x1] =	stream.linear.gather [hbm4b:s0+s2], $0x200, $0x38;
	[tilespmem:$0x1F540] =	vst v63  }
0x2f: {  	s8 =	rddreg [dreg:$0x5]  }
0x30: {  	[tilespmem:s17], [sflag:$0x2] =	stream.linear.gather [hbm4b:s8+s2], $0x200, $0x38;
	[tilespmem:$0x1F540] =	vst v63  }
0x31: {  	s18 =	simm.s32 $0x800;
	s30 =	rddreg [dreg:$0x3]  }
0x32: {  	[tilespmem:s18], [sflag:$0x2] =	stream.linear.gather [hbm4b:s9+s2], $0x200, $0x38;
	[tilespmem:$0x1F540] =	vst v63  }
0x33: {  	[spmem:s19], [sflag:s10] =	dma.local [hbm:s30], $0x3100  }
0x34: {  	_ =	swait.ge [sflag:s20], $0x3100  }
0x35: {  	[sflag:s20] =	ssyncset.done $0x0  }
0x36: {  	[sflag:s20] =	ssyncadd.s32 $0xFFFFCF00  }
0x37: {  	_ =	swait.ge [sflag:s21], $0x200  }
0x38: {  	[sflag:s21] =	ssyncset.done $0x0  }
0x39: {  	[sflag:s21] =	ssyncadd.s32 $0xFFFFFE00  }
0x3a: {  	_ =	swait.ge [sflag:s21], $0x200  }
.Ltmp2:
0x3b: {  	[sflag:s21] =	ssyncset.done $0x0;
	(pc) =	sbr.rel .LBB2_2-.Ltmp2, $4  }
0x3c: {  	[sflag:s21] =	ssyncadd.s32 $0xFFFFFE00  }
0x3d: {  	[tilespmem:s22], [sflag:$0x4] =	stream.indirect.gather [hbm4b:s4+s17], $0x10, s2, s17, $0xb8;
	[tilespmem:$0x1F540] =	vst v63  }
0x3e: {  	[bflag:$0x0] =	sbarrier.arrive $0xFFFF  }
0x3f: {  	s29 =	smov.u32 s15;
	s31 =	simm.s32 $0x0  }
.LBB2_3:
0x40: {  	[spmem:s1] =	stream.indirect.scatter.add.f32 [tilespmem:s22], [sflag:s18], $0x10, s16, s17, $0xb8;
	[tilespmem:$0x1F540] =	vst v63  }
.LBB2_5:
0x41: {  	s3 =	sadd.s32 $0x1, s0;
	s31 =	sshll.u32 s0, $0x9;
	s5 =	sadd.s32 $0xFFFCF2C0, s29  }
0x42: {  	[tilespmem:s31], [sflag:s3] =	stream.linear.gather [hbm4b:s5+s2], $0x200, $0x38;
	[tilespmem:$0x1F540] =	vst v63  }
0x43: {  	s0 =	sadd.s32 $0x600, s31  }
0x44: {  	[tilespmem:s0], [sflag:s3] =	stream.linear.gather [hbm4b:s29+s2], $0x200, $0x38;
	[tilespmem:$0x1F540] =	vst v63  }
.LBB2_6:
0x45: {  	p0 =	sne.s32 s30, $0xC3  }
.Ltmp3:
0x46: {  	_ = 	snop;
	(pc) =	sbr.rel @!p0 .LBB2_7-.Ltmp3, $2  }
0x47: {  	_ =	sdelay $0x2  }
0x48: {  	s29 =	sadd.s32 $0x40, s29;
	s31 =	smov.u32 s30  }
.LBB2_2:
0x49: {  	s30 =	sadd.s32 $0x1, s31;
	p0 =	seq.s32 s31, $0xC2  }
0x4a: {  	s0 =	sand.u32 @!p0 $0xFF, s30  }
0x4b: {  	s0 =	smul.u32 @!p0 $0xAB, s0;
	_ =	sdelay $0x1  }
0x4c: {  	s0 =	sshrl.u32 @!p0 s0, $0x9  }
0x4d: {  	s0 =	smul.u32 @!p0 $0x3, s0;
	_ =	sdelay $0x1  }
0x4e: {  	s0 =	ssub.s32 @!p0 s30, s0  }
0x4f: {  	s0 =	sand.u32 @!p0 $0xFF, s0  }
0x50: {  	s3 =	sadd.s32 @!p0 $0x1, s0  }
0x51: {  	_ =	swait.ge @!p0 [sflag:s3], $0x200  }
0x52: {  	[sflag:s3] =	ssyncset.done @!p0 $0x0  }
0x53: {  	s18 =	smul.u32 $0xAB, s31;
	[sflag:s3] =	ssyncadd.s32 @!p0 $0xFFFFFE00  }
0x54: {  	s5 =	sadd.s32 $0x2, s31;
	_ =	swait.ge @!p0 [sflag:s3], $0x200  }
0x55: {  	s8 =	simm.s32 @!p0 $0x200;
	s18 =	sshrl.u32 s18, $0x9;
	[sflag:s3] =	ssyncset.done @!p0 $0x0  }
0x56: {  	s18 =	sand.u32 $0x7F, s18;
	[sflag:s3] =	ssyncadd.s32 @!p0 $0xFFFFFE00;
	s3 =	sshll.u32 @!p0 s0, $0xD  }
0x57: {  	s7 =	sshll.u32 @!p0 s0, $0x9;
	s0 =	sor.u32 @!p0 $0x4, s0;
	s3 =	sor.u32 @!p0 $0xD40, s3  }
0x58: {  	[tilespmem:s3], [sflag:s0] =	stream.indirect.gather @!p0 [hbm4b:s4+s8], $0x10, s7, s8, $0xb8;
	[tilespmem:$0x1F540] =	vst v63  }
0x59: {  	s7 =	smul.u32 $0x3, s18;
	s8 =	sand.u32 $0xFF, s5  }
0x5a: {  	s18 =	smul.u32 $0xAB, s8  }
0x5b: {  	p0 =	sne.s32 s31, $0x0;
	s0 =	ssub.s32 s31, s7  }
.Ltmp4:
0x5c: {  	s3 =	sand.u32 $0xFF, s0;
	s8 =	sshrl.u32 s18, $0x9;
	(pc) =	sbr.rel @!p0 .LBB2_3-.Ltmp4, $4  }
0x5d: {  	s0 =	smul.u32 $0x3, s8;
	s18 =	sadd.s32 $0x4, s3  }
0x5e: {  	_ =	swait.ge [sflag:s18], $0x2000  }
0x5f: {  	s0 =	ssub.s32 s5, s0;
	[sflag:s18] =	ssyncset.done $0x0  }
0x60: {  	s0 =	sand.u32 $0xFF, s0;
	[sflag:s18] =	ssyncadd.s32 $0xFFFFE000;
	s18 =	sadd.s32 $0x7, s3  }
0x61: {  	p0 =	sgt.u32 s31, $0xC0  }
.Ltmp5:
0x62: {  	s5 =	sadd.s32 $0x7, s0;
	(pc) =	sbr.rel @p0 .LBB2_6-.Ltmp5, $4  }
.Ltmp6:
0x63: {  	_ =	swait.ge [sflag:s5], $0x2000;
	(pc) =	sbr.rel @!p0 .LBB2_5-.Ltmp6, $4  }
0x64: {  	s7 =	sshll.u32 s3, $0xD;
	s3 =	sshll.u32 s3, $0x9;
	[sflag:s5] =	ssyncset.done $0x0  }
0x65: {  	s8 =	sor.u32 $0xD40, s7;
	s3 =	sadd.s32 $0x600, s3;
	[sflag:s5] =	ssyncadd.s32 $0xFFFFE000  }
0x66: {  	[spmem:s1] =	stream.indirect.scatter.add.f32 [tilespmem:s8], [sflag:s18], $0x10, s3, s17, $0xb8;
	[tilespmem:$0x1F540] =	vst v63  }
0x67: {  	_ = 	snop  }
.LBB2_8:
0x68: {  	_ =	sfence.sel $0x180000  }
0x69: {  	[bflag:$0x0] =	sbarrier.arrive $0xFFFF  }
0x6a: {  	_ =	strace $0x90000053  }
0x6b: {  	s0 =	stileid.u32;
	[bflag:$0x2] =	sbarrier.arrive $0xFFFF  }
0x6c: {  	p0 =	sne.s32 s0, $0x0;
	s0 =	rddreg [dreg:$0x2]  }
0x6d: {  	s0 =	sadd.s32 @!p0 $0x100000, s0  }
0x6e: {  	[sflag:s0] =	ssyncadd.tile.s32 @!p0 $0x1;
	_ =	shalt  }
.Lfunc_end2:
_tile_overlayer_lowered:
.L_overlay_start_2:
0x6f: {  	(tag) =	ssettag $0x2  }
0x70: {  	s0 =	rddreg [dreg:$0x0];
	s2 =	stileid.u32  }
0x71: {  	s1 =	rddreg [dreg:$0x1];
	p0 =	sne.s32 s2, $0x0  }
0x72: {  	s3 =	rddreg [dreg:$0x2];
	[bflag:$0x3] =	sbarrier.arrive $0xFFFF;
	s2 =	simm.s32 @!p0 $0x1C0A  }
0x73: {  	[timem:s3], [sflag:s2] =	dma.local @!p0 [hbm:s0], s1  }
0x74: {  	s0 =	simm.s32 @!p0 $0xA  }
0x75: {  	_ =	swait.ge @!p0 [sflag:s0], s1  }
0x76: {  	s1 =	ssub.s32 @!p0 $0x0, s1;
	[sflag:s0] =	ssyncset.done @!p0 $0x0  }
0x77: {  	[sflag:s0] =	ssyncadd.s32 @!p0 s1  }
0x78: {  	[bflag:$0x3] =	sbarrier.arrive $0xFFFF  }
0x79: {  	_ =	shalt  }

</sc_bundles>
